<compile_context>
chip_gen: v7x
topology: tpu7x:2x2x1
jax: 0.10.2.dev20260603
libtpu: 0.0.44.dev20260713+nightly
codegen_flags: <defaults>
</compile_context>

<pallas_src>
import functools

import jax
import jax.numpy as jnp
from jax import lax
from jax.experimental import pallas as pl
from jax.experimental.pallas import tpu as pltpu
from jax.experimental.pallas import tpu_sc as plsc

_NC = 2
_NS = 16
_L = 16
_G = 64


def _sc_mesh():
    return plsc.VectorSubcoreMesh(
        core_axis_name="c", subcore_axis_name="s", num_cores=_NC, num_subcores=_NS
    )


_BD = 40
_BA = 80


def _make_deg_kernel(E, N, W):
    B = _BD
    per_tile = E // (_NC * _NS)
    nb = per_tile // B
    STR = (N // _NS) // 8 * 8
    SPAN = N - STR * (_NS - 1)
    ZR = 80
    nz = SPAN // ZR
    assert per_tile % B == 0 and E % (_NC * _NS) == 0 and SPAN % ZR == 0
    assert nb % 2 == 1

    @functools.partial(
        pl.kernel,
        out_type=jax.ShapeDtypeStruct((2 * N, W), jnp.float32),
        mesh=_sc_mesh(),
        compiler_params=pltpu.CompilerParams(use_tc_tiling_on_sc=False),
        scratch_types=[
            pltpu.VMEM_SHARED((N, W), jnp.float32),
            pltpu.VMEM((ZR, W), jnp.float32),
            pltpu.VMEM((B, W), jnp.float32),
            pltpu.VMEM((nb, 1, B), jnp.int32),
            pltpu.SemaphoreType.DMA,
            pltpu.SemaphoreType.DMA,
            pltpu.SemaphoreType.DMA,
        ],
    )
    def deg_kernel(dst3_hbm, out, acc, zbuf, ones_v, didx3,
                   lsem, ssem0, ssem1):
        cid = lax.axis_index("c")
        sid = lax.axis_index("s")
        zero16 = jnp.zeros((_L,), jnp.float32)
        one16 = jnp.ones((_L,), jnp.float32)

        def zb(i, carry):
            for c in range(W // _L):
                zbuf[i, pl.ds(c * _L, _L)] = zero16
            return carry

        lax.fori_loop(0, ZR, zb, 0)

        def ob(i, carry):
            for c in range(W // _L):
                ones_v[i, pl.ds(c * _L, _L)] = one16
            return carry

        lax.fori_loop(0, B, ob, 0)

        row0 = (cid * _NS + sid) * nb
        pltpu.async_copy(dst3_hbm.at[pl.ds(row0, nb)], didx3, lsem).wait()

        for k in range(nz):
            pltpu.sync_copy(zbuf, acc.at[pl.ds(sid * STR + k * ZR, ZR)])
        plsc.subcore_barrier()

        ssem = (ssem0, ssem1)

        def start_scatter(j, b):
            pltpu.async_copy(ones_v, acc.at[didx3.at[j, 0]], ssem[b], add=True)

        def wait_scatter(b):
            pltpu.make_async_copy(ones_v, acc.at[didx3.at[0, 0]], ssem[b]).wait()

        start_scatter(0, 0)
        start_scatter(1, 1)

        def pair(g, carry):
            j0 = 2 * g
            wait_scatter(0)
            start_scatter(j0 + 2, 0)
            wait_scatter(1)

            @pl.when(j0 + 3 < nb)
            def _():
                start_scatter(j0 + 3, 1)

            return carry

        lax.fori_loop(0, (nb - 1) // 2, pair, 0)
        wait_scatter(0)
        plsc.subcore_barrier()

        sl = pl.ds(sid * STR, SPAN)
        pltpu.sync_copy(acc.at[sl], out.at[pl.ds(cid * N + sid * STR, SPAN)])

    return deg_kernel


def _make_agg_kernel(E, N, H):
    B = _BA
    per_tile = E // _NS
    nb = per_tile // B
    STR = (N // _NS) // 8 * 8
    SPAN = N - STR * (_NS - 1)
    ZR = 16
    nz = SPAN // ZR
    assert per_tile % B == 0 and SPAN % ZR == 0 and H % _L == 0
    assert nb % 2 == 1

    @functools.partial(
        pl.kernel,
        out_type=(
            jax.ShapeDtypeStruct((N, H), jnp.float32),
            jax.ShapeDtypeStruct((N, H), jnp.float32),
        ),
        mesh=_sc_mesh(),
        scratch_types=[
            pltpu.VMEM_SHARED((N, H), jnp.float32),
            pltpu.VMEM((ZR, H), jnp.float32),
            pltpu.VMEM((per_tile,), jnp.int32),
            pltpu.VMEM((nb, 1, B), jnp.int32),
            pltpu.VMEM((B, H), jnp.float32),
            pltpu.VMEM((B, H), jnp.float32),
            pltpu.SemaphoreType.DMA,
            pltpu.SemaphoreType.DMA,
            pltpu.SemaphoreType.DMA,
            pltpu.SemaphoreType.DMA,
            pltpu.SemaphoreType.DMA,
        ],
    )
    def agg_kernel(hlo, hhi, src_hbm, dst3_hbm, out_lo, out_hi,
                   acc, zbuf, sidx_all, didx3, rows0, rows1,
                   lsem, gsem0, gsem1, ssem0, ssem1):
        cid = lax.axis_index("c")
        sid = lax.axis_index("s")
        zero16 = jnp.zeros((_L,), jnp.float32)

        def zb(i, carry):
            for c in range(H // _L):
                zbuf[i, pl.ds(c * _L, _L)] = zero16
            return carry

        lax.fori_loop(0, ZR, zb, 0)
        pltpu.async_copy(src_hbm.at[pl.ds(sid * per_tile, per_tile)],
                         sidx_all, lsem)
        pltpu.async_copy(dst3_hbm.at[pl.ds(sid * nb, nb)], didx3, lsem)
        for k in range(nz):
            pltpu.sync_copy(zbuf, acc.at[pl.ds(sid * STR + k * ZR, ZR)])
        pltpu.make_async_copy(src_hbm.at[pl.ds(0, per_tile)], sidx_all, lsem).wait()
        pltpu.make_async_copy(dst3_hbm.at[pl.ds(0, nb)], didx3, lsem).wait()
        plsc.subcore_barrier()

        rows = (rows0, rows1)
        gsem = (gsem0, gsem1)
        ssem = (ssem0, ssem1)

        def run(table):
            def start_gather(j, b):
                pltpu.async_copy(
                    table.at[sidx_all.at[pl.ds(j * B, B)]], rows[b], gsem[b])

            def wait_gather(b):
                pltpu.make_async_copy(
                    table.at[sidx_all.at[pl.ds(0, B)]], rows[b], gsem[b]).wait()

            def start_scatter(j, b):
                pltpu.async_copy(rows[b], acc.at[didx3.at[j, 0]], ssem[b],
                                 add=True)

            def wait_scatter(b):
                pltpu.make_async_copy(rows[b], acc.at[didx3.at[0, 0]],
                                      ssem[b]).wait()

            start_gather(0, 0)

            def pair(g, carry):
                j0 = 2 * g
                wait_gather(0)
                start_gather(j0 + 1, 1)
                start_scatter(j0, 0)
                wait_gather(1)
                wait_scatter(0)
                start_gather(j0 + 2, 0)
                start_scatter(j0 + 1, 1)
                wait_scatter(1)
                return carry

            lax.fori_loop(0, (nb - 1) // 2, pair, 0)
            wait_gather(0)
            start_scatter(nb - 1, 0)
            wait_scatter(0)

        @pl.when(cid == 0)
        def _():
            run(hlo)

        @pl.when(cid == 1)
        def _():
            run(hhi)

        plsc.subcore_barrier()
        sl = pl.ds(sid * STR, SPAN)

        @pl.when(cid == 0)
        def _():
            pltpu.sync_copy(acc.at[sl], out_lo.at[sl])

        @pl.when(cid == 1)
        def _():
            pltpu.sync_copy(acc.at[sl], out_hi.at[sl])

    return agg_kernel


def _tc_pre(x, W1, degp):
    N, _ = x.shape
    DH = W1.shape[1]
    Hh = DH // 2

    def body(x_ref, w_ref, d_ref, lo_ref, hi_ref, dinv_ref):
        lanes = d_ref.shape[1]
        cnt = jnp.sum(d_ref[:N], axis=1) + jnp.sum(d_ref[N:], axis=1)
        deg = cnt * (1.0 / lanes) + 1.0
        dinv = lax.rsqrt(deg)
        dinv_ref[...] = dinv
        h = jnp.dot(x_ref[...], w_ref[...], preferred_element_type=jnp.float32)
        hs = h * dinv[:, None]
        lo_ref[...] = hs[:, :Hh]
        hi_ref[...] = hs[:, Hh:]

    return pl.pallas_call(
        body,
        out_shape=(
            jax.ShapeDtypeStruct((N, Hh), jnp.float32),
            jax.ShapeDtypeStruct((N, Hh), jnp.float32),
            jax.ShapeDtypeStruct((N,), jnp.float32),
        ),
    )(x, W1, degp)


def _tc_mid(alo, ahi, hlo, hhi, dinv, b1, W2):
    N, Hh = alo.shape
    DH = W2.shape[1]

    def body(alo_ref, ahi_ref, hlo_ref, hhi_ref, dinv_ref, b_ref, w_ref,
             olo_ref, ohi_ref):
        dinv = dinv_ref[...]
        agg = jnp.concatenate([alo_ref[...], ahi_ref[...]], axis=1)
        hs = jnp.concatenate([hlo_ref[...], hhi_ref[...]], axis=1)
        z = (agg + hs) * dinv[:, None] + b_ref[...][None, :]
        z = jnp.maximum(z, 0.0)
        h2 = jnp.dot(z, w_ref[...], preferred_element_type=jnp.float32)
        h2s = h2 * dinv[:, None]
        olo_ref[...] = h2s[:, : DH // 2]
        ohi_ref[...] = h2s[:, DH // 2:]

    return pl.pallas_call(
        body,
        out_shape=(
            jax.ShapeDtypeStruct((N, DH // 2), jnp.float32),
            jax.ShapeDtypeStruct((N, DH // 2), jnp.float32),
        ),
    )(alo, ahi, hlo, hhi, dinv, b1, W2)


def _tc_post(alo, ahi, hlo, hhi, dinv, b2, batch, W_lin, b_lin):
    N, Hh = alo.shape
    DOUT = W_lin.shape[1]

    def body(alo_ref, ahi_ref, hlo_ref, hhi_ref, dinv_ref, b_ref, batch_ref,
             wl_ref, bl_ref, out_ref):
        dinv = dinv_ref[...]
        agg = jnp.concatenate([alo_ref[...], ahi_ref[...]], axis=1)
        hs = jnp.concatenate([hlo_ref[...], hhi_ref[...]], axis=1)
        h2 = (agg + hs) * dinv[:, None] + b_ref[...][None, :]
        seg = batch_ref[...]
        gids = lax.broadcasted_iota(jnp.int32, (_G, N), 0)
        onehot = (seg[None, :] == gids).astype(jnp.float32)
        sums = jnp.dot(onehot, h2, preferred_element_type=jnp.float32)
        cnt = jnp.sum(onehot, axis=1)
        pooled = sums / jnp.maximum(cnt, 1.0)[:, None]
        out_ref[...] = (
            jnp.dot(pooled, wl_ref[...], preferred_element_type=jnp.float32)
            + bl_ref[...][None, :]
        )

    return pl.pallas_call(
        body,
        out_shape=jax.ShapeDtypeStruct((_G, DOUT), jnp.float32),
    )(alo, ahi, hlo, hhi, dinv, b2, batch, W_lin, b_lin)


def kernel(x, edge_index, edge_attr, batch, W1, b1, W2, b2, W_lin, b_lin):
    del edge_attr
    N, _ = x.shape
    E = edge_index.shape[1]
    DH = W1.shape[1]
    src = edge_index[0]
    dst = edge_index[1]

    dst3d = dst.reshape(E // _BD, 1, _BD)
    dst3a = dst.reshape(E // _BA, 1, _BA)
    degp = _make_deg_kernel(E, N, _L)(dst3d)
    h1lo, h1hi, dinv = _tc_pre(x, W1, degp)
    agg = _make_agg_kernel(E, N, DH // 2)
    a1lo, a1hi = agg(h1lo, h1hi, src, dst3a)
    h2lo, h2hi = _tc_mid(a1lo, a1hi, h1lo, h1hi, dinv, b1, W2)
    a2lo, a2hi = agg(h2lo, h2hi, src, dst3a)
    return _tc_post(a2lo, a2hi, h2lo, h2hi, dinv, b2, batch, W_lin, b_lin)

# --- scband reference (transcript-rebuilt; emitter-appended) ---
"""Pipeline reference for scband-graph-encoder-12421045420459 (READ-ONLY COPY).

The authoritative reference and input builder live on the scoring server;
editing this copy changes nothing except your own understanding.
"""

import jax, jax.numpy as jnp
import numpy as np

N = 10000
E = 160000
DV = 256
DE = 16
DH = 256
DOUT = 128
G = 64


def setup_inputs(seed: int = 0) -> dict:
    key = jax.random.key(seed)
    ks = jax.random.split(key, 12)
    x = jax.random.normal(ks[0], (N, DV), dtype=jnp.float32)
    edge_index = jax.random.randint(ks[1], (2, E), 0, N, dtype=jnp.int32)
    edge_attr = jax.random.normal(ks[2], (E, DE), dtype=jnp.float32)
    batch = jnp.sort(jax.random.randint(ks[3], (N,), 0, G, dtype=jnp.int32))
    # GCNConv1: d_v -> d_h
    W1 = jax.random.normal(ks[4], (DV, DH), dtype=jnp.float32) / np.sqrt(DV)
    b1 = jnp.zeros((DH,), dtype=jnp.float32)
    # GCNConv2: d_h -> d_h
    W2 = jax.random.normal(ks[5], (DH, DH), dtype=jnp.float32) / np.sqrt(DH)
    b2 = jnp.zeros((DH,), dtype=jnp.float32)
    # final linear: d_h -> output_dim
    W_lin = jax.random.normal(ks[6], (DH, DOUT), dtype=jnp.float32) / np.sqrt(DH)
    b_lin = jnp.zeros((DOUT,), dtype=jnp.float32)
    return {"x": x, "edge_index": edge_index, "edge_attr": edge_attr, "batch": batch,
            "W1": W1, "b1": b1, "W2": W2, "b2": b2, "W_lin": W_lin, "b_lin": b_lin}


def _gcn_conv(x, edge_index, W, b, num_nodes):
    # GCNConv (PyG default): add self loops, symmetric normalization, then aggregate
    h = x @ W
    loop = jnp.arange(num_nodes, dtype=edge_index.dtype)
    src = jnp.concatenate([edge_index[0], loop])
    dst = jnp.concatenate([edge_index[1], loop])
    deg = jnp.zeros((num_nodes,), dtype=h.dtype).at[dst].add(1.0)
    dinv = jnp.where(deg > 0, deg ** -0.5, 0.0)
    norm = dinv[src] * dinv[dst]
    msgs = h[src] * norm[:, None]
    out = jnp.zeros_like(h).at[dst].add(msgs)
    return out + b


def reference(x, edge_index, edge_attr, batch, W1, b1, W2, b2, W_lin, b_lin):
    # edge_attr is carried in the Data object but unused by GraphEncoder.forward
    h = _gcn_conv(x, edge_index, W1, b1, N)
    h = jax.nn.relu(h)
    h = _gcn_conv(h, edge_index, W2, b2, N)
    # global_mean_pool over graph ids in `batch`
    sums = jax.ops.segment_sum(h, batch, num_segments=G)
    cnt = jax.ops.segment_sum(jnp.ones((N, 1), dtype=h.dtype), batch, num_segments=G)
    pooled = sums / jnp.maximum(cnt, 1.0)
    return pooled @ W_lin + b_lin

if __name__ == "__main__":
    import jax
    _d = setup_inputs()
    print(jax.jit(kernel)(*tuple(_d.values())))

</pallas_src>

<mosaic_0001>
#map = affine_map<(d0, d1) -> (0, 0, 0)>
#map1 = affine_map<(d0, d1) -> (0, 0)>
module attributes {stable_mosaic.version = 14 : i64} {
  func.func @deg_kernel(%arg0: i32, %arg1: i32, %arg2: memref<4000x1x40xi32, #tpu.memory_space<hbm>>, %arg3: memref<20000x16xf32, #tpu.memory_space<hbm>>, %arg4: memref<10000x16xf32, #tpu.memory_space<vmem_shared>>, %arg5: memref<80x16xf32, #tpu.memory_space<vmem>>, %arg6: memref<40x16xf32, #tpu.memory_space<vmem>>, %arg7: memref<125x1x40xi32, #tpu.memory_space<vmem>>, %arg8: memref<!tpu.dma_semaphore, #tpu.memory_space<semaphore_mem>>, %arg9: memref<!tpu.dma_semaphore, #tpu.memory_space<semaphore_mem>>, %arg10: memref<!tpu.dma_semaphore, #tpu.memory_space<semaphore_mem>>) attributes {dimension_semantics = [#tpu.dimension_semantics<core_parallel>, #tpu.dimension_semantics<subcore_parallel>], iteration_bounds = array<i64: 2, 16>, scalar_prefetch = 0 : i64, scratch_operands = 7 : i64, tpu.core_type = #tpu.core_type<sc_vector_subcore>, window_params = [{transform_indices = #map}, {transform_indices = #map1}]} {
    %broadcast_in_dim3A = arith.constant 0.000000e+00 : f32
    %broadcast_in_dim3A_0 = vector.broadcast %broadcast_in_dim3A : f32 to vector<16xf32>
    %broadcast_in_dim3A_1 = arith.constant 1.000000e+00 : f32
    %broadcast_in_dim3A_2 = vector.broadcast %broadcast_in_dim3A_1 : f32 to vector<16xf32>
    %scan3A = arith.constant 0 : i32
    %scan3A_3 = arith.constant 0 : i32
    %scan3A_4 = arith.constant 80 : i32
    %scan3A_5 = arith.addi %scan3A_3, %scan3A_4 : i32
    %scan3A_6 = arith.constant 1 : i32
    scf.for %scan3A_97 = %scan3A_3 to %scan3A_5 step %scan3A_6  : i32 {
      %swap3A = arith.index_cast %scan3A_97 : i32 to index
      %swap3A_98 = arith.constant 0 : index
      %swap3A_99 = tpu.vector_load %arg5[%swap3A, %swap3A_98] {strides = array<i32>} : memref<80x16xf32, #tpu.memory_space<vmem>>, vector<1x16xf32>,
      %swap3A_100 = vector.shape_cast %swap3A_99 : vector<1x16xf32> to vector<16xf32>
      %swap3A_101 = vector.shape_cast %broadcast_in_dim3A_0 : vector<16xf32> to vector<1x16xf32>
      tpu.vector_store %arg5[%swap3A, %swap3A_98], %swap3A_101 {strides = array<i32>} : memref<80x16xf32, #tpu.memory_space<vmem>>, vector<1x16xf32>,
    }
    %scan3A_7 = arith.constant 80 : i32
    %scan3A_8 = arith.constant 0 : i32
    %scan3A_9 = arith.constant 0 : i32
    %scan3A_10 = arith.constant 40 : i32
    %scan3A_11 = arith.addi %scan3A_9, %scan3A_10 : i32
    %scan3A_12 = arith.constant 1 : i32
    scf.for %scan3A_97 = %scan3A_9 to %scan3A_11 step %scan3A_12  : i32 {
      %swap3A = arith.index_cast %scan3A_97 : i32 to index
      %swap3A_98 = arith.constant 0 : index
      %swap3A_99 = tpu.vector_load %arg6[%swap3A, %swap3A_98] {strides = array<i32>} : memref<40x16xf32, #tpu.memory_space<vmem>>, vector<1x16xf32>,
      %swap3A_100 = vector.shape_cast %swap3A_99 : vector<1x16xf32> to vector<16xf32>
      %swap3A_101 = vector.shape_cast %broadcast_in_dim3A_2 : vector<16xf32> to vector<1x16xf32>
      tpu.vector_store %arg6[%swap3A, %swap3A_98], %swap3A_101 {strides = array<i32>} : memref<40x16xf32, #tpu.memory_space<vmem>>, vector<1x16xf32>,
    }
    %scan3A_13 = arith.constant 40 : i32
    %mul3A = arith.constant 16 : i32
    %mul3A_14 = arith.muli %arg0, %mul3A : i32
    %add3A = arith.addi %mul3A_14, %arg1 : i32
    %mul3A_15 = arith.constant 125 : i32
    %mul3A_16 = arith.muli %add3A, %mul3A_15 : i32
    %dma_start3A = arith.constant 0 : i32
    %dma_start3A_17 = arith.constant 0 : i32
    %dma_start3A_18 = tpu.memref_slice %arg2[%mul3A_16, %dma_start3A, %dma_start3A_17] : memref<4000x1x40xi32, #tpu.memory_space<hbm>> -> memref<125x1x40xi32, #tpu.memory_space<hbm>>
    %dma_start3A_19 = arith.constant 0 : i32
    %dma_start3A_20 = arith.constant 0 : i32
    %dma_start3A_21 = tpu.memref_slice %arg2[%mul3A_16, %dma_start3A_19, %dma_start3A_20] : memref<4000x1x40xi32, #tpu.memory_space<hbm>> -> memref<125x1x40xi32, #tpu.memory_space<hbm>>
    tpu.enqueue_dma source(%dma_start3A_21 : memref<125x1x40xi32, #tpu.memory_space<hbm>>) target(%arg7 : memref<125x1x40xi32, #tpu.memory_space<vmem>>) target_semaphore(%arg8 : memref<!tpu.dma_semaphore, #tpu.memory_space<semaphore_mem>>)
    %dma_wait3A = arith.constant 0 : i32
    %dma_wait3A_22 = arith.constant 0 : i32
    %dma_wait3A_23 = tpu.memref_slice %arg2[%mul3A_16, %dma_wait3A, %dma_wait3A_22] : memref<4000x1x40xi32, #tpu.memory_space<hbm>> -> memref<125x1x40xi32, #tpu.memory_space<hbm>>
    %dma_wait3A_24 = arith.constant 0 : i32
    %dma_wait3A_25 = arith.constant 0 : i32
    %dma_wait3A_26 = tpu.memref_slice %arg2[%mul3A_16, %dma_wait3A_24, %dma_wait3A_25] : memref<4000x1x40xi32, #tpu.memory_space<hbm>> -> memref<125x1x40xi32, #tpu.memory_space<hbm>>
    tpu.wait_dma2 semaphore(%arg8 : memref<!tpu.dma_semaphore, #tpu.memory_space<semaphore_mem>>) src(%dma_wait3A_26 : memref<125x1x40xi32, #tpu.memory_space<hbm>>) dst(%arg7 : memref<125x1x40xi32, #tpu.memory_space<vmem>>)
    %mul3A_27 = arith.constant 624 : i32
    %mul3A_28 = arith.muli %arg1, %mul3A_27 : i32
    %add3A_29 = arith.constant 0 : i32
    %add3A_30 = arith.addi %mul3A_28, %add3A_29 : i32
    "tpu.region"() ({
      %run_scoped3A = tpu.sem_alloc : memref<!tpu.dma_semaphore, #tpu.memory_space<semaphore_mem>>
      %dma_start3A_97 = arith.constant 0 : i32
      %dma_start3A_98 = tpu.memref_slice %arg4[%add3A_30, %dma_start3A_97] : memref<10000x16xf32, #tpu.memory_space<vmem_shared>> -> memref<80x16xf32, #tpu.memory_space<vmem_shared>>
      %dma_start3A_99 = arith.constant 0 : i32
      %dma_start3A_100 = tpu.memref_slice %arg4[%add3A_30, %dma_start3A_99] : memref<10000x16xf32, #tpu.memory_space<vmem_shared>> -> memref<80x16xf32, #tpu.memory_space<vmem_shared>>
      tpu.enqueue_dma source(%arg5 : memref<80x16xf32, #tpu.memory_space<vmem>>) target(%dma_start3A_100 : memref<80x16xf32, #tpu.memory_space<vmem_shared>>) target_semaphore(%run_scoped3A : memref<!tpu.dma_semaphore, #tpu.memory_space<semaphore_mem>>)
      %dma_wait3A_101 = arith.constant 0 : i32
      %dma_wait3A_102 = tpu.memref_slice %arg4[%add3A_30, %dma_wait3A_101] : memref<10000x16xf32, #tpu.memory_space<vmem_shared>> -> memref<80x16xf32, #tpu.memory_space<vmem_shared>>
      %dma_wait3A_103 = arith.constant 0 : i32
      %dma_wait3A_104 = tpu.memref_slice %arg4[%add3A_30, %dma_wait3A_103] : memref<10000x16xf32, #tpu.memory_space<vmem_shared>> -> memref<80x16xf32, #tpu.memory_space<vmem_shared>>
      tpu.wait_dma2 semaphore(%run_scoped3A : memref<!tpu.dma_semaphore, #tpu.memory_space<semaphore_mem>>) src(%arg5 : memref<80x16xf32, #tpu.memory_space<vmem>>) dst(%dma_wait3A_104 : memref<80x16xf32, #tpu.memory_space<vmem_shared>>)
      tpu.yield
    }) : () -> ()
    %mul3A_31 = arith.constant 624 : i32
    %mul3A_32 = arith.muli %arg1, %mul3A_31 : i32
    %add3A_33 = arith.constant 80 : i32
    %add3A_34 = arith.addi %mul3A_32, %add3A_33 : i32
    "tpu.region"() ({
      %run_scoped3A = tpu.sem_alloc : memref<!tpu.dma_semaphore, #tpu.memory_space<semaphore_mem>>
      %dma_start3A_97 = arith.constant 0 : i32
      %dma_start3A_98 = tpu.memref_slice %arg4[%add3A_34, %dma_start3A_97] : memref<10000x16xf32, #tpu.memory_space<vmem_shared>> -> memref<80x16xf32, #tpu.memory_space<vmem_shared>>
      %dma_start3A_99 = arith.constant 0 : i32
      %dma_start3A_100 = tpu.memref_slice %arg4[%add3A_34, %dma_start3A_99] : memref<10000x16xf32, #tpu.memory_space<vmem_shared>> -> memref<80x16xf32, #tpu.memory_space<vmem_shared>>
      tpu.enqueue_dma source(%arg5 : memref<80x16xf32, #tpu.memory_space<vmem>>) target(%dma_start3A_100 : memref<80x16xf32, #tpu.memory_space<vmem_shared>>) target_semaphore(%run_scoped3A : memref<!tpu.dma_semaphore, #tpu.memory_space<semaphore_mem>>)
      %dma_wait3A_101 = arith.constant 0 : i32
      %dma_wait3A_102 = tpu.memref_slice %arg4[%add3A_34, %dma_wait3A_101] : memref<10000x16xf32, #tpu.memory_space<vmem_shared>> -> memref<80x16xf32, #tpu.memory_space<vmem_shared>>
      %dma_wait3A_103 = arith.constant 0 : i32
      %dma_wait3A_104 = tpu.memref_slice %arg4[%add3A_34, %dma_wait3A_103] : memref<10000x16xf32, #tpu.memory_space<vmem_shared>> -> memref<80x16xf32, #tpu.memory_space<vmem_shared>>
      tpu.wait_dma2 semaphore(%run_scoped3A : memref<!tpu.dma_semaphore, #tpu.memory_space<semaphore_mem>>) src(%arg5 : memref<80x16xf32, #tpu.memory_space<vmem>>) dst(%dma_wait3A_104 : memref<80x16xf32, #tpu.memory_space<vmem_shared>>)
      tpu.yield
    }) : () -> ()
    %mul3A_35 = arith.constant 624 : i32
    %mul3A_36 = arith.muli %arg1, %mul3A_35 : i32
    %add3A_37 = arith.constant 160 : i32
    %add3A_38 = arith.addi %mul3A_36, %add3A_37 : i32
    "tpu.region"() ({
      %run_scoped3A = tpu.sem_alloc : memref<!tpu.dma_semaphore, #tpu.memory_space<semaphore_mem>>
      %dma_start3A_97 = arith.constant 0 : i32
      %dma_start3A_98 = tpu.memref_slice %arg4[%add3A_38, %dma_start3A_97] : memref<10000x16xf32, #tpu.memory_space<vmem_shared>> -> memref<80x16xf32, #tpu.memory_space<vmem_shared>>
      %dma_start3A_99 = arith.constant 0 : i32
      %dma_start3A_100 = tpu.memref_slice %arg4[%add3A_38, %dma_start3A_99] : memref<10000x16xf32, #tpu.memory_space<vmem_shared>> -> memref<80x16xf32, #tpu.memory_space<vmem_shared>>
      tpu.enqueue_dma source(%arg5 : memref<80x16xf32, #tpu.memory_space<vmem>>) target(%dma_start3A_100 : memref<80x16xf32, #tpu.memory_space<vmem_shared>>) target_semaphore(%run_scoped3A : memref<!tpu.dma_semaphore, #tpu.memory_space<semaphore_mem>>)
      %dma_wait3A_101 = arith.constant 0 : i32
      %dma_wait3A_102 = tpu.memref_slice %arg4[%add3A_38, %dma_wait3A_101] : memref<10000x16xf32, #tpu.memory_space<vmem_shared>> -> memref<80x16xf32, #tpu.memory_space<vmem_shared>>
      %dma_wait3A_103 = arith.constant 0 : i32
      %dma_wait3A_104 = tpu.memref_slice %arg4[%add3A_38, %dma_wait3A_103] : memref<10000x16xf32, #tpu.memory_space<vmem_shared>> -> memref<80x16xf32, #tpu.memory_space<vmem_shared>>
      tpu.wait_dma2 semaphore(%run_scoped3A : memref<!tpu.dma_semaphore, #tpu.memory_space<semaphore_mem>>) src(%arg5 : memref<80x16xf32, #tpu.memory_space<vmem>>) dst(%dma_wait3A_104 : memref<80x16xf32, #tpu.memory_space<vmem_shared>>)
      tpu.yield
    }) : () -> ()
    %mul3A_39 = arith.constant 624 : i32
    %mul3A_40 = arith.muli %arg1, %mul3A_39 : i32
    %add3A_41 = arith.constant 240 : i32
    %add3A_42 = arith.addi %mul3A_40, %add3A_41 : i32
    "tpu.region"() ({
      %run_scoped3A = tpu.sem_alloc : memref<!tpu.dma_semaphore, #tpu.memory_space<semaphore_mem>>
      %dma_start3A_97 = arith.constant 0 : i32
      %dma_start3A_98 = tpu.memref_slice %arg4[%add3A_42, %dma_start3A_97] : memref<10000x16xf32, #tpu.memory_space<vmem_shared>> -> memref<80x16xf32, #tpu.memory_space<vmem_shared>>
      %dma_start3A_99 = arith.constant 0 : i32
      %dma_start3A_100 = tpu.memref_slice %arg4[%add3A_42, %dma_start3A_99] : memref<10000x16xf32, #tpu.memory_space<vmem_shared>> -> memref<80x16xf32, #tpu.memory_space<vmem_shared>>
      tpu.enqueue_dma source(%arg5 : memref<80x16xf32, #tpu.memory_space<vmem>>) target(%dma_start3A_100 : memref<80x16xf32, #tpu.memory_space<vmem_shared>>) target_semaphore(%run_scoped3A : memref<!tpu.dma_semaphore, #tpu.memory_space<semaphore_mem>>)
      %dma_wait3A_101 = arith.constant 0 : i32
      %dma_wait3A_102 = tpu.memref_slice %arg4[%add3A_42, %dma_wait3A_101] : memref<10000x16xf32, #tpu.memory_space<vmem_shared>> -> memref<80x16xf32, #tpu.memory_space<vmem_shared>>
      %dma_wait3A_103 = arith.constant 0 : i32
      %dma_wait3A_104 = tpu.memref_slice %arg4[%add3A_42, %dma_wait3A_103] : memref<10000x16xf32, #tpu.memory_space<vmem_shared>> -> memref<80x16xf32, #tpu.memory_space<vmem_shared>>
      tpu.wait_dma2 semaphore(%run_scoped3A : memref<!tpu.dma_semaphore, #tpu.memory_space<semaphore_mem>>) src(%arg5 : memref<80x16xf32, #tpu.memory_space<vmem>>) dst(%dma_wait3A_104 : memref<80x16xf32, #tpu.memory_space<vmem_shared>>)
      tpu.yield
    }) : () -> ()
    %mul3A_43 = arith.constant 624 : i32
    %mul3A_44 = arith.muli %arg1, %mul3A_43 : i32
    %add3A_45 = arith.constant 320 : i32
    %add3A_46 = arith.addi %mul3A_44, %add3A_45 : i32
    "tpu.region"() ({
      %run_scoped3A = tpu.sem_alloc : memref<!tpu.dma_semaphore, #tpu.memory_space<semaphore_mem>>
      %dma_start3A_97 = arith.constant 0 : i32
      %dma_start3A_98 = tpu.memref_slice %arg4[%add3A_46, %dma_start3A_97] : memref<10000x16xf32, #tpu.memory_space<vmem_shared>> -> memref<80x16xf32, #tpu.memory_space<vmem_shared>>
      %dma_start3A_99 = arith.constant 0 : i32
      %dma_start3A_100 = tpu.memref_slice %arg4[%add3A_46, %dma_start3A_99] : memref<10000x16xf32, #tpu.memory_space<vmem_shared>> -> memref<80x16xf32, #tpu.memory_space<vmem_shared>>
      tpu.enqueue_dma source(%arg5 : memref<80x16xf32, #tpu.memory_space<vmem>>) target(%dma_start3A_100 : memref<80x16xf32, #tpu.memory_space<vmem_shared>>) target_semaphore(%run_scoped3A : memref<!tpu.dma_semaphore, #tpu.memory_space<semaphore_mem>>)
      %dma_wait3A_101 = arith.constant 0 : i32
      %dma_wait3A_102 = tpu.memref_slice %arg4[%add3A_46, %dma_wait3A_101] : memref<10000x16xf32, #tpu.memory_space<vmem_shared>> -> memref<80x16xf32, #tpu.memory_space<vmem_shared>>
      %dma_wait3A_103 = arith.constant 0 : i32
      %dma_wait3A_104 = tpu.memref_slice %arg4[%add3A_46, %dma_wait3A_103] : memref<10000x16xf32, #tpu.memory_space<vmem_shared>> -> memref<80x16xf32, #tpu.memory_space<vmem_shared>>
      tpu.wait_dma2 semaphore(%run_scoped3A : memref<!tpu.dma_semaphore, #tpu.memory_space<semaphore_mem>>) src(%arg5 : memref<80x16xf32, #tpu.memory_space<vmem>>) dst(%dma_wait3A_104 : memref<80x16xf32, #tpu.memory_space<vmem_shared>>)
      tpu.yield
    }) : () -> ()
    %mul3A_47 = arith.constant 624 : i32
    %mul3A_48 = arith.muli %arg1, %mul3A_47 : i32
    %add3A_49 = arith.constant 400 : i32
    %add3A_50 = arith.addi %mul3A_48, %add3A_49 : i32
    "tpu.region"() ({
      %run_scoped3A = tpu.sem_alloc : memref<!tpu.dma_semaphore, #tpu.memory_space<semaphore_mem>>
      %dma_start3A_97 = arith.constant 0 : i32
      %dma_start3A_98 = tpu.memref_slice %arg4[%add3A_50, %dma_start3A_97] : memref<10000x16xf32, #tpu.memory_space<vmem_shared>> -> memref<80x16xf32, #tpu.memory_space<vmem_shared>>
      %dma_start3A_99 = arith.constant 0 : i32
      %dma_start3A_100 = tpu.memref_slice %arg4[%add3A_50, %dma_start3A_99] : memref<10000x16xf32, #tpu.memory_space<vmem_shared>> -> memref<80x16xf32, #tpu.memory_space<vmem_shared>>
      tpu.enqueue_dma source(%arg5 : memref<80x16xf32, #tpu.memory_space<vmem>>) target(%dma_start3A_100 : memref<80x16xf32, #tpu.memory_space<vmem_shared>>) target_semaphore(%run_scoped3A : memref<!tpu.dma_semaphore, #tpu.memory_space<semaphore_mem>>)
      %dma_wait3A_101 = arith.constant 0 : i32
      %dma_wait3A_102 = tpu.memref_slice %arg4[%add3A_50, %dma_wait3A_101] : memref<10000x16xf32, #tpu.memory_space<vmem_shared>> -> memref<80x16xf32, #tpu.memory_space<vmem_shared>>
      %dma_wait3A_103 = arith.constant 0 : i32
      %dma_wait3A_104 = tpu.memref_slice %arg4[%add3A_50, %dma_wait3A_103] : memref<10000x16xf32, #tpu.memory_space<vmem_shared>> -> memref<80x16xf32, #tpu.memory_space<vmem_shared>>
      tpu.wait_dma2 semaphore(%run_scoped3A : memref<!tpu.dma_semaphore, #tpu.memory_space<semaphore_mem>>) src(%arg5 : memref<80x16xf32, #tpu.memory_space<vmem>>) dst(%dma_wait3A_104 : memref<80x16xf32, #tpu.memory_space<vmem_shared>>)
      tpu.yield
    }) : () -> ()
    %mul3A_51 = arith.constant 624 : i32
    %mul3A_52 = arith.muli %arg1, %mul3A_51 : i32
    %add3A_53 = arith.constant 480 : i32
    %add3A_54 = arith.addi %mul3A_52, %add3A_53 : i32
    "tpu.region"() ({
      %run_scoped3A = tpu.sem_alloc : memref<!tpu.dma_semaphore, #tpu.memory_space<semaphore_mem>>
      %dma_start3A_97 = arith.constant 0 : i32
      %dma_start3A_98 = tpu.memref_slice %arg4[%add3A_54, %dma_start3A_97] : memref<10000x16xf32, #tpu.memory_space<vmem_shared>> -> memref<80x16xf32, #tpu.memory_space<vmem_shared>>
      %dma_start3A_99 = arith.constant 0 : i32
      %dma_start3A_100 = tpu.memref_slice %arg4[%add3A_54, %dma_start3A_99] : memref<10000x16xf32, #tpu.memory_space<vmem_shared>> -> memref<80x16xf32, #tpu.memory_space<vmem_shared>>
      tpu.enqueue_dma source(%arg5 : memref<80x16xf32, #tpu.memory_space<vmem>>) target(%dma_start3A_100 : memref<80x16xf32, #tpu.memory_space<vmem_shared>>) target_semaphore(%run_scoped3A : memref<!tpu.dma_semaphore, #tpu.memory_space<semaphore_mem>>)
      %dma_wait3A_101 = arith.constant 0 : i32
      %dma_wait3A_102 = tpu.memref_slice %arg4[%add3A_54, %dma_wait3A_101] : memref<10000x16xf32, #tpu.memory_space<vmem_shared>> -> memref<80x16xf32, #tpu.memory_space<vmem_shared>>
      %dma_wait3A_103 = arith.constant 0 : i32
      %dma_wait3A_104 = tpu.memref_slice %arg4[%add3A_54, %dma_wait3A_103] : memref<10000x16xf32, #tpu.memory_space<vmem_shared>> -> memref<80x16xf32, #tpu.memory_space<vmem_shared>>
      tpu.wait_dma2 semaphore(%run_scoped3A : memref<!tpu.dma_semaphore, #tpu.memory_space<semaphore_mem>>) src(%arg5 : memref<80x16xf32, #tpu.memory_space<vmem>>) dst(%dma_wait3A_104 : memref<80x16xf32, #tpu.memory_space<vmem_shared>>)
      tpu.yield
    }) : () -> ()
    %mul3A_55 = arith.constant 624 : i32
    %mul3A_56 = arith.muli %arg1, %mul3A_55 : i32
    %add3A_57 = arith.constant 560 : i32
    %add3A_58 = arith.addi %mul3A_56, %add3A_57 : i32
    "tpu.region"() ({
      %run_scoped3A = tpu.sem_alloc : memref<!tpu.dma_semaphore, #tpu.memory_space<semaphore_mem>>
      %dma_start3A_97 = arith.constant 0 : i32
      %dma_start3A_98 = tpu.memref_slice %arg4[%add3A_58, %dma_start3A_97] : memref<10000x16xf32, #tpu.memory_space<vmem_shared>> -> memref<80x16xf32, #tpu.memory_space<vmem_shared>>
      %dma_start3A_99 = arith.constant 0 : i32
      %dma_start3A_100 = tpu.memref_slice %arg4[%add3A_58, %dma_start3A_99] : memref<10000x16xf32, #tpu.memory_space<vmem_shared>> -> memref<80x16xf32, #tpu.memory_space<vmem_shared>>
      tpu.enqueue_dma source(%arg5 : memref<80x16xf32, #tpu.memory_space<vmem>>) target(%dma_start3A_100 : memref<80x16xf32, #tpu.memory_space<vmem_shared>>) target_semaphore(%run_scoped3A : memref<!tpu.dma_semaphore, #tpu.memory_space<semaphore_mem>>)
      %dma_wait3A_101 = arith.constant 0 : i32
      %dma_wait3A_102 = tpu.memref_slice %arg4[%add3A_58, %dma_wait3A_101] : memref<10000x16xf32, #tpu.memory_space<vmem_shared>> -> memref<80x16xf32, #tpu.memory_space<vmem_shared>>
      %dma_wait3A_103 = arith.constant 0 : i32
      %dma_wait3A_104 = tpu.memref_slice %arg4[%add3A_58, %dma_wait3A_103] : memref<10000x16xf32, #tpu.memory_space<vmem_shared>> -> memref<80x16xf32, #tpu.memory_space<vmem_shared>>
      tpu.wait_dma2 semaphore(%run_scoped3A : memref<!tpu.dma_semaphore, #tpu.memory_space<semaphore_mem>>) src(%arg5 : memref<80x16xf32, #tpu.memory_space<vmem>>) dst(%dma_wait3A_104 : memref<80x16xf32, #tpu.memory_space<vmem_shared>>)
      tpu.yield
    }) : () -> ()
    %barrier3A = arith.constant 0 : index
    tpu.barrier barrier_id(%barrier3A)
    %dma_start3A_59 = arith.constant 0 : i32
    %dma_start3A_60 = arith.constant 0 : i32
    %dma_start3A_61 = arith.constant 0 : i32
    %dma_start3A_62 = tpu.memref_slice %arg7[%dma_start3A_59, %dma_start3A_60, %dma_start3A_61] : memref<125x1x40xi32, #tpu.memory_space<vmem>> -> memref<1x1x40xi32, #tpu.memory_space<vmem>>
    %dma_start3A_63 = tpu.memref_squeeze %dma_start3A_62 : memref<1x1x40xi32, #tpu.memory_space<vmem>> -> memref<40xi32, #tpu.memory_space<vmem>>
    %dma_start3A_64 = arith.constant 0 : i32
    %dma_start3A_65 = arith.constant 0 : i32
    %dma_start3A_66 = tpu.memref_slice %arg4[%dma_start3A_64, %dma_start3A_65] : memref<10000x16xf32, #tpu.memory_space<vmem_shared>> -> memref<10000x16xf32, #tpu.memory_space<vmem_shared>>
    tpu.enqueue_indirect_dma source(%arg6 : memref<40x16xf32, #tpu.memory_space<vmem>>) target(%dma_start3A_66 : memref<10000x16xf32, #tpu.memory_space<vmem_shared>>) offsets(%dma_start3A_63 : memref<40xi32, #tpu.memory_space<vmem>>) semaphore(%arg9 : memref<!tpu.dma_semaphore, #tpu.memory_space<semaphore_mem>>) {add = true}
    %dma_start3A_67 = arith.constant 1 : i32
    %dma_start3A_68 = arith.constant 0 : i32
    %dma_start3A_69 = arith.constant 0 : i32
    %dma_start3A_70 = tpu.memref_slice %arg7[%dma_start3A_67, %dma_start3A_68, %dma_start3A_69] : memref<125x1x40xi32, #tpu.memory_space<vmem>> -> memref<1x1x40xi32, #tpu.memory_space<vmem>>
    %dma_start3A_71 = tpu.memref_squeeze %dma_start3A_70 : memref<1x1x40xi32, #tpu.memory_space<vmem>> -> memref<40xi32, #tpu.memory_space<vmem>>
    %dma_start3A_72 = arith.constant 0 : i32
    %dma_start3A_73 = arith.constant 0 : i32
    %dma_start3A_74 = tpu.memref_slice %arg4[%dma_start3A_72, %dma_start3A_73] : memref<10000x16xf32, #tpu.memory_space<vmem_shared>> -> memref<10000x16xf32, #tpu.memory_space<vmem_shared>>
    tpu.enqueue_indirect_dma source(%arg6 : memref<40x16xf32, #tpu.memory_space<vmem>>) target(%dma_start3A_74 : memref<10000x16xf32, #tpu.memory_space<vmem_shared>>) offsets(%dma_start3A_71 : memref<40xi32, #tpu.memory_space<vmem>>) semaphore(%arg10 : memref<!tpu.dma_semaphore, #tpu.memory_space<semaphore_mem>>) {add = true}
    %scan3A_75 = arith.constant 0 : i32
    %scan3A_76 = arith.constant 0 : i32
    %scan3A_77 = arith.constant 62 : i32
    %scan3A_78 = arith.addi %scan3A_76, %scan3A_77 : i32
    %scan3A_79 = arith.constant 1 : i32
    scf.for %scan3A_97 = %scan3A_76 to %scan3A_78 step %scan3A_79  : i32 {
      %mul3A_98 = arith.constant 2 : i32
      %mul3A_99 = arith.muli %mul3A_98, %scan3A_97 : i32
      %dma_wait3A_100 = arith.constant 0 : i32
      %dma_wait3A_101 = arith.constant 0 : i32
      %dma_wait3A_102 = arith.constant 0 : i32
      %dma_wait3A_103 = tpu.memref_slice %arg7[%dma_wait3A_100, %dma_wait3A_101, %dma_wait3A_102] : memref<125x1x40xi32, #tpu.memory_space<vmem>> -> memref<1x1x40xi32, #tpu.memory_space<vmem>>
      %dma_wait3A_104 = tpu.memref_squeeze %dma_wait3A_103 : memref<1x1x40xi32, #tpu.memory_space<vmem>> -> memref<40xi32, #tpu.memory_space<vmem>>
      %dma_wait3A_105 = arith.constant 0 : i32
      %dma_wait3A_106 = arith.constant 0 : i32
      %dma_wait3A_107 = tpu.memref_slice %arg4[%dma_wait3A_105, %dma_wait3A_106] : memref<10000x16xf32, #tpu.memory_space<vmem_shared>> -> memref<10000x16xf32, #tpu.memory_space<vmem_shared>>
      tpu.wait_indirect_dma semaphore(%arg9 : memref<!tpu.dma_semaphore, #tpu.memory_space<semaphore_mem>>) src(%arg6 : memref<40x16xf32, #tpu.memory_space<vmem>>) dst(%dma_wait3A_107 : memref<10000x16xf32, #tpu.memory_space<vmem_shared>>)
      %add3A_108 = arith.constant 2 : i32
      %add3A_109 = arith.addi %mul3A_99, %add3A_108 : i32
      %dma_start3A_110 = arith.constant 0 : i32
      %dma_start3A_111 = arith.constant 0 : i32
      %dma_start3A_112 = tpu.memref_slice %arg7[%add3A_109, %dma_start3A_110, %dma_start3A_111] : memref<125x1x40xi32, #tpu.memory_space<vmem>> -> memref<1x1x40xi32, #tpu.memory_space<vmem>>
      %dma_start3A_113 = tpu.memref_squeeze %dma_start3A_112 : memref<1x1x40xi32, #tpu.memory_space<vmem>> -> memref<40xi32, #tpu.memory_space<vmem>>
      %dma_start3A_114 = arith.constant 0 : i32
      %dma_start3A_115 = arith.constant 0 : i32
      %dma_start3A_116 = tpu.memref_slice %arg4[%dma_start3A_114, %dma_start3A_115] : memref<10000x16xf32, #tpu.memory_space<vmem_shared>> -> memref<10000x16xf32, #tpu.memory_space<vmem_shared>>
      tpu.enqueue_indirect_dma source(%arg6 : memref<40x16xf32, #tpu.memory_space<vmem>>) target(%dma_start3A_116 : memref<10000x16xf32, #tpu.memory_space<vmem_shared>>) offsets(%dma_start3A_113 : memref<40xi32, #tpu.memory_space<vmem>>) semaphore(%arg9 : memref<!tpu.dma_semaphore, #tpu.memory_space<semaphore_mem>>) {add = true}
      %dma_wait3A_117 = arith.constant 0 : i32
      %dma_wait3A_118 = arith.constant 0 : i32
      %dma_wait3A_119 = arith.constant 0 : i32
      %dma_wait3A_120 = tpu.memref_slice %arg7[%dma_wait3A_117, %dma_wait3A_118, %dma_wait3A_119] : memref<125x1x40xi32, #tpu.memory_space<vmem>> -> memref<1x1x40xi32, #tpu.memory_space<vmem>>
      %dma_wait3A_121 = tpu.memref_squeeze %dma_wait3A_120 : memref<1x1x40xi32, #tpu.memory_space<vmem>> -> memref<40xi32, #tpu.memory_space<vmem>>
      %dma_wait3A_122 = arith.constant 0 : i32
      %dma_wait3A_123 = arith.constant 0 : i32
      %dma_wait3A_124 = tpu.memref_slice %arg4[%dma_wait3A_122, %dma_wait3A_123] : memref<10000x16xf32, #tpu.memory_space<vmem_shared>> -> memref<10000x16xf32, #tpu.memory_space<vmem_shared>>
      tpu.wait_indirect_dma semaphore(%arg10 : memref<!tpu.dma_semaphore, #tpu.memory_space<semaphore_mem>>) src(%arg6 : memref<40x16xf32, #tpu.memory_space<vmem>>) dst(%dma_wait3A_124 : memref<10000x16xf32, #tpu.memory_space<vmem_shared>>)
      %add3A_125 = arith.constant 3 : i32
      %add3A_126 = arith.addi %mul3A_99, %add3A_125 : i32
      %lt3A = arith.constant 125 : i32
      %lt3A_127 = arith.cmpi slt, %add3A_126, %lt3A : i32
      %convert_element_type3A = arith.extui %lt3A_127 : i1 to i32
      %cond3A = arith.constant 0 : i32
      %cond3A_128 = arith.cmpi ne, %convert_element_type3A, %cond3A : i32
      scf.if %cond3A_128 {
        %add3A_129 = arith.constant 3 : i32
        %add3A_130 = arith.addi %mul3A_99, %add3A_129 : i32
        %dma_start3A_131 = arith.constant 0 : i32
        %dma_start3A_132 = arith.constant 0 : i32
        %dma_start3A_133 = tpu.memref_slice %arg7[%add3A_130, %dma_start3A_131, %dma_start3A_132] : memref<125x1x40xi32, #tpu.memory_space<vmem>> -> memref<1x1x40xi32, #tpu.memory_space<vmem>>
        %dma_start3A_134 = tpu.memref_squeeze %dma_start3A_133 : memref<1x1x40xi32, #tpu.memory_space<vmem>> -> memref<40xi32, #tpu.memory_space<vmem>>
        %dma_start3A_135 = arith.constant 0 : i32
        %dma_start3A_136 = arith.constant 0 : i32
        %dma_start3A_137 = tpu.memref_slice %arg4[%dma_start3A_135, %dma_start3A_136] : memref<10000x16xf32, #tpu.memory_space<vmem_shared>> -> memref<10000x16xf32, #tpu.memory_space<vmem_shared>>
        tpu.enqueue_indirect_dma source(%arg6 : memref<40x16xf32, #tpu.memory_space<vmem>>) target(%dma_start3A_137 : memref<10000x16xf32, #tpu.memory_space<vmem_shared>>) offsets(%dma_start3A_134 : memref<40xi32, #tpu.memory_space<vmem>>) semaphore(%arg10 : memref<!tpu.dma_semaphore, #tpu.memory_space<semaphore_mem>>) {add = true}
      } else {
      }
    }
    %scan3A_80 = arith.constant 62 : i32
    %dma_wait3A_81 = arith.constant 0 : i32
    %dma_wait3A_82 = arith.constant 0 : i32
    %dma_wait3A_83 = arith.constant 0 : i32
    %dma_wait3A_84 = tpu.memref_slice %arg7[%dma_wait3A_81, %dma_wait3A_82, %dma_wait3A_83] : memref<125x1x40xi32, #tpu.memory_space<vmem>> -> memref<1x1x40xi32, #tpu.memory_space<vmem>>
    %dma_wait3A_85 = tpu.memref_squeeze %dma_wait3A_84 : memref<1x1x40xi32, #tpu.memory_space<vmem>> -> memref<40xi32, #tpu.memory_space<vmem>>
    %dma_wait3A_86 = arith.constant 0 : i32
    %dma_wait3A_87 = arith.constant 0 : i32
    %dma_wait3A_88 = tpu.memref_slice %arg4[%dma_wait3A_86, %dma_wait3A_87] : memref<10000x16xf32, #tpu.memory_space<vmem_shared>> -> memref<10000x16xf32, #tpu.memory_space<vmem_shared>>
    tpu.wait_indirect_dma semaphore(%arg9 : memref<!tpu.dma_semaphore, #tpu.memory_space<semaphore_mem>>) src(%arg6 : memref<40x16xf32, #tpu.memory_space<vmem>>) dst(%dma_wait3A_88 : memref<10000x16xf32, #tpu.memory_space<vmem_shared>>)
    %barrier3A_89 = arith.constant 0 : index
    tpu.barrier barrier_id(%barrier3A_89)
    %mul3A_90 = arith.constant 624 : i32
    %mul3A_91 = arith.muli %arg1, %mul3A_90 : i32
    %mul3A_92 = arith.constant 10000 : i32
    %mul3A_93 = arith.muli %arg0, %mul3A_92 : i32
    %mul3A_94 = arith.constant 624 : i32
    %mul3A_95 = arith.muli %arg1, %mul3A_94 : i32
    %add3A_96 = arith.addi %mul3A_93, %mul3A_95 : i32
    "tpu.region"() ({
      %run_scoped3A = tpu.sem_alloc : memref<!tpu.dma_semaphore, #tpu.memory_space<semaphore_mem>>
      %dma_start3A_97 = arith.constant 0 : i32
      %dma_start3A_98 = tpu.memref_slice %arg3[%add3A_96, %dma_start3A_97] : memref<20000x16xf32, #tpu.memory_space<hbm>> -> memref<640x16xf32, #tpu.memory_space<hbm>>
      %dma_start3A_99 = arith.constant 0 : i32
      %dma_start3A_100 = tpu.memref_slice %arg4[%mul3A_91, %dma_start3A_99] : memref<10000x16xf32, #tpu.memory_space<vmem_shared>> -> memref<640x16xf32, #tpu.memory_space<vmem_shared>>
      tpu.enqueue_dma source(%dma_start3A_100 : memref<640x16xf32, #tpu.memory_space<vmem_shared>>) target(%dma_start3A_98 : memref<640x16xf32, #tpu.memory_space<hbm>>) target_semaphore(%run_scoped3A : memref<!tpu.dma_semaphore, #tpu.memory_space<semaphore_mem>>)
      %dma_wait3A_101 = arith.constant 0 : i32
      %dma_wait3A_102 = tpu.memref_slice %arg3[%add3A_96, %dma_wait3A_101] : memref<20000x16xf32, #tpu.memory_space<hbm>> -> memref<640x16xf32, #tpu.memory_space<hbm>>
      %dma_wait3A_103 = arith.constant 0 : i32
      %dma_wait3A_104 = tpu.memref_slice %arg4[%mul3A_91, %dma_wait3A_103] : memref<10000x16xf32, #tpu.memory_space<vmem_shared>> -> memref<640x16xf32, #tpu.memory_space<vmem_shared>>
      tpu.wait_dma2 semaphore(%run_scoped3A : memref<!tpu.dma_semaphore, #tpu.memory_space<semaphore_mem>>) src(%dma_wait3A_104 : memref<640x16xf32, #tpu.memory_space<vmem_shared>>) dst(%dma_wait3A_102 : memref<640x16xf32, #tpu.memory_space<hbm>>)
      tpu.yield
    }) : () -> ()
    return
  }
}

#map = affine_map<(d0, d1) -> (0, 0)>
#map1 = affine_map<(d0, d1) -> (0)>
#map2 = affine_map<(d0, d1) -> (0, 0, 0)>
module attributes {stable_mosaic.version = 14 : i64} {
  func.func @agg_kernel(%arg0: i32, %arg1: i32, %arg2: memref<10000x128xf32, #tpu.memory_space<hbm>>, %arg3: memref<10000x128xf32, #tpu.memory_space<hbm>>, %arg4: memref<160000xi32, #tpu.memory_space<hbm>>, %arg5: memref<2000x1x80xi32, #tpu.memory_space<hbm>>, %arg6: memref<10000x128xf32, #tpu.memory_space<hbm>>, %arg7: memref<10000x128xf32, #tpu.memory_space<hbm>>, %arg8: memref<10000x128xf32, #tpu.memory_space<vmem_shared>>, %arg9: memref<16x128xf32, #tpu.memory_space<vmem>>, %arg10: memref<10000xi32, #tpu.memory_space<vmem>>, %arg11: memref<125x1x80xi32, #tpu.memory_space<vmem>>, %arg12: memref<80x128xf32, #tpu.memory_space<vmem>>, %arg13: memref<80x128xf32, #tpu.memory_space<vmem>>, %arg14: memref<!tpu.dma_semaphore, #tpu.memory_space<semaphore_mem>>, %arg15: memref<!tpu.dma_semaphore, #tpu.memory_space<semaphore_mem>>, %arg16: memref<!tpu.dma_semaphore, #tpu.memory_space<semaphore_mem>>, %arg17: memref<!tpu.dma_semaphore, #tpu.memory_space<semaphore_mem>>, %arg18: memref<!tpu.dma_semaphore, #tpu.memory_space<semaphore_mem>>) attributes {dimension_semantics = [#tpu.dimension_semantics<core_parallel>, #tpu.dimension_semantics<subcore_parallel>], iteration_bounds = array<i64: 2, 16>, scalar_prefetch = 0 : i64, scratch_operands = 11 : i64, tpu.core_type = #tpu.core_type<sc_vector_subcore>, window_params = [{transform_indices = #map}, {transform_indices = #map}, {transform_indices = #map1}, {transform_indices = #map2}, {transform_indices = #map}, {transform_indices = #map}]} {
    %broadcast_in_dim3A = arith.constant 0.000000e+00 : f32
    %broadcast_in_dim3A_0 = vector.broadcast %broadcast_in_dim3A : f32 to vector<16xf32>
    %scan3A = arith.constant 0 : i32
    %scan3A_1 = arith.constant 0 : i32
    %scan3A_2 = arith.constant 16 : i32
    %scan3A_3 = arith.addi %scan3A_1, %scan3A_2 : i32
    %scan3A_4 = arith.constant 1 : i32
    scf.for %scan3A_206 = %scan3A_1 to %scan3A_3 step %scan3A_4  : i32 {
      %swap3A = arith.index_cast %scan3A_206 : i32 to index
      %swap3A_207 = arith.constant 0 : index
      %swap3A_208 = tpu.vector_load %arg9[%swap3A, %swap3A_207] {strides = array<i32>} : memref<16x128xf32, #tpu.memory_space<vmem>>, vector<1x16xf32>,
      %swap3A_209 = vector.shape_cast %swap3A_208 : vector<1x16xf32> to vector<16xf32>
      %swap3A_210 = vector.shape_cast %broadcast_in_dim3A_0 : vector<16xf32> to vector<1x16xf32>
      tpu.vector_store %arg9[%swap3A, %swap3A_207], %swap3A_210 {strides = array<i32>} : memref<16x128xf32, #tpu.memory_space<vmem>>, vector<1x16xf32>,
      %swap3A_211 = arith.index_cast %scan3A_206 : i32 to index
      %swap3A_212 = arith.constant 16 : index
      %swap3A_213 = tpu.vector_load %arg9[%swap3A_211, %swap3A_212] {strides = array<i32>} : memref<16x128xf32, #tpu.memory_space<vmem>>, vector<1x16xf32>,
      %swap3A_214 = vector.shape_cast %swap3A_213 : vector<1x16xf32> to vector<16xf32>
      %swap3A_215 = vector.shape_cast %broadcast_in_dim3A_0 : vector<16xf32> to vector<1x16xf32>
      tpu.vector_store %arg9[%swap3A_211, %swap3A_212], %swap3A_215 {strides = array<i32>} : memref<16x128xf32, #tpu.memory_space<vmem>>, vector<1x16xf32>,
      %swap3A_216 = arith.index_cast %scan3A_206 : i32 to index
      %swap3A_217 = arith.constant 32 : index
      %swap3A_218 = tpu.vector_load %arg9[%swap3A_216, %swap3A_217] {strides = array<i32>} : memref<16x128xf32, #tpu.memory_space<vmem>>, vector<1x16xf32>,
      %swap3A_219 = vector.shape_cast %swap3A_218 : vector<1x16xf32> to vector<16xf32>
      %swap3A_220 = vector.shape_cast %broadcast_in_dim3A_0 : vector<16xf32> to vector<1x16xf32>
      tpu.vector_store %arg9[%swap3A_216, %swap3A_217], %swap3A_220 {strides = array<i32>} : memref<16x128xf32, #tpu.memory_space<vmem>>, vector<1x16xf32>,
      %swap3A_221 = arith.index_cast %scan3A_206 : i32 to index
      %swap3A_222 = arith.constant 48 : index
      %swap3A_223 = tpu.vector_load %arg9[%swap3A_221, %swap3A_222] {strides = array<i32>} : memref<16x128xf32, #tpu.memory_space<vmem>>, vector<1x16xf32>,
      %swap3A_224 = vector.shape_cast %swap3A_223 : vector<1x16xf32> to vector<16xf32>
      %swap3A_225 = vector.shape_cast %broadcast_in_dim3A_0 : vector<16xf32> to vector<1x16xf32>
      tpu.vector_store %arg9[%swap3A_221, %swap3A_222], %swap3A_225 {strides = array<i32>} : memref<16x128xf32, #tpu.memory_space<vmem>>, vector<1x16xf32>,
      %swap3A_226 = arith.index_cast %scan3A_206 : i32 to index
      %swap3A_227 = arith.constant 64 : index
      %swap3A_228 = tpu.vector_load %arg9[%swap3A_226, %swap3A_227] {strides = array<i32>} : memref<16x128xf32, #tpu.memory_space<vmem>>, vector<1x16xf32>,
      %swap3A_229 = vector.shape_cast %swap3A_228 : vector<1x16xf32> to vector<16xf32>
      %swap3A_230 = vector.shape_cast %broadcast_in_dim3A_0 : vector<16xf32> to vector<1x16xf32>
      tpu.vector_store %arg9[%swap3A_226, %swap3A_227], %swap3A_230 {strides = array<i32>} : memref<16x128xf32, #tpu.memory_space<vmem>>, vector<1x16xf32>,
      %swap3A_231 = arith.index_cast %scan3A_206 : i32 to index
      %swap3A_232 = arith.constant 80 : index
      %swap3A_233 = tpu.vector_load %arg9[%swap3A_231, %swap3A_232] {strides = array<i32>} : memref<16x128xf32, #tpu.memory_space<vmem>>, vector<1x16xf32>,
      %swap3A_234 = vector.shape_cast %swap3A_233 : vector<1x16xf32> to vector<16xf32>
      %swap3A_235 = vector.shape_cast %broadcast_in_dim3A_0 : vector<16xf32> to vector<1x16xf32>
      tpu.vector_store %arg9[%swap3A_231, %swap3A_232], %swap3A_235 {strides = array<i32>} : memref<16x128xf32, #tpu.memory_space<vmem>>, vector<1x16xf32>,
      %swap3A_236 = arith.index_cast %scan3A_206 : i32 to index
      %swap3A_237 = arith.constant 96 : index
      %swap3A_238 = tpu.vector_load %arg9[%swap3A_236, %swap3A_237] {strides = array<i32>} : memref<16x128xf32, #tpu.memory_space<vmem>>, vector<1x16xf32>,
      %swap3A_239 = vector.shape_cast %swap3A_238 : vector<1x16xf32> to vector<16xf32>
      %swap3A_240 = vector.shape_cast %broadcast_in_dim3A_0 : vector<16xf32> to vector<1x16xf32>
      tpu.vector_store %arg9[%swap3A_236, %swap3A_237], %swap3A_240 {strides = array<i32>} : memref<16x128xf32, #tpu.memory_space<vmem>>, vector<1x16xf32>,
      %swap3A_241 = arith.index_cast %scan3A_206 : i32 to index
      %swap3A_242 = arith.constant 112 : index
      %swap3A_243 = tpu.vector_load %arg9[%swap3A_241, %swap3A_242] {strides = array<i32>} : memref<16x128xf32, #tpu.memory_space<vmem>>, vector<1x16xf32>,
      %swap3A_244 = vector.shape_cast %swap3A_243 : vector<1x16xf32> to vector<16xf32>
      %swap3A_245 = vector.shape_cast %broadcast_in_dim3A_0 : vector<16xf32> to vector<1x16xf32>
      tpu.vector_store %arg9[%swap3A_241, %swap3A_242], %swap3A_245 {strides = array<i32>} : memref<16x128xf32, #tpu.memory_space<vmem>>, vector<1x16xf32>,
    }
    %scan3A_5 = arith.constant 16 : i32
    %mul3A = arith.constant 10000 : i32
    %mul3A_6 = arith.muli %arg1, %mul3A : i32
    %dma_start3A = tpu.memref_slice %arg4[%mul3A_6] : memref<160000xi32, #tpu.memory_space<hbm>> -> memref<10000xi32, #tpu.memory_space<hbm>>
    %dma_start3A_7 = tpu.memref_slice %arg4[%mul3A_6] : memref<160000xi32, #tpu.memory_space<hbm>> -> memref<10000xi32, #tpu.memory_space<hbm>>
    tpu.enqueue_dma source(%dma_start3A_7 : memref<10000xi32, #tpu.memory_space<hbm>>) target(%arg10 : memref<10000xi32, #tpu.memory_space<vmem>>) target_semaphore(%arg14 : memref<!tpu.dma_semaphore, #tpu.memory_space<semaphore_mem>>)
    %mul3A_8 = arith.constant 125 : i32
    %mul3A_9 = arith.muli %arg1, %mul3A_8 : i32
    %dma_start3A_10 = arith.constant 0 : i32
    %dma_start3A_11 = arith.constant 0 : i32
    %dma_start3A_12 = tpu.memref_slice %arg5[%mul3A_9, %dma_start3A_10, %dma_start3A_11] : memref<2000x1x80xi32, #tpu.memory_space<hbm>> -> memref<125x1x80xi32, #tpu.memory_space<hbm>>
    %dma_start3A_13 = arith.constant 0 : i32
    %dma_start3A_14 = arith.constant 0 : i32
    %dma_start3A_15 = tpu.memref_slice %arg5[%mul3A_9, %dma_start3A_13, %dma_start3A_14] : memref<2000x1x80xi32, #tpu.memory_space<hbm>> -> memref<125x1x80xi32, #tpu.memory_space<hbm>>
    tpu.enqueue_dma source(%dma_start3A_15 : memref<125x1x80xi32, #tpu.memory_space<hbm>>) target(%arg11 : memref<125x1x80xi32, #tpu.memory_space<vmem>>) target_semaphore(%arg14 : memref<!tpu.dma_semaphore, #tpu.memory_space<semaphore_mem>>)
    %mul3A_16 = arith.constant 624 : i32
    %mul3A_17 = arith.muli %arg1, %mul3A_16 : i32
    %add3A = arith.constant 0 : i32
    %add3A_18 = arith.addi %mul3A_17, %add3A : i32
    "tpu.region"() ({
      %run_scoped3A = tpu.sem_alloc : memref<!tpu.dma_semaphore, #tpu.memory_space<semaphore_mem>>
      %dma_start3A_206 = arith.constant 0 : i32
      %dma_start3A_207 = tpu.memref_slice %arg8[%add3A_18, %dma_start3A_206] : memref<10000x128xf32, #tpu.memory_space<vmem_shared>> -> memref<16x128xf32, #tpu.memory_space<vmem_shared>>
      %dma_start3A_208 = arith.constant 0 : i32
      %dma_start3A_209 = tpu.memref_slice %arg8[%add3A_18, %dma_start3A_208] : memref<10000x128xf32, #tpu.memory_space<vmem_shared>> -> memref<16x128xf32, #tpu.memory_space<vmem_shared>>
      tpu.enqueue_dma source(%arg9 : memref<16x128xf32, #tpu.memory_space<vmem>>) target(%dma_start3A_209 : memref<16x128xf32, #tpu.memory_space<vmem_shared>>) target_semaphore(%run_scoped3A : memref<!tpu.dma_semaphore, #tpu.memory_space<semaphore_mem>>)
      %dma_wait3A_210 = arith.constant 0 : i32
      %dma_wait3A_211 = tpu.memref_slice %arg8[%add3A_18, %dma_wait3A_210] : memref<10000x128xf32, #tpu.memory_space<vmem_shared>> -> memref<16x128xf32, #tpu.memory_space<vmem_shared>>
      %dma_wait3A_212 = arith.constant 0 : i32
      %dma_wait3A_213 = tpu.memref_slice %arg8[%add3A_18, %dma_wait3A_212] : memref<10000x128xf32, #tpu.memory_space<vmem_shared>> -> memref<16x128xf32, #tpu.memory_space<vmem_shared>>
      tpu.wait_dma2 semaphore(%run_scoped3A : memref<!tpu.dma_semaphore, #tpu.memory_space<semaphore_mem>>) src(%arg9 : memref<16x128xf32, #tpu.memory_space<vmem>>) dst(%dma_wait3A_213 : memref<16x128xf32, #tpu.memory_space<vmem_shared>>)
      tpu.yield
    }) : () -> ()
    %mul3A_19 = arith.constant 624 : i32
    %mul3A_20 = arith.muli %arg1, %mul3A_19 : i32
    %add3A_21 = arith.constant 16 : i32
    %add3A_22 = arith.addi %mul3A_20, %add3A_21 : i32
    "tpu.region"() ({
      %run_scoped3A = tpu.sem_alloc : memref<!tpu.dma_semaphore, #tpu.memory_space<semaphore_mem>>
      %dma_start3A_206 = arith.constant 0 : i32
      %dma_start3A_207 = tpu.memref_slice %arg8[%add3A_22, %dma_start3A_206] : memref<10000x128xf32, #tpu.memory_space<vmem_shared>> -> memref<16x128xf32, #tpu.memory_space<vmem_shared>>
      %dma_start3A_208 = arith.constant 0 : i32
      %dma_start3A_209 = tpu.memref_slice %arg8[%add3A_22, %dma_start3A_208] : memref<10000x128xf32, #tpu.memory_space<vmem_shared>> -> memref<16x128xf32, #tpu.memory_space<vmem_shared>>
      tpu.enqueue_dma source(%arg9 : memref<16x128xf32, #tpu.memory_space<vmem>>) target(%dma_start3A_209 : memref<16x128xf32, #tpu.memory_space<vmem_shared>>) target_semaphore(%run_scoped3A : memref<!tpu.dma_semaphore, #tpu.memory_space<semaphore_mem>>)
      %dma_wait3A_210 = arith.constant 0 : i32
      %dma_wait3A_211 = tpu.memref_slice %arg8[%add3A_22, %dma_wait3A_210] : memref<10000x128xf32, #tpu.memory_space<vmem_shared>> -> memref<16x128xf32, #tpu.memory_space<vmem_shared>>
      %dma_wait3A_212 = arith.constant 0 : i32
      %dma_wait3A_213 = tpu.memref_slice %arg8[%add3A_22, %dma_wait3A_212] : memref<10000x128xf32, #tpu.memory_space<vmem_shared>> -> memref<16x128xf32, #tpu.memory_space<vmem_shared>>
      tpu.wait_dma2 semaphore(%run_scoped3A : memref<!tpu.dma_semaphore, #tpu.memory_space<semaphore_mem>>) src(%arg9 : memref<16x128xf32, #tpu.memory_space<vmem>>) dst(%dma_wait3A_213 : memref<16x128xf32, #tpu.memory_space<vmem_shared>>)
      tpu.yield
    }) : () -> ()
    %mul3A_23 = arith.constant 624 : i32
    %mul3A_24 = arith.muli %arg1, %mul3A_23 : i32
    %add3A_25 = arith.constant 32 : i32
    %add3A_26 = arith.addi %mul3A_24, %add3A_25 : i32
    "tpu.region"() ({
      %run_scoped3A = tpu.sem_alloc : memref<!tpu.dma_semaphore, #tpu.memory_space<semaphore_mem>>
      %dma_start3A_206 = arith.constant 0 : i32
      %dma_start3A_207 = tpu.memref_slice %arg8[%add3A_26, %dma_start3A_206] : memref<10000x128xf32, #tpu.memory_space<vmem_shared>> -> memref<16x128xf32, #tpu.memory_space<vmem_shared>>
      %dma_start3A_208 = arith.constant 0 : i32
      %dma_start3A_209 = tpu.memref_slice %arg8[%add3A_26, %dma_start3A_208] : memref<10000x128xf32, #tpu.memory_space<vmem_shared>> -> memref<16x128xf32, #tpu.memory_space<vmem_shared>>
      tpu.enqueue_dma source(%arg9 : memref<16x128xf32, #tpu.memory_space<vmem>>) target(%dma_start3A_209 : memref<16x128xf32, #tpu.memory_space<vmem_shared>>) target_semaphore(%run_scoped3A : memref<!tpu.dma_semaphore, #tpu.memory_space<semaphore_mem>>)
      %dma_wait3A_210 = arith.constant 0 : i32
      %dma_wait3A_211 = tpu.memref_slice %arg8[%add3A_26, %dma_wait3A_210] : memref<10000x128xf32, #tpu.memory_space<vmem_shared>> -> memref<16x128xf32, #tpu.memory_space<vmem_shared>>
      %dma_wait3A_212 = arith.constant 0 : i32
      %dma_wait3A_213 = tpu.memref_slice %arg8[%add3A_26, %dma_wait3A_212] : memref<10000x128xf32, #tpu.memory_space<vmem_shared>> -> memref<16x128xf32, #tpu.memory_space<vmem_shared>>
      tpu.wait_dma2 semaphore(%run_scoped3A : memref<!tpu.dma_semaphore, #tpu.memory_space<semaphore_mem>>) src(%arg9 : memref<16x128xf32, #tpu.memory_space<vmem>>) dst(%dma_wait3A_213 : memref<16x128xf32, #tpu.memory_space<vmem_shared>>)
      tpu.yield
    }) : () -> ()
    %mul3A_27 = arith.constant 624 : i32
    %mul3A_28 = arith.muli %arg1, %mul3A_27 : i32
    %add3A_29 = arith.constant 48 : i32
    %add3A_30 = arith.addi %mul3A_28, %add3A_29 : i32
    "tpu.region"() ({
      %run_scoped3A = tpu.sem_alloc : memref<!tpu.dma_semaphore, #tpu.memory_space<semaphore_mem>>
      %dma_start3A_206 = arith.constant 0 : i32
      %dma_start3A_207 = tpu.memref_slice %arg8[%add3A_30, %dma_start3A_206] : memref<10000x128xf32, #tpu.memory_space<vmem_shared>> -> memref<16x128xf32, #tpu.memory_space<vmem_shared>>
      %dma_start3A_208 = arith.constant 0 : i32
      %dma_start3A_209 = tpu.memref_slice %arg8[%add3A_30, %dma_start3A_208] : memref<10000x128xf32, #tpu.memory_space<vmem_shared>> -> memref<16x128xf32, #tpu.memory_space<vmem_shared>>
      tpu.enqueue_dma source(%arg9 : memref<16x128xf32, #tpu.memory_space<vmem>>) target(%dma_start3A_209 : memref<16x128xf32, #tpu.memory_space<vmem_shared>>) target_semaphore(%run_scoped3A : memref<!tpu.dma_semaphore, #tpu.memory_space<semaphore_mem>>)
      %dma_wait3A_210 = arith.constant 0 : i32
      %dma_wait3A_211 = tpu.memref_slice %arg8[%add3A_30, %dma_wait3A_210] : memref<10000x128xf32, #tpu.memory_space<vmem_shared>> -> memref<16x128xf32, #tpu.memory_space<vmem_shared>>
      %dma_wait3A_212 = arith.constant 0 : i32
      %dma_wait3A_213 = tpu.memref_slice %arg8[%add3A_30, %dma_wait3A_212] : memref<10000x128xf32, #tpu.memory_space<vmem_shared>> -> memref<16x128xf32, #tpu.memory_space<vmem_shared>>
      tpu.wait_dma2 semaphore(%run_scoped3A : memref<!tpu.dma_semaphore, #tpu.memory_space<semaphore_mem>>) src(%arg9 : memref<16x128xf32, #tpu.memory_space<vmem>>) dst(%dma_wait3A_213 : memref<16x128xf32, #tpu.memory_space<vmem_shared>>)
      tpu.yield
    }) : () -> ()
    %mul3A_31 = arith.constant 624 : i32
    %mul3A_32 = arith.muli %arg1, %mul3A_31 : i32
    %add3A_33 = arith.constant 64 : i32
    %add3A_34 = arith.addi %mul3A_32, %add3A_33 : i32
    "tpu.region"() ({
      %run_scoped3A = tpu.sem_alloc : memref<!tpu.dma_semaphore, #tpu.memory_space<semaphore_mem>>
      %dma_start3A_206 = arith.constant 0 : i32
      %dma_start3A_207 = tpu.memref_slice %arg8[%add3A_34, %dma_start3A_206] : memref<10000x128xf32, #tpu.memory_space<vmem_shared>> -> memref<16x128xf32, #tpu.memory_space<vmem_shared>>
      %dma_start3A_208 = arith.constant 0 : i32
      %dma_start3A_209 = tpu.memref_slice %arg8[%add3A_34, %dma_start3A_208] : memref<10000x128xf32, #tpu.memory_space<vmem_shared>> -> memref<16x128xf32, #tpu.memory_space<vmem_shared>>
      tpu.enqueue_dma source(%arg9 : memref<16x128xf32, #tpu.memory_space<vmem>>) target(%dma_start3A_209 : memref<16x128xf32, #tpu.memory_space<vmem_shared>>) target_semaphore(%run_scoped3A : memref<!tpu.dma_semaphore, #tpu.memory_space<semaphore_mem>>)
      %dma_wait3A_210 = arith.constant 0 : i32
      %dma_wait3A_211 = tpu.memref_slice %arg8[%add3A_34, %dma_wait3A_210] : memref<10000x128xf32, #tpu.memory_space<vmem_shared>> -> memref<16x128xf32, #tpu.memory_space<vmem_shared>>
      %dma_wait3A_212 = arith.constant 0 : i32
      %dma_wait3A_213 = tpu.memref_slice %arg8[%add3A_34, %dma_wait3A_212] : memref<10000x128xf32, #tpu.memory_space<vmem_shared>> -> memref<16x128xf32, #tpu.memory_space<vmem_shared>>
      tpu.wait_dma2 semaphore(%run_scoped3A : memref<!tpu.dma_semaphore, #tpu.memory_space<semaphore_mem>>) src(%arg9 : memref<16x128xf32, #tpu.memory_space<vmem>>) dst(%dma_wait3A_213 : memref<16x128xf32, #tpu.memory_space<vmem_shared>>)
      tpu.yield
    }) : () -> ()
    %mul3A_35 = arith.constant 624 : i32
    %mul3A_36 = arith.muli %arg1, %mul3A_35 : i32
    %add3A_37 = arith.constant 80 : i32
    %add3A_38 = arith.addi %mul3A_36, %add3A_37 : i32
    "tpu.region"() ({
      %run_scoped3A = tpu.sem_alloc : memref<!tpu.dma_semaphore, #tpu.memory_space<semaphore_mem>>
      %dma_start3A_206 = arith.constant 0 : i32
      %dma_start3A_207 = tpu.memref_slice %arg8[%add3A_38, %dma_start3A_206] : memref<10000x128xf32, #tpu.memory_space<vmem_shared>> -> memref<16x128xf32, #tpu.memory_space<vmem_shared>>
      %dma_start3A_208 = arith.constant 0 : i32
      %dma_start3A_209 = tpu.memref_slice %arg8[%add3A_38, %dma_start3A_208] : memref<10000x128xf32, #tpu.memory_space<vmem_shared>> -> memref<16x128xf32, #tpu.memory_space<vmem_shared>>
      tpu.enqueue_dma source(%arg9 : memref<16x128xf32, #tpu.memory_space<vmem>>) target(%dma_start3A_209 : memref<16x128xf32, #tpu.memory_space<vmem_shared>>) target_semaphore(%run_scoped3A : memref<!tpu.dma_semaphore, #tpu.memory_space<semaphore_mem>>)
      %dma_wait3A_210 = arith.constant 0 : i32
      %dma_wait3A_211 = tpu.memref_slice %arg8[%add3A_38, %dma_wait3A_210] : memref<10000x128xf32, #tpu.memory_space<vmem_shared>> -> memref<16x128xf32, #tpu.memory_space<vmem_shared>>
      %dma_wait3A_212 = arith.constant 0 : i32
      %dma_wait3A_213 = tpu.memref_slice %arg8[%add3A_38, %dma_wait3A_212] : memref<10000x128xf32, #tpu.memory_space<vmem_shared>> -> memref<16x128xf32, #tpu.memory_space<vmem_shared>>
      tpu.wait_dma2 semaphore(%run_scoped3A : memref<!tpu.dma_semaphore, #tpu.memory_space<semaphore_mem>>) src(%arg9 : memref<16x128xf32, #tpu.memory_space<vmem>>) dst(%dma_wait3A_213 : memref<16x128xf32, #tpu.memory_space<vmem_shared>>)
      tpu.yield
    }) : () -> ()
    %mul3A_39 = arith.constant 624 : i32
    %mul3A_40 = arith.muli %arg1, %mul3A_39 : i32
    %add3A_41 = arith.constant 96 : i32
    %add3A_42 = arith.addi %mul3A_40, %add3A_41 : i32
    "tpu.region"() ({
      %run_scoped3A = tpu.sem_alloc : memref<!tpu.dma_semaphore, #tpu.memory_space<semaphore_mem>>
      %dma_start3A_206 = arith.constant 0 : i32
      %dma_start3A_207 = tpu.memref_slice %arg8[%add3A_42, %dma_start3A_206] : memref<10000x128xf32, #tpu.memory_space<vmem_shared>> -> memref<16x128xf32, #tpu.memory_space<vmem_shared>>
      %dma_start3A_208 = arith.constant 0 : i32
      %dma_start3A_209 = tpu.memref_slice %arg8[%add3A_42, %dma_start3A_208] : memref<10000x128xf32, #tpu.memory_space<vmem_shared>> -> memref<16x128xf32, #tpu.memory_space<vmem_shared>>
      tpu.enqueue_dma source(%arg9 : memref<16x128xf32, #tpu.memory_space<vmem>>) target(%dma_start3A_209 : memref<16x128xf32, #tpu.memory_space<vmem_shared>>) target_semaphore(%run_scoped3A : memref<!tpu.dma_semaphore, #tpu.memory_space<semaphore_mem>>)
      %dma_wait3A_210 = arith.constant 0 : i32
      %dma_wait3A_211 = tpu.memref_slice %arg8[%add3A_42, %dma_wait3A_210] : memref<10000x128xf32, #tpu.memory_space<vmem_shared>> -> memref<16x128xf32, #tpu.memory_space<vmem_shared>>
      %dma_wait3A_212 = arith.constant 0 : i32
      %dma_wait3A_213 = tpu.memref_slice %arg8[%add3A_42, %dma_wait3A_212] : memref<10000x128xf32, #tpu.memory_space<vmem_shared>> -> memref<16x128xf32, #tpu.memory_space<vmem_shared>>
      tpu.wait_dma2 semaphore(%run_scoped3A : memref<!tpu.dma_semaphore, #tpu.memory_space<semaphore_mem>>) src(%arg9 : memref<16x128xf32, #tpu.memory_space<vmem>>) dst(%dma_wait3A_213 : memref<16x128xf32, #tpu.memory_space<vmem_shared>>)
      tpu.yield
    }) : () -> ()
    %mul3A_43 = arith.constant 624 : i32
    %mul3A_44 = arith.muli %arg1, %mul3A_43 : i32
    %add3A_45 = arith.constant 112 : i32
    %add3A_46 = arith.addi %mul3A_44, %add3A_45 : i32
    "tpu.region"() ({
      %run_scoped3A = tpu.sem_alloc : memref<!tpu.dma_semaphore, #tpu.memory_space<semaphore_mem>>
      %dma_start3A_206 = arith.constant 0 : i32
      %dma_start3A_207 = tpu.memref_slice %arg8[%add3A_46, %dma_start3A_206] : memref<10000x128xf32, #tpu.memory_space<vmem_shared>> -> memref<16x128xf32, #tpu.memory_space<vmem_shared>>
      %dma_start3A_208 = arith.constant 0 : i32
      %dma_start3A_209 = tpu.memref_slice %arg8[%add3A_46, %dma_start3A_208] : memref<10000x128xf32, #tpu.memory_space<vmem_shared>> -> memref<16x128xf32, #tpu.memory_space<vmem_shared>>
      tpu.enqueue_dma source(%arg9 : memref<16x128xf32, #tpu.memory_space<vmem>>) target(%dma_start3A_209 : memref<16x128xf32, #tpu.memory_space<vmem_shared>>) target_semaphore(%run_scoped3A : memref<!tpu.dma_semaphore, #tpu.memory_space<semaphore_mem>>)
      %dma_wait3A_210 = arith.constant 0 : i32
      %dma_wait3A_211 = tpu.memref_slice %arg8[%add3A_46, %dma_wait3A_210] : memref<10000x128xf32, #tpu.memory_space<vmem_shared>> -> memref<16x128xf32, #tpu.memory_space<vmem_shared>>
      %dma_wait3A_212 = arith.constant 0 : i32
      %dma_wait3A_213 = tpu.memref_slice %arg8[%add3A_46, %dma_wait3A_212] : memref<10000x128xf32, #tpu.memory_space<vmem_shared>> -> memref<16x128xf32, #tpu.memory_space<vmem_shared>>
      tpu.wait_dma2 semaphore(%run_scoped3A : memref<!tpu.dma_semaphore, #tpu.memory_space<semaphore_mem>>) src(%arg9 : memref<16x128xf32, #tpu.memory_space<vmem>>) dst(%dma_wait3A_213 : memref<16x128xf32, #tpu.memory_space<vmem_shared>>)
      tpu.yield
    }) : () -> ()
    %mul3A_47 = arith.constant 624 : i32
    %mul3A_48 = arith.muli %arg1, %mul3A_47 : i32
    %add3A_49 = arith.constant 128 : i32
    %add3A_50 = arith.addi %mul3A_48, %add3A_49 : i32
    "tpu.region"() ({
      %run_scoped3A = tpu.sem_alloc : memref<!tpu.dma_semaphore, #tpu.memory_space<semaphore_mem>>
      %dma_start3A_206 = arith.constant 0 : i32
      %dma_start3A_207 = tpu.memref_slice %arg8[%add3A_50, %dma_start3A_206] : memref<10000x128xf32, #tpu.memory_space<vmem_shared>> -> memref<16x128xf32, #tpu.memory_space<vmem_shared>>
      %dma_start3A_208 = arith.constant 0 : i32
      %dma_start3A_209 = tpu.memref_slice %arg8[%add3A_50, %dma_start3A_208] : memref<10000x128xf32, #tpu.memory_space<vmem_shared>> -> memref<16x128xf32, #tpu.memory_space<vmem_shared>>
      tpu.enqueue_dma source(%arg9 : memref<16x128xf32, #tpu.memory_space<vmem>>) target(%dma_start3A_209 : memref<16x128xf32, #tpu.memory_space<vmem_shared>>) target_semaphore(%run_scoped3A : memref<!tpu.dma_semaphore, #tpu.memory_space<semaphore_mem>>)
      %dma_wait3A_210 = arith.constant 0 : i32
      %dma_wait3A_211 = tpu.memref_slice %arg8[%add3A_50, %dma_wait3A_210] : memref<10000x128xf32, #tpu.memory_space<vmem_shared>> -> memref<16x128xf32, #tpu.memory_space<vmem_shared>>
      %dma_wait3A_212 = arith.constant 0 : i32
      %dma_wait3A_213 = tpu.memref_slice %arg8[%add3A_50, %dma_wait3A_212] : memref<10000x128xf32, #tpu.memory_space<vmem_shared>> -> memref<16x128xf32, #tpu.memory_space<vmem_shared>>
      tpu.wait_dma2 semaphore(%run_scoped3A : memref<!tpu.dma_semaphore, #tpu.memory_space<semaphore_mem>>) src(%arg9 : memref<16x128xf32, #tpu.memory_space<vmem>>) dst(%dma_wait3A_213 : memref<16x128xf32, #tpu.memory_space<vmem_shared>>)
      tpu.yield
    }) : () -> ()
    %mul3A_51 = arith.constant 624 : i32
    %mul3A_52 = arith.muli %arg1, %mul3A_51 : i32
    %add3A_53 = arith.constant 144 : i32
    %add3A_54 = arith.addi %mul3A_52, %add3A_53 : i32
    "tpu.region"() ({
      %run_scoped3A = tpu.sem_alloc : memref<!tpu.dma_semaphore, #tpu.memory_space<semaphore_mem>>
      %dma_start3A_206 = arith.constant 0 : i32
      %dma_start3A_207 = tpu.memref_slice %arg8[%add3A_54, %dma_start3A_206] : memref<10000x128xf32, #tpu.memory_space<vmem_shared>> -> memref<16x128xf32, #tpu.memory_space<vmem_shared>>
      %dma_start3A_208 = arith.constant 0 : i32
      %dma_start3A_209 = tpu.memref_slice %arg8[%add3A_54, %dma_start3A_208] : memref<10000x128xf32, #tpu.memory_space<vmem_shared>> -> memref<16x128xf32, #tpu.memory_space<vmem_shared>>
      tpu.enqueue_dma source(%arg9 : memref<16x128xf32, #tpu.memory_space<vmem>>) target(%dma_start3A_209 : memref<16x128xf32, #tpu.memory_space<vmem_shared>>) target_semaphore(%run_scoped3A : memref<!tpu.dma_semaphore, #tpu.memory_space<semaphore_mem>>)
      %dma_wait3A_210 = arith.constant 0 : i32
      %dma_wait3A_211 = tpu.memref_slice %arg8[%add3A_54, %dma_wait3A_210] : memref<10000x128xf32, #tpu.memory_space<vmem_shared>> -> memref<16x128xf32, #tpu.memory_space<vmem_shared>>
      %dma_wait3A_212 = arith.constant 0 : i32
      %dma_wait3A_213 = tpu.memref_slice %arg8[%add3A_54, %dma_wait3A_212] : memref<10000x128xf32, #tpu.memory_space<vmem_shared>> -> memref<16x128xf32, #tpu.memory_space<vmem_shared>>
      tpu.wait_dma2 semaphore(%run_scoped3A : memref<!tpu.dma_semaphore, #tpu.memory_space<semaphore_mem>>) src(%arg9 : memref<16x128xf32, #tpu.memory_space<vmem>>) dst(%dma_wait3A_213 : memref<16x128xf32, #tpu.memory_space<vmem_shared>>)
      tpu.yield
    }) : () -> ()
    %mul3A_55 = arith.constant 624 : i32
    %mul3A_56 = arith.muli %arg1, %mul3A_55 : i32
    %add3A_57 = arith.constant 160 : i32
    %add3A_58 = arith.addi %mul3A_56, %add3A_57 : i32
    "tpu.region"() ({
      %run_scoped3A = tpu.sem_alloc : memref<!tpu.dma_semaphore, #tpu.memory_space<semaphore_mem>>
      %dma_start3A_206 = arith.constant 0 : i32
      %dma_start3A_207 = tpu.memref_slice %arg8[%add3A_58, %dma_start3A_206] : memref<10000x128xf32, #tpu.memory_space<vmem_shared>> -> memref<16x128xf32, #tpu.memory_space<vmem_shared>>
      %dma_start3A_208 = arith.constant 0 : i32
      %dma_start3A_209 = tpu.memref_slice %arg8[%add3A_58, %dma_start3A_208] : memref<10000x128xf32, #tpu.memory_space<vmem_shared>> -> memref<16x128xf32, #tpu.memory_space<vmem_shared>>
      tpu.enqueue_dma source(%arg9 : memref<16x128xf32, #tpu.memory_space<vmem>>) target(%dma_start3A_209 : memref<16x128xf32, #tpu.memory_space<vmem_shared>>) target_semaphore(%run_scoped3A : memref<!tpu.dma_semaphore, #tpu.memory_space<semaphore_mem>>)
      %dma_wait3A_210 = arith.constant 0 : i32
      %dma_wait3A_211 = tpu.memref_slice %arg8[%add3A_58, %dma_wait3A_210] : memref<10000x128xf32, #tpu.memory_space<vmem_shared>> -> memref<16x128xf32, #tpu.memory_space<vmem_shared>>
      %dma_wait3A_212 = arith.constant 0 : i32
      %dma_wait3A_213 = tpu.memref_slice %arg8[%add3A_58, %dma_wait3A_212] : memref<10000x128xf32, #tpu.memory_space<vmem_shared>> -> memref<16x128xf32, #tpu.memory_space<vmem_shared>>
      tpu.wait_dma2 semaphore(%run_scoped3A : memref<!tpu.dma_semaphore, #tpu.memory_space<semaphore_mem>>) src(%arg9 : memref<16x128xf32, #tpu.memory_space<vmem>>) dst(%dma_wait3A_213 : memref<16x128xf32, #tpu.memory_space<vmem_shared>>)
      tpu.yield
    }) : () -> ()
    %mul3A_59 = arith.constant 624 : i32
    %mul3A_60 = arith.muli %arg1, %mul3A_59 : i32
    %add3A_61 = arith.constant 176 : i32
    %add3A_62 = arith.addi %mul3A_60, %add3A_61 : i32
    "tpu.region"() ({
      %run_scoped3A = tpu.sem_alloc : memref<!tpu.dma_semaphore, #tpu.memory_space<semaphore_mem>>
      %dma_start3A_206 = arith.constant 0 : i32
      %dma_start3A_207 = tpu.memref_slice %arg8[%add3A_62, %dma_start3A_206] : memref<10000x128xf32, #tpu.memory_space<vmem_shared>> -> memref<16x128xf32, #tpu.memory_space<vmem_shared>>
      %dma_start3A_208 = arith.constant 0 : i32
      %dma_start3A_209 = tpu.memref_slice %arg8[%add3A_62, %dma_start3A_208] : memref<10000x128xf32, #tpu.memory_space<vmem_shared>> -> memref<16x128xf32, #tpu.memory_space<vmem_shared>>
      tpu.enqueue_dma source(%arg9 : memref<16x128xf32, #tpu.memory_space<vmem>>) target(%dma_start3A_209 : memref<16x128xf32, #tpu.memory_space<vmem_shared>>) target_semaphore(%run_scoped3A : memref<!tpu.dma_semaphore, #tpu.memory_space<semaphore_mem>>)
      %dma_wait3A_210 = arith.constant 0 : i32
      %dma_wait3A_211 = tpu.memref_slice %arg8[%add3A_62, %dma_wait3A_210] : memref<10000x128xf32, #tpu.memory_space<vmem_shared>> -> memref<16x128xf32, #tpu.memory_space<vmem_shared>>
      %dma_wait3A_212 = arith.constant 0 : i32
      %dma_wait3A_213 = tpu.memref_slice %arg8[%add3A_62, %dma_wait3A_212] : memref<10000x128xf32, #tpu.memory_space<vmem_shared>> -> memref<16x128xf32, #tpu.memory_space<vmem_shared>>
      tpu.wait_dma2 semaphore(%run_scoped3A : memref<!tpu.dma_semaphore, #tpu.memory_space<semaphore_mem>>) src(%arg9 : memref<16x128xf32, #tpu.memory_space<vmem>>) dst(%dma_wait3A_213 : memref<16x128xf32, #tpu.memory_space<vmem_shared>>)
      tpu.yield
    }) : () -> ()
    %mul3A_63 = arith.constant 624 : i32
    %mul3A_64 = arith.muli %arg1, %mul3A_63 : i32
    %add3A_65 = arith.constant 192 : i32
    %add3A_66 = arith.addi %mul3A_64, %add3A_65 : i32
    "tpu.region"() ({
      %run_scoped3A = tpu.sem_alloc : memref<!tpu.dma_semaphore, #tpu.memory_space<semaphore_mem>>
      %dma_start3A_206 = arith.constant 0 : i32
      %dma_start3A_207 = tpu.memref_slice %arg8[%add3A_66, %dma_start3A_206] : memref<10000x128xf32, #tpu.memory_space<vmem_shared>> -> memref<16x128xf32, #tpu.memory_space<vmem_shared>>
      %dma_start3A_208 = arith.constant 0 : i32
      %dma_start3A_209 = tpu.memref_slice %arg8[%add3A_66, %dma_start3A_208] : memref<10000x128xf32, #tpu.memory_space<vmem_shared>> -> memref<16x128xf32, #tpu.memory_space<vmem_shared>>
      tpu.enqueue_dma source(%arg9 : memref<16x128xf32, #tpu.memory_space<vmem>>) target(%dma_start3A_209 : memref<16x128xf32, #tpu.memory_space<vmem_shared>>) target_semaphore(%run_scoped3A : memref<!tpu.dma_semaphore, #tpu.memory_space<semaphore_mem>>)
      %dma_wait3A_210 = arith.constant 0 : i32
      %dma_wait3A_211 = tpu.memref_slice %arg8[%add3A_66, %dma_wait3A_210] : memref<10000x128xf32, #tpu.memory_space<vmem_shared>> -> memref<16x128xf32, #tpu.memory_space<vmem_shared>>
      %dma_wait3A_212 = arith.constant 0 : i32
      %dma_wait3A_213 = tpu.memref_slice %arg8[%add3A_66, %dma_wait3A_212] : memref<10000x128xf32, #tpu.memory_space<vmem_shared>> -> memref<16x128xf32, #tpu.memory_space<vmem_shared>>
      tpu.wait_dma2 semaphore(%run_scoped3A : memref<!tpu.dma_semaphore, #tpu.memory_space<semaphore_mem>>) src(%arg9 : memref<16x128xf32, #tpu.memory_space<vmem>>) dst(%dma_wait3A_213 : memref<16x128xf32, #tpu.memory_space<vmem_shared>>)
      tpu.yield
    }) : () -> ()
    %mul3A_67 = arith.constant 624 : i32
    %mul3A_68 = arith.muli %arg1, %mul3A_67 : i32
    %add3A_69 = arith.constant 208 : i32
    %add3A_70 = arith.addi %mul3A_68, %add3A_69 : i32
    "tpu.region"() ({
      %run_scoped3A = tpu.sem_alloc : memref<!tpu.dma_semaphore, #tpu.memory_space<semaphore_mem>>
      %dma_start3A_206 = arith.constant 0 : i32
      %dma_start3A_207 = tpu.memref_slice %arg8[%add3A_70, %dma_start3A_206] : memref<10000x128xf32, #tpu.memory_space<vmem_shared>> -> memref<16x128xf32, #tpu.memory_space<vmem_shared>>
      %dma_start3A_208 = arith.constant 0 : i32
      %dma_start3A_209 = tpu.memref_slice %arg8[%add3A_70, %dma_start3A_208] : memref<10000x128xf32, #tpu.memory_space<vmem_shared>> -> memref<16x128xf32, #tpu.memory_space<vmem_shared>>
      tpu.enqueue_dma source(%arg9 : memref<16x128xf32, #tpu.memory_space<vmem>>) target(%dma_start3A_209 : memref<16x128xf32, #tpu.memory_space<vmem_shared>>) target_semaphore(%run_scoped3A : memref<!tpu.dma_semaphore, #tpu.memory_space<semaphore_mem>>)
      %dma_wait3A_210 = arith.constant 0 : i32
      %dma_wait3A_211 = tpu.memref_slice %arg8[%add3A_70, %dma_wait3A_210] : memref<10000x128xf32, #tpu.memory_space<vmem_shared>> -> memref<16x128xf32, #tpu.memory_space<vmem_shared>>
      %dma_wait3A_212 = arith.constant 0 : i32
      %dma_wait3A_213 = tpu.memref_slice %arg8[%add3A_70, %dma_wait3A_212] : memref<10000x128xf32, #tpu.memory_space<vmem_shared>> -> memref<16x128xf32, #tpu.memory_space<vmem_shared>>
      tpu.wait_dma2 semaphore(%run_scoped3A : memref<!tpu.dma_semaphore, #tpu.memory_space<semaphore_mem>>) src(%arg9 : memref<16x128xf32, #tpu.memory_space<vmem>>) dst(%dma_wait3A_213 : memref<16x128xf32, #tpu.memory_space<vmem_shared>>)
      tpu.yield
    }) : () -> ()
    %mul3A_71 = arith.constant 624 : i32
    %mul3A_72 = arith.muli %arg1, %mul3A_71 : i32
    %add3A_73 = arith.constant 224 : i32
    %add3A_74 = arith.addi %mul3A_72, %add3A_73 : i32
    "tpu.region"() ({
      %run_scoped3A = tpu.sem_alloc : memref<!tpu.dma_semaphore, #tpu.memory_space<semaphore_mem>>
      %dma_start3A_206 = arith.constant 0 : i32
      %dma_start3A_207 = tpu.memref_slice %arg8[%add3A_74, %dma_start3A_206] : memref<10000x128xf32, #tpu.memory_space<vmem_shared>> -> memref<16x128xf32, #tpu.memory_space<vmem_shared>>
      %dma_start3A_208 = arith.constant 0 : i32
      %dma_start3A_209 = tpu.memref_slice %arg8[%add3A_74, %dma_start3A_208] : memref<10000x128xf32, #tpu.memory_space<vmem_shared>> -> memref<16x128xf32, #tpu.memory_space<vmem_shared>>
      tpu.enqueue_dma source(%arg9 : memref<16x128xf32, #tpu.memory_space<vmem>>) target(%dma_start3A_209 : memref<16x128xf32, #tpu.memory_space<vmem_shared>>) target_semaphore(%run_scoped3A : memref<!tpu.dma_semaphore, #tpu.memory_space<semaphore_mem>>)
      %dma_wait3A_210 = arith.constant 0 : i32
      %dma_wait3A_211 = tpu.memref_slice %arg8[%add3A_74, %dma_wait3A_210] : memref<10000x128xf32, #tpu.memory_space<vmem_shared>> -> memref<16x128xf32, #tpu.memory_space<vmem_shared>>
      %dma_wait3A_212 = arith.constant 0 : i32
      %dma_wait3A_213 = tpu.memref_slice %arg8[%add3A_74, %dma_wait3A_212] : memref<10000x128xf32, #tpu.memory_space<vmem_shared>> -> memref<16x128xf32, #tpu.memory_space<vmem_shared>>
      tpu.wait_dma2 semaphore(%run_scoped3A : memref<!tpu.dma_semaphore, #tpu.memory_space<semaphore_mem>>) src(%arg9 : memref<16x128xf32, #tpu.memory_space<vmem>>) dst(%dma_wait3A_213 : memref<16x128xf32, #tpu.memory_space<vmem_shared>>)
      tpu.yield
    }) : () -> ()
    %mul3A_75 = arith.constant 624 : i32
    %mul3A_76 = arith.muli %arg1, %mul3A_75 : i32
    %add3A_77 = arith.constant 240 : i32
    %add3A_78 = arith.addi %mul3A_76, %add3A_77 : i32
    "tpu.region"() ({
      %run_scoped3A = tpu.sem_alloc : memref<!tpu.dma_semaphore, #tpu.memory_space<semaphore_mem>>
      %dma_start3A_206 = arith.constant 0 : i32
      %dma_start3A_207 = tpu.memref_slice %arg8[%add3A_78, %dma_start3A_206] : memref<10000x128xf32, #tpu.memory_space<vmem_shared>> -> memref<16x128xf32, #tpu.memory_space<vmem_shared>>
      %dma_start3A_208 = arith.constant 0 : i32
      %dma_start3A_209 = tpu.memref_slice %arg8[%add3A_78, %dma_start3A_208] : memref<10000x128xf32, #tpu.memory_space<vmem_shared>> -> memref<16x128xf32, #tpu.memory_space<vmem_shared>>
      tpu.enqueue_dma source(%arg9 : memref<16x128xf32, #tpu.memory_space<vmem>>) target(%dma_start3A_209 : memref<16x128xf32, #tpu.memory_space<vmem_shared>>) target_semaphore(%run_scoped3A : memref<!tpu.dma_semaphore, #tpu.memory_space<semaphore_mem>>)
      %dma_wait3A_210 = arith.constant 0 : i32
      %dma_wait3A_211 = tpu.memref_slice %arg8[%add3A_78, %dma_wait3A_210] : memref<10000x128xf32, #tpu.memory_space<vmem_shared>> -> memref<16x128xf32, #tpu.memory_space<vmem_shared>>
      %dma_wait3A_212 = arith.constant 0 : i32
      %dma_wait3A_213 = tpu.memref_slice %arg8[%add3A_78, %dma_wait3A_212] : memref<10000x128xf32, #tpu.memory_space<vmem_shared>> -> memref<16x128xf32, #tpu.memory_space<vmem_shared>>
      tpu.wait_dma2 semaphore(%run_scoped3A : memref<!tpu.dma_semaphore, #tpu.memory_space<semaphore_mem>>) src(%arg9 : memref<16x128xf32, #tpu.memory_space<vmem>>) dst(%dma_wait3A_213 : memref<16x128xf32, #tpu.memory_space<vmem_shared>>)
      tpu.yield
    }) : () -> ()
    %mul3A_79 = arith.constant 624 : i32
    %mul3A_80 = arith.muli %arg1, %mul3A_79 : i32
    %add3A_81 = arith.constant 256 : i32
    %add3A_82 = arith.addi %mul3A_80, %add3A_81 : i32
    "tpu.region"() ({
      %run_scoped3A = tpu.sem_alloc : memref<!tpu.dma_semaphore, #tpu.memory_space<semaphore_mem>>
      %dma_start3A_206 = arith.constant 0 : i32
      %dma_start3A_207 = tpu.memref_slice %arg8[%add3A_82, %dma_start3A_206] : memref<10000x128xf32, #tpu.memory_space<vmem_shared>> -> memref<16x128xf32, #tpu.memory_space<vmem_shared>>
      %dma_start3A_208 = arith.constant 0 : i32
      %dma_start3A_209 = tpu.memref_slice %arg8[%add3A_82, %dma_start3A_208] : memref<10000x128xf32, #tpu.memory_space<vmem_shared>> -> memref<16x128xf32, #tpu.memory_space<vmem_shared>>
      tpu.enqueue_dma source(%arg9 : memref<16x128xf32, #tpu.memory_space<vmem>>) target(%dma_start3A_209 : memref<16x128xf32, #tpu.memory_space<vmem_shared>>) target_semaphore(%run_scoped3A : memref<!tpu.dma_semaphore, #tpu.memory_space<semaphore_mem>>)
      %dma_wait3A_210 = arith.constant 0 : i32
      %dma_wait3A_211 = tpu.memref_slice %arg8[%add3A_82, %dma_wait3A_210] : memref<10000x128xf32, #tpu.memory_space<vmem_shared>> -> memref<16x128xf32, #tpu.memory_space<vmem_shared>>
      %dma_wait3A_212 = arith.constant 0 : i32
      %dma_wait3A_213 = tpu.memref_slice %arg8[%add3A_82, %dma_wait3A_212] : memref<10000x128xf32, #tpu.memory_space<vmem_shared>> -> memref<16x128xf32, #tpu.memory_space<vmem_shared>>
      tpu.wait_dma2 semaphore(%run_scoped3A : memref<!tpu.dma_semaphore, #tpu.memory_space<semaphore_mem>>) src(%arg9 : memref<16x128xf32, #tpu.memory_space<vmem>>) dst(%dma_wait3A_213 : memref<16x128xf32, #tpu.memory_space<vmem_shared>>)
      tpu.yield
    }) : () -> ()
    %mul3A_83 = arith.constant 624 : i32
    %mul3A_84 = arith.muli %arg1, %mul3A_83 : i32
    %add3A_85 = arith.constant 272 : i32
    %add3A_86 = arith.addi %mul3A_84, %add3A_85 : i32
    "tpu.region"() ({
      %run_scoped3A = tpu.sem_alloc : memref<!tpu.dma_semaphore, #tpu.memory_space<semaphore_mem>>
      %dma_start3A_206 = arith.constant 0 : i32
      %dma_start3A_207 = tpu.memref_slice %arg8[%add3A_86, %dma_start3A_206] : memref<10000x128xf32, #tpu.memory_space<vmem_shared>> -> memref<16x128xf32, #tpu.memory_space<vmem_shared>>
      %dma_start3A_208 = arith.constant 0 : i32
      %dma_start3A_209 = tpu.memref_slice %arg8[%add3A_86, %dma_start3A_208] : memref<10000x128xf32, #tpu.memory_space<vmem_shared>> -> memref<16x128xf32, #tpu.memory_space<vmem_shared>>
      tpu.enqueue_dma source(%arg9 : memref<16x128xf32, #tpu.memory_space<vmem>>) target(%dma_start3A_209 : memref<16x128xf32, #tpu.memory_space<vmem_shared>>) target_semaphore(%run_scoped3A : memref<!tpu.dma_semaphore, #tpu.memory_space<semaphore_mem>>)
      %dma_wait3A_210 = arith.constant 0 : i32
      %dma_wait3A_211 = tpu.memref_slice %arg8[%add3A_86, %dma_wait3A_210] : memref<10000x128xf32, #tpu.memory_space<vmem_shared>> -> memref<16x128xf32, #tpu.memory_space<vmem_shared>>
      %dma_wait3A_212 = arith.constant 0 : i32
      %dma_wait3A_213 = tpu.memref_slice %arg8[%add3A_86, %dma_wait3A_212] : memref<10000x128xf32, #tpu.memory_space<vmem_shared>> -> memref<16x128xf32, #tpu.memory_space<vmem_shared>>
      tpu.wait_dma2 semaphore(%run_scoped3A : memref<!tpu.dma_semaphore, #tpu.memory_space<semaphore_mem>>) src(%arg9 : memref<16x128xf32, #tpu.memory_space<vmem>>) dst(%dma_wait3A_213 : memref<16x128xf32, #tpu.memory_space<vmem_shared>>)
      tpu.yield
    }) : () -> ()
    %mul3A_87 = arith.constant 624 : i32
    %mul3A_88 = arith.muli %arg1, %mul3A_87 : i32
    %add3A_89 = arith.constant 288 : i32
    %add3A_90 = arith.addi %mul3A_88, %add3A_89 : i32
    "tpu.region"() ({
      %run_scoped3A = tpu.sem_alloc : memref<!tpu.dma_semaphore, #tpu.memory_space<semaphore_mem>>
      %dma_start3A_206 = arith.constant 0 : i32
      %dma_start3A_207 = tpu.memref_slice %arg8[%add3A_90, %dma_start3A_206] : memref<10000x128xf32, #tpu.memory_space<vmem_shared>> -> memref<16x128xf32, #tpu.memory_space<vmem_shared>>
      %dma_start3A_208 = arith.constant 0 : i32
      %dma_start3A_209 = tpu.memref_slice %arg8[%add3A_90, %dma_start3A_208] : memref<10000x128xf32, #tpu.memory_space<vmem_shared>> -> memref<16x128xf32, #tpu.memory_space<vmem_shared>>
      tpu.enqueue_dma source(%arg9 : memref<16x128xf32, #tpu.memory_space<vmem>>) target(%dma_start3A_209 : memref<16x128xf32, #tpu.memory_space<vmem_shared>>) target_semaphore(%run_scoped3A : memref<!tpu.dma_semaphore, #tpu.memory_space<semaphore_mem>>)
      %dma_wait3A_210 = arith.constant 0 : i32
      %dma_wait3A_211 = tpu.memref_slice %arg8[%add3A_90, %dma_wait3A_210] : memref<10000x128xf32, #tpu.memory_space<vmem_shared>> -> memref<16x128xf32, #tpu.memory_space<vmem_shared>>
      %dma_wait3A_212 = arith.constant 0 : i32
      %dma_wait3A_213 = tpu.memref_slice %arg8[%add3A_90, %dma_wait3A_212] : memref<10000x128xf32, #tpu.memory_space<vmem_shared>> -> memref<16x128xf32, #tpu.memory_space<vmem_shared>>
      tpu.wait_dma2 semaphore(%run_scoped3A : memref<!tpu.dma_semaphore, #tpu.memory_space<semaphore_mem>>) src(%arg9 : memref<16x128xf32, #tpu.memory_space<vmem>>) dst(%dma_wait3A_213 : memref<16x128xf32, #tpu.memory_space<vmem_shared>>)
      tpu.yield
    }) : () -> ()
    %mul3A_91 = arith.constant 624 : i32
    %mul3A_92 = arith.muli %arg1, %mul3A_91 : i32
    %add3A_93 = arith.constant 304 : i32
    %add3A_94 = arith.addi %mul3A_92, %add3A_93 : i32
    "tpu.region"() ({
      %run_scoped3A = tpu.sem_alloc : memref<!tpu.dma_semaphore, #tpu.memory_space<semaphore_mem>>
      %dma_start3A_206 = arith.constant 0 : i32
      %dma_start3A_207 = tpu.memref_slice %arg8[%add3A_94, %dma_start3A_206] : memref<10000x128xf32, #tpu.memory_space<vmem_shared>> -> memref<16x128xf32, #tpu.memory_space<vmem_shared>>
      %dma_start3A_208 = arith.constant 0 : i32
      %dma_start3A_209 = tpu.memref_slice %arg8[%add3A_94, %dma_start3A_208] : memref<10000x128xf32, #tpu.memory_space<vmem_shared>> -> memref<16x128xf32, #tpu.memory_space<vmem_shared>>
      tpu.enqueue_dma source(%arg9 : memref<16x128xf32, #tpu.memory_space<vmem>>) target(%dma_start3A_209 : memref<16x128xf32, #tpu.memory_space<vmem_shared>>) target_semaphore(%run_scoped3A : memref<!tpu.dma_semaphore, #tpu.memory_space<semaphore_mem>>)
      %dma_wait3A_210 = arith.constant 0 : i32
      %dma_wait3A_211 = tpu.memref_slice %arg8[%add3A_94, %dma_wait3A_210] : memref<10000x128xf32, #tpu.memory_space<vmem_shared>> -> memref<16x128xf32, #tpu.memory_space<vmem_shared>>
      %dma_wait3A_212 = arith.constant 0 : i32
      %dma_wait3A_213 = tpu.memref_slice %arg8[%add3A_94, %dma_wait3A_212] : memref<10000x128xf32, #tpu.memory_space<vmem_shared>> -> memref<16x128xf32, #tpu.memory_space<vmem_shared>>
      tpu.wait_dma2 semaphore(%run_scoped3A : memref<!tpu.dma_semaphore, #tpu.memory_space<semaphore_mem>>) src(%arg9 : memref<16x128xf32, #tpu.memory_space<vmem>>) dst(%dma_wait3A_213 : memref<16x128xf32, #tpu.memory_space<vmem_shared>>)
      tpu.yield
    }) : () -> ()
    %mul3A_95 = arith.constant 624 : i32
    %mul3A_96 = arith.muli %arg1, %mul3A_95 : i32
    %add3A_97 = arith.constant 320 : i32
    %add3A_98 = arith.addi %mul3A_96, %add3A_97 : i32
    "tpu.region"() ({
      %run_scoped3A = tpu.sem_alloc : memref<!tpu.dma_semaphore, #tpu.memory_space<semaphore_mem>>
      %dma_start3A_206 = arith.constant 0 : i32
      %dma_start3A_207 = tpu.memref_slice %arg8[%add3A_98, %dma_start3A_206] : memref<10000x128xf32, #tpu.memory_space<vmem_shared>> -> memref<16x128xf32, #tpu.memory_space<vmem_shared>>
      %dma_start3A_208 = arith.constant 0 : i32
      %dma_start3A_209 = tpu.memref_slice %arg8[%add3A_98, %dma_start3A_208] : memref<10000x128xf32, #tpu.memory_space<vmem_shared>> -> memref<16x128xf32, #tpu.memory_space<vmem_shared>>
      tpu.enqueue_dma source(%arg9 : memref<16x128xf32, #tpu.memory_space<vmem>>) target(%dma_start3A_209 : memref<16x128xf32, #tpu.memory_space<vmem_shared>>) target_semaphore(%run_scoped3A : memref<!tpu.dma_semaphore, #tpu.memory_space<semaphore_mem>>)
      %dma_wait3A_210 = arith.constant 0 : i32
      %dma_wait3A_211 = tpu.memref_slice %arg8[%add3A_98, %dma_wait3A_210] : memref<10000x128xf32, #tpu.memory_space<vmem_shared>> -> memref<16x128xf32, #tpu.memory_space<vmem_shared>>
      %dma_wait3A_212 = arith.constant 0 : i32
      %dma_wait3A_213 = tpu.memref_slice %arg8[%add3A_98, %dma_wait3A_212] : memref<10000x128xf32, #tpu.memory_space<vmem_shared>> -> memref<16x128xf32, #tpu.memory_space<vmem_shared>>
      tpu.wait_dma2 semaphore(%run_scoped3A : memref<!tpu.dma_semaphore, #tpu.memory_space<semaphore_mem>>) src(%arg9 : memref<16x128xf32, #tpu.memory_space<vmem>>) dst(%dma_wait3A_213 : memref<16x128xf32, #tpu.memory_space<vmem_shared>>)
      tpu.yield
    }) : () -> ()
    %mul3A_99 = arith.constant 624 : i32
    %mul3A_100 = arith.muli %arg1, %mul3A_99 : i32
    %add3A_101 = arith.constant 336 : i32
    %add3A_102 = arith.addi %mul3A_100, %add3A_101 : i32
    "tpu.region"() ({
      %run_scoped3A = tpu.sem_alloc : memref<!tpu.dma_semaphore, #tpu.memory_space<semaphore_mem>>
      %dma_start3A_206 = arith.constant 0 : i32
      %dma_start3A_207 = tpu.memref_slice %arg8[%add3A_102, %dma_start3A_206] : memref<10000x128xf32, #tpu.memory_space<vmem_shared>> -> memref<16x128xf32, #tpu.memory_space<vmem_shared>>
      %dma_start3A_208 = arith.constant 0 : i32
      %dma_start3A_209 = tpu.memref_slice %arg8[%add3A_102, %dma_start3A_208] : memref<10000x128xf32, #tpu.memory_space<vmem_shared>> -> memref<16x128xf32, #tpu.memory_space<vmem_shared>>
      tpu.enqueue_dma source(%arg9 : memref<16x128xf32, #tpu.memory_space<vmem>>) target(%dma_start3A_209 : memref<16x128xf32, #tpu.memory_space<vmem_shared>>) target_semaphore(%run_scoped3A : memref<!tpu.dma_semaphore, #tpu.memory_space<semaphore_mem>>)
      %dma_wait3A_210 = arith.constant 0 : i32
      %dma_wait3A_211 = tpu.memref_slice %arg8[%add3A_102, %dma_wait3A_210] : memref<10000x128xf32, #tpu.memory_space<vmem_shared>> -> memref<16x128xf32, #tpu.memory_space<vmem_shared>>
      %dma_wait3A_212 = arith.constant 0 : i32
      %dma_wait3A_213 = tpu.memref_slice %arg8[%add3A_102, %dma_wait3A_212] : memref<10000x128xf32, #tpu.memory_space<vmem_shared>> -> memref<16x128xf32, #tpu.memory_space<vmem_shared>>
      tpu.wait_dma2 semaphore(%run_scoped3A : memref<!tpu.dma_semaphore, #tpu.memory_space<semaphore_mem>>) src(%arg9 : memref<16x128xf32, #tpu.memory_space<vmem>>) dst(%dma_wait3A_213 : memref<16x128xf32, #tpu.memory_space<vmem_shared>>)
      tpu.yield
    }) : () -> ()
    %mul3A_103 = arith.constant 624 : i32
    %mul3A_104 = arith.muli %arg1, %mul3A_103 : i32
    %add3A_105 = arith.constant 352 : i32
    %add3A_106 = arith.addi %mul3A_104, %add3A_105 : i32
    "tpu.region"() ({
      %run_scoped3A = tpu.sem_alloc : memref<!tpu.dma_semaphore, #tpu.memory_space<semaphore_mem>>
      %dma_start3A_206 = arith.constant 0 : i32
      %dma_start3A_207 = tpu.memref_slice %arg8[%add3A_106, %dma_start3A_206] : memref<10000x128xf32, #tpu.memory_space<vmem_shared>> -> memref<16x128xf32, #tpu.memory_space<vmem_shared>>
      %dma_start3A_208 = arith.constant 0 : i32
      %dma_start3A_209 = tpu.memref_slice %arg8[%add3A_106, %dma_start3A_208] : memref<10000x128xf32, #tpu.memory_space<vmem_shared>> -> memref<16x128xf32, #tpu.memory_space<vmem_shared>>
      tpu.enqueue_dma source(%arg9 : memref<16x128xf32, #tpu.memory_space<vmem>>) target(%dma_start3A_209 : memref<16x128xf32, #tpu.memory_space<vmem_shared>>) target_semaphore(%run_scoped3A : memref<!tpu.dma_semaphore, #tpu.memory_space<semaphore_mem>>)
      %dma_wait3A_210 = arith.constant 0 : i32
      %dma_wait3A_211 = tpu.memref_slice %arg8[%add3A_106, %dma_wait3A_210] : memref<10000x128xf32, #tpu.memory_space<vmem_shared>> -> memref<16x128xf32, #tpu.memory_space<vmem_shared>>
      %dma_wait3A_212 = arith.constant 0 : i32
      %dma_wait3A_213 = tpu.memref_slice %arg8[%add3A_106, %dma_wait3A_212] : memref<10000x128xf32, #tpu.memory_space<vmem_shared>> -> memref<16x128xf32, #tpu.memory_space<vmem_shared>>
      tpu.wait_dma2 semaphore(%run_scoped3A : memref<!tpu.dma_semaphore, #tpu.memory_space<semaphore_mem>>) src(%arg9 : memref<16x128xf32, #tpu.memory_space<vmem>>) dst(%dma_wait3A_213 : memref<16x128xf32, #tpu.memory_space<vmem_shared>>)
      tpu.yield
    }) : () -> ()
    %mul3A_107 = arith.constant 624 : i32
    %mul3A_108 = arith.muli %arg1, %mul3A_107 : i32
    %add3A_109 = arith.constant 368 : i32
    %add3A_110 = arith.addi %mul3A_108, %add3A_109 : i32
    "tpu.region"() ({
      %run_scoped3A = tpu.sem_alloc : memref<!tpu.dma_semaphore, #tpu.memory_space<semaphore_mem>>
      %dma_start3A_206 = arith.constant 0 : i32
      %dma_start3A_207 = tpu.memref_slice %arg8[%add3A_110, %dma_start3A_206] : memref<10000x128xf32, #tpu.memory_space<vmem_shared>> -> memref<16x128xf32, #tpu.memory_space<vmem_shared>>
      %dma_start3A_208 = arith.constant 0 : i32
      %dma_start3A_209 = tpu.memref_slice %arg8[%add3A_110, %dma_start3A_208] : memref<10000x128xf32, #tpu.memory_space<vmem_shared>> -> memref<16x128xf32, #tpu.memory_space<vmem_shared>>
      tpu.enqueue_dma source(%arg9 : memref<16x128xf32, #tpu.memory_space<vmem>>) target(%dma_start3A_209 : memref<16x128xf32, #tpu.memory_space<vmem_shared>>) target_semaphore(%run_scoped3A : memref<!tpu.dma_semaphore, #tpu.memory_space<semaphore_mem>>)
      %dma_wait3A_210 = arith.constant 0 : i32
      %dma_wait3A_211 = tpu.memref_slice %arg8[%add3A_110, %dma_wait3A_210] : memref<10000x128xf32, #tpu.memory_space<vmem_shared>> -> memref<16x128xf32, #tpu.memory_space<vmem_shared>>
      %dma_wait3A_212 = arith.constant 0 : i32
      %dma_wait3A_213 = tpu.memref_slice %arg8[%add3A_110, %dma_wait3A_212] : memref<10000x128xf32, #tpu.memory_space<vmem_shared>> -> memref<16x128xf32, #tpu.memory_space<vmem_shared>>
      tpu.wait_dma2 semaphore(%run_scoped3A : memref<!tpu.dma_semaphore, #tpu.memory_space<semaphore_mem>>) src(%arg9 : memref<16x128xf32, #tpu.memory_space<vmem>>) dst(%dma_wait3A_213 : memref<16x128xf32, #tpu.memory_space<vmem_shared>>)
      tpu.yield
    }) : () -> ()
    %mul3A_111 = arith.constant 624 : i32
    %mul3A_112 = arith.muli %arg1, %mul3A_111 : i32
    %add3A_113 = arith.constant 384 : i32
    %add3A_114 = arith.addi %mul3A_112, %add3A_113 : i32
    "tpu.region"() ({
      %run_scoped3A = tpu.sem_alloc : memref<!tpu.dma_semaphore, #tpu.memory_space<semaphore_mem>>
      %dma_start3A_206 = arith.constant 0 : i32
      %dma_start3A_207 = tpu.memref_slice %arg8[%add3A_114, %dma_start3A_206] : memref<10000x128xf32, #tpu.memory_space<vmem_shared>> -> memref<16x128xf32, #tpu.memory_space<vmem_shared>>
      %dma_start3A_208 = arith.constant 0 : i32
      %dma_start3A_209 = tpu.memref_slice %arg8[%add3A_114, %dma_start3A_208] : memref<10000x128xf32, #tpu.memory_space<vmem_shared>> -> memref<16x128xf32, #tpu.memory_space<vmem_shared>>
      tpu.enqueue_dma source(%arg9 : memref<16x128xf32, #tpu.memory_space<vmem>>) target(%dma_start3A_209 : memref<16x128xf32, #tpu.memory_space<vmem_shared>>) target_semaphore(%run_scoped3A : memref<!tpu.dma_semaphore, #tpu.memory_space<semaphore_mem>>)
      %dma_wait3A_210 = arith.constant 0 : i32
      %dma_wait3A_211 = tpu.memref_slice %arg8[%add3A_114, %dma_wait3A_210] : memref<10000x128xf32, #tpu.memory_space<vmem_shared>> -> memref<16x128xf32, #tpu.memory_space<vmem_shared>>
      %dma_wait3A_212 = arith.constant 0 : i32
      %dma_wait3A_213 = tpu.memref_slice %arg8[%add3A_114, %dma_wait3A_212] : memref<10000x128xf32, #tpu.memory_space<vmem_shared>> -> memref<16x128xf32, #tpu.memory_space<vmem_shared>>
      tpu.wait_dma2 semaphore(%run_scoped3A : memref<!tpu.dma_semaphore, #tpu.memory_space<semaphore_mem>>) src(%arg9 : memref<16x128xf32, #tpu.memory_space<vmem>>) dst(%dma_wait3A_213 : memref<16x128xf32, #tpu.memory_space<vmem_shared>>)
      tpu.yield
    }) : () -> ()
    %mul3A_115 = arith.constant 624 : i32
    %mul3A_116 = arith.muli %arg1, %mul3A_115 : i32
    %add3A_117 = arith.constant 400 : i32
    %add3A_118 = arith.addi %mul3A_116, %add3A_117 : i32
    "tpu.region"() ({
      %run_scoped3A = tpu.sem_alloc : memref<!tpu.dma_semaphore, #tpu.memory_space<semaphore_mem>>
      %dma_start3A_206 = arith.constant 0 : i32
      %dma_start3A_207 = tpu.memref_slice %arg8[%add3A_118, %dma_start3A_206] : memref<10000x128xf32, #tpu.memory_space<vmem_shared>> -> memref<16x128xf32, #tpu.memory_space<vmem_shared>>
      %dma_start3A_208 = arith.constant 0 : i32
      %dma_start3A_209 = tpu.memref_slice %arg8[%add3A_118, %dma_start3A_208] : memref<10000x128xf32, #tpu.memory_space<vmem_shared>> -> memref<16x128xf32, #tpu.memory_space<vmem_shared>>
      tpu.enqueue_dma source(%arg9 : memref<16x128xf32, #tpu.memory_space<vmem>>) target(%dma_start3A_209 : memref<16x128xf32, #tpu.memory_space<vmem_shared>>) target_semaphore(%run_scoped3A : memref<!tpu.dma_semaphore, #tpu.memory_space<semaphore_mem>>)
      %dma_wait3A_210 = arith.constant 0 : i32
      %dma_wait3A_211 = tpu.memref_slice %arg8[%add3A_118, %dma_wait3A_210] : memref<10000x128xf32, #tpu.memory_space<vmem_shared>> -> memref<16x128xf32, #tpu.memory_space<vmem_shared>>
      %dma_wait3A_212 = arith.constant 0 : i32
      %dma_wait3A_213 = tpu.memref_slice %arg8[%add3A_118, %dma_wait3A_212] : memref<10000x128xf32, #tpu.memory_space<vmem_shared>> -> memref<16x128xf32, #tpu.memory_space<vmem_shared>>
      tpu.wait_dma2 semaphore(%run_scoped3A : memref<!tpu.dma_semaphore, #tpu.memory_space<semaphore_mem>>) src(%arg9 : memref<16x128xf32, #tpu.memory_space<vmem>>) dst(%dma_wait3A_213 : memref<16x128xf32, #tpu.memory_space<vmem_shared>>)
      tpu.yield
    }) : () -> ()
    %mul3A_119 = arith.constant 624 : i32
    %mul3A_120 = arith.muli %arg1, %mul3A_119 : i32
    %add3A_121 = arith.constant 416 : i32
    %add3A_122 = arith.addi %mul3A_120, %add3A_121 : i32
    "tpu.region"() ({
      %run_scoped3A = tpu.sem_alloc : memref<!tpu.dma_semaphore, #tpu.memory_space<semaphore_mem>>
      %dma_start3A_206 = arith.constant 0 : i32
      %dma_start3A_207 = tpu.memref_slice %arg8[%add3A_122, %dma_start3A_206] : memref<10000x128xf32, #tpu.memory_space<vmem_shared>> -> memref<16x128xf32, #tpu.memory_space<vmem_shared>>
      %dma_start3A_208 = arith.constant 0 : i32
      %dma_start3A_209 = tpu.memref_slice %arg8[%add3A_122, %dma_start3A_208] : memref<10000x128xf32, #tpu.memory_space<vmem_shared>> -> memref<16x128xf32, #tpu.memory_space<vmem_shared>>
      tpu.enqueue_dma source(%arg9 : memref<16x128xf32, #tpu.memory_space<vmem>>) target(%dma_start3A_209 : memref<16x128xf32, #tpu.memory_space<vmem_shared>>) target_semaphore(%run_scoped3A : memref<!tpu.dma_semaphore, #tpu.memory_space<semaphore_mem>>)
      %dma_wait3A_210 = arith.constant 0 : i32
      %dma_wait3A_211 = tpu.memref_slice %arg8[%add3A_122, %dma_wait3A_210] : memref<10000x128xf32, #tpu.memory_space<vmem_shared>> -> memref<16x128xf32, #tpu.memory_space<vmem_shared>>
      %dma_wait3A_212 = arith.constant 0 : i32
      %dma_wait3A_213 = tpu.memref_slice %arg8[%add3A_122, %dma_wait3A_212] : memref<10000x128xf32, #tpu.memory_space<vmem_shared>> -> memref<16x128xf32, #tpu.memory_space<vmem_shared>>
      tpu.wait_dma2 semaphore(%run_scoped3A : memref<!tpu.dma_semaphore, #tpu.memory_space<semaphore_mem>>) src(%arg9 : memref<16x128xf32, #tpu.memory_space<vmem>>) dst(%dma_wait3A_213 : memref<16x128xf32, #tpu.memory_space<vmem_shared>>)
      tpu.yield
    }) : () -> ()
    %mul3A_123 = arith.constant 624 : i32
    %mul3A_124 = arith.muli %arg1, %mul3A_123 : i32
    %add3A_125 = arith.constant 432 : i32
    %add3A_126 = arith.addi %mul3A_124, %add3A_125 : i32
    "tpu.region"() ({
      %run_scoped3A = tpu.sem_alloc : memref<!tpu.dma_semaphore, #tpu.memory_space<semaphore_mem>>
      %dma_start3A_206 = arith.constant 0 : i32
      %dma_start3A_207 = tpu.memref_slice %arg8[%add3A_126, %dma_start3A_206] : memref<10000x128xf32, #tpu.memory_space<vmem_shared>> -> memref<16x128xf32, #tpu.memory_space<vmem_shared>>
      %dma_start3A_208 = arith.constant 0 : i32
      %dma_start3A_209 = tpu.memref_slice %arg8[%add3A_126, %dma_start3A_208] : memref<10000x128xf32, #tpu.memory_space<vmem_shared>> -> memref<16x128xf32, #tpu.memory_space<vmem_shared>>
      tpu.enqueue_dma source(%arg9 : memref<16x128xf32, #tpu.memory_space<vmem>>) target(%dma_start3A_209 : memref<16x128xf32, #tpu.memory_space<vmem_shared>>) target_semaphore(%run_scoped3A : memref<!tpu.dma_semaphore, #tpu.memory_space<semaphore_mem>>)
      %dma_wait3A_210 = arith.constant 0 : i32
      %dma_wait3A_211 = tpu.memref_slice %arg8[%add3A_126, %dma_wait3A_210] : memref<10000x128xf32, #tpu.memory_space<vmem_shared>> -> memref<16x128xf32, #tpu.memory_space<vmem_shared>>
      %dma_wait3A_212 = arith.constant 0 : i32
      %dma_wait3A_213 = tpu.memref_slice %arg8[%add3A_126, %dma_wait3A_212] : memref<10000x128xf32, #tpu.memory_space<vmem_shared>> -> memref<16x128xf32, #tpu.memory_space<vmem_shared>>
      tpu.wait_dma2 semaphore(%run_scoped3A : memref<!tpu.dma_semaphore, #tpu.memory_space<semaphore_mem>>) src(%arg9 : memref<16x128xf32, #tpu.memory_space<vmem>>) dst(%dma_wait3A_213 : memref<16x128xf32, #tpu.memory_space<vmem_shared>>)
      tpu.yield
    }) : () -> ()
    %mul3A_127 = arith.constant 624 : i32
    %mul3A_128 = arith.muli %arg1, %mul3A_127 : i32
    %add3A_129 = arith.constant 448 : i32
    %add3A_130 = arith.addi %mul3A_128, %add3A_129 : i32
    "tpu.region"() ({
      %run_scoped3A = tpu.sem_alloc : memref<!tpu.dma_semaphore, #tpu.memory_space<semaphore_mem>>
      %dma_start3A_206 = arith.constant 0 : i32
      %dma_start3A_207 = tpu.memref_slice %arg8[%add3A_130, %dma_start3A_206] : memref<10000x128xf32, #tpu.memory_space<vmem_shared>> -> memref<16x128xf32, #tpu.memory_space<vmem_shared>>
      %dma_start3A_208 = arith.constant 0 : i32
      %dma_start3A_209 = tpu.memref_slice %arg8[%add3A_130, %dma_start3A_208] : memref<10000x128xf32, #tpu.memory_space<vmem_shared>> -> memref<16x128xf32, #tpu.memory_space<vmem_shared>>
      tpu.enqueue_dma source(%arg9 : memref<16x128xf32, #tpu.memory_space<vmem>>) target(%dma_start3A_209 : memref<16x128xf32, #tpu.memory_space<vmem_shared>>) target_semaphore(%run_scoped3A : memref<!tpu.dma_semaphore, #tpu.memory_space<semaphore_mem>>)
      %dma_wait3A_210 = arith.constant 0 : i32
      %dma_wait3A_211 = tpu.memref_slice %arg8[%add3A_130, %dma_wait3A_210] : memref<10000x128xf32, #tpu.memory_space<vmem_shared>> -> memref<16x128xf32, #tpu.memory_space<vmem_shared>>
      %dma_wait3A_212 = arith.constant 0 : i32
      %dma_wait3A_213 = tpu.memref_slice %arg8[%add3A_130, %dma_wait3A_212] : memref<10000x128xf32, #tpu.memory_space<vmem_shared>> -> memref<16x128xf32, #tpu.memory_space<vmem_shared>>
      tpu.wait_dma2 semaphore(%run_scoped3A : memref<!tpu.dma_semaphore, #tpu.memory_space<semaphore_mem>>) src(%arg9 : memref<16x128xf32, #tpu.memory_space<vmem>>) dst(%dma_wait3A_213 : memref<16x128xf32, #tpu.memory_space<vmem_shared>>)
      tpu.yield
    }) : () -> ()
    %mul3A_131 = arith.constant 624 : i32
    %mul3A_132 = arith.muli %arg1, %mul3A_131 : i32
    %add3A_133 = arith.constant 464 : i32
    %add3A_134 = arith.addi %mul3A_132, %add3A_133 : i32
    "tpu.region"() ({
      %run_scoped3A = tpu.sem_alloc : memref<!tpu.dma_semaphore, #tpu.memory_space<semaphore_mem>>
      %dma_start3A_206 = arith.constant 0 : i32
      %dma_start3A_207 = tpu.memref_slice %arg8[%add3A_134, %dma_start3A_206] : memref<10000x128xf32, #tpu.memory_space<vmem_shared>> -> memref<16x128xf32, #tpu.memory_space<vmem_shared>>
      %dma_start3A_208 = arith.constant 0 : i32
      %dma_start3A_209 = tpu.memref_slice %arg8[%add3A_134, %dma_start3A_208] : memref<10000x128xf32, #tpu.memory_space<vmem_shared>> -> memref<16x128xf32, #tpu.memory_space<vmem_shared>>
      tpu.enqueue_dma source(%arg9 : memref<16x128xf32, #tpu.memory_space<vmem>>) target(%dma_start3A_209 : memref<16x128xf32, #tpu.memory_space<vmem_shared>>) target_semaphore(%run_scoped3A : memref<!tpu.dma_semaphore, #tpu.memory_space<semaphore_mem>>)
      %dma_wait3A_210 = arith.constant 0 : i32
      %dma_wait3A_211 = tpu.memref_slice %arg8[%add3A_134, %dma_wait3A_210] : memref<10000x128xf32, #tpu.memory_space<vmem_shared>> -> memref<16x128xf32, #tpu.memory_space<vmem_shared>>
      %dma_wait3A_212 = arith.constant 0 : i32
      %dma_wait3A_213 = tpu.memref_slice %arg8[%add3A_134, %dma_wait3A_212] : memref<10000x128xf32, #tpu.memory_space<vmem_shared>> -> memref<16x128xf32, #tpu.memory_space<vmem_shared>>
      tpu.wait_dma2 semaphore(%run_scoped3A : memref<!tpu.dma_semaphore, #tpu.memory_space<semaphore_mem>>) src(%arg9 : memref<16x128xf32, #tpu.memory_space<vmem>>) dst(%dma_wait3A_213 : memref<16x128xf32, #tpu.memory_space<vmem_shared>>)
      tpu.yield
    }) : () -> ()
    %mul3A_135 = arith.constant 624 : i32
    %mul3A_136 = arith.muli %arg1, %mul3A_135 : i32
    %add3A_137 = arith.constant 480 : i32
    %add3A_138 = arith.addi %mul3A_136, %add3A_137 : i32
    "tpu.region"() ({
      %run_scoped3A = tpu.sem_alloc : memref<!tpu.dma_semaphore, #tpu.memory_space<semaphore_mem>>
      %dma_start3A_206 = arith.constant 0 : i32
      %dma_start3A_207 = tpu.memref_slice %arg8[%add3A_138, %dma_start3A_206] : memref<10000x128xf32, #tpu.memory_space<vmem_shared>> -> memref<16x128xf32, #tpu.memory_space<vmem_shared>>
      %dma_start3A_208 = arith.constant 0 : i32
      %dma_start3A_209 = tpu.memref_slice %arg8[%add3A_138, %dma_start3A_208] : memref<10000x128xf32, #tpu.memory_space<vmem_shared>> -> memref<16x128xf32, #tpu.memory_space<vmem_shared>>
      tpu.enqueue_dma source(%arg9 : memref<16x128xf32, #tpu.memory_space<vmem>>) target(%dma_start3A_209 : memref<16x128xf32, #tpu.memory_space<vmem_shared>>) target_semaphore(%run_scoped3A : memref<!tpu.dma_semaphore, #tpu.memory_space<semaphore_mem>>)
      %dma_wait3A_210 = arith.constant 0 : i32
      %dma_wait3A_211 = tpu.memref_slice %arg8[%add3A_138, %dma_wait3A_210] : memref<10000x128xf32, #tpu.memory_space<vmem_shared>> -> memref<16x128xf32, #tpu.memory_space<vmem_shared>>
      %dma_wait3A_212 = arith.constant 0 : i32
      %dma_wait3A_213 = tpu.memref_slice %arg8[%add3A_138, %dma_wait3A_212] : memref<10000x128xf32, #tpu.memory_space<vmem_shared>> -> memref<16x128xf32, #tpu.memory_space<vmem_shared>>
      tpu.wait_dma2 semaphore(%run_scoped3A : memref<!tpu.dma_semaphore, #tpu.memory_space<semaphore_mem>>) src(%arg9 : memref<16x128xf32, #tpu.memory_space<vmem>>) dst(%dma_wait3A_213 : memref<16x128xf32, #tpu.memory_space<vmem_shared>>)
      tpu.yield
    }) : () -> ()
    %mul3A_139 = arith.constant 624 : i32
    %mul3A_140 = arith.muli %arg1, %mul3A_139 : i32
    %add3A_141 = arith.constant 496 : i32
    %add3A_142 = arith.addi %mul3A_140, %add3A_141 : i32
    "tpu.region"() ({
      %run_scoped3A = tpu.sem_alloc : memref<!tpu.dma_semaphore, #tpu.memory_space<semaphore_mem>>
      %dma_start3A_206 = arith.constant 0 : i32
      %dma_start3A_207 = tpu.memref_slice %arg8[%add3A_142, %dma_start3A_206] : memref<10000x128xf32, #tpu.memory_space<vmem_shared>> -> memref<16x128xf32, #tpu.memory_space<vmem_shared>>
      %dma_start3A_208 = arith.constant 0 : i32
      %dma_start3A_209 = tpu.memref_slice %arg8[%add3A_142, %dma_start3A_208] : memref<10000x128xf32, #tpu.memory_space<vmem_shared>> -> memref<16x128xf32, #tpu.memory_space<vmem_shared>>
      tpu.enqueue_dma source(%arg9 : memref<16x128xf32, #tpu.memory_space<vmem>>) target(%dma_start3A_209 : memref<16x128xf32, #tpu.memory_space<vmem_shared>>) target_semaphore(%run_scoped3A : memref<!tpu.dma_semaphore, #tpu.memory_space<semaphore_mem>>)
      %dma_wait3A_210 = arith.constant 0 : i32
      %dma_wait3A_211 = tpu.memref_slice %arg8[%add3A_142, %dma_wait3A_210] : memref<10000x128xf32, #tpu.memory_space<vmem_shared>> -> memref<16x128xf32, #tpu.memory_space<vmem_shared>>
      %dma_wait3A_212 = arith.constant 0 : i32
      %dma_wait3A_213 = tpu.memref_slice %arg8[%add3A_142, %dma_wait3A_212] : memref<10000x128xf32, #tpu.memory_space<vmem_shared>> -> memref<16x128xf32, #tpu.memory_space<vmem_shared>>
      tpu.wait_dma2 semaphore(%run_scoped3A : memref<!tpu.dma_semaphore, #tpu.memory_space<semaphore_mem>>) src(%arg9 : memref<16x128xf32, #tpu.memory_space<vmem>>) dst(%dma_wait3A_213 : memref<16x128xf32, #tpu.memory_space<vmem_shared>>)
      tpu.yield
    }) : () -> ()
    %mul3A_143 = arith.constant 624 : i32
    %mul3A_144 = arith.muli %arg1, %mul3A_143 : i32
    %add3A_145 = arith.constant 512 : i32
    %add3A_146 = arith.addi %mul3A_144, %add3A_145 : i32
    "tpu.region"() ({
      %run_scoped3A = tpu.sem_alloc : memref<!tpu.dma_semaphore, #tpu.memory_space<semaphore_mem>>
      %dma_start3A_206 = arith.constant 0 : i32
      %dma_start3A_207 = tpu.memref_slice %arg8[%add3A_146, %dma_start3A_206] : memref<10000x128xf32, #tpu.memory_space<vmem_shared>> -> memref<16x128xf32, #tpu.memory_space<vmem_shared>>
      %dma_start3A_208 = arith.constant 0 : i32
      %dma_start3A_209 = tpu.memref_slice %arg8[%add3A_146, %dma_start3A_208] : memref<10000x128xf32, #tpu.memory_space<vmem_shared>> -> memref<16x128xf32, #tpu.memory_space<vmem_shared>>
      tpu.enqueue_dma source(%arg9 : memref<16x128xf32, #tpu.memory_space<vmem>>) target(%dma_start3A_209 : memref<16x128xf32, #tpu.memory_space<vmem_shared>>) target_semaphore(%run_scoped3A : memref<!tpu.dma_semaphore, #tpu.memory_space<semaphore_mem>>)
      %dma_wait3A_210 = arith.constant 0 : i32
      %dma_wait3A_211 = tpu.memref_slice %arg8[%add3A_146, %dma_wait3A_210] : memref<10000x128xf32, #tpu.memory_space<vmem_shared>> -> memref<16x128xf32, #tpu.memory_space<vmem_shared>>
      %dma_wait3A_212 = arith.constant 0 : i32
      %dma_wait3A_213 = tpu.memref_slice %arg8[%add3A_146, %dma_wait3A_212] : memref<10000x128xf32, #tpu.memory_space<vmem_shared>> -> memref<16x128xf32, #tpu.memory_space<vmem_shared>>
      tpu.wait_dma2 semaphore(%run_scoped3A : memref<!tpu.dma_semaphore, #tpu.memory_space<semaphore_mem>>) src(%arg9 : memref<16x128xf32, #tpu.memory_space<vmem>>) dst(%dma_wait3A_213 : memref<16x128xf32, #tpu.memory_space<vmem_shared>>)
      tpu.yield
    }) : () -> ()
    %mul3A_147 = arith.constant 624 : i32
    %mul3A_148 = arith.muli %arg1, %mul3A_147 : i32
    %add3A_149 = arith.constant 528 : i32
    %add3A_150 = arith.addi %mul3A_148, %add3A_149 : i32
    "tpu.region"() ({
      %run_scoped3A = tpu.sem_alloc : memref<!tpu.dma_semaphore, #tpu.memory_space<semaphore_mem>>
      %dma_start3A_206 = arith.constant 0 : i32
      %dma_start3A_207 = tpu.memref_slice %arg8[%add3A_150, %dma_start3A_206] : memref<10000x128xf32, #tpu.memory_space<vmem_shared>> -> memref<16x128xf32, #tpu.memory_space<vmem_shared>>
      %dma_start3A_208 = arith.constant 0 : i32
      %dma_start3A_209 = tpu.memref_slice %arg8[%add3A_150, %dma_start3A_208] : memref<10000x128xf32, #tpu.memory_space<vmem_shared>> -> memref<16x128xf32, #tpu.memory_space<vmem_shared>>
      tpu.enqueue_dma source(%arg9 : memref<16x128xf32, #tpu.memory_space<vmem>>) target(%dma_start3A_209 : memref<16x128xf32, #tpu.memory_space<vmem_shared>>) target_semaphore(%run_scoped3A : memref<!tpu.dma_semaphore, #tpu.memory_space<semaphore_mem>>)
      %dma_wait3A_210 = arith.constant 0 : i32
      %dma_wait3A_211 = tpu.memref_slice %arg8[%add3A_150, %dma_wait3A_210] : memref<10000x128xf32, #tpu.memory_space<vmem_shared>> -> memref<16x128xf32, #tpu.memory_space<vmem_shared>>
      %dma_wait3A_212 = arith.constant 0 : i32
      %dma_wait3A_213 = tpu.memref_slice %arg8[%add3A_150, %dma_wait3A_212] : memref<10000x128xf32, #tpu.memory_space<vmem_shared>> -> memref<16x128xf32, #tpu.memory_space<vmem_shared>>
      tpu.wait_dma2 semaphore(%run_scoped3A : memref<!tpu.dma_semaphore, #tpu.memory_space<semaphore_mem>>) src(%arg9 : memref<16x128xf32, #tpu.memory_space<vmem>>) dst(%dma_wait3A_213 : memref<16x128xf32, #tpu.memory_space<vmem_shared>>)
      tpu.yield
    }) : () -> ()
    %mul3A_151 = arith.constant 624 : i32
    %mul3A_152 = arith.muli %arg1, %mul3A_151 : i32
    %add3A_153 = arith.constant 544 : i32
    %add3A_154 = arith.addi %mul3A_152, %add3A_153 : i32
    "tpu.region"() ({
      %run_scoped3A = tpu.sem_alloc : memref<!tpu.dma_semaphore, #tpu.memory_space<semaphore_mem>>
      %dma_start3A_206 = arith.constant 0 : i32
      %dma_start3A_207 = tpu.memref_slice %arg8[%add3A_154, %dma_start3A_206] : memref<10000x128xf32, #tpu.memory_space<vmem_shared>> -> memref<16x128xf32, #tpu.memory_space<vmem_shared>>
      %dma_start3A_208 = arith.constant 0 : i32
      %dma_start3A_209 = tpu.memref_slice %arg8[%add3A_154, %dma_start3A_208] : memref<10000x128xf32, #tpu.memory_space<vmem_shared>> -> memref<16x128xf32, #tpu.memory_space<vmem_shared>>
      tpu.enqueue_dma source(%arg9 : memref<16x128xf32, #tpu.memory_space<vmem>>) target(%dma_start3A_209 : memref<16x128xf32, #tpu.memory_space<vmem_shared>>) target_semaphore(%run_scoped3A : memref<!tpu.dma_semaphore, #tpu.memory_space<semaphore_mem>>)
      %dma_wait3A_210 = arith.constant 0 : i32
      %dma_wait3A_211 = tpu.memref_slice %arg8[%add3A_154, %dma_wait3A_210] : memref<10000x128xf32, #tpu.memory_space<vmem_shared>> -> memref<16x128xf32, #tpu.memory_space<vmem_shared>>
      %dma_wait3A_212 = arith.constant 0 : i32
      %dma_wait3A_213 = tpu.memref_slice %arg8[%add3A_154, %dma_wait3A_212] : memref<10000x128xf32, #tpu.memory_space<vmem_shared>> -> memref<16x128xf32, #tpu.memory_space<vmem_shared>>
      tpu.wait_dma2 semaphore(%run_scoped3A : memref<!tpu.dma_semaphore, #tpu.memory_space<semaphore_mem>>) src(%arg9 : memref<16x128xf32, #tpu.memory_space<vmem>>) dst(%dma_wait3A_213 : memref<16x128xf32, #tpu.memory_space<vmem_shared>>)
      tpu.yield
    }) : () -> ()
    %mul3A_155 = arith.constant 624 : i32
    %mul3A_156 = arith.muli %arg1, %mul3A_155 : i32
    %add3A_157 = arith.constant 560 : i32
    %add3A_158 = arith.addi %mul3A_156, %add3A_157 : i32
    "tpu.region"() ({
      %run_scoped3A = tpu.sem_alloc : memref<!tpu.dma_semaphore, #tpu.memory_space<semaphore_mem>>
      %dma_start3A_206 = arith.constant 0 : i32
      %dma_start3A_207 = tpu.memref_slice %arg8[%add3A_158, %dma_start3A_206] : memref<10000x128xf32, #tpu.memory_space<vmem_shared>> -> memref<16x128xf32, #tpu.memory_space<vmem_shared>>
      %dma_start3A_208 = arith.constant 0 : i32
      %dma_start3A_209 = tpu.memref_slice %arg8[%add3A_158, %dma_start3A_208] : memref<10000x128xf32, #tpu.memory_space<vmem_shared>> -> memref<16x128xf32, #tpu.memory_space<vmem_shared>>
      tpu.enqueue_dma source(%arg9 : memref<16x128xf32, #tpu.memory_space<vmem>>) target(%dma_start3A_209 : memref<16x128xf32, #tpu.memory_space<vmem_shared>>) target_semaphore(%run_scoped3A : memref<!tpu.dma_semaphore, #tpu.memory_space<semaphore_mem>>)
      %dma_wait3A_210 = arith.constant 0 : i32
      %dma_wait3A_211 = tpu.memref_slice %arg8[%add3A_158, %dma_wait3A_210] : memref<10000x128xf32, #tpu.memory_space<vmem_shared>> -> memref<16x128xf32, #tpu.memory_space<vmem_shared>>
      %dma_wait3A_212 = arith.constant 0 : i32
      %dma_wait3A_213 = tpu.memref_slice %arg8[%add3A_158, %dma_wait3A_212] : memref<10000x128xf32, #tpu.memory_space<vmem_shared>> -> memref<16x128xf32, #tpu.memory_space<vmem_shared>>
      tpu.wait_dma2 semaphore(%run_scoped3A : memref<!tpu.dma_semaphore, #tpu.memory_space<semaphore_mem>>) src(%arg9 : memref<16x128xf32, #tpu.memory_space<vmem>>) dst(%dma_wait3A_213 : memref<16x128xf32, #tpu.memory_space<vmem_shared>>)
      tpu.yield
    }) : () -> ()
    %mul3A_159 = arith.constant 624 : i32
    %mul3A_160 = arith.muli %arg1, %mul3A_159 : i32
    %add3A_161 = arith.constant 576 : i32
    %add3A_162 = arith.addi %mul3A_160, %add3A_161 : i32
    "tpu.region"() ({
      %run_scoped3A = tpu.sem_alloc : memref<!tpu.dma_semaphore, #tpu.memory_space<semaphore_mem>>
      %dma_start3A_206 = arith.constant 0 : i32
      %dma_start3A_207 = tpu.memref_slice %arg8[%add3A_162, %dma_start3A_206] : memref<10000x128xf32, #tpu.memory_space<vmem_shared>> -> memref<16x128xf32, #tpu.memory_space<vmem_shared>>
      %dma_start3A_208 = arith.constant 0 : i32
      %dma_start3A_209 = tpu.memref_slice %arg8[%add3A_162, %dma_start3A_208] : memref<10000x128xf32, #tpu.memory_space<vmem_shared>> -> memref<16x128xf32, #tpu.memory_space<vmem_shared>>
      tpu.enqueue_dma source(%arg9 : memref<16x128xf32, #tpu.memory_space<vmem>>) target(%dma_start3A_209 : memref<16x128xf32, #tpu.memory_space<vmem_shared>>) target_semaphore(%run_scoped3A : memref<!tpu.dma_semaphore, #tpu.memory_space<semaphore_mem>>)
      %dma_wait3A_210 = arith.constant 0 : i32
      %dma_wait3A_211 = tpu.memref_slice %arg8[%add3A_162, %dma_wait3A_210] : memref<10000x128xf32, #tpu.memory_space<vmem_shared>> -> memref<16x128xf32, #tpu.memory_space<vmem_shared>>
      %dma_wait3A_212 = arith.constant 0 : i32
      %dma_wait3A_213 = tpu.memref_slice %arg8[%add3A_162, %dma_wait3A_212] : memref<10000x128xf32, #tpu.memory_space<vmem_shared>> -> memref<16x128xf32, #tpu.memory_space<vmem_shared>>
      tpu.wait_dma2 semaphore(%run_scoped3A : memref<!tpu.dma_semaphore, #tpu.memory_space<semaphore_mem>>) src(%arg9 : memref<16x128xf32, #tpu.memory_space<vmem>>) dst(%dma_wait3A_213 : memref<16x128xf32, #tpu.memory_space<vmem_shared>>)
      tpu.yield
    }) : () -> ()
    %mul3A_163 = arith.constant 624 : i32
    %mul3A_164 = arith.muli %arg1, %mul3A_163 : i32
    %add3A_165 = arith.constant 592 : i32
    %add3A_166 = arith.addi %mul3A_164, %add3A_165 : i32
    "tpu.region"() ({
      %run_scoped3A = tpu.sem_alloc : memref<!tpu.dma_semaphore, #tpu.memory_space<semaphore_mem>>
      %dma_start3A_206 = arith.constant 0 : i32
      %dma_start3A_207 = tpu.memref_slice %arg8[%add3A_166, %dma_start3A_206] : memref<10000x128xf32, #tpu.memory_space<vmem_shared>> -> memref<16x128xf32, #tpu.memory_space<vmem_shared>>
      %dma_start3A_208 = arith.constant 0 : i32
      %dma_start3A_209 = tpu.memref_slice %arg8[%add3A_166, %dma_start3A_208] : memref<10000x128xf32, #tpu.memory_space<vmem_shared>> -> memref<16x128xf32, #tpu.memory_space<vmem_shared>>
      tpu.enqueue_dma source(%arg9 : memref<16x128xf32, #tpu.memory_space<vmem>>) target(%dma_start3A_209 : memref<16x128xf32, #tpu.memory_space<vmem_shared>>) target_semaphore(%run_scoped3A : memref<!tpu.dma_semaphore, #tpu.memory_space<semaphore_mem>>)
      %dma_wait3A_210 = arith.constant 0 : i32
      %dma_wait3A_211 = tpu.memref_slice %arg8[%add3A_166, %dma_wait3A_210] : memref<10000x128xf32, #tpu.memory_space<vmem_shared>> -> memref<16x128xf32, #tpu.memory_space<vmem_shared>>
      %dma_wait3A_212 = arith.constant 0 : i32
      %dma_wait3A_213 = tpu.memref_slice %arg8[%add3A_166, %dma_wait3A_212] : memref<10000x128xf32, #tpu.memory_space<vmem_shared>> -> memref<16x128xf32, #tpu.memory_space<vmem_shared>>
      tpu.wait_dma2 semaphore(%run_scoped3A : memref<!tpu.dma_semaphore, #tpu.memory_space<semaphore_mem>>) src(%arg9 : memref<16x128xf32, #tpu.memory_space<vmem>>) dst(%dma_wait3A_213 : memref<16x128xf32, #tpu.memory_space<vmem_shared>>)
      tpu.yield
    }) : () -> ()
    %mul3A_167 = arith.constant 624 : i32
    %mul3A_168 = arith.muli %arg1, %mul3A_167 : i32
    %add3A_169 = arith.constant 608 : i32
    %add3A_170 = arith.addi %mul3A_168, %add3A_169 : i32
    "tpu.region"() ({
      %run_scoped3A = tpu.sem_alloc : memref<!tpu.dma_semaphore, #tpu.memory_space<semaphore_mem>>
      %dma_start3A_206 = arith.constant 0 : i32
      %dma_start3A_207 = tpu.memref_slice %arg8[%add3A_170, %dma_start3A_206] : memref<10000x128xf32, #tpu.memory_space<vmem_shared>> -> memref<16x128xf32, #tpu.memory_space<vmem_shared>>
      %dma_start3A_208 = arith.constant 0 : i32
      %dma_start3A_209 = tpu.memref_slice %arg8[%add3A_170, %dma_start3A_208] : memref<10000x128xf32, #tpu.memory_space<vmem_shared>> -> memref<16x128xf32, #tpu.memory_space<vmem_shared>>
      tpu.enqueue_dma source(%arg9 : memref<16x128xf32, #tpu.memory_space<vmem>>) target(%dma_start3A_209 : memref<16x128xf32, #tpu.memory_space<vmem_shared>>) target_semaphore(%run_scoped3A : memref<!tpu.dma_semaphore, #tpu.memory_space<semaphore_mem>>)
      %dma_wait3A_210 = arith.constant 0 : i32
      %dma_wait3A_211 = tpu.memref_slice %arg8[%add3A_170, %dma_wait3A_210] : memref<10000x128xf32, #tpu.memory_space<vmem_shared>> -> memref<16x128xf32, #tpu.memory_space<vmem_shared>>
      %dma_wait3A_212 = arith.constant 0 : i32
      %dma_wait3A_213 = tpu.memref_slice %arg8[%add3A_170, %dma_wait3A_212] : memref<10000x128xf32, #tpu.memory_space<vmem_shared>> -> memref<16x128xf32, #tpu.memory_space<vmem_shared>>
      tpu.wait_dma2 semaphore(%run_scoped3A : memref<!tpu.dma_semaphore, #tpu.memory_space<semaphore_mem>>) src(%arg9 : memref<16x128xf32, #tpu.memory_space<vmem>>) dst(%dma_wait3A_213 : memref<16x128xf32, #tpu.memory_space<vmem_shared>>)
      tpu.yield
    }) : () -> ()
    %mul3A_171 = arith.constant 624 : i32
    %mul3A_172 = arith.muli %arg1, %mul3A_171 : i32
    %add3A_173 = arith.constant 624 : i32
    %add3A_174 = arith.addi %mul3A_172, %add3A_173 : i32
    "tpu.region"() ({
      %run_scoped3A = tpu.sem_alloc : memref<!tpu.dma_semaphore, #tpu.memory_space<semaphore_mem>>
      %dma_start3A_206 = arith.constant 0 : i32
      %dma_start3A_207 = tpu.memref_slice %arg8[%add3A_174, %dma_start3A_206] : memref<10000x128xf32, #tpu.memory_space<vmem_shared>> -> memref<16x128xf32, #tpu.memory_space<vmem_shared>>
      %dma_start3A_208 = arith.constant 0 : i32
      %dma_start3A_209 = tpu.memref_slice %arg8[%add3A_174, %dma_start3A_208] : memref<10000x128xf32, #tpu.memory_space<vmem_shared>> -> memref<16x128xf32, #tpu.memory_space<vmem_shared>>
      tpu.enqueue_dma source(%arg9 : memref<16x128xf32, #tpu.memory_space<vmem>>) target(%dma_start3A_209 : memref<16x128xf32, #tpu.memory_space<vmem_shared>>) target_semaphore(%run_scoped3A : memref<!tpu.dma_semaphore, #tpu.memory_space<semaphore_mem>>)
      %dma_wait3A_210 = arith.constant 0 : i32
      %dma_wait3A_211 = tpu.memref_slice %arg8[%add3A_174, %dma_wait3A_210] : memref<10000x128xf32, #tpu.memory_space<vmem_shared>> -> memref<16x128xf32, #tpu.memory_space<vmem_shared>>
      %dma_wait3A_212 = arith.constant 0 : i32
      %dma_wait3A_213 = tpu.memref_slice %arg8[%add3A_174, %dma_wait3A_212] : memref<10000x128xf32, #tpu.memory_space<vmem_shared>> -> memref<16x128xf32, #tpu.memory_space<vmem_shared>>
      tpu.wait_dma2 semaphore(%run_scoped3A : memref<!tpu.dma_semaphore, #tpu.memory_space<semaphore_mem>>) src(%arg9 : memref<16x128xf32, #tpu.memory_space<vmem>>) dst(%dma_wait3A_213 : memref<16x128xf32, #tpu.memory_space<vmem_shared>>)
      tpu.yield
    }) : () -> ()
    %dma_wait3A = arith.constant 0 : i32
    %dma_wait3A_175 = tpu.memref_slice %arg4[%dma_wait3A] : memref<160000xi32, #tpu.memory_space<hbm>> -> memref<10000xi32, #tpu.memory_space<hbm>>
    %dma_wait3A_176 = arith.constant 0 : i32
    %dma_wait3A_177 = tpu.memref_slice %arg4[%dma_wait3A_176] : memref<160000xi32, #tpu.memory_space<hbm>> -> memref<10000xi32, #tpu.memory_space<hbm>>
    tpu.wait_dma2 semaphore(%arg14 : memref<!tpu.dma_semaphore, #tpu.memory_space<semaphore_mem>>) src(%dma_wait3A_177 : memref<10000xi32, #tpu.memory_space<hbm>>) dst(%arg10 : memref<10000xi32, #tpu.memory_space<vmem>>)
    %dma_wait3A_178 = arith.constant 0 : i32
    %dma_wait3A_179 = arith.constant 0 : i32
    %dma_wait3A_180 = arith.constant 0 : i32
    %dma_wait3A_181 = tpu.memref_slice %arg5[%dma_wait3A_178, %dma_wait3A_179, %dma_wait3A_180] : memref<2000x1x80xi32, #tpu.memory_space<hbm>> -> memref<125x1x80xi32, #tpu.memory_space<hbm>>
    %dma_wait3A_182 = arith.constant 0 : i32
    %dma_wait3A_183 = arith.constant 0 : i32
    %dma_wait3A_184 = arith.constant 0 : i32
    %dma_wait3A_185 = tpu.memref_slice %arg5[%dma_wait3A_182, %dma_wait3A_183, %dma_wait3A_184] : memref<2000x1x80xi32, #tpu.memory_space<hbm>> -> memref<125x1x80xi32, #tpu.memory_space<hbm>>
    tpu.wait_dma2 semaphore(%arg14 : memref<!tpu.dma_semaphore, #tpu.memory_space<semaphore_mem>>) src(%dma_wait3A_185 : memref<125x1x80xi32, #tpu.memory_space<hbm>>) dst(%arg11 : memref<125x1x80xi32, #tpu.memory_space<vmem>>)
    %barrier3A = arith.constant 0 : index
    tpu.barrier barrier_id(%barrier3A)
    %eq3A = arith.constant 0 : i32
    %eq3A_186 = arith.cmpi eq, %arg0, %eq3A : i32
    %convert_element_type3A = arith.extui %eq3A_186 : i1 to i32
    %cond3A = arith.constant 0 : i32
    %cond3A_187 = arith.cmpi ne, %convert_element_type3A, %cond3A : i32
    scf.if %cond3A_187 {
      %dma_start3A_206 = arith.constant 0 : i32
      %dma_start3A_207 = tpu.memref_slice %arg10[%dma_start3A_206] : memref<10000xi32, #tpu.memory_space<vmem>> -> memref<80xi32, #tpu.memory_space<vmem>>
      %dma_start3A_208 = arith.constant 0 : i32
      %dma_start3A_209 = arith.constant 0 : i32
      %dma_start3A_210 = tpu.memref_slice %arg2[%dma_start3A_208, %dma_start3A_209] : memref<10000x128xf32, #tpu.memory_space<hbm>> -> memref<10000x128xf32, #tpu.memory_space<hbm>>
      tpu.enqueue_indirect_dma source(%dma_start3A_210 : memref<10000x128xf32, #tpu.memory_space<hbm>>) target(%arg12 : memref<80x128xf32, #tpu.memory_space<vmem>>) offsets(%dma_start3A_207 : memref<80xi32, #tpu.memory_space<vmem>>) semaphore(%arg15 : memref<!tpu.dma_semaphore, #tpu.memory_space<semaphore_mem>>)
      %scan3A_211 = arith.constant 0 : i32
      %scan3A_212 = arith.constant 0 : i32
      %scan3A_213 = arith.constant 62 : i32
      %scan3A_214 = arith.addi %scan3A_212, %scan3A_213 : i32
      %scan3A_215 = arith.constant 1 : i32
      scf.for %scan3A_238 = %scan3A_212 to %scan3A_214 step %scan3A_215  : i32 {
        %mul3A_239 = arith.constant 2 : i32
        %mul3A_240 = arith.muli %mul3A_239, %scan3A_238 : i32
        %dma_wait3A_241 = arith.constant 0 : i32
        %dma_wait3A_242 = tpu.memref_slice %arg10[%dma_wait3A_241] : memref<10000xi32, #tpu.memory_space<vmem>> -> memref<80xi32, #tpu.memory_space<vmem>>
        %dma_wait3A_243 = arith.constant 0 : i32
        %dma_wait3A_244 = arith.constant 0 : i32
        %dma_wait3A_245 = tpu.memref_slice %arg2[%dma_wait3A_243, %dma_wait3A_244] : memref<10000x128xf32, #tpu.memory_space<hbm>> -> memref<10000x128xf32, #tpu.memory_space<hbm>>
        tpu.wait_indirect_dma semaphore(%arg15 : memref<!tpu.dma_semaphore, #tpu.memory_space<semaphore_mem>>) src(%dma_wait3A_245 : memref<10000x128xf32, #tpu.memory_space<hbm>>) dst(%arg12 : memref<80x128xf32, #tpu.memory_space<vmem>>)
        %add3A_246 = arith.constant 1 : i32
        %add3A_247 = arith.addi %mul3A_240, %add3A_246 : i32
        %mul3A_248 = arith.constant 80 : i32
        %mul3A_249 = arith.muli %add3A_247, %mul3A_248 : i32
        %dma_start3A_250 = tpu.memref_slice %arg10[%mul3A_249] : memref<10000xi32, #tpu.memory_space<vmem>> -> memref<80xi32, #tpu.memory_space<vmem>>
        %dma_start3A_251 = arith.constant 0 : i32
        %dma_start3A_252 = arith.constant 0 : i32
        %dma_start3A_253 = tpu.memref_slice %arg2[%dma_start3A_251, %dma_start3A_252] : memref<10000x128xf32, #tpu.memory_space<hbm>> -> memref<10000x128xf32, #tpu.memory_space<hbm>>
        tpu.enqueue_indirect_dma source(%dma_start3A_253 : memref<10000x128xf32, #tpu.memory_space<hbm>>) target(%arg13 : memref<80x128xf32, #tpu.memory_space<vmem>>) offsets(%dma_start3A_250 : memref<80xi32, #tpu.memory_space<vmem>>) semaphore(%arg16 : memref<!tpu.dma_semaphore, #tpu.memory_space<semaphore_mem>>)
        %dma_start3A_254 = arith.constant 0 : i32
        %dma_start3A_255 = arith.constant 0 : i32
        %dma_start3A_256 = tpu.memref_slice %arg11[%mul3A_240, %dma_start3A_254, %dma_start3A_255] : memref<125x1x80xi32, #tpu.memory_space<vmem>> -> memref<1x1x80xi32, #tpu.memory_space<vmem>>
        %dma_start3A_257 = tpu.memref_squeeze %dma_start3A_256 : memref<1x1x80xi32, #tpu.memory_space<vmem>> -> memref<80xi32, #tpu.memory_space<vmem>>
        %dma_start3A_258 = arith.constant 0 : i32
        %dma_start3A_259 = arith.constant 0 : i32
        %dma_start3A_260 = tpu.memref_slice %arg8[%dma_start3A_258, %dma_start3A_259] : memref<10000x128xf32, #tpu.memory_space<vmem_shared>> -> memref<10000x128xf32, #tpu.memory_space<vmem_shared>>
        tpu.enqueue_indirect_dma source(%arg12 : memref<80x128xf32, #tpu.memory_space<vmem>>) target(%dma_start3A_260 : memref<10000x128xf32, #tpu.memory_space<vmem_shared>>) offsets(%dma_start3A_257 : memref<80xi32, #tpu.memory_space<vmem>>) semaphore(%arg17 : memref<!tpu.dma_semaphore, #tpu.memory_space<semaphore_mem>>) {add = true}
        %dma_wait3A_261 = arith.constant 0 : i32
        %dma_wait3A_262 = tpu.memref_slice %arg10[%dma_wait3A_261] : memref<10000xi32, #tpu.memory_space<vmem>> -> memref<80xi32, #tpu.memory_space<vmem>>
        %dma_wait3A_263 = arith.constant 0 : i32
        %dma_wait3A_264 = arith.constant 0 : i32
        %dma_wait3A_265 = tpu.memref_slice %arg2[%dma_wait3A_263, %dma_wait3A_264] : memref<10000x128xf32, #tpu.memory_space<hbm>> -> memref<10000x128xf32, #tpu.memory_space<hbm>>
        tpu.wait_indirect_dma semaphore(%arg16 : memref<!tpu.dma_semaphore, #tpu.memory_space<semaphore_mem>>) src(%dma_wait3A_265 : memref<10000x128xf32, #tpu.memory_space<hbm>>) dst(%arg13 : memref<80x128xf32, #tpu.memory_space<vmem>>)
        %dma_wait3A_266 = arith.constant 0 : i32
        %dma_wait3A_267 = arith.constant 0 : i32
        %dma_wait3A_268 = arith.constant 0 : i32
        %dma_wait3A_269 = tpu.memref_slice %arg11[%dma_wait3A_266, %dma_wait3A_267, %dma_wait3A_268] : memref<125x1x80xi32, #tpu.memory_space<vmem>> -> memref<1x1x80xi32, #tpu.memory_space<vmem>>
        %dma_wait3A_270 = tpu.memref_squeeze %dma_wait3A_269 : memref<1x1x80xi32, #tpu.memory_space<vmem>> -> memref<80xi32, #tpu.memory_space<vmem>>
        %dma_wait3A_271 = arith.constant 0 : i32
        %dma_wait3A_272 = arith.constant 0 : i32
        %dma_wait3A_273 = tpu.memref_slice %arg8[%dma_wait3A_271, %dma_wait3A_272] : memref<10000x128xf32, #tpu.memory_space<vmem_shared>> -> memref<10000x128xf32, #tpu.memory_space<vmem_shared>>
        tpu.wait_indirect_dma semaphore(%arg17 : memref<!tpu.dma_semaphore, #tpu.memory_space<semaphore_mem>>) src(%arg12 : memref<80x128xf32, #tpu.memory_space<vmem>>) dst(%dma_wait3A_273 : memref<10000x128xf32, #tpu.memory_space<vmem_shared>>)
        %add3A_274 = arith.constant 2 : i32
        %add3A_275 = arith.addi %mul3A_240, %add3A_274 : i32
        %mul3A_276 = arith.constant 80 : i32
        %mul3A_277 = arith.muli %add3A_275, %mul3A_276 : i32
        %dma_start3A_278 = tpu.memref_slice %arg10[%mul3A_277] : memref<10000xi32, #tpu.memory_space<vmem>> -> memref<80xi32, #tpu.memory_space<vmem>>
        %dma_start3A_279 = arith.constant 0 : i32
        %dma_start3A_280 = arith.constant 0 : i32
        %dma_start3A_281 = tpu.memref_slice %arg2[%dma_start3A_279, %dma_start3A_280] : memref<10000x128xf32, #tpu.memory_space<hbm>> -> memref<10000x128xf32, #tpu.memory_space<hbm>>
        tpu.enqueue_indirect_dma source(%dma_start3A_281 : memref<10000x128xf32, #tpu.memory_space<hbm>>) target(%arg12 : memref<80x128xf32, #tpu.memory_space<vmem>>) offsets(%dma_start3A_278 : memref<80xi32, #tpu.memory_space<vmem>>) semaphore(%arg15 : memref<!tpu.dma_semaphore, #tpu.memory_space<semaphore_mem>>)
        %add3A_282 = arith.constant 1 : i32
        %add3A_283 = arith.addi %mul3A_240, %add3A_282 : i32
        %dma_start3A_284 = arith.constant 0 : i32
        %dma_start3A_285 = arith.constant 0 : i32
        %dma_start3A_286 = tpu.memref_slice %arg11[%add3A_283, %dma_start3A_284, %dma_start3A_285] : memref<125x1x80xi32, #tpu.memory_space<vmem>> -> memref<1x1x80xi32, #tpu.memory_space<vmem>>
        %dma_start3A_287 = tpu.memref_squeeze %dma_start3A_286 : memref<1x1x80xi32, #tpu.memory_space<vmem>> -> memref<80xi32, #tpu.memory_space<vmem>>
        %dma_start3A_288 = arith.constant 0 : i32
        %dma_start3A_289 = arith.constant 0 : i32
        %dma_start3A_290 = tpu.memref_slice %arg8[%dma_start3A_288, %dma_start3A_289] : memref<10000x128xf32, #tpu.memory_space<vmem_shared>> -> memref<10000x128xf32, #tpu.memory_space<vmem_shared>>
        tpu.enqueue_indirect_dma source(%arg13 : memref<80x128xf32, #tpu.memory_space<vmem>>) target(%dma_start3A_290 : memref<10000x128xf32, #tpu.memory_space<vmem_shared>>) offsets(%dma_start3A_287 : memref<80xi32, #tpu.memory_space<vmem>>) semaphore(%arg18 : memref<!tpu.dma_semaphore, #tpu.memory_space<semaphore_mem>>) {add = true}
        %dma_wait3A_291 = arith.constant 0 : i32
        %dma_wait3A_292 = arith.constant 0 : i32
        %dma_wait3A_293 = arith.constant 0 : i32
        %dma_wait3A_294 = tpu.memref_slice %arg11[%dma_wait3A_291, %dma_wait3A_292, %dma_wait3A_293] : memref<125x1x80xi32, #tpu.memory_space<vmem>> -> memref<1x1x80xi32, #tpu.memory_space<vmem>>
        %dma_wait3A_295 = tpu.memref_squeeze %dma_wait3A_294 : memref<1x1x80xi32, #tpu.memory_space<vmem>> -> memref<80xi32, #tpu.memory_space<vmem>>
        %dma_wait3A_296 = arith.constant 0 : i32
        %dma_wait3A_297 = arith.constant 0 : i32
        %dma_wait3A_298 = tpu.memref_slice %arg8[%dma_wait3A_296, %dma_wait3A_297] : memref<10000x128xf32, #tpu.memory_space<vmem_shared>> -> memref<10000x128xf32, #tpu.memory_space<vmem_shared>>
        tpu.wait_indirect_dma semaphore(%arg18 : memref<!tpu.dma_semaphore, #tpu.memory_space<semaphore_mem>>) src(%arg13 : memref<80x128xf32, #tpu.memory_space<vmem>>) dst(%dma_wait3A_298 : memref<10000x128xf32, #tpu.memory_space<vmem_shared>>)
      }
      %scan3A_216 = arith.constant 62 : i32
      %dma_wait3A_217 = arith.constant 0 : i32
      %dma_wait3A_218 = tpu.memref_slice %arg10[%dma_wait3A_217] : memref<10000xi32, #tpu.memory_space<vmem>> -> memref<80xi32, #tpu.memory_space<vmem>>
      %dma_wait3A_219 = arith.constant 0 : i32
      %dma_wait3A_220 = arith.constant 0 : i32
      %dma_wait3A_221 = tpu.memref_slice %arg2[%dma_wait3A_219, %dma_wait3A_220] : memref<10000x128xf32, #tpu.memory_space<hbm>> -> memref<10000x128xf32, #tpu.memory_space<hbm>>
      tpu.wait_indirect_dma semaphore(%arg15 : memref<!tpu.dma_semaphore, #tpu.memory_space<semaphore_mem>>) src(%dma_wait3A_221 : memref<10000x128xf32, #tpu.memory_space<hbm>>) dst(%arg12 : memref<80x128xf32, #tpu.memory_space<vmem>>)
      %dma_start3A_222 = arith.constant 124 : i32
      %dma_start3A_223 = arith.constant 0 : i32
      %dma_start3A_224 = arith.constant 0 : i32
      %dma_start3A_225 = tpu.memref_slice %arg11[%dma_start3A_222, %dma_start3A_223, %dma_start3A_224] : memref<125x1x80xi32, #tpu.memory_space<vmem>> -> memref<1x1x80xi32, #tpu.memory_space<vmem>>
      %dma_start3A_226 = tpu.memref_squeeze %dma_start3A_225 : memref<1x1x80xi32, #tpu.memory_space<vmem>> -> memref<80xi32, #tpu.memory_space<vmem>>
      %dma_start3A_227 = arith.constant 0 : i32
      %dma_start3A_228 = arith.constant 0 : i32
      %dma_start3A_229 = tpu.memref_slice %arg8[%dma_start3A_227, %dma_start3A_228] : memref<10000x128xf32, #tpu.memory_space<vmem_shared>> -> memref<10000x128xf32, #tpu.memory_space<vmem_shared>>
      tpu.enqueue_indirect_dma source(%arg12 : memref<80x128xf32, #tpu.memory_space<vmem>>) target(%dma_start3A_229 : memref<10000x128xf32, #tpu.memory_space<vmem_shared>>) offsets(%dma_start3A_226 : memref<80xi32, #tpu.memory_space<vmem>>) semaphore(%arg17 : memref<!tpu.dma_semaphore, #tpu.memory_space<semaphore_mem>>) {add = true}
      %dma_wait3A_230 = arith.constant 0 : i32
      %dma_wait3A_231 = arith.constant 0 : i32
      %dma_wait3A_232 = arith.constant 0 : i32
      %dma_wait3A_233 = tpu.memref_slice %arg11[%dma_wait3A_230, %dma_wait3A_231, %dma_wait3A_232] : memref<125x1x80xi32, #tpu.memory_space<vmem>> -> memref<1x1x80xi32, #tpu.memory_space<vmem>>
      %dma_wait3A_234 = tpu.memref_squeeze %dma_wait3A_233 : memref<1x1x80xi32, #tpu.memory_space<vmem>> -> memref<80xi32, #tpu.memory_space<vmem>>
      %dma_wait3A_235 = arith.constant 0 : i32
      %dma_wait3A_236 = arith.constant 0 : i32
      %dma_wait3A_237 = tpu.memref_slice %arg8[%dma_wait3A_235, %dma_wait3A_236] : memref<10000x128xf32, #tpu.memory_space<vmem_shared>> -> memref<10000x128xf32, #tpu.memory_space<vmem_shared>>
      tpu.wait_indirect_dma semaphore(%arg17 : memref<!tpu.dma_semaphore, #tpu.memory_space<semaphore_mem>>) src(%arg12 : memref<80x128xf32, #tpu.memory_space<vmem>>) dst(%dma_wait3A_237 : memref<10000x128xf32, #tpu.memory_space<vmem_shared>>)
    } else {
    }
    %eq3A_188 = arith.constant 1 : i32
    %eq3A_189 = arith.cmpi eq, %arg0, %eq3A_188 : i32
    %convert_element_type3A_190 = arith.extui %eq3A_189 : i1 to i32
    %cond3A_191 = arith.constant 0 : i32
    %cond3A_192 = arith.cmpi ne, %convert_element_type3A_190, %cond3A_191 : i32
    scf.if %cond3A_192 {
      %dma_start3A_206 = arith.constant 0 : i32
      %dma_start3A_207 = tpu.memref_slice %arg10[%dma_start3A_206] : memref<10000xi32, #tpu.memory_space<vmem>> -> memref<80xi32, #tpu.memory_space<vmem>>
      %dma_start3A_208 = arith.constant 0 : i32
      %dma_start3A_209 = arith.constant 0 : i32
      %dma_start3A_210 = tpu.memref_slice %arg3[%dma_start3A_208, %dma_start3A_209] : memref<10000x128xf32, #tpu.memory_space<hbm>> -> memref<10000x128xf32, #tpu.memory_space<hbm>>
      tpu.enqueue_indirect_dma source(%dma_start3A_210 : memref<10000x128xf32, #tpu.memory_space<hbm>>) target(%arg12 : memref<80x128xf32, #tpu.memory_space<vmem>>) offsets(%dma_start3A_207 : memref<80xi32, #tpu.memory_space<vmem>>) semaphore(%arg15 : memref<!tpu.dma_semaphore, #tpu.memory_space<semaphore_mem>>)
      %scan3A_211 = arith.constant 0 : i32
      %scan3A_212 = arith.constant 0 : i32
      %scan3A_213 = arith.constant 62 : i32
      %scan3A_214 = arith.addi %scan3A_212, %scan3A_213 : i32
      %scan3A_215 = arith.constant 1 : i32
      scf.for %scan3A_238 = %scan3A_212 to %scan3A_214 step %scan3A_215  : i32 {
        %mul3A_239 = arith.constant 2 : i32
        %mul3A_240 = arith.muli %mul3A_239, %scan3A_238 : i32
        %dma_wait3A_241 = arith.constant 0 : i32
        %dma_wait3A_242 = tpu.memref_slice %arg10[%dma_wait3A_241] : memref<10000xi32, #tpu.memory_space<vmem>> -> memref<80xi32, #tpu.memory_space<vmem>>
        %dma_wait3A_243 = arith.constant 0 : i32
        %dma_wait3A_244 = arith.constant 0 : i32
        %dma_wait3A_245 = tpu.memref_slice %arg3[%dma_wait3A_243, %dma_wait3A_244] : memref<10000x128xf32, #tpu.memory_space<hbm>> -> memref<10000x128xf32, #tpu.memory_space<hbm>>
        tpu.wait_indirect_dma semaphore(%arg15 : memref<!tpu.dma_semaphore, #tpu.memory_space<semaphore_mem>>) src(%dma_wait3A_245 : memref<10000x128xf32, #tpu.memory_space<hbm>>) dst(%arg12 : memref<80x128xf32, #tpu.memory_space<vmem>>)
        %add3A_246 = arith.constant 1 : i32
        %add3A_247 = arith.addi %mul3A_240, %add3A_246 : i32
        %mul3A_248 = arith.constant 80 : i32
        %mul3A_249 = arith.muli %add3A_247, %mul3A_248 : i32
        %dma_start3A_250 = tpu.memref_slice %arg10[%mul3A_249] : memref<10000xi32, #tpu.memory_space<vmem>> -> memref<80xi32, #tpu.memory_space<vmem>>
        %dma_start3A_251 = arith.constant 0 : i32
        %dma_start3A_252 = arith.constant 0 : i32
        %dma_start3A_253 = tpu.memref_slice %arg3[%dma_start3A_251, %dma_start3A_252] : memref<10000x128xf32, #tpu.memory_space<hbm>> -> memref<10000x128xf32, #tpu.memory_space<hbm>>
        tpu.enqueue_indirect_dma source(%dma_start3A_253 : memref<10000x128xf32, #tpu.memory_space<hbm>>) target(%arg13 : memref<80x128xf32, #tpu.memory_space<vmem>>) offsets(%dma_start3A_250 : memref<80xi32, #tpu.memory_space<vmem>>) semaphore(%arg16 : memref<!tpu.dma_semaphore, #tpu.memory_space<semaphore_mem>>)
        %dma_start3A_254 = arith.constant 0 : i32
        %dma_start3A_255 = arith.constant 0 : i32
        %dma_start3A_256 = tpu.memref_slice %arg11[%mul3A_240, %dma_start3A_254, %dma_start3A_255] : memref<125x1x80xi32, #tpu.memory_space<vmem>> -> memref<1x1x80xi32, #tpu.memory_space<vmem>>
        %dma_start3A_257 = tpu.memref_squeeze %dma_start3A_256 : memref<1x1x80xi32, #tpu.memory_space<vmem>> -> memref<80xi32, #tpu.memory_space<vmem>>
        %dma_start3A_258 = arith.constant 0 : i32
        %dma_start3A_259 = arith.constant 0 : i32
        %dma_start3A_260 = tpu.memref_slice %arg8[%dma_start3A_258, %dma_start3A_259] : memref<10000x128xf32, #tpu.memory_space<vmem_shared>> -> memref<10000x128xf32, #tpu.memory_space<vmem_shared>>
        tpu.enqueue_indirect_dma source(%arg12 : memref<80x128xf32, #tpu.memory_space<vmem>>) target(%dma_start3A_260 : memref<10000x128xf32, #tpu.memory_space<vmem_shared>>) offsets(%dma_start3A_257 : memref<80xi32, #tpu.memory_space<vmem>>) semaphore(%arg17 : memref<!tpu.dma_semaphore, #tpu.memory_space<semaphore_mem>>) {add = true}
        %dma_wait3A_261 = arith.constant 0 : i32
        %dma_wait3A_262 = tpu.memref_slice %arg10[%dma_wait3A_261] : memref<10000xi32, #tpu.memory_space<vmem>> -> memref<80xi32, #tpu.memory_space<vmem>>
        %dma_wait3A_263 = arith.constant 0 : i32
        %dma_wait3A_264 = arith.constant 0 : i32
        %dma_wait3A_265 = tpu.memref_slice %arg3[%dma_wait3A_263, %dma_wait3A_264] : memref<10000x128xf32, #tpu.memory_space<hbm>> -> memref<10000x128xf32, #tpu.memory_space<hbm>>
        tpu.wait_indirect_dma semaphore(%arg16 : memref<!tpu.dma_semaphore, #tpu.memory_space<semaphore_mem>>) src(%dma_wait3A_265 : memref<10000x128xf32, #tpu.memory_space<hbm>>) dst(%arg13 : memref<80x128xf32, #tpu.memory_space<vmem>>)
        %dma_wait3A_266 = arith.constant 0 : i32
        %dma_wait3A_267 = arith.constant 0 : i32
        %dma_wait3A_268 = arith.constant 0 : i32
        %dma_wait3A_269 = tpu.memref_slice %arg11[%dma_wait3A_266, %dma_wait3A_267, %dma_wait3A_268] : memref<125x1x80xi32, #tpu.memory_space<vmem>> -> memref<1x1x80xi32, #tpu.memory_space<vmem>>
        %dma_wait3A_270 = tpu.memref_squeeze %dma_wait3A_269 : memref<1x1x80xi32, #tpu.memory_space<vmem>> -> memref<80xi32, #tpu.memory_space<vmem>>
        %dma_wait3A_271 = arith.constant 0 : i32
        %dma_wait3A_272 = arith.constant 0 : i32
        %dma_wait3A_273 = tpu.memref_slice %arg8[%dma_wait3A_271, %dma_wait3A_272] : memref<10000x128xf32, #tpu.memory_space<vmem_shared>> -> memref<10000x128xf32, #tpu.memory_space<vmem_shared>>
        tpu.wait_indirect_dma semaphore(%arg17 : memref<!tpu.dma_semaphore, #tpu.memory_space<semaphore_mem>>) src(%arg12 : memref<80x128xf32, #tpu.memory_space<vmem>>) dst(%dma_wait3A_273 : memref<10000x128xf32, #tpu.memory_space<vmem_shared>>)
        %add3A_274 = arith.constant 2 : i32
        %add3A_275 = arith.addi %mul3A_240, %add3A_274 : i32
        %mul3A_276 = arith.constant 80 : i32
        %mul3A_277 = arith.muli %add3A_275, %mul3A_276 : i32
        %dma_start3A_278 = tpu.memref_slice %arg10[%mul3A_277] : memref<10000xi32, #tpu.memory_space<vmem>> -> memref<80xi32, #tpu.memory_space<vmem>>
        %dma_start3A_279 = arith.constant 0 : i32
        %dma_start3A_280 = arith.constant 0 : i32
        %dma_start3A_281 = tpu.memref_slice %arg3[%dma_start3A_279, %dma_start3A_280] : memref<10000x128xf32, #tpu.memory_space<hbm>> -> memref<10000x128xf32, #tpu.memory_space<hbm>>
        tpu.enqueue_indirect_dma source(%dma_start3A_281 : memref<10000x128xf32, #tpu.memory_space<hbm>>) target(%arg12 : memref<80x128xf32, #tpu.memory_space<vmem>>) offsets(%dma_start3A_278 : memref<80xi32, #tpu.memory_space<vmem>>) semaphore(%arg15 : memref<!tpu.dma_semaphore, #tpu.memory_space<semaphore_mem>>)
        %add3A_282 = arith.constant 1 : i32
        %add3A_283 = arith.addi %mul3A_240, %add3A_282 : i32
        %dma_start3A_284 = arith.constant 0 : i32
        %dma_start3A_285 = arith.constant 0 : i32
        %dma_start3A_286 = tpu.memref_slice %arg11[%add3A_283, %dma_start3A_284, %dma_start3A_285] : memref<125x1x80xi32, #tpu.memory_space<vmem>> -> memref<1x1x80xi32, #tpu.memory_space<vmem>>
        %dma_start3A_287 = tpu.memref_squeeze %dma_start3A_286 : memref<1x1x80xi32, #tpu.memory_space<vmem>> -> memref<80xi32, #tpu.memory_space<vmem>>
        %dma_start3A_288 = arith.constant 0 : i32
        %dma_start3A_289 = arith.constant 0 : i32
        %dma_start3A_290 = tpu.memref_slice %arg8[%dma_start3A_288, %dma_start3A_289] : memref<10000x128xf32, #tpu.memory_space<vmem_shared>> -> memref<10000x128xf32, #tpu.memory_space<vmem_shared>>
        tpu.enqueue_indirect_dma source(%arg13 : memref<80x128xf32, #tpu.memory_space<vmem>>) target(%dma_start3A_290 : memref<10000x128xf32, #tpu.memory_space<vmem_shared>>) offsets(%dma_start3A_287 : memref<80xi32, #tpu.memory_space<vmem>>) semaphore(%arg18 : memref<!tpu.dma_semaphore, #tpu.memory_space<semaphore_mem>>) {add = true}
        %dma_wait3A_291 = arith.constant 0 : i32
        %dma_wait3A_292 = arith.constant 0 : i32
        %dma_wait3A_293 = arith.constant 0 : i32
        %dma_wait3A_294 = tpu.memref_slice %arg11[%dma_wait3A_291, %dma_wait3A_292, %dma_wait3A_293] : memref<125x1x80xi32, #tpu.memory_space<vmem>> -> memref<1x1x80xi32, #tpu.memory_space<vmem>>
        %dma_wait3A_295 = tpu.memref_squeeze %dma_wait3A_294 : memref<1x1x80xi32, #tpu.memory_space<vmem>> -> memref<80xi32, #tpu.memory_space<vmem>>
        %dma_wait3A_296 = arith.constant 0 : i32
        %dma_wait3A_297 = arith.constant 0 : i32
        %dma_wait3A_298 = tpu.memref_slice %arg8[%dma_wait3A_296, %dma_wait3A_297] : memref<10000x128xf32, #tpu.memory_space<vmem_shared>> -> memref<10000x128xf32, #tpu.memory_space<vmem_shared>>
        tpu.wait_indirect_dma semaphore(%arg18 : memref<!tpu.dma_semaphore, #tpu.memory_space<semaphore_mem>>) src(%arg13 : memref<80x128xf32, #tpu.memory_space<vmem>>) dst(%dma_wait3A_298 : memref<10000x128xf32, #tpu.memory_space<vmem_shared>>)
      }
      %scan3A_216 = arith.constant 62 : i32
      %dma_wait3A_217 = arith.constant 0 : i32
      %dma_wait3A_218 = tpu.memref_slice %arg10[%dma_wait3A_217] : memref<10000xi32, #tpu.memory_space<vmem>> -> memref<80xi32, #tpu.memory_space<vmem>>
      %dma_wait3A_219 = arith.constant 0 : i32
      %dma_wait3A_220 = arith.constant 0 : i32
      %dma_wait3A_221 = tpu.memref_slice %arg3[%dma_wait3A_219, %dma_wait3A_220] : memref<10000x128xf32, #tpu.memory_space<hbm>> -> memref<10000x128xf32, #tpu.memory_space<hbm>>
      tpu.wait_indirect_dma semaphore(%arg15 : memref<!tpu.dma_semaphore, #tpu.memory_space<semaphore_mem>>) src(%dma_wait3A_221 : memref<10000x128xf32, #tpu.memory_space<hbm>>) dst(%arg12 : memref<80x128xf32, #tpu.memory_space<vmem>>)
      %dma_start3A_222 = arith.constant 124 : i32
      %dma_start3A_223 = arith.constant 0 : i32
      %dma_start3A_224 = arith.constant 0 : i32
      %dma_start3A_225 = tpu.memref_slice %arg11[%dma_start3A_222, %dma_start3A_223, %dma_start3A_224] : memref<125x1x80xi32, #tpu.memory_space<vmem>> -> memref<1x1x80xi32, #tpu.memory_space<vmem>>
      %dma_start3A_226 = tpu.memref_squeeze %dma_start3A_225 : memref<1x1x80xi32, #tpu.memory_space<vmem>> -> memref<80xi32, #tpu.memory_space<vmem>>
      %dma_start3A_227 = arith.constant 0 : i32
      %dma_start3A_228 = arith.constant 0 : i32
      %dma_start3A_229 = tpu.memref_slice %arg8[%dma_start3A_227, %dma_start3A_228] : memref<10000x128xf32, #tpu.memory_space<vmem_shared>> -> memref<10000x128xf32, #tpu.memory_space<vmem_shared>>
      tpu.enqueue_indirect_dma source(%arg12 : memref<80x128xf32, #tpu.memory_space<vmem>>) target(%dma_start3A_229 : memref<10000x128xf32, #tpu.memory_space<vmem_shared>>) offsets(%dma_start3A_226 : memref<80xi32, #tpu.memory_space<vmem>>) semaphore(%arg17 : memref<!tpu.dma_semaphore, #tpu.memory_space<semaphore_mem>>) {add = true}
      %dma_wait3A_230 = arith.constant 0 : i32
      %dma_wait3A_231 = arith.constant 0 : i32
      %dma_wait3A_232 = arith.constant 0 : i32
      %dma_wait3A_233 = tpu.memref_slice %arg11[%dma_wait3A_230, %dma_wait3A_231, %dma_wait3A_232] : memref<125x1x80xi32, #tpu.memory_space<vmem>> -> memref<1x1x80xi32, #tpu.memory_space<vmem>>
      %dma_wait3A_234 = tpu.memref_squeeze %dma_wait3A_233 : memref<1x1x80xi32, #tpu.memory_space<vmem>> -> memref<80xi32, #tpu.memory_space<vmem>>
      %dma_wait3A_235 = arith.constant 0 : i32
      %dma_wait3A_236 = arith.constant 0 : i32
      %dma_wait3A_237 = tpu.memref_slice %arg8[%dma_wait3A_235, %dma_wait3A_236] : memref<10000x128xf32, #tpu.memory_space<vmem_shared>> -> memref<10000x128xf32, #tpu.memory_space<vmem_shared>>
      tpu.wait_indirect_dma semaphore(%arg17 : memref<!tpu.dma_semaphore, #tpu.memory_space<semaphore_mem>>) src(%arg12 : memref<80x128xf32, #tpu.memory_space<vmem>>) dst(%dma_wait3A_237 : memref<10000x128xf32, #tpu.memory_space<vmem_shared>>)
    } else {
    }
    %barrier3A_193 = arith.constant 0 : index
    tpu.barrier barrier_id(%barrier3A_193)
    %mul3A_194 = arith.constant 624 : i32
    %mul3A_195 = arith.muli %arg1, %mul3A_194 : i32
    %eq3A_196 = arith.constant 0 : i32
    %eq3A_197 = arith.cmpi eq, %arg0, %eq3A_196 : i32
    %convert_element_type3A_198 = arith.extui %eq3A_197 : i1 to i32
    %cond3A_199 = arith.constant 0 : i32
    %cond3A_200 = arith.cmpi ne, %convert_element_type3A_198, %cond3A_199 : i32
    scf.if %cond3A_200 {
      "tpu.region"() ({
        %run_scoped3A = tpu.sem_alloc : memref<!tpu.dma_semaphore, #tpu.memory_space<semaphore_mem>>
        %dma_start3A_206 = arith.constant 0 : i32
        %dma_start3A_207 = tpu.memref_slice %arg6[%mul3A_195, %dma_start3A_206] : memref<10000x128xf32, #tpu.memory_space<hbm>> -> memref<640x128xf32, #tpu.memory_space<hbm>>
        %dma_start3A_208 = arith.constant 0 : i32
        %dma_start3A_209 = tpu.memref_slice %arg8[%mul3A_195, %dma_start3A_208] : memref<10000x128xf32, #tpu.memory_space<vmem_shared>> -> memref<640x128xf32, #tpu.memory_space<vmem_shared>>
        tpu.enqueue_dma source(%dma_start3A_209 : memref<640x128xf32, #tpu.memory_space<vmem_shared>>) target(%dma_start3A_207 : memref<640x128xf32, #tpu.memory_space<hbm>>) target_semaphore(%run_scoped3A : memref<!tpu.dma_semaphore, #tpu.memory_space<semaphore_mem>>)
        %dma_wait3A_210 = arith.constant 0 : i32
        %dma_wait3A_211 = tpu.memref_slice %arg6[%mul3A_195, %dma_wait3A_210] : memref<10000x128xf32, #tpu.memory_space<hbm>> -> memref<640x128xf32, #tpu.memory_space<hbm>>
        %dma_wait3A_212 = arith.constant 0 : i32
        %dma_wait3A_213 = tpu.memref_slice %arg8[%mul3A_195, %dma_wait3A_212] : memref<10000x128xf32, #tpu.memory_space<vmem_shared>> -> memref<640x128xf32, #tpu.memory_space<vmem_shared>>
        tpu.wait_dma2 semaphore(%run_scoped3A : memref<!tpu.dma_semaphore, #tpu.memory_space<semaphore_mem>>) src(%dma_wait3A_213 : memref<640x128xf32, #tpu.memory_space<vmem_shared>>) dst(%dma_wait3A_211 : memref<640x128xf32, #tpu.memory_space<hbm>>)
        tpu.yield
      }) : () -> ()
    } else {
    }
    %eq3A_201 = arith.constant 1 : i32
    %eq3A_202 = arith.cmpi eq, %arg0, %eq3A_201 : i32
    %convert_element_type3A_203 = arith.extui %eq3A_202 : i1 to i32
    %cond3A_204 = arith.constant 0 : i32
    %cond3A_205 = arith.cmpi ne, %convert_element_type3A_203, %cond3A_204 : i32
    scf.if %cond3A_205 {
      "tpu.region"() ({
        %run_scoped3A = tpu.sem_alloc : memref<!tpu.dma_semaphore, #tpu.memory_space<semaphore_mem>>
        %dma_start3A_206 = arith.constant 0 : i32
        %dma_start3A_207 = tpu.memref_slice %arg7[%mul3A_195, %dma_start3A_206] : memref<10000x128xf32, #tpu.memory_space<hbm>> -> memref<640x128xf32, #tpu.memory_space<hbm>>
        %dma_start3A_208 = arith.constant 0 : i32
        %dma_start3A_209 = tpu.memref_slice %arg8[%mul3A_195, %dma_start3A_208] : memref<10000x128xf32, #tpu.memory_space<vmem_shared>> -> memref<640x128xf32, #tpu.memory_space<vmem_shared>>
        tpu.enqueue_dma source(%dma_start3A_209 : memref<640x128xf32, #tpu.memory_space<vmem_shared>>) target(%dma_start3A_207 : memref<640x128xf32, #tpu.memory_space<hbm>>) target_semaphore(%run_scoped3A : memref<!tpu.dma_semaphore, #tpu.memory_space<semaphore_mem>>)
        %dma_wait3A_210 = arith.constant 0 : i32
        %dma_wait3A_211 = tpu.memref_slice %arg7[%mul3A_195, %dma_wait3A_210] : memref<10000x128xf32, #tpu.memory_space<hbm>> -> memref<640x128xf32, #tpu.memory_space<hbm>>
        %dma_wait3A_212 = arith.constant 0 : i32
        %dma_wait3A_213 = tpu.memref_slice %arg8[%mul3A_195, %dma_wait3A_212] : memref<10000x128xf32, #tpu.memory_space<vmem_shared>> -> memref<640x128xf32, #tpu.memory_space<vmem_shared>>
        tpu.wait_dma2 semaphore(%run_scoped3A : memref<!tpu.dma_semaphore, #tpu.memory_space<semaphore_mem>>) src(%dma_wait3A_213 : memref<640x128xf32, #tpu.memory_space<vmem_shared>>) dst(%dma_wait3A_211 : memref<640x128xf32, #tpu.memory_space<hbm>>)
        tpu.yield
      }) : () -> ()
    } else {
    }
    return
  }
}

#map = affine_map<(d0, d1) -> (0, 0)>
#map1 = affine_map<(d0, d1) -> (0)>
#map2 = affine_map<(d0, d1) -> (0, 0, 0)>
module attributes {stable_mosaic.version = 14 : i64} {
  func.func @agg_kernel(%arg0: i32, %arg1: i32, %arg2: memref<10000x128xf32, #tpu.memory_space<hbm>>, %arg3: memref<10000x128xf32, #tpu.memory_space<hbm>>, %arg4: memref<160000xi32, #tpu.memory_space<hbm>>, %arg5: memref<2000x1x80xi32, #tpu.memory_space<hbm>>, %arg6: memref<10000x128xf32, #tpu.memory_space<hbm>>, %arg7: memref<10000x128xf32, #tpu.memory_space<hbm>>, %arg8: memref<10000x128xf32, #tpu.memory_space<vmem_shared>>, %arg9: memref<16x128xf32, #tpu.memory_space<vmem>>, %arg10: memref<10000xi32, #tpu.memory_space<vmem>>, %arg11: memref<125x1x80xi32, #tpu.memory_space<vmem>>, %arg12: memref<80x128xf32, #tpu.memory_space<vmem>>, %arg13: memref<80x128xf32, #tpu.memory_space<vmem>>, %arg14: memref<!tpu.dma_semaphore, #tpu.memory_space<semaphore_mem>>, %arg15: memref<!tpu.dma_semaphore, #tpu.memory_space<semaphore_mem>>, %arg16: memref<!tpu.dma_semaphore, #tpu.memory_space<semaphore_mem>>, %arg17: memref<!tpu.dma_semaphore, #tpu.memory_space<semaphore_mem>>, %arg18: memref<!tpu.dma_semaphore, #tpu.memory_space<semaphore_mem>>) attributes {dimension_semantics = [#tpu.dimension_semantics<core_parallel>, #tpu.dimension_semantics<subcore_parallel>], iteration_bounds = array<i64: 2, 16>, scalar_prefetch = 0 : i64, scratch_operands = 11 : i64, tpu.core_type = #tpu.core_type<sc_vector_subcore>, window_params = [{transform_indices = #map}, {transform_indices = #map}, {transform_indices = #map1}, {transform_indices = #map2}, {transform_indices = #map}, {transform_indices = #map}]} {
    %broadcast_in_dim3A = arith.constant 0.000000e+00 : f32
    %broadcast_in_dim3A_0 = vector.broadcast %broadcast_in_dim3A : f32 to vector<16xf32>
    %scan3A = arith.constant 0 : i32
    %scan3A_1 = arith.constant 0 : i32
    %scan3A_2 = arith.constant 16 : i32
    %scan3A_3 = arith.addi %scan3A_1, %scan3A_2 : i32
    %scan3A_4 = arith.constant 1 : i32
    scf.for %scan3A_206 = %scan3A_1 to %scan3A_3 step %scan3A_4  : i32 {
      %swap3A = arith.index_cast %scan3A_206 : i32 to index
      %swap3A_207 = arith.constant 0 : index
      %swap3A_208 = tpu.vector_load %arg9[%swap3A, %swap3A_207] {strides = array<i32>} : memref<16x128xf32, #tpu.memory_space<vmem>>, vector<1x16xf32>,
      %swap3A_209 = vector.shape_cast %swap3A_208 : vector<1x16xf32> to vector<16xf32>
      %swap3A_210 = vector.shape_cast %broadcast_in_dim3A_0 : vector<16xf32> to vector<1x16xf32>
      tpu.vector_store %arg9[%swap3A, %swap3A_207], %swap3A_210 {strides = array<i32>} : memref<16x128xf32, #tpu.memory_space<vmem>>, vector<1x16xf32>,
      %swap3A_211 = arith.index_cast %scan3A_206 : i32 to index
      %swap3A_212 = arith.constant 16 : index
      %swap3A_213 = tpu.vector_load %arg9[%swap3A_211, %swap3A_212] {strides = array<i32>} : memref<16x128xf32, #tpu.memory_space<vmem>>, vector<1x16xf32>,
      %swap3A_214 = vector.shape_cast %swap3A_213 : vector<1x16xf32> to vector<16xf32>
      %swap3A_215 = vector.shape_cast %broadcast_in_dim3A_0 : vector<16xf32> to vector<1x16xf32>
      tpu.vector_store %arg9[%swap3A_211, %swap3A_212], %swap3A_215 {strides = array<i32>} : memref<16x128xf32, #tpu.memory_space<vmem>>, vector<1x16xf32>,
      %swap3A_216 = arith.index_cast %scan3A_206 : i32 to index
      %swap3A_217 = arith.constant 32 : index
      %swap3A_218 = tpu.vector_load %arg9[%swap3A_216, %swap3A_217] {strides = array<i32>} : memref<16x128xf32, #tpu.memory_space<vmem>>, vector<1x16xf32>,
      %swap3A_219 = vector.shape_cast %swap3A_218 : vector<1x16xf32> to vector<16xf32>
      %swap3A_220 = vector.shape_cast %broadcast_in_dim3A_0 : vector<16xf32> to vector<1x16xf32>
      tpu.vector_store %arg9[%swap3A_216, %swap3A_217], %swap3A_220 {strides = array<i32>} : memref<16x128xf32, #tpu.memory_space<vmem>>, vector<1x16xf32>,
      %swap3A_221 = arith.index_cast %scan3A_206 : i32 to index
      %swap3A_222 = arith.constant 48 : index
      %swap3A_223 = tpu.vector_load %arg9[%swap3A_221, %swap3A_222] {strides = array<i32>} : memref<16x128xf32, #tpu.memory_space<vmem>>, vector<1x16xf32>,
      %swap3A_224 = vector.shape_cast %swap3A_223 : vector<1x16xf32> to vector<16xf32>
      %swap3A_225 = vector.shape_cast %broadcast_in_dim3A_0 : vector<16xf32> to vector<1x16xf32>
      tpu.vector_store %arg9[%swap3A_221, %swap3A_222], %swap3A_225 {strides = array<i32>} : memref<16x128xf32, #tpu.memory_space<vmem>>, vector<1x16xf32>,
      %swap3A_226 = arith.index_cast %scan3A_206 : i32 to index
      %swap3A_227 = arith.constant 64 : index
      %swap3A_228 = tpu.vector_load %arg9[%swap3A_226, %swap3A_227] {strides = array<i32>} : memref<16x128xf32, #tpu.memory_space<vmem>>, vector<1x16xf32>,
      %swap3A_229 = vector.shape_cast %swap3A_228 : vector<1x16xf32> to vector<16xf32>
      %swap3A_230 = vector.shape_cast %broadcast_in_dim3A_0 : vector<16xf32> to vector<1x16xf32>
      tpu.vector_store %arg9[%swap3A_226, %swap3A_227], %swap3A_230 {strides = array<i32>} : memref<16x128xf32, #tpu.memory_space<vmem>>, vector<1x16xf32>,
      %swap3A_231 = arith.index_cast %scan3A_206 : i32 to index
      %swap3A_232 = arith.constant 80 : index
      %swap3A_233 = tpu.vector_load %arg9[%swap3A_231, %swap3A_232] {strides = array<i32>} : memref<16x128xf32, #tpu.memory_space<vmem>>, vector<1x16xf32>,
      %swap3A_234 = vector.shape_cast %swap3A_233 : vector<1x16xf32> to vector<16xf32>
      %swap3A_235 = vector.shape_cast %broadcast_in_dim3A_0 : vector<16xf32> to vector<1x16xf32>
      tpu.vector_store %arg9[%swap3A_231, %swap3A_232], %swap3A_235 {strides = array<i32>} : memref<16x128xf32, #tpu.memory_space<vmem>>, vector<1x16xf32>,
      %swap3A_236 = arith.index_cast %scan3A_206 : i32 to index
      %swap3A_237 = arith.constant 96 : index
      %swap3A_238 = tpu.vector_load %arg9[%swap3A_236, %swap3A_237] {strides = array<i32>} : memref<16x128xf32, #tpu.memory_space<vmem>>, vector<1x16xf32>,
      %swap3A_239 = vector.shape_cast %swap3A_238 : vector<1x16xf32> to vector<16xf32>
      %swap3A_240 = vector.shape_cast %broadcast_in_dim3A_0 : vector<16xf32> to vector<1x16xf32>
      tpu.vector_store %arg9[%swap3A_236, %swap3A_237], %swap3A_240 {strides = array<i32>} : memref<16x128xf32, #tpu.memory_space<vmem>>, vector<1x16xf32>,
      %swap3A_241 = arith.index_cast %scan3A_206 : i32 to index
      %swap3A_242 = arith.constant 112 : index
      %swap3A_243 = tpu.vector_load %arg9[%swap3A_241, %swap3A_242] {strides = array<i32>} : memref<16x128xf32, #tpu.memory_space<vmem>>, vector<1x16xf32>,
      %swap3A_244 = vector.shape_cast %swap3A_243 : vector<1x16xf32> to vector<16xf32>
      %swap3A_245 = vector.shape_cast %broadcast_in_dim3A_0 : vector<16xf32> to vector<1x16xf32>
      tpu.vector_store %arg9[%swap3A_241, %swap3A_242], %swap3A_245 {strides = array<i32>} : memref<16x128xf32, #tpu.memory_space<vmem>>, vector<1x16xf32>,
    }
    %scan3A_5 = arith.constant 16 : i32
    %mul3A = arith.constant 10000 : i32
    %mul3A_6 = arith.muli %arg1, %mul3A : i32
    %dma_start3A = tpu.memref_slice %arg4[%mul3A_6] : memref<160000xi32, #tpu.memory_space<hbm>> -> memref<10000xi32, #tpu.memory_space<hbm>>
    %dma_start3A_7 = tpu.memref_slice %arg4[%mul3A_6] : memref<160000xi32, #tpu.memory_space<hbm>> -> memref<10000xi32, #tpu.memory_space<hbm>>
    tpu.enqueue_dma source(%dma_start3A_7 : memref<10000xi32, #tpu.memory_space<hbm>>) target(%arg10 : memref<10000xi32, #tpu.memory_space<vmem>>) target_semaphore(%arg14 : memref<!tpu.dma_semaphore, #tpu.memory_space<semaphore_mem>>)
    %mul3A_8 = arith.constant 125 : i32
    %mul3A_9 = arith.muli %arg1, %mul3A_8 : i32
    %dma_start3A_10 = arith.constant 0 : i32
    %dma_start3A_11 = arith.constant 0 : i32
    %dma_start3A_12 = tpu.memref_slice %arg5[%mul3A_9, %dma_start3A_10, %dma_start3A_11] : memref<2000x1x80xi32, #tpu.memory_space<hbm>> -> memref<125x1x80xi32, #tpu.memory_space<hbm>>
    %dma_start3A_13 = arith.constant 0 : i32
    %dma_start3A_14 = arith.constant 0 : i32
    %dma_start3A_15 = tpu.memref_slice %arg5[%mul3A_9, %dma_start3A_13, %dma_start3A_14] : memref<2000x1x80xi32, #tpu.memory_space<hbm>> -> memref<125x1x80xi32, #tpu.memory_space<hbm>>
    tpu.enqueue_dma source(%dma_start3A_15 : memref<125x1x80xi32, #tpu.memory_space<hbm>>) target(%arg11 : memref<125x1x80xi32, #tpu.memory_space<vmem>>) target_semaphore(%arg14 : memref<!tpu.dma_semaphore, #tpu.memory_space<semaphore_mem>>)
    %mul3A_16 = arith.constant 624 : i32
    %mul3A_17 = arith.muli %arg1, %mul3A_16 : i32
    %add3A = arith.constant 0 : i32
    %add3A_18 = arith.addi %mul3A_17, %add3A : i32
    "tpu.region"() ({
      %run_scoped3A = tpu.sem_alloc : memref<!tpu.dma_semaphore, #tpu.memory_space<semaphore_mem>>
      %dma_start3A_206 = arith.constant 0 : i32
      %dma_start3A_207 = tpu.memref_slice %arg8[%add3A_18, %dma_start3A_206] : memref<10000x128xf32, #tpu.memory_space<vmem_shared>> -> memref<16x128xf32, #tpu.memory_space<vmem_shared>>
      %dma_start3A_208 = arith.constant 0 : i32
      %dma_start3A_209 = tpu.memref_slice %arg8[%add3A_18, %dma_start3A_208] : memref<10000x128xf32, #tpu.memory_space<vmem_shared>> -> memref<16x128xf32, #tpu.memory_space<vmem_shared>>
      tpu.enqueue_dma source(%arg9 : memref<16x128xf32, #tpu.memory_space<vmem>>) target(%dma_start3A_209 : memref<16x128xf32, #tpu.memory_space<vmem_shared>>) target_semaphore(%run_scoped3A : memref<!tpu.dma_semaphore, #tpu.memory_space<semaphore_mem>>)
      %dma_wait3A_210 = arith.constant 0 : i32
      %dma_wait3A_211 = tpu.memref_slice %arg8[%add3A_18, %dma_wait3A_210] : memref<10000x128xf32, #tpu.memory_space<vmem_shared>> -> memref<16x128xf32, #tpu.memory_space<vmem_shared>>
      %dma_wait3A_212 = arith.constant 0 : i32
      %dma_wait3A_213 = tpu.memref_slice %arg8[%add3A_18, %dma_wait3A_212] : memref<10000x128xf32, #tpu.memory_space<vmem_shared>> -> memref<16x128xf32, #tpu.memory_space<vmem_shared>>
      tpu.wait_dma2 semaphore(%run_scoped3A : memref<!tpu.dma_semaphore, #tpu.memory_space<semaphore_mem>>) src(%arg9 : memref<16x128xf32, #tpu.memory_space<vmem>>) dst(%dma_wait3A_213 : memref<16x128xf32, #tpu.memory_space<vmem_shared>>)
      tpu.yield
    }) : () -> ()
    %mul3A_19 = arith.constant 624 : i32
    %mul3A_20 = arith.muli %arg1, %mul3A_19 : i32
    %add3A_21 = arith.constant 16 : i32
    %add3A_22 = arith.addi %mul3A_20, %add3A_21 : i32
    "tpu.region"() ({
      %run_scoped3A = tpu.sem_alloc : memref<!tpu.dma_semaphore, #tpu.memory_space<semaphore_mem>>
      %dma_start3A_206 = arith.constant 0 : i32
      %dma_start3A_207 = tpu.memref_slice %arg8[%add3A_22, %dma_start3A_206] : memref<10000x128xf32, #tpu.memory_space<vmem_shared>> -> memref<16x128xf32, #tpu.memory_space<vmem_shared>>
      %dma_start3A_208 = arith.constant 0 : i32
      %dma_start3A_209 = tpu.memref_slice %arg8[%add3A_22, %dma_start3A_208] : memref<10000x128xf32, #tpu.memory_space<vmem_shared>> -> memref<16x128xf32, #tpu.memory_space<vmem_shared>>
      tpu.enqueue_dma source(%arg9 : memref<16x128xf32, #tpu.memory_space<vmem>>) target(%dma_start3A_209 : memref<16x128xf32, #tpu.memory_space<vmem_shared>>) target_semaphore(%run_scoped3A : memref<!tpu.dma_semaphore, #tpu.memory_space<semaphore_mem>>)
      %dma_wait3A_210 = arith.constant 0 : i32
      %dma_wait3A_211 = tpu.memref_slice %arg8[%add3A_22, %dma_wait3A_210] : memref<10000x128xf32, #tpu.memory_space<vmem_shared>> -> memref<16x128xf32, #tpu.memory_space<vmem_shared>>
      %dma_wait3A_212 = arith.constant 0 : i32
      %dma_wait3A_213 = tpu.memref_slice %arg8[%add3A_22, %dma_wait3A_212] : memref<10000x128xf32, #tpu.memory_space<vmem_shared>> -> memref<16x128xf32, #tpu.memory_space<vmem_shared>>
      tpu.wait_dma2 semaphore(%run_scoped3A : memref<!tpu.dma_semaphore, #tpu.memory_space<semaphore_mem>>) src(%arg9 : memref<16x128xf32, #tpu.memory_space<vmem>>) dst(%dma_wait3A_213 : memref<16x128xf32, #tpu.memory_space<vmem_shared>>)
      tpu.yield
    }) : () -> ()
    %mul3A_23 = arith.constant 624 : i32
    %mul3A_24 = arith.muli %arg1, %mul3A_23 : i32
    %add3A_25 = arith.constant 32 : i32
    %add3A_26 = arith.addi %mul3A_24, %add3A_25 : i32
    "tpu.region"() ({
      %run_scoped3A = tpu.sem_alloc : memref<!tpu.dma_semaphore, #tpu.memory_space<semaphore_mem>>
      %dma_start3A_206 = arith.constant 0 : i32
      %dma_start3A_207 = tpu.memref_slice %arg8[%add3A_26, %dma_start3A_206] : memref<10000x128xf32, #tpu.memory_space<vmem_shared>> -> memref<16x128xf32, #tpu.memory_space<vmem_shared>>
      %dma_start3A_208 = arith.constant 0 : i32
      %dma_start3A_209 = tpu.memref_slice %arg8[%add3A_26, %dma_start3A_208] : memref<10000x128xf32, #tpu.memory_space<vmem_shared>> -> memref<16x128xf32, #tpu.memory_space<vmem_shared>>
      tpu.enqueue_dma source(%arg9 : memref<16x128xf32, #tpu.memory_space<vmem>>) target(%dma_start3A_209 : memref<16x128xf32, #tpu.memory_space<vmem_shared>>) target_semaphore(%run_scoped3A : memref<!tpu.dma_semaphore, #tpu.memory_space<semaphore_mem>>)
      %dma_wait3A_210 = arith.constant 0 : i32
      %dma_wait3A_211 = tpu.memref_slice %arg8[%add3A_26, %dma_wait3A_210] : memref<10000x128xf32, #tpu.memory_space<vmem_shared>> -> memref<16x128xf32, #tpu.memory_space<vmem_shared>>
      %dma_wait3A_212 = arith.constant 0 : i32
      %dma_wait3A_213 = tpu.memref_slice %arg8[%add3A_26, %dma_wait3A_212] : memref<10000x128xf32, #tpu.memory_space<vmem_shared>> -> memref<16x128xf32, #tpu.memory_space<vmem_shared>>
      tpu.wait_dma2 semaphore(%run_scoped3A : memref<!tpu.dma_semaphore, #tpu.memory_space<semaphore_mem>>) src(%arg9 : memref<16x128xf32, #tpu.memory_space<vmem>>) dst(%dma_wait3A_213 : memref<16x128xf32, #tpu.memory_space<vmem_shared>>)
      tpu.yield
    }) : () -> ()
    %mul3A_27 = arith.constant 624 : i32
    %mul3A_28 = arith.muli %arg1, %mul3A_27 : i32
    %add3A_29 = arith.constant 48 : i32
    %add3A_30 = arith.addi %mul3A_28, %add3A_29 : i32
    "tpu.region"() ({
      %run_scoped3A = tpu.sem_alloc : memref<!tpu.dma_semaphore, #tpu.memory_space<semaphore_mem>>
      %dma_start3A_206 = arith.constant 0 : i32
      %dma_start3A_207 = tpu.memref_slice %arg8[%add3A_30, %dma_start3A_206] : memref<10000x128xf32, #tpu.memory_space<vmem_shared>> -> memref<16x128xf32, #tpu.memory_space<vmem_shared>>
      %dma_start3A_208 = arith.constant 0 : i32
      %dma_start3A_209 = tpu.memref_slice %arg8[%add3A_30, %dma_start3A_208] : memref<10000x128xf32, #tpu.memory_space<vmem_shared>> -> memref<16x128xf32, #tpu.memory_space<vmem_shared>>
      tpu.enqueue_dma source(%arg9 : memref<16x128xf32, #tpu.memory_space<vmem>>) target(%dma_start3A_209 : memref<16x128xf32, #tpu.memory_space<vmem_shared>>) target_semaphore(%run_scoped3A : memref<!tpu.dma_semaphore, #tpu.memory_space<semaphore_mem>>)
      %dma_wait3A_210 = arith.constant 0 : i32
      %dma_wait3A_211 = tpu.memref_slice %arg8[%add3A_30, %dma_wait3A_210] : memref<10000x128xf32, #tpu.memory_space<vmem_shared>> -> memref<16x128xf32, #tpu.memory_space<vmem_shared>>
      %dma_wait3A_212 = arith.constant 0 : i32
      %dma_wait3A_213 = tpu.memref_slice %arg8[%add3A_30, %dma_wait3A_212] : memref<10000x128xf32, #tpu.memory_space<vmem_shared>> -> memref<16x128xf32, #tpu.memory_space<vmem_shared>>
      tpu.wait_dma2 semaphore(%run_scoped3A : memref<!tpu.dma_semaphore, #tpu.memory_space<semaphore_mem>>) src(%arg9 : memref<16x128xf32, #tpu.memory_space<vmem>>) dst(%dma_wait3A_213 : memref<16x128xf32, #tpu.memory_space<vmem_shared>>)
      tpu.yield
    }) : () -> ()
    %mul3A_31 = arith.constant 624 : i32
    %mul3A_32 = arith.muli %arg1, %mul3A_31 : i32
    %add3A_33 = arith.constant 64 : i32
    %add3A_34 = arith.addi %mul3A_32, %add3A_33 : i32
    "tpu.region"() ({
      %run_scoped3A = tpu.sem_alloc : memref<!tpu.dma_semaphore, #tpu.memory_space<semaphore_mem>>
      %dma_start3A_206 = arith.constant 0 : i32
      %dma_start3A_207 = tpu.memref_slice %arg8[%add3A_34, %dma_start3A_206] : memref<10000x128xf32, #tpu.memory_space<vmem_shared>> -> memref<16x128xf32, #tpu.memory_space<vmem_shared>>
      %dma_start3A_208 = arith.constant 0 : i32
      %dma_start3A_209 = tpu.memref_slice %arg8[%add3A_34, %dma_start3A_208] : memref<10000x128xf32, #tpu.memory_space<vmem_shared>> -> memref<16x128xf32, #tpu.memory_space<vmem_shared>>
      tpu.enqueue_dma source(%arg9 : memref<16x128xf32, #tpu.memory_space<vmem>>) target(%dma_start3A_209 : memref<16x128xf32, #tpu.memory_space<vmem_shared>>) target_semaphore(%run_scoped3A : memref<!tpu.dma_semaphore, #tpu.memory_space<semaphore_mem>>)
      %dma_wait3A_210 = arith.constant 0 : i32
      %dma_wait3A_211 = tpu.memref_slice %arg8[%add3A_34, %dma_wait3A_210] : memref<10000x128xf32, #tpu.memory_space<vmem_shared>> -> memref<16x128xf32, #tpu.memory_space<vmem_shared>>
      %dma_wait3A_212 = arith.constant 0 : i32
      %dma_wait3A_213 = tpu.memref_slice %arg8[%add3A_34, %dma_wait3A_212] : memref<10000x128xf32, #tpu.memory_space<vmem_shared>> -> memref<16x128xf32, #tpu.memory_space<vmem_shared>>
      tpu.wait_dma2 semaphore(%run_scoped3A : memref<!tpu.dma_semaphore, #tpu.memory_space<semaphore_mem>>) src(%arg9 : memref<16x128xf32, #tpu.memory_space<vmem>>) dst(%dma_wait3A_213 : memref<16x128xf32, #tpu.memory_space<vmem_shared>>)
      tpu.yield
    }) : () -> ()
    %mul3A_35 = arith.constant 624 : i32
    %mul3A_36 = arith.muli %arg1, %mul3A_35 : i32
    %add3A_37 = arith.constant 80 : i32
    %add3A_38 = arith.addi %mul3A_36, %add3A_37 : i32
    "tpu.region"() ({
      %run_scoped3A = tpu.sem_alloc : memref<!tpu.dma_semaphore, #tpu.memory_space<semaphore_mem>>
      %dma_start3A_206 = arith.constant 0 : i32
      %dma_start3A_207 = tpu.memref_slice %arg8[%add3A_38, %dma_start3A_206] : memref<10000x128xf32, #tpu.memory_space<vmem_shared>> -> memref<16x128xf32, #tpu.memory_space<vmem_shared>>
      %dma_start3A_208 = arith.constant 0 : i32
      %dma_start3A_209 = tpu.memref_slice %arg8[%add3A_38, %dma_start3A_208] : memref<10000x128xf32, #tpu.memory_space<vmem_shared>> -> memref<16x128xf32, #tpu.memory_space<vmem_shared>>
      tpu.enqueue_dma source(%arg9 : memref<16x128xf32, #tpu.memory_space<vmem>>) target(%dma_start3A_209 : memref<16x128xf32, #tpu.memory_space<vmem_shared>>) target_semaphore(%run_scoped3A : memref<!tpu.dma_semaphore, #tpu.memory_space<semaphore_mem>>)
      %dma_wait3A_210 = arith.constant 0 : i32
      %dma_wait3A_211 = tpu.memref_slice %arg8[%add3A_38, %dma_wait3A_210] : memref<10000x128xf32, #tpu.memory_space<vmem_shared>> -> memref<16x128xf32, #tpu.memory_space<vmem_shared>>
      %dma_wait3A_212 = arith.constant 0 : i32
      %dma_wait3A_213 = tpu.memref_slice %arg8[%add3A_38, %dma_wait3A_212] : memref<10000x128xf32, #tpu.memory_space<vmem_shared>> -> memref<16x128xf32, #tpu.memory_space<vmem_shared>>
      tpu.wait_dma2 semaphore(%run_scoped3A : memref<!tpu.dma_semaphore, #tpu.memory_space<semaphore_mem>>) src(%arg9 : memref<16x128xf32, #tpu.memory_space<vmem>>) dst(%dma_wait3A_213 : memref<16x128xf32, #tpu.memory_space<vmem_shared>>)
      tpu.yield
    }) : () -> ()
    %mul3A_39 = arith.constant 624 : i32
    %mul3A_40 = arith.muli %arg1, %mul3A_39 : i32
    %add3A_41 = arith.constant 96 : i32
    %add3A_42 = arith.addi %mul3A_40, %add3A_41 : i32
    "tpu.region"() ({
      %run_scoped3A = tpu.sem_alloc : memref<!tpu.dma_semaphore, #tpu.memory_space<semaphore_mem>>
      %dma_start3A_206 = arith.constant 0 : i32
      %dma_start3A_207 = tpu.memref_slice %arg8[%add3A_42, %dma_start3A_206] : memref<10000x128xf32, #tpu.memory_space<vmem_shared>> -> memref<16x128xf32, #tpu.memory_space<vmem_shared>>
      %dma_start3A_208 = arith.constant 0 : i32
      %dma_start3A_209 = tpu.memref_slice %arg8[%add3A_42, %dma_start3A_208] : memref<10000x128xf32, #tpu.memory_space<vmem_shared>> -> memref<16x128xf32, #tpu.memory_space<vmem_shared>>
      tpu.enqueue_dma source(%arg9 : memref<16x128xf32, #tpu.memory_space<vmem>>) target(%dma_start3A_209 : memref<16x128xf32, #tpu.memory_space<vmem_shared>>) target_semaphore(%run_scoped3A : memref<!tpu.dma_semaphore, #tpu.memory_space<semaphore_mem>>)
      %dma_wait3A_210 = arith.constant 0 : i32
      %dma_wait3A_211 = tpu.memref_slice %arg8[%add3A_42, %dma_wait3A_210] : memref<10000x128xf32, #tpu.memory_space<vmem_shared>> -> memref<16x128xf32, #tpu.memory_space<vmem_shared>>
      %dma_wait3A_212 = arith.constant 0 : i32
      %dma_wait3A_213 = tpu.memref_slice %arg8[%add3A_42, %dma_wait3A_212] : memref<10000x128xf32, #tpu.memory_space<vmem_shared>> -> memref<16x128xf32, #tpu.memory_space<vmem_shared>>
      tpu.wait_dma2 semaphore(%run_scoped3A : memref<!tpu.dma_semaphore, #tpu.memory_space<semaphore_mem>>) src(%arg9 : memref<16x128xf32, #tpu.memory_space<vmem>>) dst(%dma_wait3A_213 : memref<16x128xf32, #tpu.memory_space<vmem_shared>>)
      tpu.yield
    }) : () -> ()
    %mul3A_43 = arith.constant 624 : i32
    %mul3A_44 = arith.muli %arg1, %mul3A_43 : i32
    %add3A_45 = arith.constant 112 : i32
    %add3A_46 = arith.addi %mul3A_44, %add3A_45 : i32
    "tpu.region"() ({
      %run_scoped3A = tpu.sem_alloc : memref<!tpu.dma_semaphore, #tpu.memory_space<semaphore_mem>>
      %dma_start3A_206 = arith.constant 0 : i32
      %dma_start3A_207 = tpu.memref_slice %arg8[%add3A_46, %dma_start3A_206] : memref<10000x128xf32, #tpu.memory_space<vmem_shared>> -> memref<16x128xf32, #tpu.memory_space<vmem_shared>>
      %dma_start3A_208 = arith.constant 0 : i32
      %dma_start3A_209 = tpu.memref_slice %arg8[%add3A_46, %dma_start3A_208] : memref<10000x128xf32, #tpu.memory_space<vmem_shared>> -> memref<16x128xf32, #tpu.memory_space<vmem_shared>>
      tpu.enqueue_dma source(%arg9 : memref<16x128xf32, #tpu.memory_space<vmem>>) target(%dma_start3A_209 : memref<16x128xf32, #tpu.memory_space<vmem_shared>>) target_semaphore(%run_scoped3A : memref<!tpu.dma_semaphore, #tpu.memory_space<semaphore_mem>>)
      %dma_wait3A_210 = arith.constant 0 : i32
      %dma_wait3A_211 = tpu.memref_slice %arg8[%add3A_46, %dma_wait3A_210] : memref<10000x128xf32, #tpu.memory_space<vmem_shared>> -> memref<16x128xf32, #tpu.memory_space<vmem_shared>>
      %dma_wait3A_212 = arith.constant 0 : i32
      %dma_wait3A_213 = tpu.memref_slice %arg8[%add3A_46, %dma_wait3A_212] : memref<10000x128xf32, #tpu.memory_space<vmem_shared>> -> memref<16x128xf32, #tpu.memory_space<vmem_shared>>
      tpu.wait_dma2 semaphore(%run_scoped3A : memref<!tpu.dma_semaphore, #tpu.memory_space<semaphore_mem>>) src(%arg9 : memref<16x128xf32, #tpu.memory_space<vmem>>) dst(%dma_wait3A_213 : memref<16x128xf32, #tpu.memory_space<vmem_shared>>)
      tpu.yield
    }) : () -> ()
    %mul3A_47 = arith.constant 624 : i32
    %mul3A_48 = arith.muli %arg1, %mul3A_47 : i32
    %add3A_49 = arith.constant 128 : i32
    %add3A_50 = arith.addi %mul3A_48, %add3A_49 : i32
    "tpu.region"() ({
      %run_scoped3A = tpu.sem_alloc : memref<!tpu.dma_semaphore, #tpu.memory_space<semaphore_mem>>
      %dma_start3A_206 = arith.constant 0 : i32
      %dma_start3A_207 = tpu.memref_slice %arg8[%add3A_50, %dma_start3A_206] : memref<10000x128xf32, #tpu.memory_space<vmem_shared>> -> memref<16x128xf32, #tpu.memory_space<vmem_shared>>
      %dma_start3A_208 = arith.constant 0 : i32
      %dma_start3A_209 = tpu.memref_slice %arg8[%add3A_50, %dma_start3A_208] : memref<10000x128xf32, #tpu.memory_space<vmem_shared>> -> memref<16x128xf32, #tpu.memory_space<vmem_shared>>
      tpu.enqueue_dma source(%arg9 : memref<16x128xf32, #tpu.memory_space<vmem>>) target(%dma_start3A_209 : memref<16x128xf32, #tpu.memory_space<vmem_shared>>) target_semaphore(%run_scoped3A : memref<!tpu.dma_semaphore, #tpu.memory_space<semaphore_mem>>)
      %dma_wait3A_210 = arith.constant 0 : i32
      %dma_wait3A_211 = tpu.memref_slice %arg8[%add3A_50, %dma_wait3A_210] : memref<10000x128xf32, #tpu.memory_space<vmem_shared>> -> memref<16x128xf32, #tpu.memory_space<vmem_shared>>
      %dma_wait3A_212 = arith.constant 0 : i32
      %dma_wait3A_213 = tpu.memref_slice %arg8[%add3A_50, %dma_wait3A_212] : memref<10000x128xf32, #tpu.memory_space<vmem_shared>> -> memref<16x128xf32, #tpu.memory_space<vmem_shared>>
      tpu.wait_dma2 semaphore(%run_scoped3A : memref<!tpu.dma_semaphore, #tpu.memory_space<semaphore_mem>>) src(%arg9 : memref<16x128xf32, #tpu.memory_space<vmem>>) dst(%dma_wait3A_213 : memref<16x128xf32, #tpu.memory_space<vmem_shared>>)
      tpu.yield
    }) : () -> ()
    %mul3A_51 = arith.constant 624 : i32
    %mul3A_52 = arith.muli %arg1, %mul3A_51 : i32
    %add3A_53 = arith.constant 144 : i32
    %add3A_54 = arith.addi %mul3A_52, %add3A_53 : i32
    "tpu.region"() ({
      %run_scoped3A = tpu.sem_alloc : memref<!tpu.dma_semaphore, #tpu.memory_space<semaphore_mem>>
      %dma_start3A_206 = arith.constant 0 : i32
      %dma_start3A_207 = tpu.memref_slice %arg8[%add3A_54, %dma_start3A_206] : memref<10000x128xf32, #tpu.memory_space<vmem_shared>> -> memref<16x128xf32, #tpu.memory_space<vmem_shared>>
      %dma_start3A_208 = arith.constant 0 : i32
      %dma_start3A_209 = tpu.memref_slice %arg8[%add3A_54, %dma_start3A_208] : memref<10000x128xf32, #tpu.memory_space<vmem_shared>> -> memref<16x128xf32, #tpu.memory_space<vmem_shared>>
      tpu.enqueue_dma source(%arg9 : memref<16x128xf32, #tpu.memory_space<vmem>>) target(%dma_start3A_209 : memref<16x128xf32, #tpu.memory_space<vmem_shared>>) target_semaphore(%run_scoped3A : memref<!tpu.dma_semaphore, #tpu.memory_space<semaphore_mem>>)
      %dma_wait3A_210 = arith.constant 0 : i32
      %dma_wait3A_211 = tpu.memref_slice %arg8[%add3A_54, %dma_wait3A_210] : memref<10000x128xf32, #tpu.memory_space<vmem_shared>> -> memref<16x128xf32, #tpu.memory_space<vmem_shared>>
      %dma_wait3A_212 = arith.constant 0 : i32
      %dma_wait3A_213 = tpu.memref_slice %arg8[%add3A_54, %dma_wait3A_212] : memref<10000x128xf32, #tpu.memory_space<vmem_shared>> -> memref<16x128xf32, #tpu.memory_space<vmem_shared>>
      tpu.wait_dma2 semaphore(%run_scoped3A : memref<!tpu.dma_semaphore, #tpu.memory_space<semaphore_mem>>) src(%arg9 : memref<16x128xf32, #tpu.memory_space<vmem>>) dst(%dma_wait3A_213 : memref<16x128xf32, #tpu.memory_space<vmem_shared>>)
      tpu.yield
    }) : () -> ()
    %mul3A_55 = arith.constant 624 : i32
    %mul3A_56 = arith.muli %arg1, %mul3A_55 : i32
    %add3A_57 = arith.constant 160 : i32
    %add3A_58 = arith.addi %mul3A_56, %add3A_57 : i32
    "tpu.region"() ({
      %run_scoped3A = tpu.sem_alloc : memref<!tpu.dma_semaphore, #tpu.memory_space<semaphore_mem>>
      %dma_start3A_206 = arith.constant 0 : i32
      %dma_start3A_207 = tpu.memref_slice %arg8[%add3A_58, %dma_start3A_206] : memref<10000x128xf32, #tpu.memory_space<vmem_shared>> -> memref<16x128xf32, #tpu.memory_space<vmem_shared>>
      %dma_start3A_208 = arith.constant 0 : i32
      %dma_start3A_209 = tpu.memref_slice %arg8[%add3A_58, %dma_start3A_208] : memref<10000x128xf32, #tpu.memory_space<vmem_shared>> -> memref<16x128xf32, #tpu.memory_space<vmem_shared>>
      tpu.enqueue_dma source(%arg9 : memref<16x128xf32, #tpu.memory_space<vmem>>) target(%dma_start3A_209 : memref<16x128xf32, #tpu.memory_space<vmem_shared>>) target_semaphore(%run_scoped3A : memref<!tpu.dma_semaphore, #tpu.memory_space<semaphore_mem>>)
      %dma_wait3A_210 = arith.constant 0 : i32
      %dma_wait3A_211 = tpu.memref_slice %arg8[%add3A_58, %dma_wait3A_210] : memref<10000x128xf32, #tpu.memory_space<vmem_shared>> -> memref<16x128xf32, #tpu.memory_space<vmem_shared>>
      %dma_wait3A_212 = arith.constant 0 : i32
      %dma_wait3A_213 = tpu.memref_slice %arg8[%add3A_58, %dma_wait3A_212] : memref<10000x128xf32, #tpu.memory_space<vmem_shared>> -> memref<16x128xf32, #tpu.memory_space<vmem_shared>>
      tpu.wait_dma2 semaphore(%run_scoped3A : memref<!tpu.dma_semaphore, #tpu.memory_space<semaphore_mem>>) src(%arg9 : memref<16x128xf32, #tpu.memory_space<vmem>>) dst(%dma_wait3A_213 : memref<16x128xf32, #tpu.memory_space<vmem_shared>>)
      tpu.yield
    }) : () -> ()
    %mul3A_59 = arith.constant 624 : i32
    %mul3A_60 = arith.muli %arg1, %mul3A_59 : i32
    %add3A_61 = arith.constant 176 : i32
    %add3A_62 = arith.addi %mul3A_60, %add3A_61 : i32
    "tpu.region"() ({
      %run_scoped3A = tpu.sem_alloc : memref<!tpu.dma_semaphore, #tpu.memory_space<semaphore_mem>>
      %dma_start3A_206 = arith.constant 0 : i32
      %dma_start3A_207 = tpu.memref_slice %arg8[%add3A_62, %dma_start3A_206] : memref<10000x128xf32, #tpu.memory_space<vmem_shared>> -> memref<16x128xf32, #tpu.memory_space<vmem_shared>>
      %dma_start3A_208 = arith.constant 0 : i32
      %dma_start3A_209 = tpu.memref_slice %arg8[%add3A_62, %dma_start3A_208] : memref<10000x128xf32, #tpu.memory_space<vmem_shared>> -> memref<16x128xf32, #tpu.memory_space<vmem_shared>>
      tpu.enqueue_dma source(%arg9 : memref<16x128xf32, #tpu.memory_space<vmem>>) target(%dma_start3A_209 : memref<16x128xf32, #tpu.memory_space<vmem_shared>>) target_semaphore(%run_scoped3A : memref<!tpu.dma_semaphore, #tpu.memory_space<semaphore_mem>>)
      %dma_wait3A_210 = arith.constant 0 : i32
      %dma_wait3A_211 = tpu.memref_slice %arg8[%add3A_62, %dma_wait3A_210] : memref<10000x128xf32, #tpu.memory_space<vmem_shared>> -> memref<16x128xf32, #tpu.memory_space<vmem_shared>>
      %dma_wait3A_212 = arith.constant 0 : i32
      %dma_wait3A_213 = tpu.memref_slice %arg8[%add3A_62, %dma_wait3A_212] : memref<10000x128xf32, #tpu.memory_space<vmem_shared>> -> memref<16x128xf32, #tpu.memory_space<vmem_shared>>
      tpu.wait_dma2 semaphore(%run_scoped3A : memref<!tpu.dma_semaphore, #tpu.memory_space<semaphore_mem>>) src(%arg9 : memref<16x128xf32, #tpu.memory_space<vmem>>) dst(%dma_wait3A_213 : memref<16x128xf32, #tpu.memory_space<vmem_shared>>)
      tpu.yield
    }) : () -> ()
    %mul3A_63 = arith.constant 624 : i32
    %mul3A_64 = arith.muli %arg1, %mul3A_63 : i32
    %add3A_65 = arith.constant 192 : i32
    %add3A_66 = arith.addi %mul3A_64, %add3A_65 : i32
    "tpu.region"() ({
      %run_scoped3A = tpu.sem_alloc : memref<!tpu.dma_semaphore, #tpu.memory_space<semaphore_mem>>
      %dma_start3A_206 = arith.constant 0 : i32
      %dma_start3A_207 = tpu.memref_slice %arg8[%add3A_66, %dma_start3A_206] : memref<10000x128xf32, #tpu.memory_space<vmem_shared>> -> memref<16x128xf32, #tpu.memory_space<vmem_shared>>
      %dma_start3A_208 = arith.constant 0 : i32
      %dma_start3A_209 = tpu.memref_slice %arg8[%add3A_66, %dma_start3A_208] : memref<10000x128xf32, #tpu.memory_space<vmem_shared>> -> memref<16x128xf32, #tpu.memory_space<vmem_shared>>
      tpu.enqueue_dma source(%arg9 : memref<16x128xf32, #tpu.memory_space<vmem>>) target(%dma_start3A_209 : memref<16x128xf32, #tpu.memory_space<vmem_shared>>) target_semaphore(%run_scoped3A : memref<!tpu.dma_semaphore, #tpu.memory_space<semaphore_mem>>)
      %dma_wait3A_210 = arith.constant 0 : i32
      %dma_wait3A_211 = tpu.memref_slice %arg8[%add3A_66, %dma_wait3A_210] : memref<10000x128xf32, #tpu.memory_space<vmem_shared>> -> memref<16x128xf32, #tpu.memory_space<vmem_shared>>
      %dma_wait3A_212 = arith.constant 0 : i32
      %dma_wait3A_213 = tpu.memref_slice %arg8[%add3A_66, %dma_wait3A_212] : memref<10000x128xf32, #tpu.memory_space<vmem_shared>> -> memref<16x128xf32, #tpu.memory_space<vmem_shared>>
      tpu.wait_dma2 semaphore(%run_scoped3A : memref<!tpu.dma_semaphore, #tpu.memory_space<semaphore_mem>>) src(%arg9 : memref<16x128xf32, #tpu.memory_space<vmem>>) dst(%dma_wait3A_213 : memref<16x128xf32, #tpu.memory_space<vmem_shared>>)
      tpu.yield
    }) : () -> ()
    %mul3A_67 = arith.constant 624 : i32
    %mul3A_68 = arith.muli %arg1, %mul3A_67 : i32
    %add3A_69 = arith.constant 208 : i32
    %add3A_70 = arith.addi %mul3A_68, %add3A_69 : i32
    "tpu.region"() ({
      %run_scoped3A = tpu.sem_alloc : memref<!tpu.dma_semaphore, #tpu.memory_space<semaphore_mem>>
      %dma_start3A_206 = arith.constant 0 : i32
      %dma_start3A_207 = tpu.memref_slice %arg8[%add3A_70, %dma_start3A_206] : memref<10000x128xf32, #tpu.memory_space<vmem_shared>> -> memref<16x128xf32, #tpu.memory_space<vmem_shared>>
      %dma_start3A_208 = arith.constant 0 : i32
      %dma_start3A_209 = tpu.memref_slice %arg8[%add3A_70, %dma_start3A_208] : memref<10000x128xf32, #tpu.memory_space<vmem_shared>> -> memref<16x128xf32, #tpu.memory_space<vmem_shared>>
      tpu.enqueue_dma source(%arg9 : memref<16x128xf32, #tpu.memory_space<vmem>>) target(%dma_start3A_209 : memref<16x128xf32, #tpu.memory_space<vmem_shared>>) target_semaphore(%run_scoped3A : memref<!tpu.dma_semaphore, #tpu.memory_space<semaphore_mem>>)
      %dma_wait3A_210 = arith.constant 0 : i32
      %dma_wait3A_211 = tpu.memref_slice %arg8[%add3A_70, %dma_wait3A_210] : memref<10000x128xf32, #tpu.memory_space<vmem_shared>> -> memref<16x128xf32, #tpu.memory_space<vmem_shared>>
      %dma_wait3A_212 = arith.constant 0 : i32
      %dma_wait3A_213 = tpu.memref_slice %arg8[%add3A_70, %dma_wait3A_212] : memref<10000x128xf32, #tpu.memory_space<vmem_shared>> -> memref<16x128xf32, #tpu.memory_space<vmem_shared>>
      tpu.wait_dma2 semaphore(%run_scoped3A : memref<!tpu.dma_semaphore, #tpu.memory_space<semaphore_mem>>) src(%arg9 : memref<16x128xf32, #tpu.memory_space<vmem>>) dst(%dma_wait3A_213 : memref<16x128xf32, #tpu.memory_space<vmem_shared>>)
      tpu.yield
    }) : () -> ()
    %mul3A_71 = arith.constant 624 : i32
    %mul3A_72 = arith.muli %arg1, %mul3A_71 : i32
    %add3A_73 = arith.constant 224 : i32
    %add3A_74 = arith.addi %mul3A_72, %add3A_73 : i32
    "tpu.region"() ({
      %run_scoped3A = tpu.sem_alloc : memref<!tpu.dma_semaphore, #tpu.memory_space<semaphore_mem>>
      %dma_start3A_206 = arith.constant 0 : i32
      %dma_start3A_207 = tpu.memref_slice %arg8[%add3A_74, %dma_start3A_206] : memref<10000x128xf32, #tpu.memory_space<vmem_shared>> -> memref<16x128xf32, #tpu.memory_space<vmem_shared>>
      %dma_start3A_208 = arith.constant 0 : i32
      %dma_start3A_209 = tpu.memref_slice %arg8[%add3A_74, %dma_start3A_208] : memref<10000x128xf32, #tpu.memory_space<vmem_shared>> -> memref<16x128xf32, #tpu.memory_space<vmem_shared>>
      tpu.enqueue_dma source(%arg9 : memref<16x128xf32, #tpu.memory_space<vmem>>) target(%dma_start3A_209 : memref<16x128xf32, #tpu.memory_space<vmem_shared>>) target_semaphore(%run_scoped3A : memref<!tpu.dma_semaphore, #tpu.memory_space<semaphore_mem>>)
      %dma_wait3A_210 = arith.constant 0 : i32
      %dma_wait3A_211 = tpu.memref_slice %arg8[%add3A_74, %dma_wait3A_210] : memref<10000x128xf32, #tpu.memory_space<vmem_shared>> -> memref<16x128xf32, #tpu.memory_space<vmem_shared>>
      %dma_wait3A_212 = arith.constant 0 : i32
      %dma_wait3A_213 = tpu.memref_slice %arg8[%add3A_74, %dma_wait3A_212] : memref<10000x128xf32, #tpu.memory_space<vmem_shared>> -> memref<16x128xf32, #tpu.memory_space<vmem_shared>>
      tpu.wait_dma2 semaphore(%run_scoped3A : memref<!tpu.dma_semaphore, #tpu.memory_space<semaphore_mem>>) src(%arg9 : memref<16x128xf32, #tpu.memory_space<vmem>>) dst(%dma_wait3A_213 : memref<16x128xf32, #tpu.memory_space<vmem_shared>>)
      tpu.yield
    }) : () -> ()
    %mul3A_75 = arith.constant 624 : i32
    %mul3A_76 = arith.muli %arg1, %mul3A_75 : i32
    %add3A_77 = arith.constant 240 : i32
    %add3A_78 = arith.addi %mul3A_76, %add3A_77 : i32
    "tpu.region"() ({
      %run_scoped3A = tpu.sem_alloc : memref<!tpu.dma_semaphore, #tpu.memory_space<semaphore_mem>>
      %dma_start3A_206 = arith.constant 0 : i32
      %dma_start3A_207 = tpu.memref_slice %arg8[%add3A_78, %dma_start3A_206] : memref<10000x128xf32, #tpu.memory_space<vmem_shared>> -> memref<16x128xf32, #tpu.memory_space<vmem_shared>>
      %dma_start3A_208 = arith.constant 0 : i32
      %dma_start3A_209 = tpu.memref_slice %arg8[%add3A_78, %dma_start3A_208] : memref<10000x128xf32, #tpu.memory_space<vmem_shared>> -> memref<16x128xf32, #tpu.memory_space<vmem_shared>>
      tpu.enqueue_dma source(%arg9 : memref<16x128xf32, #tpu.memory_space<vmem>>) target(%dma_start3A_209 : memref<16x128xf32, #tpu.memory_space<vmem_shared>>) target_semaphore(%run_scoped3A : memref<!tpu.dma_semaphore, #tpu.memory_space<semaphore_mem>>)
      %dma_wait3A_210 = arith.constant 0 : i32
      %dma_wait3A_211 = tpu.memref_slice %arg8[%add3A_78, %dma_wait3A_210] : memref<10000x128xf32, #tpu.memory_space<vmem_shared>> -> memref<16x128xf32, #tpu.memory_space<vmem_shared>>
      %dma_wait3A_212 = arith.constant 0 : i32
      %dma_wait3A_213 = tpu.memref_slice %arg8[%add3A_78, %dma_wait3A_212] : memref<10000x128xf32, #tpu.memory_space<vmem_shared>> -> memref<16x128xf32, #tpu.memory_space<vmem_shared>>
      tpu.wait_dma2 semaphore(%run_scoped3A : memref<!tpu.dma_semaphore, #tpu.memory_space<semaphore_mem>>) src(%arg9 : memref<16x128xf32, #tpu.memory_space<vmem>>) dst(%dma_wait3A_213 : memref<16x128xf32, #tpu.memory_space<vmem_shared>>)
      tpu.yield
    }) : () -> ()
    %mul3A_79 = arith.constant 624 : i32
    %mul3A_80 = arith.muli %arg1, %mul3A_79 : i32
    %add3A_81 = arith.constant 256 : i32
    %add3A_82 = arith.addi %mul3A_80, %add3A_81 : i32
    "tpu.region"() ({
      %run_scoped3A = tpu.sem_alloc : memref<!tpu.dma_semaphore, #tpu.memory_space<semaphore_mem>>
      %dma_start3A_206 = arith.constant 0 : i32
      %dma_start3A_207 = tpu.memref_slice %arg8[%add3A_82, %dma_start3A_206] : memref<10000x128xf32, #tpu.memory_space<vmem_shared>> -> memref<16x128xf32, #tpu.memory_space<vmem_shared>>
      %dma_start3A_208 = arith.constant 0 : i32
      %dma_start3A_209 = tpu.memref_slice %arg8[%add3A_82, %dma_start3A_208] : memref<10000x128xf32, #tpu.memory_space<vmem_shared>> -> memref<16x128xf32, #tpu.memory_space<vmem_shared>>
      tpu.enqueue_dma source(%arg9 : memref<16x128xf32, #tpu.memory_space<vmem>>) target(%dma_start3A_209 : memref<16x128xf32, #tpu.memory_space<vmem_shared>>) target_semaphore(%run_scoped3A : memref<!tpu.dma_semaphore, #tpu.memory_space<semaphore_mem>>)
      %dma_wait3A_210 = arith.constant 0 : i32
      %dma_wait3A_211 = tpu.memref_slice %arg8[%add3A_82, %dma_wait3A_210] : memref<10000x128xf32, #tpu.memory_space<vmem_shared>> -> memref<16x128xf32, #tpu.memory_space<vmem_shared>>
      %dma_wait3A_212 = arith.constant 0 : i32
      %dma_wait3A_213 = tpu.memref_slice %arg8[%add3A_82, %dma_wait3A_212] : memref<10000x128xf32, #tpu.memory_space<vmem_shared>> -> memref<16x128xf32, #tpu.memory_space<vmem_shared>>
      tpu.wait_dma2 semaphore(%run_scoped3A : memref<!tpu.dma_semaphore, #tpu.memory_space<semaphore_mem>>) src(%arg9 : memref<16x128xf32, #tpu.memory_space<vmem>>) dst(%dma_wait3A_213 : memref<16x128xf32, #tpu.memory_space<vmem_shared>>)
      tpu.yield
    }) : () -> ()
    %mul3A_83 = arith.constant 624 : i32
    %mul3A_84 = arith.muli %arg1, %mul3A_83 : i32
    %add3A_85 = arith.constant 272 : i32
    %add3A_86 = arith.addi %mul3A_84, %add3A_85 : i32
    "tpu.region"() ({
      %run_scoped3A = tpu.sem_alloc : memref<!tpu.dma_semaphore, #tpu.memory_space<semaphore_mem>>
      %dma_start3A_206 = arith.constant 0 : i32
      %dma_start3A_207 = tpu.memref_slice %arg8[%add3A_86, %dma_start3A_206] : memref<10000x128xf32, #tpu.memory_space<vmem_shared>> -> memref<16x128xf32, #tpu.memory_space<vmem_shared>>
      %dma_start3A_208 = arith.constant 0 : i32
      %dma_start3A_209 = tpu.memref_slice %arg8[%add3A_86, %dma_start3A_208] : memref<10000x128xf32, #tpu.memory_space<vmem_shared>> -> memref<16x128xf32, #tpu.memory_space<vmem_shared>>
      tpu.enqueue_dma source(%arg9 : memref<16x128xf32, #tpu.memory_space<vmem>>) target(%dma_start3A_209 : memref<16x128xf32, #tpu.memory_space<vmem_shared>>) target_semaphore(%run_scoped3A : memref<!tpu.dma_semaphore, #tpu.memory_space<semaphore_mem>>)
      %dma_wait3A_210 = arith.constant 0 : i32
      %dma_wait3A_211 = tpu.memref_slice %arg8[%add3A_86, %dma_wait3A_210] : memref<10000x128xf32, #tpu.memory_space<vmem_shared>> -> memref<16x128xf32, #tpu.memory_space<vmem_shared>>
      %dma_wait3A_212 = arith.constant 0 : i32
      %dma_wait3A_213 = tpu.memref_slice %arg8[%add3A_86, %dma_wait3A_212] : memref<10000x128xf32, #tpu.memory_space<vmem_shared>> -> memref<16x128xf32, #tpu.memory_space<vmem_shared>>
      tpu.wait_dma2 semaphore(%run_scoped3A : memref<!tpu.dma_semaphore, #tpu.memory_space<semaphore_mem>>) src(%arg9 : memref<16x128xf32, #tpu.memory_space<vmem>>) dst(%dma_wait3A_213 : memref<16x128xf32, #tpu.memory_space<vmem_shared>>)
      tpu.yield
    }) : () -> ()
    %mul3A_87 = arith.constant 624 : i32
    %mul3A_88 = arith.muli %arg1, %mul3A_87 : i32
    %add3A_89 = arith.constant 288 : i32
    %add3A_90 = arith.addi %mul3A_88, %add3A_89 : i32
    "tpu.region"() ({
      %run_scoped3A = tpu.sem_alloc : memref<!tpu.dma_semaphore, #tpu.memory_space<semaphore_mem>>
      %dma_start3A_206 = arith.constant 0 : i32
      %dma_start3A_207 = tpu.memref_slice %arg8[%add3A_90, %dma_start3A_206] : memref<10000x128xf32, #tpu.memory_space<vmem_shared>> -> memref<16x128xf32, #tpu.memory_space<vmem_shared>>
      %dma_start3A_208 = arith.constant 0 : i32
      %dma_start3A_209 = tpu.memref_slice %arg8[%add3A_90, %dma_start3A_208] : memref<10000x128xf32, #tpu.memory_space<vmem_shared>> -> memref<16x128xf32, #tpu.memory_space<vmem_shared>>
      tpu.enqueue_dma source(%arg9 : memref<16x128xf32, #tpu.memory_space<vmem>>) target(%dma_start3A_209 : memref<16x128xf32, #tpu.memory_space<vmem_shared>>) target_semaphore(%run_scoped3A : memref<!tpu.dma_semaphore, #tpu.memory_space<semaphore_mem>>)
      %dma_wait3A_210 = arith.constant 0 : i32
      %dma_wait3A_211 = tpu.memref_slice %arg8[%add3A_90, %dma_wait3A_210] : memref<10000x128xf32, #tpu.memory_space<vmem_shared>> -> memref<16x128xf32, #tpu.memory_space<vmem_shared>>
      %dma_wait3A_212 = arith.constant 0 : i32
      %dma_wait3A_213 = tpu.memref_slice %arg8[%add3A_90, %dma_wait3A_212] : memref<10000x128xf32, #tpu.memory_space<vmem_shared>> -> memref<16x128xf32, #tpu.memory_space<vmem_shared>>
      tpu.wait_dma2 semaphore(%run_scoped3A : memref<!tpu.dma_semaphore, #tpu.memory_space<semaphore_mem>>) src(%arg9 : memref<16x128xf32, #tpu.memory_space<vmem>>) dst(%dma_wait3A_213 : memref<16x128xf32, #tpu.memory_space<vmem_shared>>)
      tpu.yield
    }) : () -> ()
    %mul3A_91 = arith.constant 624 : i32
    %mul3A_92 = arith.muli %arg1, %mul3A_91 : i32
    %add3A_93 = arith.constant 304 : i32
    %add3A_94 = arith.addi %mul3A_92, %add3A_93 : i32
    "tpu.region"() ({
      %run_scoped3A = tpu.sem_alloc : memref<!tpu.dma_semaphore, #tpu.memory_space<semaphore_mem>>
      %dma_start3A_206 = arith.constant 0 : i32
      %dma_start3A_207 = tpu.memref_slice %arg8[%add3A_94, %dma_start3A_206] : memref<10000x128xf32, #tpu.memory_space<vmem_shared>> -> memref<16x128xf32, #tpu.memory_space<vmem_shared>>
      %dma_start3A_208 = arith.constant 0 : i32
      %dma_start3A_209 = tpu.memref_slice %arg8[%add3A_94, %dma_start3A_208] : memref<10000x128xf32, #tpu.memory_space<vmem_shared>> -> memref<16x128xf32, #tpu.memory_space<vmem_shared>>
      tpu.enqueue_dma source(%arg9 : memref<16x128xf32, #tpu.memory_space<vmem>>) target(%dma_start3A_209 : memref<16x128xf32, #tpu.memory_space<vmem_shared>>) target_semaphore(%run_scoped3A : memref<!tpu.dma_semaphore, #tpu.memory_space<semaphore_mem>>)
      %dma_wait3A_210 = arith.constant 0 : i32
      %dma_wait3A_211 = tpu.memref_slice %arg8[%add3A_94, %dma_wait3A_210] : memref<10000x128xf32, #tpu.memory_space<vmem_shared>> -> memref<16x128xf32, #tpu.memory_space<vmem_shared>>
      %dma_wait3A_212 = arith.constant 0 : i32
      %dma_wait3A_213 = tpu.memref_slice %arg8[%add3A_94, %dma_wait3A_212] : memref<10000x128xf32, #tpu.memory_space<vmem_shared>> -> memref<16x128xf32, #tpu.memory_space<vmem_shared>>
      tpu.wait_dma2 semaphore(%run_scoped3A : memref<!tpu.dma_semaphore, #tpu.memory_space<semaphore_mem>>) src(%arg9 : memref<16x128xf32, #tpu.memory_space<vmem>>) dst(%dma_wait3A_213 : memref<16x128xf32, #tpu.memory_space<vmem_shared>>)
      tpu.yield
    }) : () -> ()
    %mul3A_95 = arith.constant 624 : i32
    %mul3A_96 = arith.muli %arg1, %mul3A_95 : i32
    %add3A_97 = arith.constant 320 : i32
    %add3A_98 = arith.addi %mul3A_96, %add3A_97 : i32
    "tpu.region"() ({
      %run_scoped3A = tpu.sem_alloc : memref<!tpu.dma_semaphore, #tpu.memory_space<semaphore_mem>>
      %dma_start3A_206 = arith.constant 0 : i32
      %dma_start3A_207 = tpu.memref_slice %arg8[%add3A_98, %dma_start3A_206] : memref<10000x128xf32, #tpu.memory_space<vmem_shared>> -> memref<16x128xf32, #tpu.memory_space<vmem_shared>>
      %dma_start3A_208 = arith.constant 0 : i32
      %dma_start3A_209 = tpu.memref_slice %arg8[%add3A_98, %dma_start3A_208] : memref<10000x128xf32, #tpu.memory_space<vmem_shared>> -> memref<16x128xf32, #tpu.memory_space<vmem_shared>>
      tpu.enqueue_dma source(%arg9 : memref<16x128xf32, #tpu.memory_space<vmem>>) target(%dma_start3A_209 : memref<16x128xf32, #tpu.memory_space<vmem_shared>>) target_semaphore(%run_scoped3A : memref<!tpu.dma_semaphore, #tpu.memory_space<semaphore_mem>>)
      %dma_wait3A_210 = arith.constant 0 : i32
      %dma_wait3A_211 = tpu.memref_slice %arg8[%add3A_98, %dma_wait3A_210] : memref<10000x128xf32, #tpu.memory_space<vmem_shared>> -> memref<16x128xf32, #tpu.memory_space<vmem_shared>>
      %dma_wait3A_212 = arith.constant 0 : i32
      %dma_wait3A_213 = tpu.memref_slice %arg8[%add3A_98, %dma_wait3A_212] : memref<10000x128xf32, #tpu.memory_space<vmem_shared>> -> memref<16x128xf32, #tpu.memory_space<vmem_shared>>
      tpu.wait_dma2 semaphore(%run_scoped3A : memref<!tpu.dma_semaphore, #tpu.memory_space<semaphore_mem>>) src(%arg9 : memref<16x128xf32, #tpu.memory_space<vmem>>) dst(%dma_wait3A_213 : memref<16x128xf32, #tpu.memory_space<vmem_shared>>)
      tpu.yield
    }) : () -> ()
    %mul3A_99 = arith.constant 624 : i32
    %mul3A_100 = arith.muli %arg1, %mul3A_99 : i32
    %add3A_101 = arith.constant 336 : i32
    %add3A_102 = arith.addi %mul3A_100, %add3A_101 : i32
    "tpu.region"() ({
      %run_scoped3A = tpu.sem_alloc : memref<!tpu.dma_semaphore, #tpu.memory_space<semaphore_mem>>
      %dma_start3A_206 = arith.constant 0 : i32
      %dma_start3A_207 = tpu.memref_slice %arg8[%add3A_102, %dma_start3A_206] : memref<10000x128xf32, #tpu.memory_space<vmem_shared>> -> memref<16x128xf32, #tpu.memory_space<vmem_shared>>
      %dma_start3A_208 = arith.constant 0 : i32
      %dma_start3A_209 = tpu.memref_slice %arg8[%add3A_102, %dma_start3A_208] : memref<10000x128xf32, #tpu.memory_space<vmem_shared>> -> memref<16x128xf32, #tpu.memory_space<vmem_shared>>
      tpu.enqueue_dma source(%arg9 : memref<16x128xf32, #tpu.memory_space<vmem>>) target(%dma_start3A_209 : memref<16x128xf32, #tpu.memory_space<vmem_shared>>) target_semaphore(%run_scoped3A : memref<!tpu.dma_semaphore, #tpu.memory_space<semaphore_mem>>)
      %dma_wait3A_210 = arith.constant 0 : i32
      %dma_wait3A_211 = tpu.memref_slice %arg8[%add3A_102, %dma_wait3A_210] : memref<10000x128xf32, #tpu.memory_space<vmem_shared>> -> memref<16x128xf32, #tpu.memory_space<vmem_shared>>
      %dma_wait3A_212 = arith.constant 0 : i32
      %dma_wait3A_213 = tpu.memref_slice %arg8[%add3A_102, %dma_wait3A_212] : memref<10000x128xf32, #tpu.memory_space<vmem_shared>> -> memref<16x128xf32, #tpu.memory_space<vmem_shared>>
      tpu.wait_dma2 semaphore(%run_scoped3A : memref<!tpu.dma_semaphore, #tpu.memory_space<semaphore_mem>>) src(%arg9 : memref<16x128xf32, #tpu.memory_space<vmem>>) dst(%dma_wait3A_213 : memref<16x128xf32, #tpu.memory_space<vmem_shared>>)
      tpu.yield
    }) : () -> ()
    %mul3A_103 = arith.constant 624 : i32
    %mul3A_104 = arith.muli %arg1, %mul3A_103 : i32
    %add3A_105 = arith.constant 352 : i32
    %add3A_106 = arith.addi %mul3A_104, %add3A_105 : i32
    "tpu.region"() ({
      %run_scoped3A = tpu.sem_alloc : memref<!tpu.dma_semaphore, #tpu.memory_space<semaphore_mem>>
      %dma_start3A_206 = arith.constant 0 : i32
      %dma_start3A_207 = tpu.memref_slice %arg8[%add3A_106, %dma_start3A_206] : memref<10000x128xf32, #tpu.memory_space<vmem_shared>> -> memref<16x128xf32, #tpu.memory_space<vmem_shared>>
      %dma_start3A_208 = arith.constant 0 : i32
      %dma_start3A_209 = tpu.memref_slice %arg8[%add3A_106, %dma_start3A_208] : memref<10000x128xf32, #tpu.memory_space<vmem_shared>> -> memref<16x128xf32, #tpu.memory_space<vmem_shared>>
      tpu.enqueue_dma source(%arg9 : memref<16x128xf32, #tpu.memory_space<vmem>>) target(%dma_start3A_209 : memref<16x128xf32, #tpu.memory_space<vmem_shared>>) target_semaphore(%run_scoped3A : memref<!tpu.dma_semaphore, #tpu.memory_space<semaphore_mem>>)
      %dma_wait3A_210 = arith.constant 0 : i32
      %dma_wait3A_211 = tpu.memref_slice %arg8[%add3A_106, %dma_wait3A_210] : memref<10000x128xf32, #tpu.memory_space<vmem_shared>> -> memref<16x128xf32, #tpu.memory_space<vmem_shared>>
      %dma_wait3A_212 = arith.constant 0 : i32
      %dma_wait3A_213 = tpu.memref_slice %arg8[%add3A_106, %dma_wait3A_212] : memref<10000x128xf32, #tpu.memory_space<vmem_shared>> -> memref<16x128xf32, #tpu.memory_space<vmem_shared>>
      tpu.wait_dma2 semaphore(%run_scoped3A : memref<!tpu.dma_semaphore, #tpu.memory_space<semaphore_mem>>) src(%arg9 : memref<16x128xf32, #tpu.memory_space<vmem>>) dst(%dma_wait3A_213 : memref<16x128xf32, #tpu.memory_space<vmem_shared>>)
      tpu.yield
    }) : () -> ()
    %mul3A_107 = arith.constant 624 : i32
    %mul3A_108 = arith.muli %arg1, %mul3A_107 : i32
    %add3A_109 = arith.constant 368 : i32
    %add3A_110 = arith.addi %mul3A_108, %add3A_109 : i32
    "tpu.region"() ({
      %run_scoped3A = tpu.sem_alloc : memref<!tpu.dma_semaphore, #tpu.memory_space<semaphore_mem>>
      %dma_start3A_206 = arith.constant 0 : i32
      %dma_start3A_207 = tpu.memref_slice %arg8[%add3A_110, %dma_start3A_206] : memref<10000x128xf32, #tpu.memory_space<vmem_shared>> -> memref<16x128xf32, #tpu.memory_space<vmem_shared>>
      %dma_start3A_208 = arith.constant 0 : i32
      %dma_start3A_209 = tpu.memref_slice %arg8[%add3A_110, %dma_start3A_208] : memref<10000x128xf32, #tpu.memory_space<vmem_shared>> -> memref<16x128xf32, #tpu.memory_space<vmem_shared>>
      tpu.enqueue_dma source(%arg9 : memref<16x128xf32, #tpu.memory_space<vmem>>) target(%dma_start3A_209 : memref<16x128xf32, #tpu.memory_space<vmem_shared>>) target_semaphore(%run_scoped3A : memref<!tpu.dma_semaphore, #tpu.memory_space<semaphore_mem>>)
      %dma_wait3A_210 = arith.constant 0 : i32
      %dma_wait3A_211 = tpu.memref_slice %arg8[%add3A_110, %dma_wait3A_210] : memref<10000x128xf32, #tpu.memory_space<vmem_shared>> -> memref<16x128xf32, #tpu.memory_space<vmem_shared>>
      %dma_wait3A_212 = arith.constant 0 : i32
      %dma_wait3A_213 = tpu.memref_slice %arg8[%add3A_110, %dma_wait3A_212] : memref<10000x128xf32, #tpu.memory_space<vmem_shared>> -> memref<16x128xf32, #tpu.memory_space<vmem_shared>>
      tpu.wait_dma2 semaphore(%run_scoped3A : memref<!tpu.dma_semaphore, #tpu.memory_space<semaphore_mem>>) src(%arg9 : memref<16x128xf32, #tpu.memory_space<vmem>>) dst(%dma_wait3A_213 : memref<16x128xf32, #tpu.memory_space<vmem_shared>>)
      tpu.yield
    }) : () -> ()
    %mul3A_111 = arith.constant 624 : i32
    %mul3A_112 = arith.muli %arg1, %mul3A_111 : i32
    %add3A_113 = arith.constant 384 : i32
    %add3A_114 = arith.addi %mul3A_112, %add3A_113 : i32
    "tpu.region"() ({
      %run_scoped3A = tpu.sem_alloc : memref<!tpu.dma_semaphore, #tpu.memory_space<semaphore_mem>>
      %dma_start3A_206 = arith.constant 0 : i32
      %dma_start3A_207 = tpu.memref_slice %arg8[%add3A_114, %dma_start3A_206] : memref<10000x128xf32, #tpu.memory_space<vmem_shared>> -> memref<16x128xf32, #tpu.memory_space<vmem_shared>>
      %dma_start3A_208 = arith.constant 0 : i32
      %dma_start3A_209 = tpu.memref_slice %arg8[%add3A_114, %dma_start3A_208] : memref<10000x128xf32, #tpu.memory_space<vmem_shared>> -> memref<16x128xf32, #tpu.memory_space<vmem_shared>>
      tpu.enqueue_dma source(%arg9 : memref<16x128xf32, #tpu.memory_space<vmem>>) target(%dma_start3A_209 : memref<16x128xf32, #tpu.memory_space<vmem_shared>>) target_semaphore(%run_scoped3A : memref<!tpu.dma_semaphore, #tpu.memory_space<semaphore_mem>>)
      %dma_wait3A_210 = arith.constant 0 : i32
      %dma_wait3A_211 = tpu.memref_slice %arg8[%add3A_114, %dma_wait3A_210] : memref<10000x128xf32, #tpu.memory_space<vmem_shared>> -> memref<16x128xf32, #tpu.memory_space<vmem_shared>>
      %dma_wait3A_212 = arith.constant 0 : i32
      %dma_wait3A_213 = tpu.memref_slice %arg8[%add3A_114, %dma_wait3A_212] : memref<10000x128xf32, #tpu.memory_space<vmem_shared>> -> memref<16x128xf32, #tpu.memory_space<vmem_shared>>
      tpu.wait_dma2 semaphore(%run_scoped3A : memref<!tpu.dma_semaphore, #tpu.memory_space<semaphore_mem>>) src(%arg9 : memref<16x128xf32, #tpu.memory_space<vmem>>) dst(%dma_wait3A_213 : memref<16x128xf32, #tpu.memory_space<vmem_shared>>)
      tpu.yield
    }) : () -> ()
    %mul3A_115 = arith.constant 624 : i32
    %mul3A_116 = arith.muli %arg1, %mul3A_115 : i32
    %add3A_117 = arith.constant 400 : i32
    %add3A_118 = arith.addi %mul3A_116, %add3A_117 : i32
    "tpu.region"() ({
      %run_scoped3A = tpu.sem_alloc : memref<!tpu.dma_semaphore, #tpu.memory_space<semaphore_mem>>
      %dma_start3A_206 = arith.constant 0 : i32
      %dma_start3A_207 = tpu.memref_slice %arg8[%add3A_118, %dma_start3A_206] : memref<10000x128xf32, #tpu.memory_space<vmem_shared>> -> memref<16x128xf32, #tpu.memory_space<vmem_shared>>
      %dma_start3A_208 = arith.constant 0 : i32
      %dma_start3A_209 = tpu.memref_slice %arg8[%add3A_118, %dma_start3A_208] : memref<10000x128xf32, #tpu.memory_space<vmem_shared>> -> memref<16x128xf32, #tpu.memory_space<vmem_shared>>
      tpu.enqueue_dma source(%arg9 : memref<16x128xf32, #tpu.memory_space<vmem>>) target(%dma_start3A_209 : memref<16x128xf32, #tpu.memory_space<vmem_shared>>) target_semaphore(%run_scoped3A : memref<!tpu.dma_semaphore, #tpu.memory_space<semaphore_mem>>)
      %dma_wait3A_210 = arith.constant 0 : i32
      %dma_wait3A_211 = tpu.memref_slice %arg8[%add3A_118, %dma_wait3A_210] : memref<10000x128xf32, #tpu.memory_space<vmem_shared>> -> memref<16x128xf32, #tpu.memory_space<vmem_shared>>
      %dma_wait3A_212 = arith.constant 0 : i32
      %dma_wait3A_213 = tpu.memref_slice %arg8[%add3A_118, %dma_wait3A_212] : memref<10000x128xf32, #tpu.memory_space<vmem_shared>> -> memref<16x128xf32, #tpu.memory_space<vmem_shared>>
      tpu.wait_dma2 semaphore(%run_scoped3A : memref<!tpu.dma_semaphore, #tpu.memory_space<semaphore_mem>>) src(%arg9 : memref<16x128xf32, #tpu.memory_space<vmem>>) dst(%dma_wait3A_213 : memref<16x128xf32, #tpu.memory_space<vmem_shared>>)
      tpu.yield
    }) : () -> ()
    %mul3A_119 = arith.constant 624 : i32
    %mul3A_120 = arith.muli %arg1, %mul3A_119 : i32
    %add3A_121 = arith.constant 416 : i32
    %add3A_122 = arith.addi %mul3A_120, %add3A_121 : i32
    "tpu.region"() ({
      %run_scoped3A = tpu.sem_alloc : memref<!tpu.dma_semaphore, #tpu.memory_space<semaphore_mem>>
      %dma_start3A_206 = arith.constant 0 : i32
      %dma_start3A_207 = tpu.memref_slice %arg8[%add3A_122, %dma_start3A_206] : memref<10000x128xf32, #tpu.memory_space<vmem_shared>> -> memref<16x128xf32, #tpu.memory_space<vmem_shared>>
      %dma_start3A_208 = arith.constant 0 : i32
      %dma_start3A_209 = tpu.memref_slice %arg8[%add3A_122, %dma_start3A_208] : memref<10000x128xf32, #tpu.memory_space<vmem_shared>> -> memref<16x128xf32, #tpu.memory_space<vmem_shared>>
      tpu.enqueue_dma source(%arg9 : memref<16x128xf32, #tpu.memory_space<vmem>>) target(%dma_start3A_209 : memref<16x128xf32, #tpu.memory_space<vmem_shared>>) target_semaphore(%run_scoped3A : memref<!tpu.dma_semaphore, #tpu.memory_space<semaphore_mem>>)
      %dma_wait3A_210 = arith.constant 0 : i32
      %dma_wait3A_211 = tpu.memref_slice %arg8[%add3A_122, %dma_wait3A_210] : memref<10000x128xf32, #tpu.memory_space<vmem_shared>> -> memref<16x128xf32, #tpu.memory_space<vmem_shared>>
      %dma_wait3A_212 = arith.constant 0 : i32
      %dma_wait3A_213 = tpu.memref_slice %arg8[%add3A_122, %dma_wait3A_212] : memref<10000x128xf32, #tpu.memory_space<vmem_shared>> -> memref<16x128xf32, #tpu.memory_space<vmem_shared>>
      tpu.wait_dma2 semaphore(%run_scoped3A : memref<!tpu.dma_semaphore, #tpu.memory_space<semaphore_mem>>) src(%arg9 : memref<16x128xf32, #tpu.memory_space<vmem>>) dst(%dma_wait3A_213 : memref<16x128xf32, #tpu.memory_space<vmem_shared>>)
      tpu.yield
    }) : () -> ()
    %mul3A_123 = arith.constant 624 : i32
    %mul3A_124 = arith.muli %arg1, %mul3A_123 : i32
    %add3A_125 = arith.constant 432 : i32
    %add3A_126 = arith.addi %mul3A_124, %add3A_125 : i32
    "tpu.region"() ({
      %run_scoped3A = tpu.sem_alloc : memref<!tpu.dma_semaphore, #tpu.memory_space<semaphore_mem>>
      %dma_start3A_206 = arith.constant 0 : i32
      %dma_start3A_207 = tpu.memref_slice %arg8[%add3A_126, %dma_start3A_206] : memref<10000x128xf32, #tpu.memory_space<vmem_shared>> -> memref<16x128xf32, #tpu.memory_space<vmem_shared>>
      %dma_start3A_208 = arith.constant 0 : i32
      %dma_start3A_209 = tpu.memref_slice %arg8[%add3A_126, %dma_start3A_208] : memref<10000x128xf32, #tpu.memory_space<vmem_shared>> -> memref<16x128xf32, #tpu.memory_space<vmem_shared>>
      tpu.enqueue_dma source(%arg9 : memref<16x128xf32, #tpu.memory_space<vmem>>) target(%dma_start3A_209 : memref<16x128xf32, #tpu.memory_space<vmem_shared>>) target_semaphore(%run_scoped3A : memref<!tpu.dma_semaphore, #tpu.memory_space<semaphore_mem>>)
      %dma_wait3A_210 = arith.constant 0 : i32
      %dma_wait3A_211 = tpu.memref_slice %arg8[%add3A_126, %dma_wait3A_210] : memref<10000x128xf32, #tpu.memory_space<vmem_shared>> -> memref<16x128xf32, #tpu.memory_space<vmem_shared>>
      %dma_wait3A_212 = arith.constant 0 : i32
      %dma_wait3A_213 = tpu.memref_slice %arg8[%add3A_126, %dma_wait3A_212] : memref<10000x128xf32, #tpu.memory_space<vmem_shared>> -> memref<16x128xf32, #tpu.memory_space<vmem_shared>>
      tpu.wait_dma2 semaphore(%run_scoped3A : memref<!tpu.dma_semaphore, #tpu.memory_space<semaphore_mem>>) src(%arg9 : memref<16x128xf32, #tpu.memory_space<vmem>>) dst(%dma_wait3A_213 : memref<16x128xf32, #tpu.memory_space<vmem_shared>>)
      tpu.yield
    }) : () -> ()
    %mul3A_127 = arith.constant 624 : i32
    %mul3A_128 = arith.muli %arg1, %mul3A_127 : i32
    %add3A_129 = arith.constant 448 : i32
    %add3A_130 = arith.addi %mul3A_128, %add3A_129 : i32
    "tpu.region"() ({
      %run_scoped3A = tpu.sem_alloc : memref<!tpu.dma_semaphore, #tpu.memory_space<semaphore_mem>>
      %dma_start3A_206 = arith.constant 0 : i32
      %dma_start3A_207 = tpu.memref_slice %arg8[%add3A_130, %dma_start3A_206] : memref<10000x128xf32, #tpu.memory_space<vmem_shared>> -> memref<16x128xf32, #tpu.memory_space<vmem_shared>>
      %dma_start3A_208 = arith.constant 0 : i32
      %dma_start3A_209 = tpu.memref_slice %arg8[%add3A_130, %dma_start3A_208] : memref<10000x128xf32, #tpu.memory_space<vmem_shared>> -> memref<16x128xf32, #tpu.memory_space<vmem_shared>>
      tpu.enqueue_dma source(%arg9 : memref<16x128xf32, #tpu.memory_space<vmem>>) target(%dma_start3A_209 : memref<16x128xf32, #tpu.memory_space<vmem_shared>>) target_semaphore(%run_scoped3A : memref<!tpu.dma_semaphore, #tpu.memory_space<semaphore_mem>>)
      %dma_wait3A_210 = arith.constant 0 : i32
      %dma_wait3A_211 = tpu.memref_slice %arg8[%add3A_130, %dma_wait3A_210] : memref<10000x128xf32, #tpu.memory_space<vmem_shared>> -> memref<16x128xf32, #tpu.memory_space<vmem_shared>>
      %dma_wait3A_212 = arith.constant 0 : i32
      %dma_wait3A_213 = tpu.memref_slice %arg8[%add3A_130, %dma_wait3A_212] : memref<10000x128xf32, #tpu.memory_space<vmem_shared>> -> memref<16x128xf32, #tpu.memory_space<vmem_shared>>
      tpu.wait_dma2 semaphore(%run_scoped3A : memref<!tpu.dma_semaphore, #tpu.memory_space<semaphore_mem>>) src(%arg9 : memref<16x128xf32, #tpu.memory_space<vmem>>) dst(%dma_wait3A_213 : memref<16x128xf32, #tpu.memory_space<vmem_shared>>)
      tpu.yield
    }) : () -> ()
    %mul3A_131 = arith.constant 624 : i32
    %mul3A_132 = arith.muli %arg1, %mul3A_131 : i32
    %add3A_133 = arith.constant 464 : i32
    %add3A_134 = arith.addi %mul3A_132, %add3A_133 : i32
    "tpu.region"() ({
      %run_scoped3A = tpu.sem_alloc : memref<!tpu.dma_semaphore, #tpu.memory_space<semaphore_mem>>
      %dma_start3A_206 = arith.constant 0 : i32
      %dma_start3A_207 = tpu.memref_slice %arg8[%add3A_134, %dma_start3A_206] : memref<10000x128xf32, #tpu.memory_space<vmem_shared>> -> memref<16x128xf32, #tpu.memory_space<vmem_shared>>
      %dma_start3A_208 = arith.constant 0 : i32
      %dma_start3A_209 = tpu.memref_slice %arg8[%add3A_134, %dma_start3A_208] : memref<10000x128xf32, #tpu.memory_space<vmem_shared>> -> memref<16x128xf32, #tpu.memory_space<vmem_shared>>
      tpu.enqueue_dma source(%arg9 : memref<16x128xf32, #tpu.memory_space<vmem>>) target(%dma_start3A_209 : memref<16x128xf32, #tpu.memory_space<vmem_shared>>) target_semaphore(%run_scoped3A : memref<!tpu.dma_semaphore, #tpu.memory_space<semaphore_mem>>)
      %dma_wait3A_210 = arith.constant 0 : i32
      %dma_wait3A_211 = tpu.memref_slice %arg8[%add3A_134, %dma_wait3A_210] : memref<10000x128xf32, #tpu.memory_space<vmem_shared>> -> memref<16x128xf32, #tpu.memory_space<vmem_shared>>
      %dma_wait3A_212 = arith.constant 0 : i32
      %dma_wait3A_213 = tpu.memref_slice %arg8[%add3A_134, %dma_wait3A_212] : memref<10000x128xf32, #tpu.memory_space<vmem_shared>> -> memref<16x128xf32, #tpu.memory_space<vmem_shared>>
      tpu.wait_dma2 semaphore(%run_scoped3A : memref<!tpu.dma_semaphore, #tpu.memory_space<semaphore_mem>>) src(%arg9 : memref<16x128xf32, #tpu.memory_space<vmem>>) dst(%dma_wait3A_213 : memref<16x128xf32, #tpu.memory_space<vmem_shared>>)
      tpu.yield
    }) : () -> ()
    %mul3A_135 = arith.constant 624 : i32
    %mul3A_136 = arith.muli %arg1, %mul3A_135 : i32
    %add3A_137 = arith.constant 480 : i32
    %add3A_138 = arith.addi %mul3A_136, %add3A_137 : i32
    "tpu.region"() ({
      %run_scoped3A = tpu.sem_alloc : memref<!tpu.dma_semaphore, #tpu.memory_space<semaphore_mem>>
      %dma_start3A_206 = arith.constant 0 : i32
      %dma_start3A_207 = tpu.memref_slice %arg8[%add3A_138, %dma_start3A_206] : memref<10000x128xf32, #tpu.memory_space<vmem_shared>> -> memref<16x128xf32, #tpu.memory_space<vmem_shared>>
      %dma_start3A_208 = arith.constant 0 : i32
      %dma_start3A_209 = tpu.memref_slice %arg8[%add3A_138, %dma_start3A_208] : memref<10000x128xf32, #tpu.memory_space<vmem_shared>> -> memref<16x128xf32, #tpu.memory_space<vmem_shared>>
      tpu.enqueue_dma source(%arg9 : memref<16x128xf32, #tpu.memory_space<vmem>>) target(%dma_start3A_209 : memref<16x128xf32, #tpu.memory_space<vmem_shared>>) target_semaphore(%run_scoped3A : memref<!tpu.dma_semaphore, #tpu.memory_space<semaphore_mem>>)
      %dma_wait3A_210 = arith.constant 0 : i32
      %dma_wait3A_211 = tpu.memref_slice %arg8[%add3A_138, %dma_wait3A_210] : memref<10000x128xf32, #tpu.memory_space<vmem_shared>> -> memref<16x128xf32, #tpu.memory_space<vmem_shared>>
      %dma_wait3A_212 = arith.constant 0 : i32
      %dma_wait3A_213 = tpu.memref_slice %arg8[%add3A_138, %dma_wait3A_212] : memref<10000x128xf32, #tpu.memory_space<vmem_shared>> -> memref<16x128xf32, #tpu.memory_space<vmem_shared>>
      tpu.wait_dma2 semaphore(%run_scoped3A : memref<!tpu.dma_semaphore, #tpu.memory_space<semaphore_mem>>) src(%arg9 : memref<16x128xf32, #tpu.memory_space<vmem>>) dst(%dma_wait3A_213 : memref<16x128xf32, #tpu.memory_space<vmem_shared>>)
      tpu.yield
    }) : () -> ()
    %mul3A_139 = arith.constant 624 : i32
    %mul3A_140 = arith.muli %arg1, %mul3A_139 : i32
    %add3A_141 = arith.constant 496 : i32
    %add3A_142 = arith.addi %mul3A_140, %add3A_141 : i32
    "tpu.region"() ({
      %run_scoped3A = tpu.sem_alloc : memref<!tpu.dma_semaphore, #tpu.memory_space<semaphore_mem>>
      %dma_start3A_206 = arith.constant 0 : i32
      %dma_start3A_207 = tpu.memref_slice %arg8[%add3A_142, %dma_start3A_206] : memref<10000x128xf32, #tpu.memory_space<vmem_shared>> -> memref<16x128xf32, #tpu.memory_space<vmem_shared>>
      %dma_start3A_208 = arith.constant 0 : i32
      %dma_start3A_209 = tpu.memref_slice %arg8[%add3A_142, %dma_start3A_208] : memref<10000x128xf32, #tpu.memory_space<vmem_shared>> -> memref<16x128xf32, #tpu.memory_space<vmem_shared>>
      tpu.enqueue_dma source(%arg9 : memref<16x128xf32, #tpu.memory_space<vmem>>) target(%dma_start3A_209 : memref<16x128xf32, #tpu.memory_space<vmem_shared>>) target_semaphore(%run_scoped3A : memref<!tpu.dma_semaphore, #tpu.memory_space<semaphore_mem>>)
      %dma_wait3A_210 = arith.constant 0 : i32
      %dma_wait3A_211 = tpu.memref_slice %arg8[%add3A_142, %dma_wait3A_210] : memref<10000x128xf32, #tpu.memory_space<vmem_shared>> -> memref<16x128xf32, #tpu.memory_space<vmem_shared>>
      %dma_wait3A_212 = arith.constant 0 : i32
      %dma_wait3A_213 = tpu.memref_slice %arg8[%add3A_142, %dma_wait3A_212] : memref<10000x128xf32, #tpu.memory_space<vmem_shared>> -> memref<16x128xf32, #tpu.memory_space<vmem_shared>>
      tpu.wait_dma2 semaphore(%run_scoped3A : memref<!tpu.dma_semaphore, #tpu.memory_space<semaphore_mem>>) src(%arg9 : memref<16x128xf32, #tpu.memory_space<vmem>>) dst(%dma_wait3A_213 : memref<16x128xf32, #tpu.memory_space<vmem_shared>>)
      tpu.yield
    }) : () -> ()
    %mul3A_143 = arith.constant 624 : i32
    %mul3A_144 = arith.muli %arg1, %mul3A_143 : i32
    %add3A_145 = arith.constant 512 : i32
    %add3A_146 = arith.addi %mul3A_144, %add3A_145 : i32
    "tpu.region"() ({
      %run_scoped3A = tpu.sem_alloc : memref<!tpu.dma_semaphore, #tpu.memory_space<semaphore_mem>>
      %dma_start3A_206 = arith.constant 0 : i32
      %dma_start3A_207 = tpu.memref_slice %arg8[%add3A_146, %dma_start3A_206] : memref<10000x128xf32, #tpu.memory_space<vmem_shared>> -> memref<16x128xf32, #tpu.memory_space<vmem_shared>>
      %dma_start3A_208 = arith.constant 0 : i32
      %dma_start3A_209 = tpu.memref_slice %arg8[%add3A_146, %dma_start3A_208] : memref<10000x128xf32, #tpu.memory_space<vmem_shared>> -> memref<16x128xf32, #tpu.memory_space<vmem_shared>>
      tpu.enqueue_dma source(%arg9 : memref<16x128xf32, #tpu.memory_space<vmem>>) target(%dma_start3A_209 : memref<16x128xf32, #tpu.memory_space<vmem_shared>>) target_semaphore(%run_scoped3A : memref<!tpu.dma_semaphore, #tpu.memory_space<semaphore_mem>>)
      %dma_wait3A_210 = arith.constant 0 : i32
      %dma_wait3A_211 = tpu.memref_slice %arg8[%add3A_146, %dma_wait3A_210] : memref<10000x128xf32, #tpu.memory_space<vmem_shared>> -> memref<16x128xf32, #tpu.memory_space<vmem_shared>>
      %dma_wait3A_212 = arith.constant 0 : i32
      %dma_wait3A_213 = tpu.memref_slice %arg8[%add3A_146, %dma_wait3A_212] : memref<10000x128xf32, #tpu.memory_space<vmem_shared>> -> memref<16x128xf32, #tpu.memory_space<vmem_shared>>
      tpu.wait_dma2 semaphore(%run_scoped3A : memref<!tpu.dma_semaphore, #tpu.memory_space<semaphore_mem>>) src(%arg9 : memref<16x128xf32, #tpu.memory_space<vmem>>) dst(%dma_wait3A_213 : memref<16x128xf32, #tpu.memory_space<vmem_shared>>)
      tpu.yield
    }) : () -> ()
    %mul3A_147 = arith.constant 624 : i32
    %mul3A_148 = arith.muli %arg1, %mul3A_147 : i32
    %add3A_149 = arith.constant 528 : i32
    %add3A_150 = arith.addi %mul3A_148, %add3A_149 : i32
    "tpu.region"() ({
      %run_scoped3A = tpu.sem_alloc : memref<!tpu.dma_semaphore, #tpu.memory_space<semaphore_mem>>
      %dma_start3A_206 = arith.constant 0 : i32
      %dma_start3A_207 = tpu.memref_slice %arg8[%add3A_150, %dma_start3A_206] : memref<10000x128xf32, #tpu.memory_space<vmem_shared>> -> memref<16x128xf32, #tpu.memory_space<vmem_shared>>
      %dma_start3A_208 = arith.constant 0 : i32
      %dma_start3A_209 = tpu.memref_slice %arg8[%add3A_150, %dma_start3A_208] : memref<10000x128xf32, #tpu.memory_space<vmem_shared>> -> memref<16x128xf32, #tpu.memory_space<vmem_shared>>
      tpu.enqueue_dma source(%arg9 : memref<16x128xf32, #tpu.memory_space<vmem>>) target(%dma_start3A_209 : memref<16x128xf32, #tpu.memory_space<vmem_shared>>) target_semaphore(%run_scoped3A : memref<!tpu.dma_semaphore, #tpu.memory_space<semaphore_mem>>)
      %dma_wait3A_210 = arith.constant 0 : i32
      %dma_wait3A_211 = tpu.memref_slice %arg8[%add3A_150, %dma_wait3A_210] : memref<10000x128xf32, #tpu.memory_space<vmem_shared>> -> memref<16x128xf32, #tpu.memory_space<vmem_shared>>
      %dma_wait3A_212 = arith.constant 0 : i32
      %dma_wait3A_213 = tpu.memref_slice %arg8[%add3A_150, %dma_wait3A_212] : memref<10000x128xf32, #tpu.memory_space<vmem_shared>> -> memref<16x128xf32, #tpu.memory_space<vmem_shared>>
      tpu.wait_dma2 semaphore(%run_scoped3A : memref<!tpu.dma_semaphore, #tpu.memory_space<semaphore_mem>>) src(%arg9 : memref<16x128xf32, #tpu.memory_space<vmem>>) dst(%dma_wait3A_213 : memref<16x128xf32, #tpu.memory_space<vmem_shared>>)
      tpu.yield
    }) : () -> ()
    %mul3A_151 = arith.constant 624 : i32
    %mul3A_152 = arith.muli %arg1, %mul3A_151 : i32
    %add3A_153 = arith.constant 544 : i32
    %add3A_154 = arith.addi %mul3A_152, %add3A_153 : i32
    "tpu.region"() ({
      %run_scoped3A = tpu.sem_alloc : memref<!tpu.dma_semaphore, #tpu.memory_space<semaphore_mem>>
      %dma_start3A_206 = arith.constant 0 : i32
      %dma_start3A_207 = tpu.memref_slice %arg8[%add3A_154, %dma_start3A_206] : memref<10000x128xf32, #tpu.memory_space<vmem_shared>> -> memref<16x128xf32, #tpu.memory_space<vmem_shared>>
      %dma_start3A_208 = arith.constant 0 : i32
      %dma_start3A_209 = tpu.memref_slice %arg8[%add3A_154, %dma_start3A_208] : memref<10000x128xf32, #tpu.memory_space<vmem_shared>> -> memref<16x128xf32, #tpu.memory_space<vmem_shared>>
      tpu.enqueue_dma source(%arg9 : memref<16x128xf32, #tpu.memory_space<vmem>>) target(%dma_start3A_209 : memref<16x128xf32, #tpu.memory_space<vmem_shared>>) target_semaphore(%run_scoped3A : memref<!tpu.dma_semaphore, #tpu.memory_space<semaphore_mem>>)
      %dma_wait3A_210 = arith.constant 0 : i32
      %dma_wait3A_211 = tpu.memref_slice %arg8[%add3A_154, %dma_wait3A_210] : memref<10000x128xf32, #tpu.memory_space<vmem_shared>> -> memref<16x128xf32, #tpu.memory_space<vmem_shared>>
      %dma_wait3A_212 = arith.constant 0 : i32
      %dma_wait3A_213 = tpu.memref_slice %arg8[%add3A_154, %dma_wait3A_212] : memref<10000x128xf32, #tpu.memory_space<vmem_shared>> -> memref<16x128xf32, #tpu.memory_space<vmem_shared>>
      tpu.wait_dma2 semaphore(%run_scoped3A : memref<!tpu.dma_semaphore, #tpu.memory_space<semaphore_mem>>) src(%arg9 : memref<16x128xf32, #tpu.memory_space<vmem>>) dst(%dma_wait3A_213 : memref<16x128xf32, #tpu.memory_space<vmem_shared>>)
      tpu.yield
    }) : () -> ()
    %mul3A_155 = arith.constant 624 : i32
    %mul3A_156 = arith.muli %arg1, %mul3A_155 : i32
    %add3A_157 = arith.constant 560 : i32
    %add3A_158 = arith.addi %mul3A_156, %add3A_157 : i32
    "tpu.region"() ({
      %run_scoped3A = tpu.sem_alloc : memref<!tpu.dma_semaphore, #tpu.memory_space<semaphore_mem>>
      %dma_start3A_206 = arith.constant 0 : i32
      %dma_start3A_207 = tpu.memref_slice %arg8[%add3A_158, %dma_start3A_206] : memref<10000x128xf32, #tpu.memory_space<vmem_shared>> -> memref<16x128xf32, #tpu.memory_space<vmem_shared>>
      %dma_start3A_208 = arith.constant 0 : i32
      %dma_start3A_209 = tpu.memref_slice %arg8[%add3A_158, %dma_start3A_208] : memref<10000x128xf32, #tpu.memory_space<vmem_shared>> -> memref<16x128xf32, #tpu.memory_space<vmem_shared>>
      tpu.enqueue_dma source(%arg9 : memref<16x128xf32, #tpu.memory_space<vmem>>) target(%dma_start3A_209 : memref<16x128xf32, #tpu.memory_space<vmem_shared>>) target_semaphore(%run_scoped3A : memref<!tpu.dma_semaphore, #tpu.memory_space<semaphore_mem>>)
      %dma_wait3A_210 = arith.constant 0 : i32
      %dma_wait3A_211 = tpu.memref_slice %arg8[%add3A_158, %dma_wait3A_210] : memref<10000x128xf32, #tpu.memory_space<vmem_shared>> -> memref<16x128xf32, #tpu.memory_space<vmem_shared>>
      %dma_wait3A_212 = arith.constant 0 : i32
      %dma_wait3A_213 = tpu.memref_slice %arg8[%add3A_158, %dma_wait3A_212] : memref<10000x128xf32, #tpu.memory_space<vmem_shared>> -> memref<16x128xf32, #tpu.memory_space<vmem_shared>>
      tpu.wait_dma2 semaphore(%run_scoped3A : memref<!tpu.dma_semaphore, #tpu.memory_space<semaphore_mem>>) src(%arg9 : memref<16x128xf32, #tpu.memory_space<vmem>>) dst(%dma_wait3A_213 : memref<16x128xf32, #tpu.memory_space<vmem_shared>>)
      tpu.yield
    }) : () -> ()
    %mul3A_159 = arith.constant 624 : i32
    %mul3A_160 = arith.muli %arg1, %mul3A_159 : i32
    %add3A_161 = arith.constant 576 : i32
    %add3A_162 = arith.addi %mul3A_160, %add3A_161 : i32
    "tpu.region"() ({
      %run_scoped3A = tpu.sem_alloc : memref<!tpu.dma_semaphore, #tpu.memory_space<semaphore_mem>>
      %dma_start3A_206 = arith.constant 0 : i32
      %dma_start3A_207 = tpu.memref_slice %arg8[%add3A_162, %dma_start3A_206] : memref<10000x128xf32, #tpu.memory_space<vmem_shared>> -> memref<16x128xf32, #tpu.memory_space<vmem_shared>>
      %dma_start3A_208 = arith.constant 0 : i32
      %dma_start3A_209 = tpu.memref_slice %arg8[%add3A_162, %dma_start3A_208] : memref<10000x128xf32, #tpu.memory_space<vmem_shared>> -> memref<16x128xf32, #tpu.memory_space<vmem_shared>>
      tpu.enqueue_dma source(%arg9 : memref<16x128xf32, #tpu.memory_space<vmem>>) target(%dma_start3A_209 : memref<16x128xf32, #tpu.memory_space<vmem_shared>>) target_semaphore(%run_scoped3A : memref<!tpu.dma_semaphore, #tpu.memory_space<semaphore_mem>>)
      %dma_wait3A_210 = arith.constant 0 : i32
      %dma_wait3A_211 = tpu.memref_slice %arg8[%add3A_162, %dma_wait3A_210] : memref<10000x128xf32, #tpu.memory_space<vmem_shared>> -> memref<16x128xf32, #tpu.memory_space<vmem_shared>>
      %dma_wait3A_212 = arith.constant 0 : i32
      %dma_wait3A_213 = tpu.memref_slice %arg8[%add3A_162, %dma_wait3A_212] : memref<10000x128xf32, #tpu.memory_space<vmem_shared>> -> memref<16x128xf32, #tpu.memory_space<vmem_shared>>
      tpu.wait_dma2 semaphore(%run_scoped3A : memref<!tpu.dma_semaphore, #tpu.memory_space<semaphore_mem>>) src(%arg9 : memref<16x128xf32, #tpu.memory_space<vmem>>) dst(%dma_wait3A_213 : memref<16x128xf32, #tpu.memory_space<vmem_shared>>)
      tpu.yield
    }) : () -> ()
    %mul3A_163 = arith.constant 624 : i32
    %mul3A_164 = arith.muli %arg1, %mul3A_163 : i32
    %add3A_165 = arith.constant 592 : i32
    %add3A_166 = arith.addi %mul3A_164, %add3A_165 : i32
    "tpu.region"() ({
      %run_scoped3A = tpu.sem_alloc : memref<!tpu.dma_semaphore, #tpu.memory_space<semaphore_mem>>
      %dma_start3A_206 = arith.constant 0 : i32
      %dma_start3A_207 = tpu.memref_slice %arg8[%add3A_166, %dma_start3A_206] : memref<10000x128xf32, #tpu.memory_space<vmem_shared>> -> memref<16x128xf32, #tpu.memory_space<vmem_shared>>
      %dma_start3A_208 = arith.constant 0 : i32
      %dma_start3A_209 = tpu.memref_slice %arg8[%add3A_166, %dma_start3A_208] : memref<10000x128xf32, #tpu.memory_space<vmem_shared>> -> memref<16x128xf32, #tpu.memory_space<vmem_shared>>
      tpu.enqueue_dma source(%arg9 : memref<16x128xf32, #tpu.memory_space<vmem>>) target(%dma_start3A_209 : memref<16x128xf32, #tpu.memory_space<vmem_shared>>) target_semaphore(%run_scoped3A : memref<!tpu.dma_semaphore, #tpu.memory_space<semaphore_mem>>)
      %dma_wait3A_210 = arith.constant 0 : i32
      %dma_wait3A_211 = tpu.memref_slice %arg8[%add3A_166, %dma_wait3A_210] : memref<10000x128xf32, #tpu.memory_space<vmem_shared>> -> memref<16x128xf32, #tpu.memory_space<vmem_shared>>
      %dma_wait3A_212 = arith.constant 0 : i32
      %dma_wait3A_213 = tpu.memref_slice %arg8[%add3A_166, %dma_wait3A_212] : memref<10000x128xf32, #tpu.memory_space<vmem_shared>> -> memref<16x128xf32, #tpu.memory_space<vmem_shared>>
      tpu.wait_dma2 semaphore(%run_scoped3A : memref<!tpu.dma_semaphore, #tpu.memory_space<semaphore_mem>>) src(%arg9 : memref<16x128xf32, #tpu.memory_space<vmem>>) dst(%dma_wait3A_213 : memref<16x128xf32, #tpu.memory_space<vmem_shared>>)
      tpu.yield
    }) : () -> ()
    %mul3A_167 = arith.constant 624 : i32
    %mul3A_168 = arith.muli %arg1, %mul3A_167 : i32
    %add3A_169 = arith.constant 608 : i32
    %add3A_170 = arith.addi %mul3A_168, %add3A_169 : i32
    "tpu.region"() ({
      %run_scoped3A = tpu.sem_alloc : memref<!tpu.dma_semaphore, #tpu.memory_space<semaphore_mem>>
      %dma_start3A_206 = arith.constant 0 : i32
      %dma_start3A_207 = tpu.memref_slice %arg8[%add3A_170, %dma_start3A_206] : memref<10000x128xf32, #tpu.memory_space<vmem_shared>> -> memref<16x128xf32, #tpu.memory_space<vmem_shared>>
      %dma_start3A_208 = arith.constant 0 : i32
      %dma_start3A_209 = tpu.memref_slice %arg8[%add3A_170, %dma_start3A_208] : memref<10000x128xf32, #tpu.memory_space<vmem_shared>> -> memref<16x128xf32, #tpu.memory_space<vmem_shared>>
      tpu.enqueue_dma source(%arg9 : memref<16x128xf32, #tpu.memory_space<vmem>>) target(%dma_start3A_209 : memref<16x128xf32, #tpu.memory_space<vmem_shared>>) target_semaphore(%run_scoped3A : memref<!tpu.dma_semaphore, #tpu.memory_space<semaphore_mem>>)
      %dma_wait3A_210 = arith.constant 0 : i32
      %dma_wait3A_211 = tpu.memref_slice %arg8[%add3A_170, %dma_wait3A_210] : memref<10000x128xf32, #tpu.memory_space<vmem_shared>> -> memref<16x128xf32, #tpu.memory_space<vmem_shared>>
      %dma_wait3A_212 = arith.constant 0 : i32
      %dma_wait3A_213 = tpu.memref_slice %arg8[%add3A_170, %dma_wait3A_212] : memref<10000x128xf32, #tpu.memory_space<vmem_shared>> -> memref<16x128xf32, #tpu.memory_space<vmem_shared>>
      tpu.wait_dma2 semaphore(%run_scoped3A : memref<!tpu.dma_semaphore, #tpu.memory_space<semaphore_mem>>) src(%arg9 : memref<16x128xf32, #tpu.memory_space<vmem>>) dst(%dma_wait3A_213 : memref<16x128xf32, #tpu.memory_space<vmem_shared>>)
      tpu.yield
    }) : () -> ()
    %mul3A_171 = arith.constant 624 : i32
    %mul3A_172 = arith.muli %arg1, %mul3A_171 : i32
    %add3A_173 = arith.constant 624 : i32
    %add3A_174 = arith.addi %mul3A_172, %add3A_173 : i32
    "tpu.region"() ({
      %run_scoped3A = tpu.sem_alloc : memref<!tpu.dma_semaphore, #tpu.memory_space<semaphore_mem>>
      %dma_start3A_206 = arith.constant 0 : i32
      %dma_start3A_207 = tpu.memref_slice %arg8[%add3A_174, %dma_start3A_206] : memref<10000x128xf32, #tpu.memory_space<vmem_shared>> -> memref<16x128xf32, #tpu.memory_space<vmem_shared>>
      %dma_start3A_208 = arith.constant 0 : i32
      %dma_start3A_209 = tpu.memref_slice %arg8[%add3A_174, %dma_start3A_208] : memref<10000x128xf32, #tpu.memory_space<vmem_shared>> -> memref<16x128xf32, #tpu.memory_space<vmem_shared>>
      tpu.enqueue_dma source(%arg9 : memref<16x128xf32, #tpu.memory_space<vmem>>) target(%dma_start3A_209 : memref<16x128xf32, #tpu.memory_space<vmem_shared>>) target_semaphore(%run_scoped3A : memref<!tpu.dma_semaphore, #tpu.memory_space<semaphore_mem>>)
      %dma_wait3A_210 = arith.constant 0 : i32
      %dma_wait3A_211 = tpu.memref_slice %arg8[%add3A_174, %dma_wait3A_210] : memref<10000x128xf32, #tpu.memory_space<vmem_shared>> -> memref<16x128xf32, #tpu.memory_space<vmem_shared>>
      %dma_wait3A_212 = arith.constant 0 : i32
      %dma_wait3A_213 = tpu.memref_slice %arg8[%add3A_174, %dma_wait3A_212] : memref<10000x128xf32, #tpu.memory_space<vmem_shared>> -> memref<16x128xf32, #tpu.memory_space<vmem_shared>>
      tpu.wait_dma2 semaphore(%run_scoped3A : memref<!tpu.dma_semaphore, #tpu.memory_space<semaphore_mem>>) src(%arg9 : memref<16x128xf32, #tpu.memory_space<vmem>>) dst(%dma_wait3A_213 : memref<16x128xf32, #tpu.memory_space<vmem_shared>>)
      tpu.yield
    }) : () -> ()
    %dma_wait3A = arith.constant 0 : i32
    %dma_wait3A_175 = tpu.memref_slice %arg4[%dma_wait3A] : memref<160000xi32, #tpu.memory_space<hbm>> -> memref<10000xi32, #tpu.memory_space<hbm>>
    %dma_wait3A_176 = arith.constant 0 : i32
    %dma_wait3A_177 = tpu.memref_slice %arg4[%dma_wait3A_176] : memref<160000xi32, #tpu.memory_space<hbm>> -> memref<10000xi32, #tpu.memory_space<hbm>>
    tpu.wait_dma2 semaphore(%arg14 : memref<!tpu.dma_semaphore, #tpu.memory_space<semaphore_mem>>) src(%dma_wait3A_177 : memref<10000xi32, #tpu.memory_space<hbm>>) dst(%arg10 : memref<10000xi32, #tpu.memory_space<vmem>>)
    %dma_wait3A_178 = arith.constant 0 : i32
    %dma_wait3A_179 = arith.constant 0 : i32
    %dma_wait3A_180 = arith.constant 0 : i32
    %dma_wait3A_181 = tpu.memref_slice %arg5[%dma_wait3A_178, %dma_wait3A_179, %dma_wait3A_180] : memref<2000x1x80xi32, #tpu.memory_space<hbm>> -> memref<125x1x80xi32, #tpu.memory_space<hbm>>
    %dma_wait3A_182 = arith.constant 0 : i32
    %dma_wait3A_183 = arith.constant 0 : i32
    %dma_wait3A_184 = arith.constant 0 : i32
    %dma_wait3A_185 = tpu.memref_slice %arg5[%dma_wait3A_182, %dma_wait3A_183, %dma_wait3A_184] : memref<2000x1x80xi32, #tpu.memory_space<hbm>> -> memref<125x1x80xi32, #tpu.memory_space<hbm>>
    tpu.wait_dma2 semaphore(%arg14 : memref<!tpu.dma_semaphore, #tpu.memory_space<semaphore_mem>>) src(%dma_wait3A_185 : memref<125x1x80xi32, #tpu.memory_space<hbm>>) dst(%arg11 : memref<125x1x80xi32, #tpu.memory_space<vmem>>)
    %barrier3A = arith.constant 0 : index
    tpu.barrier barrier_id(%barrier3A)
    %eq3A = arith.constant 0 : i32
    %eq3A_186 = arith.cmpi eq, %arg0, %eq3A : i32
    %convert_element_type3A = arith.extui %eq3A_186 : i1 to i32
    %cond3A = arith.constant 0 : i32
    %cond3A_187 = arith.cmpi ne, %convert_element_type3A, %cond3A : i32
    scf.if %cond3A_187 {
      %dma_start3A_206 = arith.constant 0 : i32
      %dma_start3A_207 = tpu.memref_slice %arg10[%dma_start3A_206] : memref<10000xi32, #tpu.memory_space<vmem>> -> memref<80xi32, #tpu.memory_space<vmem>>
      %dma_start3A_208 = arith.constant 0 : i32
      %dma_start3A_209 = arith.constant 0 : i32
      %dma_start3A_210 = tpu.memref_slice %arg2[%dma_start3A_208, %dma_start3A_209] : memref<10000x128xf32, #tpu.memory_space<hbm>> -> memref<10000x128xf32, #tpu.memory_space<hbm>>
      tpu.enqueue_indirect_dma source(%dma_start3A_210 : memref<10000x128xf32, #tpu.memory_space<hbm>>) target(%arg12 : memref<80x128xf32, #tpu.memory_space<vmem>>) offsets(%dma_start3A_207 : memref<80xi32, #tpu.memory_space<vmem>>) semaphore(%arg15 : memref<!tpu.dma_semaphore, #tpu.memory_space<semaphore_mem>>)
      %scan3A_211 = arith.constant 0 : i32
      %scan3A_212 = arith.constant 0 : i32
      %scan3A_213 = arith.constant 62 : i32
      %scan3A_214 = arith.addi %scan3A_212, %scan3A_213 : i32
      %scan3A_215 = arith.constant 1 : i32
      scf.for %scan3A_238 = %scan3A_212 to %scan3A_214 step %scan3A_215  : i32 {
        %mul3A_239 = arith.constant 2 : i32
        %mul3A_240 = arith.muli %mul3A_239, %scan3A_238 : i32
        %dma_wait3A_241 = arith.constant 0 : i32
        %dma_wait3A_242 = tpu.memref_slice %arg10[%dma_wait3A_241] : memref<10000xi32, #tpu.memory_space<vmem>> -> memref<80xi32, #tpu.memory_space<vmem>>
        %dma_wait3A_243 = arith.constant 0 : i32
        %dma_wait3A_244 = arith.constant 0 : i32
        %dma_wait3A_245 = tpu.memref_slice %arg2[%dma_wait3A_243, %dma_wait3A_244] : memref<10000x128xf32, #tpu.memory_space<hbm>> -> memref<10000x128xf32, #tpu.memory_space<hbm>>
        tpu.wait_indirect_dma semaphore(%arg15 : memref<!tpu.dma_semaphore, #tpu.memory_space<semaphore_mem>>) src(%dma_wait3A_245 : memref<10000x128xf32, #tpu.memory_space<hbm>>) dst(%arg12 : memref<80x128xf32, #tpu.memory_space<vmem>>)
        %add3A_246 = arith.constant 1 : i32
        %add3A_247 = arith.addi %mul3A_240, %add3A_246 : i32
        %mul3A_248 = arith.constant 80 : i32
        %mul3A_249 = arith.muli %add3A_247, %mul3A_248 : i32
        %dma_start3A_250 = tpu.memref_slice %arg10[%mul3A_249] : memref<10000xi32, #tpu.memory_space<vmem>> -> memref<80xi32, #tpu.memory_space<vmem>>
        %dma_start3A_251 = arith.constant 0 : i32
        %dma_start3A_252 = arith.constant 0 : i32
        %dma_start3A_253 = tpu.memref_slice %arg2[%dma_start3A_251, %dma_start3A_252] : memref<10000x128xf32, #tpu.memory_space<hbm>> -> memref<10000x128xf32, #tpu.memory_space<hbm>>
        tpu.enqueue_indirect_dma source(%dma_start3A_253 : memref<10000x128xf32, #tpu.memory_space<hbm>>) target(%arg13 : memref<80x128xf32, #tpu.memory_space<vmem>>) offsets(%dma_start3A_250 : memref<80xi32, #tpu.memory_space<vmem>>) semaphore(%arg16 : memref<!tpu.dma_semaphore, #tpu.memory_space<semaphore_mem>>)
        %dma_start3A_254 = arith.constant 0 : i32
        %dma_start3A_255 = arith.constant 0 : i32
        %dma_start3A_256 = tpu.memref_slice %arg11[%mul3A_240, %dma_start3A_254, %dma_start3A_255] : memref<125x1x80xi32, #tpu.memory_space<vmem>> -> memref<1x1x80xi32, #tpu.memory_space<vmem>>
        %dma_start3A_257 = tpu.memref_squeeze %dma_start3A_256 : memref<1x1x80xi32, #tpu.memory_space<vmem>> -> memref<80xi32, #tpu.memory_space<vmem>>
        %dma_start3A_258 = arith.constant 0 : i32
        %dma_start3A_259 = arith.constant 0 : i32
        %dma_start3A_260 = tpu.memref_slice %arg8[%dma_start3A_258, %dma_start3A_259] : memref<10000x128xf32, #tpu.memory_space<vmem_shared>> -> memref<10000x128xf32, #tpu.memory_space<vmem_shared>>
        tpu.enqueue_indirect_dma source(%arg12 : memref<80x128xf32, #tpu.memory_space<vmem>>) target(%dma_start3A_260 : memref<10000x128xf32, #tpu.memory_space<vmem_shared>>) offsets(%dma_start3A_257 : memref<80xi32, #tpu.memory_space<vmem>>) semaphore(%arg17 : memref<!tpu.dma_semaphore, #tpu.memory_space<semaphore_mem>>) {add = true}
        %dma_wait3A_261 = arith.constant 0 : i32
        %dma_wait3A_262 = tpu.memref_slice %arg10[%dma_wait3A_261] : memref<10000xi32, #tpu.memory_space<vmem>> -> memref<80xi32, #tpu.memory_space<vmem>>
        %dma_wait3A_263 = arith.constant 0 : i32
        %dma_wait3A_264 = arith.constant 0 : i32
        %dma_wait3A_265 = tpu.memref_slice %arg2[%dma_wait3A_263, %dma_wait3A_264] : memref<10000x128xf32, #tpu.memory_space<hbm>> -> memref<10000x128xf32, #tpu.memory_space<hbm>>
        tpu.wait_indirect_dma semaphore(%arg16 : memref<!tpu.dma_semaphore, #tpu.memory_space<semaphore_mem>>) src(%dma_wait3A_265 : memref<10000x128xf32, #tpu.memory_space<hbm>>) dst(%arg13 : memref<80x128xf32, #tpu.memory_space<vmem>>)
        %dma_wait3A_266 = arith.constant 0 : i32
        %dma_wait3A_267 = arith.constant 0 : i32
        %dma_wait3A_268 = arith.constant 0 : i32
        %dma_wait3A_269 = tpu.memref_slice %arg11[%dma_wait3A_266, %dma_wait3A_267, %dma_wait3A_268] : memref<125x1x80xi32, #tpu.memory_space<vmem>> -> memref<1x1x80xi32, #tpu.memory_space<vmem>>
        %dma_wait3A_270 = tpu.memref_squeeze %dma_wait3A_269 : memref<1x1x80xi32, #tpu.memory_space<vmem>> -> memref<80xi32, #tpu.memory_space<vmem>>
        %dma_wait3A_271 = arith.constant 0 : i32
        %dma_wait3A_272 = arith.constant 0 : i32
        %dma_wait3A_273 = tpu.memref_slice %arg8[%dma_wait3A_271, %dma_wait3A_272] : memref<10000x128xf32, #tpu.memory_space<vmem_shared>> -> memref<10000x128xf32, #tpu.memory_space<vmem_shared>>
        tpu.wait_indirect_dma semaphore(%arg17 : memref<!tpu.dma_semaphore, #tpu.memory_space<semaphore_mem>>) src(%arg12 : memref<80x128xf32, #tpu.memory_space<vmem>>) dst(%dma_wait3A_273 : memref<10000x128xf32, #tpu.memory_space<vmem_shared>>)
        %add3A_274 = arith.constant 2 : i32
        %add3A_275 = arith.addi %mul3A_240, %add3A_274 : i32
        %mul3A_276 = arith.constant 80 : i32
        %mul3A_277 = arith.muli %add3A_275, %mul3A_276 : i32
        %dma_start3A_278 = tpu.memref_slice %arg10[%mul3A_277] : memref<10000xi32, #tpu.memory_space<vmem>> -> memref<80xi32, #tpu.memory_space<vmem>>
        %dma_start3A_279 = arith.constant 0 : i32
        %dma_start3A_280 = arith.constant 0 : i32
        %dma_start3A_281 = tpu.memref_slice %arg2[%dma_start3A_279, %dma_start3A_280] : memref<10000x128xf32, #tpu.memory_space<hbm>> -> memref<10000x128xf32, #tpu.memory_space<hbm>>
        tpu.enqueue_indirect_dma source(%dma_start3A_281 : memref<10000x128xf32, #tpu.memory_space<hbm>>) target(%arg12 : memref<80x128xf32, #tpu.memory_space<vmem>>) offsets(%dma_start3A_278 : memref<80xi32, #tpu.memory_space<vmem>>) semaphore(%arg15 : memref<!tpu.dma_semaphore, #tpu.memory_space<semaphore_mem>>)
        %add3A_282 = arith.constant 1 : i32
        %add3A_283 = arith.addi %mul3A_240, %add3A_282 : i32
        %dma_start3A_284 = arith.constant 0 : i32
        %dma_start3A_285 = arith.constant 0 : i32
        %dma_start3A_286 = tpu.memref_slice %arg11[%add3A_283, %dma_start3A_284, %dma_start3A_285] : memref<125x1x80xi32, #tpu.memory_space<vmem>> -> memref<1x1x80xi32, #tpu.memory_space<vmem>>
        %dma_start3A_287 = tpu.memref_squeeze %dma_start3A_286 : memref<1x1x80xi32, #tpu.memory_space<vmem>> -> memref<80xi32, #tpu.memory_space<vmem>>
        %dma_start3A_288 = arith.constant 0 : i32
        %dma_start3A_289 = arith.constant 0 : i32
        %dma_start3A_290 = tpu.memref_slice %arg8[%dma_start3A_288, %dma_start3A_289] : memref<10000x128xf32, #tpu.memory_space<vmem_shared>> -> memref<10000x128xf32, #tpu.memory_space<vmem_shared>>
        tpu.enqueue_indirect_dma source(%arg13 : memref<80x128xf32, #tpu.memory_space<vmem>>) target(%dma_start3A_290 : memref<10000x128xf32, #tpu.memory_space<vmem_shared>>) offsets(%dma_start3A_287 : memref<80xi32, #tpu.memory_space<vmem>>) semaphore(%arg18 : memref<!tpu.dma_semaphore, #tpu.memory_space<semaphore_mem>>) {add = true}
        %dma_wait3A_291 = arith.constant 0 : i32
        %dma_wait3A_292 = arith.constant 0 : i32
        %dma_wait3A_293 = arith.constant 0 : i32
        %dma_wait3A_294 = tpu.memref_slice %arg11[%dma_wait3A_291, %dma_wait3A_292, %dma_wait3A_293] : memref<125x1x80xi32, #tpu.memory_space<vmem>> -> memref<1x1x80xi32, #tpu.memory_space<vmem>>
        %dma_wait3A_295 = tpu.memref_squeeze %dma_wait3A_294 : memref<1x1x80xi32, #tpu.memory_space<vmem>> -> memref<80xi32, #tpu.memory_space<vmem>>
        %dma_wait3A_296 = arith.constant 0 : i32
        %dma_wait3A_297 = arith.constant 0 : i32
        %dma_wait3A_298 = tpu.memref_slice %arg8[%dma_wait3A_296, %dma_wait3A_297] : memref<10000x128xf32, #tpu.memory_space<vmem_shared>> -> memref<10000x128xf32, #tpu.memory_space<vmem_shared>>
        tpu.wait_indirect_dma semaphore(%arg18 : memref<!tpu.dma_semaphore, #tpu.memory_space<semaphore_mem>>) src(%arg13 : memref<80x128xf32, #tpu.memory_space<vmem>>) dst(%dma_wait3A_298 : memref<10000x128xf32, #tpu.memory_space<vmem_shared>>)
      }
      %scan3A_216 = arith.constant 62 : i32
      %dma_wait3A_217 = arith.constant 0 : i32
      %dma_wait3A_218 = tpu.memref_slice %arg10[%dma_wait3A_217] : memref<10000xi32, #tpu.memory_space<vmem>> -> memref<80xi32, #tpu.memory_space<vmem>>
      %dma_wait3A_219 = arith.constant 0 : i32
      %dma_wait3A_220 = arith.constant 0 : i32
      %dma_wait3A_221 = tpu.memref_slice %arg2[%dma_wait3A_219, %dma_wait3A_220] : memref<10000x128xf32, #tpu.memory_space<hbm>> -> memref<10000x128xf32, #tpu.memory_space<hbm>>
      tpu.wait_indirect_dma semaphore(%arg15 : memref<!tpu.dma_semaphore, #tpu.memory_space<semaphore_mem>>) src(%dma_wait3A_221 : memref<10000x128xf32, #tpu.memory_space<hbm>>) dst(%arg12 : memref<80x128xf32, #tpu.memory_space<vmem>>)
      %dma_start3A_222 = arith.constant 124 : i32
      %dma_start3A_223 = arith.constant 0 : i32
      %dma_start3A_224 = arith.constant 0 : i32
      %dma_start3A_225 = tpu.memref_slice %arg11[%dma_start3A_222, %dma_start3A_223, %dma_start3A_224] : memref<125x1x80xi32, #tpu.memory_space<vmem>> -> memref<1x1x80xi32, #tpu.memory_space<vmem>>
      %dma_start3A_226 = tpu.memref_squeeze %dma_start3A_225 : memref<1x1x80xi32, #tpu.memory_space<vmem>> -> memref<80xi32, #tpu.memory_space<vmem>>
      %dma_start3A_227 = arith.constant 0 : i32
      %dma_start3A_228 = arith.constant 0 : i32
      %dma_start3A_229 = tpu.memref_slice %arg8[%dma_start3A_227, %dma_start3A_228] : memref<10000x128xf32, #tpu.memory_space<vmem_shared>> -> memref<10000x128xf32, #tpu.memory_space<vmem_shared>>
      tpu.enqueue_indirect_dma source(%arg12 : memref<80x128xf32, #tpu.memory_space<vmem>>) target(%dma_start3A_229 : memref<10000x128xf32, #tpu.memory_space<vmem_shared>>) offsets(%dma_start3A_226 : memref<80xi32, #tpu.memory_space<vmem>>) semaphore(%arg17 : memref<!tpu.dma_semaphore, #tpu.memory_space<semaphore_mem>>) {add = true}
      %dma_wait3A_230 = arith.constant 0 : i32
      %dma_wait3A_231 = arith.constant 0 : i32
      %dma_wait3A_232 = arith.constant 0 : i32
      %dma_wait3A_233 = tpu.memref_slice %arg11[%dma_wait3A_230, %dma_wait3A_231, %dma_wait3A_232] : memref<125x1x80xi32, #tpu.memory_space<vmem>> -> memref<1x1x80xi32, #tpu.memory_space<vmem>>
      %dma_wait3A_234 = tpu.memref_squeeze %dma_wait3A_233 : memref<1x1x80xi32, #tpu.memory_space<vmem>> -> memref<80xi32, #tpu.memory_space<vmem>>
      %dma_wait3A_235 = arith.constant 0 : i32
      %dma_wait3A_236 = arith.constant 0 : i32
      %dma_wait3A_237 = tpu.memref_slice %arg8[%dma_wait3A_235, %dma_wait3A_236] : memref<10000x128xf32, #tpu.memory_space<vmem_shared>> -> memref<10000x128xf32, #tpu.memory_space<vmem_shared>>
      tpu.wait_indirect_dma semaphore(%arg17 : memref<!tpu.dma_semaphore, #tpu.memory_space<semaphore_mem>>) src(%arg12 : memref<80x128xf32, #tpu.memory_space<vmem>>) dst(%dma_wait3A_237 : memref<10000x128xf32, #tpu.memory_space<vmem_shared>>)
    } else {
    }
    %eq3A_188 = arith.constant 1 : i32
    %eq3A_189 = arith.cmpi eq, %arg0, %eq3A_188 : i32
    %convert_element_type3A_190 = arith.extui %eq3A_189 : i1 to i32
    %cond3A_191 = arith.constant 0 : i32
    %cond3A_192 = arith.cmpi ne, %convert_element_type3A_190, %cond3A_191 : i32
    scf.if %cond3A_192 {
      %dma_start3A_206 = arith.constant 0 : i32
      %dma_start3A_207 = tpu.memref_slice %arg10[%dma_start3A_206] : memref<10000xi32, #tpu.memory_space<vmem>> -> memref<80xi32, #tpu.memory_space<vmem>>
      %dma_start3A_208 = arith.constant 0 : i32
      %dma_start3A_209 = arith.constant 0 : i32
      %dma_start3A_210 = tpu.memref_slice %arg3[%dma_start3A_208, %dma_start3A_209] : memref<10000x128xf32, #tpu.memory_space<hbm>> -> memref<10000x128xf32, #tpu.memory_space<hbm>>
      tpu.enqueue_indirect_dma source(%dma_start3A_210 : memref<10000x128xf32, #tpu.memory_space<hbm>>) target(%arg12 : memref<80x128xf32, #tpu.memory_space<vmem>>) offsets(%dma_start3A_207 : memref<80xi32, #tpu.memory_space<vmem>>) semaphore(%arg15 : memref<!tpu.dma_semaphore, #tpu.memory_space<semaphore_mem>>)
      %scan3A_211 = arith.constant 0 : i32
      %scan3A_212 = arith.constant 0 : i32
      %scan3A_213 = arith.constant 62 : i32
      %scan3A_214 = arith.addi %scan3A_212, %scan3A_213 : i32
      %scan3A_215 = arith.constant 1 : i32
      scf.for %scan3A_238 = %scan3A_212 to %scan3A_214 step %scan3A_215  : i32 {
        %mul3A_239 = arith.constant 2 : i32
        %mul3A_240 = arith.muli %mul3A_239, %scan3A_238 : i32
        %dma_wait3A_241 = arith.constant 0 : i32
        %dma_wait3A_242 = tpu.memref_slice %arg10[%dma_wait3A_241] : memref<10000xi32, #tpu.memory_space<vmem>> -> memref<80xi32, #tpu.memory_space<vmem>>
        %dma_wait3A_243 = arith.constant 0 : i32
        %dma_wait3A_244 = arith.constant 0 : i32
        %dma_wait3A_245 = tpu.memref_slice %arg3[%dma_wait3A_243, %dma_wait3A_244] : memref<10000x128xf32, #tpu.memory_space<hbm>> -> memref<10000x128xf32, #tpu.memory_space<hbm>>
        tpu.wait_indirect_dma semaphore(%arg15 : memref<!tpu.dma_semaphore, #tpu.memory_space<semaphore_mem>>) src(%dma_wait3A_245 : memref<10000x128xf32, #tpu.memory_space<hbm>>) dst(%arg12 : memref<80x128xf32, #tpu.memory_space<vmem>>)
        %add3A_246 = arith.constant 1 : i32
        %add3A_247 = arith.addi %mul3A_240, %add3A_246 : i32
        %mul3A_248 = arith.constant 80 : i32
        %mul3A_249 = arith.muli %add3A_247, %mul3A_248 : i32
        %dma_start3A_250 = tpu.memref_slice %arg10[%mul3A_249] : memref<10000xi32, #tpu.memory_space<vmem>> -> memref<80xi32, #tpu.memory_space<vmem>>
        %dma_start3A_251 = arith.constant 0 : i32
        %dma_start3A_252 = arith.constant 0 : i32
        %dma_start3A_253 = tpu.memref_slice %arg3[%dma_start3A_251, %dma_start3A_252] : memref<10000x128xf32, #tpu.memory_space<hbm>> -> memref<10000x128xf32, #tpu.memory_space<hbm>>
        tpu.enqueue_indirect_dma source(%dma_start3A_253 : memref<10000x128xf32, #tpu.memory_space<hbm>>) target(%arg13 : memref<80x128xf32, #tpu.memory_space<vmem>>) offsets(%dma_start3A_250 : memref<80xi32, #tpu.memory_space<vmem>>) semaphore(%arg16 : memref<!tpu.dma_semaphore, #tpu.memory_space<semaphore_mem>>)
        %dma_start3A_254 = arith.constant 0 : i32
        %dma_start3A_255 = arith.constant 0 : i32
        %dma_start3A_256 = tpu.memref_slice %arg11[%mul3A_240, %dma_start3A_254, %dma_start3A_255] : memref<125x1x80xi32, #tpu.memory_space<vmem>> -> memref<1x1x80xi32, #tpu.memory_space<vmem>>
        %dma_start3A_257 = tpu.memref_squeeze %dma_start3A_256 : memref<1x1x80xi32, #tpu.memory_space<vmem>> -> memref<80xi32, #tpu.memory_space<vmem>>
        %dma_start3A_258 = arith.constant 0 : i32
        %dma_start3A_259 = arith.constant 0 : i32
        %dma_start3A_260 = tpu.memref_slice %arg8[%dma_start3A_258, %dma_start3A_259] : memref<10000x128xf32, #tpu.memory_space<vmem_shared>> -> memref<10000x128xf32, #tpu.memory_space<vmem_shared>>
        tpu.enqueue_indirect_dma source(%arg12 : memref<80x128xf32, #tpu.memory_space<vmem>>) target(%dma_start3A_260 : memref<10000x128xf32, #tpu.memory_space<vmem_shared>>) offsets(%dma_start3A_257 : memref<80xi32, #tpu.memory_space<vmem>>) semaphore(%arg17 : memref<!tpu.dma_semaphore, #tpu.memory_space<semaphore_mem>>) {add = true}
        %dma_wait3A_261 = arith.constant 0 : i32
        %dma_wait3A_262 = tpu.memref_slice %arg10[%dma_wait3A_261] : memref<10000xi32, #tpu.memory_space<vmem>> -> memref<80xi32, #tpu.memory_space<vmem>>
        %dma_wait3A_263 = arith.constant 0 : i32
        %dma_wait3A_264 = arith.constant 0 : i32
        %dma_wait3A_265 = tpu.memref_slice %arg3[%dma_wait3A_263, %dma_wait3A_264] : memref<10000x128xf32, #tpu.memory_space<hbm>> -> memref<10000x128xf32, #tpu.memory_space<hbm>>
        tpu.wait_indirect_dma semaphore(%arg16 : memref<!tpu.dma_semaphore, #tpu.memory_space<semaphore_mem>>) src(%dma_wait3A_265 : memref<10000x128xf32, #tpu.memory_space<hbm>>) dst(%arg13 : memref<80x128xf32, #tpu.memory_space<vmem>>)
        %dma_wait3A_266 = arith.constant 0 : i32
        %dma_wait3A_267 = arith.constant 0 : i32
        %dma_wait3A_268 = arith.constant 0 : i32
        %dma_wait3A_269 = tpu.memref_slice %arg11[%dma_wait3A_266, %dma_wait3A_267, %dma_wait3A_268] : memref<125x1x80xi32, #tpu.memory_space<vmem>> -> memref<1x1x80xi32, #tpu.memory_space<vmem>>
        %dma_wait3A_270 = tpu.memref_squeeze %dma_wait3A_269 : memref<1x1x80xi32, #tpu.memory_space<vmem>> -> memref<80xi32, #tpu.memory_space<vmem>>
        %dma_wait3A_271 = arith.constant 0 : i32
        %dma_wait3A_272 = arith.constant 0 : i32
        %dma_wait3A_273 = tpu.memref_slice %arg8[%dma_wait3A_271, %dma_wait3A_272] : memref<10000x128xf32, #tpu.memory_space<vmem_shared>> -> memref<10000x128xf32, #tpu.memory_space<vmem_shared>>
        tpu.wait_indirect_dma semaphore(%arg17 : memref<!tpu.dma_semaphore, #tpu.memory_space<semaphore_mem>>) src(%arg12 : memref<80x128xf32, #tpu.memory_space<vmem>>) dst(%dma_wait3A_273 : memref<10000x128xf32, #tpu.memory_space<vmem_shared>>)
        %add3A_274 = arith.constant 2 : i32
        %add3A_275 = arith.addi %mul3A_240, %add3A_274 : i32
        %mul3A_276 = arith.constant 80 : i32
        %mul3A_277 = arith.muli %add3A_275, %mul3A_276 : i32
        %dma_start3A_278 = tpu.memref_slice %arg10[%mul3A_277] : memref<10000xi32, #tpu.memory_space<vmem>> -> memref<80xi32, #tpu.memory_space<vmem>>
        %dma_start3A_279 = arith.constant 0 : i32
        %dma_start3A_280 = arith.constant 0 : i32
        %dma_start3A_281 = tpu.memref_slice %arg3[%dma_start3A_279, %dma_start3A_280] : memref<10000x128xf32, #tpu.memory_space<hbm>> -> memref<10000x128xf32, #tpu.memory_space<hbm>>
        tpu.enqueue_indirect_dma source(%dma_start3A_281 : memref<10000x128xf32, #tpu.memory_space<hbm>>) target(%arg12 : memref<80x128xf32, #tpu.memory_space<vmem>>) offsets(%dma_start3A_278 : memref<80xi32, #tpu.memory_space<vmem>>) semaphore(%arg15 : memref<!tpu.dma_semaphore, #tpu.memory_space<semaphore_mem>>)
        %add3A_282 = arith.constant 1 : i32
        %add3A_283 = arith.addi %mul3A_240, %add3A_282 : i32
        %dma_start3A_284 = arith.constant 0 : i32
        %dma_start3A_285 = arith.constant 0 : i32
        %dma_start3A_286 = tpu.memref_slice %arg11[%add3A_283, %dma_start3A_284, %dma_start3A_285] : memref<125x1x80xi32, #tpu.memory_space<vmem>> -> memref<1x1x80xi32, #tpu.memory_space<vmem>>
        %dma_start3A_287 = tpu.memref_squeeze %dma_start3A_286 : memref<1x1x80xi32, #tpu.memory_space<vmem>> -> memref<80xi32, #tpu.memory_space<vmem>>
        %dma_start3A_288 = arith.constant 0 : i32
        %dma_start3A_289 = arith.constant 0 : i32
        %dma_start3A_290 = tpu.memref_slice %arg8[%dma_start3A_288, %dma_start3A_289] : memref<10000x128xf32, #tpu.memory_space<vmem_shared>> -> memref<10000x128xf32, #tpu.memory_space<vmem_shared>>
        tpu.enqueue_indirect_dma source(%arg13 : memref<80x128xf32, #tpu.memory_space<vmem>>) target(%dma_start3A_290 : memref<10000x128xf32, #tpu.memory_space<vmem_shared>>) offsets(%dma_start3A_287 : memref<80xi32, #tpu.memory_space<vmem>>) semaphore(%arg18 : memref<!tpu.dma_semaphore, #tpu.memory_space<semaphore_mem>>) {add = true}
        %dma_wait3A_291 = arith.constant 0 : i32
        %dma_wait3A_292 = arith.constant 0 : i32
        %dma_wait3A_293 = arith.constant 0 : i32
        %dma_wait3A_294 = tpu.memref_slice %arg11[%dma_wait3A_291, %dma_wait3A_292, %dma_wait3A_293] : memref<125x1x80xi32, #tpu.memory_space<vmem>> -> memref<1x1x80xi32, #tpu.memory_space<vmem>>
        %dma_wait3A_295 = tpu.memref_squeeze %dma_wait3A_294 : memref<1x1x80xi32, #tpu.memory_space<vmem>> -> memref<80xi32, #tpu.memory_space<vmem>>
        %dma_wait3A_296 = arith.constant 0 : i32
        %dma_wait3A_297 = arith.constant 0 : i32
        %dma_wait3A_298 = tpu.memref_slice %arg8[%dma_wait3A_296, %dma_wait3A_297] : memref<10000x128xf32, #tpu.memory_space<vmem_shared>> -> memref<10000x128xf32, #tpu.memory_space<vmem_shared>>
        tpu.wait_indirect_dma semaphore(%arg18 : memref<!tpu.dma_semaphore, #tpu.memory_space<semaphore_mem>>) src(%arg13 : memref<80x128xf32, #tpu.memory_space<vmem>>) dst(%dma_wait3A_298 : memref<10000x128xf32, #tpu.memory_space<vmem_shared>>)
      }
      %scan3A_216 = arith.constant 62 : i32
      %dma_wait3A_217 = arith.constant 0 : i32
      %dma_wait3A_218 = tpu.memref_slice %arg10[%dma_wait3A_217] : memref<10000xi32, #tpu.memory_space<vmem>> -> memref<80xi32, #tpu.memory_space<vmem>>
      %dma_wait3A_219 = arith.constant 0 : i32
      %dma_wait3A_220 = arith.constant 0 : i32
      %dma_wait3A_221 = tpu.memref_slice %arg3[%dma_wait3A_219, %dma_wait3A_220] : memref<10000x128xf32, #tpu.memory_space<hbm>> -> memref<10000x128xf32, #tpu.memory_space<hbm>>
      tpu.wait_indirect_dma semaphore(%arg15 : memref<!tpu.dma_semaphore, #tpu.memory_space<semaphore_mem>>) src(%dma_wait3A_221 : memref<10000x128xf32, #tpu.memory_space<hbm>>) dst(%arg12 : memref<80x128xf32, #tpu.memory_space<vmem>>)
      %dma_start3A_222 = arith.constant 124 : i32
      %dma_start3A_223 = arith.constant 0 : i32
      %dma_start3A_224 = arith.constant 0 : i32
      %dma_start3A_225 = tpu.memref_slice %arg11[%dma_start3A_222, %dma_start3A_223, %dma_start3A_224] : memref<125x1x80xi32, #tpu.memory_space<vmem>> -> memref<1x1x80xi32, #tpu.memory_space<vmem>>
      %dma_start3A_226 = tpu.memref_squeeze %dma_start3A_225 : memref<1x1x80xi32, #tpu.memory_space<vmem>> -> memref<80xi32, #tpu.memory_space<vmem>>
      %dma_start3A_227 = arith.constant 0 : i32
      %dma_start3A_228 = arith.constant 0 : i32
      %dma_start3A_229 = tpu.memref_slice %arg8[%dma_start3A_227, %dma_start3A_228] : memref<10000x128xf32, #tpu.memory_space<vmem_shared>> -> memref<10000x128xf32, #tpu.memory_space<vmem_shared>>
      tpu.enqueue_indirect_dma source(%arg12 : memref<80x128xf32, #tpu.memory_space<vmem>>) target(%dma_start3A_229 : memref<10000x128xf32, #tpu.memory_space<vmem_shared>>) offsets(%dma_start3A_226 : memref<80xi32, #tpu.memory_space<vmem>>) semaphore(%arg17 : memref<!tpu.dma_semaphore, #tpu.memory_space<semaphore_mem>>) {add = true}
      %dma_wait3A_230 = arith.constant 0 : i32
      %dma_wait3A_231 = arith.constant 0 : i32
      %dma_wait3A_232 = arith.constant 0 : i32
      %dma_wait3A_233 = tpu.memref_slice %arg11[%dma_wait3A_230, %dma_wait3A_231, %dma_wait3A_232] : memref<125x1x80xi32, #tpu.memory_space<vmem>> -> memref<1x1x80xi32, #tpu.memory_space<vmem>>
      %dma_wait3A_234 = tpu.memref_squeeze %dma_wait3A_233 : memref<1x1x80xi32, #tpu.memory_space<vmem>> -> memref<80xi32, #tpu.memory_space<vmem>>
      %dma_wait3A_235 = arith.constant 0 : i32
      %dma_wait3A_236 = arith.constant 0 : i32
      %dma_wait3A_237 = tpu.memref_slice %arg8[%dma_wait3A_235, %dma_wait3A_236] : memref<10000x128xf32, #tpu.memory_space<vmem_shared>> -> memref<10000x128xf32, #tpu.memory_space<vmem_shared>>
      tpu.wait_indirect_dma semaphore(%arg17 : memref<!tpu.dma_semaphore, #tpu.memory_space<semaphore_mem>>) src(%arg12 : memref<80x128xf32, #tpu.memory_space<vmem>>) dst(%dma_wait3A_237 : memref<10000x128xf32, #tpu.memory_space<vmem_shared>>)
    } else {
    }
    %barrier3A_193 = arith.constant 0 : index
    tpu.barrier barrier_id(%barrier3A_193)
    %mul3A_194 = arith.constant 624 : i32
    %mul3A_195 = arith.muli %arg1, %mul3A_194 : i32
    %eq3A_196 = arith.constant 0 : i32
    %eq3A_197 = arith.cmpi eq, %arg0, %eq3A_196 : i32
    %convert_element_type3A_198 = arith.extui %eq3A_197 : i1 to i32
    %cond3A_199 = arith.constant 0 : i32
    %cond3A_200 = arith.cmpi ne, %convert_element_type3A_198, %cond3A_199 : i32
    scf.if %cond3A_200 {
      "tpu.region"() ({
        %run_scoped3A = tpu.sem_alloc : memref<!tpu.dma_semaphore, #tpu.memory_space<semaphore_mem>>
        %dma_start3A_206 = arith.constant 0 : i32
        %dma_start3A_207 = tpu.memref_slice %arg6[%mul3A_195, %dma_start3A_206] : memref<10000x128xf32, #tpu.memory_space<hbm>> -> memref<640x128xf32, #tpu.memory_space<hbm>>
        %dma_start3A_208 = arith.constant 0 : i32
        %dma_start3A_209 = tpu.memref_slice %arg8[%mul3A_195, %dma_start3A_208] : memref<10000x128xf32, #tpu.memory_space<vmem_shared>> -> memref<640x128xf32, #tpu.memory_space<vmem_shared>>
        tpu.enqueue_dma source(%dma_start3A_209 : memref<640x128xf32, #tpu.memory_space<vmem_shared>>) target(%dma_start3A_207 : memref<640x128xf32, #tpu.memory_space<hbm>>) target_semaphore(%run_scoped3A : memref<!tpu.dma_semaphore, #tpu.memory_space<semaphore_mem>>)
        %dma_wait3A_210 = arith.constant 0 : i32
        %dma_wait3A_211 = tpu.memref_slice %arg6[%mul3A_195, %dma_wait3A_210] : memref<10000x128xf32, #tpu.memory_space<hbm>> -> memref<640x128xf32, #tpu.memory_space<hbm>>
        %dma_wait3A_212 = arith.constant 0 : i32
        %dma_wait3A_213 = tpu.memref_slice %arg8[%mul3A_195, %dma_wait3A_212] : memref<10000x128xf32, #tpu.memory_space<vmem_shared>> -> memref<640x128xf32, #tpu.memory_space<vmem_shared>>
        tpu.wait_dma2 semaphore(%run_scoped3A : memref<!tpu.dma_semaphore, #tpu.memory_space<semaphore_mem>>) src(%dma_wait3A_213 : memref<640x128xf32, #tpu.memory_space<vmem_shared>>) dst(%dma_wait3A_211 : memref<640x128xf32, #tpu.memory_space<hbm>>)
        tpu.yield
      }) : () -> ()
    } else {
    }
    %eq3A_201 = arith.constant 1 : i32
    %eq3A_202 = arith.cmpi eq, %arg0, %eq3A_201 : i32
    %convert_element_type3A_203 = arith.extui %eq3A_202 : i1 to i32
    %cond3A_204 = arith.constant 0 : i32
    %cond3A_205 = arith.cmpi ne, %convert_element_type3A_203, %cond3A_204 : i32
    scf.if %cond3A_205 {
      "tpu.region"() ({
        %run_scoped3A = tpu.sem_alloc : memref<!tpu.dma_semaphore, #tpu.memory_space<semaphore_mem>>
        %dma_start3A_206 = arith.constant 0 : i32
        %dma_start3A_207 = tpu.memref_slice %arg7[%mul3A_195, %dma_start3A_206] : memref<10000x128xf32, #tpu.memory_space<hbm>> -> memref<640x128xf32, #tpu.memory_space<hbm>>
        %dma_start3A_208 = arith.constant 0 : i32
        %dma_start3A_209 = tpu.memref_slice %arg8[%mul3A_195, %dma_start3A_208] : memref<10000x128xf32, #tpu.memory_space<vmem_shared>> -> memref<640x128xf32, #tpu.memory_space<vmem_shared>>
        tpu.enqueue_dma source(%dma_start3A_209 : memref<640x128xf32, #tpu.memory_space<vmem_shared>>) target(%dma_start3A_207 : memref<640x128xf32, #tpu.memory_space<hbm>>) target_semaphore(%run_scoped3A : memref<!tpu.dma_semaphore, #tpu.memory_space<semaphore_mem>>)
        %dma_wait3A_210 = arith.constant 0 : i32
        %dma_wait3A_211 = tpu.memref_slice %arg7[%mul3A_195, %dma_wait3A_210] : memref<10000x128xf32, #tpu.memory_space<hbm>> -> memref<640x128xf32, #tpu.memory_space<hbm>>
        %dma_wait3A_212 = arith.constant 0 : i32
        %dma_wait3A_213 = tpu.memref_slice %arg8[%mul3A_195, %dma_wait3A_212] : memref<10000x128xf32, #tpu.memory_space<vmem_shared>> -> memref<640x128xf32, #tpu.memory_space<vmem_shared>>
        tpu.wait_dma2 semaphore(%run_scoped3A : memref<!tpu.dma_semaphore, #tpu.memory_space<semaphore_mem>>) src(%dma_wait3A_213 : memref<640x128xf32, #tpu.memory_space<vmem_shared>>) dst(%dma_wait3A_211 : memref<640x128xf32, #tpu.memory_space<hbm>>)
        tpu.yield
      }) : () -> ()
    } else {
    }
    return
  }
}

module attributes {stable_mosaic.version = 14 : i64} {
  func.func @body(%arg0: memref<10000x256xf32, #tpu.memory_space<vmem>>, %arg1: memref<256x256xf32, #tpu.memory_space<vmem>>, %arg2: memref<20000x16xf32, #tpu.memory_space<vmem>>, %arg3: memref<10000x128xf32, #tpu.memory_space<vmem>>, %arg4: memref<10000x128xf32, #tpu.memory_space<vmem>>, %arg5: memref<10000xf32, #tpu.memory_space<vmem>>) attributes {dimension_semantics = [], scalar_prefetch = 0 : i64, scratch_operands = 0 : i64, tpu.core_type = #tpu.core_type<tc>} {
    %get3A = arith.constant 0 : index
    %get3A_0 = arith.constant 0 : index
    %get3A_1 = vector.load %arg2[%get3A, %get3A_0] : memref<20000x16xf32, #tpu.memory_space<vmem>>, vector<10000x16xf32>
    %reduce_sum3A = arith.constant dense<0.000000e+00> : vector<10000xf32>
    %reduce_sum3A_2 = vector.multi_reduction <add>, %get3A_1, %reduce_sum3A [1] : vector<10000x16xf32> to vector<10000xf32>
    %get3A_3 = arith.constant 10000 : index
    %get3A_4 = arith.constant 0 : index
    %get3A_5 = vector.load %arg2[%get3A_3, %get3A_4] : memref<20000x16xf32, #tpu.memory_space<vmem>>, vector<10000x16xf32>
    %reduce_sum3A_6 = arith.constant dense<0.000000e+00> : vector<10000xf32>
    %reduce_sum3A_7 = vector.multi_reduction <add>, %get3A_5, %reduce_sum3A_6 [1] : vector<10000x16xf32> to vector<10000xf32>
    %add3A = arith.addf %reduce_sum3A_2, %reduce_sum3A_7 : vector<10000xf32>
    %mul3A = arith.constant 6.250000e-02 : f32
    %mul3A_8 = vector.broadcast %mul3A : f32 to vector<10000xf32>
    %mul3A_9 = arith.mulf %add3A, %mul3A_8 : vector<10000xf32>
    %add3A_10 = arith.constant 1.000000e+00 : f32
    %add3A_11 = vector.broadcast %add3A_10 : f32 to vector<10000xf32>
    %add3A_12 = arith.addf %mul3A_9, %add3A_11 : vector<10000xf32>
    %rsqrt3A = math.rsqrt %add3A_12 : vector<10000xf32>
    %swap3A = arith.constant 0 : index
    %swap3A_13 = vector.load %arg5[%swap3A] : memref<10000xf32, #tpu.memory_space<vmem>>, vector<10000xf32>
    tpu.vector_store %arg5[%swap3A], %rsqrt3A {strides = array<i32>} : memref<10000xf32, #tpu.memory_space<vmem>>, vector<10000xf32>,
    %get3A_14 = arith.constant 0 : index
    %get3A_15 = arith.constant 0 : index
    %get3A_16 = vector.load %arg0[%get3A_14, %get3A_15] : memref<10000x256xf32, #tpu.memory_space<vmem>>, vector<10000x256xf32>
    %get3A_17 = arith.constant 0 : index
    %get3A_18 = arith.constant 0 : index
    %get3A_19 = vector.load %arg1[%get3A_17, %get3A_18] : memref<256x256xf32, #tpu.memory_space<vmem>>, vector<256x256xf32>
    %dot_general3A = arith.constant dense<0.000000e+00> : vector<10000x256xf32>
    %dot_general3A_20 = tpu.matmul %get3A_16, %get3A_19, %dot_general3A {dimension_numbers = #tpu.dot_dimension_numbers<[1], [0], [0], [1], [0, 0, 1, 1], [], []>, transpose_lhs_hint = false} : vector<10000x256xf32>, vector<256x256xf32>, vector<10000x256xf32> -> vector<10000x256xf32>
    %broadcast_in_dim3A = vector.shape_cast %rsqrt3A : vector<10000xf32> to vector<10000x1xf32>
    %mul3A_21 = vector.broadcast %broadcast_in_dim3A : vector<10000x1xf32> to vector<10000x256xf32>
    %mul3A_22 = arith.mulf %dot_general3A_20, %mul3A_21 : vector<10000x256xf32>
    %slice3A = vector.extract_strided_slice %mul3A_22 {offsets = [0, 0], sizes = [10000, 128], strides = [1, 1]} : vector<10000x256xf32> to vector<10000x128xf32>
    %swap3A_23 = arith.constant 0 : index
    %swap3A_24 = arith.constant 0 : index
    %swap3A_25 = vector.load %arg3[%swap3A_23, %swap3A_24] : memref<10000x128xf32, #tpu.memory_space<vmem>>, vector<10000x128xf32>
    tpu.vector_store %arg3[%swap3A_23, %swap3A_24], %slice3A {strides = array<i32>} : memref<10000x128xf32, #tpu.memory_space<vmem>>, vector<10000x128xf32>,
    %slice3A_26 = vector.extract_strided_slice %mul3A_22 {offsets = [0, 128], sizes = [10000, 128], strides = [1, 1]} : vector<10000x256xf32> to vector<10000x128xf32>
    %swap3A_27 = arith.constant 0 : index
    %swap3A_28 = arith.constant 0 : index
    %swap3A_29 = vector.load %arg4[%swap3A_27, %swap3A_28] : memref<10000x128xf32, #tpu.memory_space<vmem>>, vector<10000x128xf32>
    tpu.vector_store %arg4[%swap3A_27, %swap3A_28], %slice3A_26 {strides = array<i32>} : memref<10000x128xf32, #tpu.memory_space<vmem>>, vector<10000x128xf32>,
    return
  }
}

module attributes {stable_mosaic.version = 14 : i64} {
  func.func @body(%arg0: memref<10000x128xf32, #tpu.memory_space<vmem>>, %arg1: memref<10000x128xf32, #tpu.memory_space<vmem>>, %arg2: memref<10000x128xf32, #tpu.memory_space<vmem>>, %arg3: memref<10000x128xf32, #tpu.memory_space<vmem>>, %arg4: memref<10000xf32, #tpu.memory_space<vmem>>, %arg5: memref<256xf32, #tpu.memory_space<vmem>>, %arg6: memref<256x256xf32, #tpu.memory_space<vmem>>, %arg7: memref<10000x128xf32, #tpu.memory_space<vmem>>, %arg8: memref<10000x128xf32, #tpu.memory_space<vmem>>) attributes {dimension_semantics = [], scalar_prefetch = 0 : i64, scratch_operands = 0 : i64, tpu.core_type = #tpu.core_type<tc>} {
    %get3A = arith.constant 0 : index
    %get3A_0 = vector.load %arg4[%get3A] : memref<10000xf32, #tpu.memory_space<vmem>>, vector<10000xf32>
    %get3A_1 = arith.constant 0 : index
    %get3A_2 = arith.constant 0 : index
    %get3A_3 = vector.load %arg0[%get3A_1, %get3A_2] : memref<10000x128xf32, #tpu.memory_space<vmem>>, vector<10000x128xf32>
    %get3A_4 = arith.constant 0 : index
    %get3A_5 = arith.constant 0 : index
    %get3A_6 = vector.load %arg1[%get3A_4, %get3A_5] : memref<10000x128xf32, #tpu.memory_space<vmem>>, vector<10000x128xf32>
    %concatenate3A = tpu.concatenate %get3A_3, %get3A_6 in 1 : vector<10000x128xf32>, vector<10000x128xf32> -> vector<10000x256xf32>
    %get3A_7 = arith.constant 0 : index
    %get3A_8 = arith.constant 0 : index
    %get3A_9 = vector.load %arg2[%get3A_7, %get3A_8] : memref<10000x128xf32, #tpu.memory_space<vmem>>, vector<10000x128xf32>
    %get3A_10 = arith.constant 0 : index
    %get3A_11 = arith.constant 0 : index
    %get3A_12 = vector.load %arg3[%get3A_10, %get3A_11] : memref<10000x128xf32, #tpu.memory_space<vmem>>, vector<10000x128xf32>
    %concatenate3A_13 = tpu.concatenate %get3A_9, %get3A_12 in 1 : vector<10000x128xf32>, vector<10000x128xf32> -> vector<10000x256xf32>
    %add3A = arith.addf %concatenate3A, %concatenate3A_13 : vector<10000x256xf32>
    %broadcast_in_dim3A = vector.shape_cast %get3A_0 : vector<10000xf32> to vector<10000x1xf32>
    %mul3A = vector.broadcast %broadcast_in_dim3A : vector<10000x1xf32> to vector<10000x256xf32>
    %mul3A_14 = arith.mulf %add3A, %mul3A : vector<10000x256xf32>
    %get3A_15 = arith.constant 0 : index
    %get3A_16 = vector.load %arg5[%get3A_15] : memref<256xf32, #tpu.memory_space<vmem>>, vector<256xf32>
    %broadcast_in_dim3A_17 = vector.shape_cast %get3A_16 : vector<256xf32> to vector<1x256xf32>
    %add3A_18 = vector.broadcast %broadcast_in_dim3A_17 : vector<1x256xf32> to vector<10000x256xf32>
    %add3A_19 = arith.addf %mul3A_14, %add3A_18 : vector<10000x256xf32>
    %max3A = arith.constant 0.000000e+00 : f32
    %max3A_20 = vector.broadcast %max3A : f32 to vector<10000x256xf32>
    %max3A_21 = arith.maximumf %add3A_19, %max3A_20 : vector<10000x256xf32>
    %get3A_22 = arith.constant 0 : index
    %get3A_23 = arith.constant 0 : index
    %get3A_24 = vector.load %arg6[%get3A_22, %get3A_23] : memref<256x256xf32, #tpu.memory_space<vmem>>, vector<256x256xf32>
    %dot_general3A = arith.constant dense<0.000000e+00> : vector<10000x256xf32>
    %dot_general3A_25 = tpu.matmul %max3A_21, %get3A_24, %dot_general3A {dimension_numbers = #tpu.dot_dimension_numbers<[1], [0], [0], [1], [0, 0, 1, 1], [], []>, transpose_lhs_hint = false} : vector<10000x256xf32>, vector<256x256xf32>, vector<10000x256xf32> -> vector<10000x256xf32>
    %broadcast_in_dim3A_26 = vector.shape_cast %get3A_0 : vector<10000xf32> to vector<10000x1xf32>
    %mul3A_27 = vector.broadcast %broadcast_in_dim3A_26 : vector<10000x1xf32> to vector<10000x256xf32>
    %mul3A_28 = arith.mulf %dot_general3A_25, %mul3A_27 : vector<10000x256xf32>
    %slice3A = vector.extract_strided_slice %mul3A_28 {offsets = [0, 0], sizes = [10000, 128], strides = [1, 1]} : vector<10000x256xf32> to vector<10000x128xf32>
    %swap3A = arith.constant 0 : index
    %swap3A_29 = arith.constant 0 : index
    %swap3A_30 = vector.load %arg7[%swap3A, %swap3A_29] : memref<10000x128xf32, #tpu.memory_space<vmem>>, vector<10000x128xf32>
    tpu.vector_store %arg7[%swap3A, %swap3A_29], %slice3A {strides = array<i32>} : memref<10000x128xf32, #tpu.memory_space<vmem>>, vector<10000x128xf32>,
    %slice3A_31 = vector.extract_strided_slice %mul3A_28 {offsets = [0, 128], sizes = [10000, 128], strides = [1, 1]} : vector<10000x256xf32> to vector<10000x128xf32>
    %swap3A_32 = arith.constant 0 : index
    %swap3A_33 = arith.constant 0 : index
    %swap3A_34 = vector.load %arg8[%swap3A_32, %swap3A_33] : memref<10000x128xf32, #tpu.memory_space<vmem>>, vector<10000x128xf32>
    tpu.vector_store %arg8[%swap3A_32, %swap3A_33], %slice3A_31 {strides = array<i32>} : memref<10000x128xf32, #tpu.memory_space<vmem>>, vector<10000x128xf32>,
    return
  }
}

module attributes {stable_mosaic.version = 14 : i64} {
  func.func @body(%arg0: memref<10000x128xf32, #tpu.memory_space<vmem>>, %arg1: memref<10000x128xf32, #tpu.memory_space<vmem>>, %arg2: memref<10000x128xf32, #tpu.memory_space<vmem>>, %arg3: memref<10000x128xf32, #tpu.memory_space<vmem>>, %arg4: memref<10000xf32, #tpu.memory_space<vmem>>, %arg5: memref<256xf32, #tpu.memory_space<vmem>>, %arg6: memref<10000xi32, #tpu.memory_space<vmem>>, %arg7: memref<256x128xf32, #tpu.memory_space<vmem>>, %arg8: memref<128xf32, #tpu.memory_space<vmem>>, %arg9: memref<64x128xf32, #tpu.memory_space<vmem>>) attributes {dimension_semantics = [], scalar_prefetch = 0 : i64, scratch_operands = 0 : i64, tpu.core_type = #tpu.core_type<tc>} {
    %get3A = arith.constant 0 : index
    %get3A_0 = vector.load %arg4[%get3A] : memref<10000xf32, #tpu.memory_space<vmem>>, vector<10000xf32>
    %get3A_1 = arith.constant 0 : index
    %get3A_2 = arith.constant 0 : index
    %get3A_3 = vector.load %arg0[%get3A_1, %get3A_2] : memref<10000x128xf32, #tpu.memory_space<vmem>>, vector<10000x128xf32>
    %get3A_4 = arith.constant 0 : index
    %get3A_5 = arith.constant 0 : index
    %get3A_6 = vector.load %arg1[%get3A_4, %get3A_5] : memref<10000x128xf32, #tpu.memory_space<vmem>>, vector<10000x128xf32>
    %concatenate3A = tpu.concatenate %get3A_3, %get3A_6 in 1 : vector<10000x128xf32>, vector<10000x128xf32> -> vector<10000x256xf32>
    %get3A_7 = arith.constant 0 : index
    %get3A_8 = arith.constant 0 : index
    %get3A_9 = vector.load %arg2[%get3A_7, %get3A_8] : memref<10000x128xf32, #tpu.memory_space<vmem>>, vector<10000x128xf32>
    %get3A_10 = arith.constant 0 : index
    %get3A_11 = arith.constant 0 : index
    %get3A_12 = vector.load %arg3[%get3A_10, %get3A_11] : memref<10000x128xf32, #tpu.memory_space<vmem>>, vector<10000x128xf32>
    %concatenate3A_13 = tpu.concatenate %get3A_9, %get3A_12 in 1 : vector<10000x128xf32>, vector<10000x128xf32> -> vector<10000x256xf32>
    %add3A = arith.addf %concatenate3A, %concatenate3A_13 : vector<10000x256xf32>
    %broadcast_in_dim3A = vector.shape_cast %get3A_0 : vector<10000xf32> to vector<10000x1xf32>
    %mul3A = vector.broadcast %broadcast_in_dim3A : vector<10000x1xf32> to vector<10000x256xf32>
    %mul3A_14 = arith.mulf %add3A, %mul3A : vector<10000x256xf32>
    %get3A_15 = arith.constant 0 : index
    %get3A_16 = vector.load %arg5[%get3A_15] : memref<256xf32, #tpu.memory_space<vmem>>, vector<256xf32>
    %broadcast_in_dim3A_17 = vector.shape_cast %get3A_16 : vector<256xf32> to vector<1x256xf32>
    %add3A_18 = vector.broadcast %broadcast_in_dim3A_17 : vector<1x256xf32> to vector<10000x256xf32>
    %add3A_19 = arith.addf %mul3A_14, %add3A_18 : vector<10000x256xf32>
    %get3A_20 = arith.constant 0 : index
    %get3A_21 = vector.load %arg6[%get3A_20] : memref<10000xi32, #tpu.memory_space<vmem>>, vector<10000xi32>
    %iota3A = tpu.iota {dimensions = array<i32: 0>} : vector<64x10000xi32>
    %broadcast_in_dim3A_22 = vector.shape_cast %get3A_21 : vector<10000xi32> to vector<1x10000xi32>
    %eq3A = vector.broadcast %broadcast_in_dim3A_22 : vector<1x10000xi32> to vector<64x10000xi32>
    %eq3A_23 = arith.cmpi eq, %eq3A, %iota3A : vector<64x10000xi32>
    %convert_element_type3A = arith.extui %eq3A_23 : vector<64x10000xi1> to vector<64x10000xi32>
    %convert_element_type3A_24 = arith.sitofp %convert_element_type3A : vector<64x10000xi32> to vector<64x10000xf32>
    %dot_general3A = arith.constant dense<0.000000e+00> : vector<64x256xf32>
    %dot_general3A_25 = tpu.matmul %convert_element_type3A_24, %add3A_19, %dot_general3A {dimension_numbers = #tpu.dot_dimension_numbers<[1], [0], [0], [1], [0, 0, 1, 1], [], []>, transpose_lhs_hint = false} : vector<64x10000xf32>, vector<10000x256xf32>, vector<64x256xf32> -> vector<64x256xf32>
    %reduce_sum3A = arith.constant dense<0.000000e+00> : vector<64xf32>
    %reduce_sum3A_26 = vector.multi_reduction <add>, %convert_element_type3A_24, %reduce_sum3A [1] : vector<64x10000xf32> to vector<64xf32>
    %max3A = arith.constant 1.000000e+00 : f32
    %max3A_27 = vector.broadcast %max3A : f32 to vector<64xf32>
    %max3A_28 = arith.maximumf %reduce_sum3A_26, %max3A_27 : vector<64xf32>
    %broadcast_in_dim3A_29 = vector.shape_cast %max3A_28 : vector<64xf32> to vector<64x1xf32>
    %div3A = vector.broadcast %broadcast_in_dim3A_29 : vector<64x1xf32> to vector<64x256xf32>
    %div3A_30 = arith.divf %dot_general3A_25, %div3A : vector<64x256xf32>
    %get3A_31 = arith.constant 0 : index
    %get3A_32 = arith.constant 0 : index
    %get3A_33 = vector.load %arg7[%get3A_31, %get3A_32] : memref<256x128xf32, #tpu.memory_space<vmem>>, vector<256x128xf32>
    %dot_general3A_34 = arith.constant dense<0.000000e+00> : vector<64x128xf32>
    %dot_general3A_35 = tpu.matmul %div3A_30, %get3A_33, %dot_general3A_34 {dimension_numbers = #tpu.dot_dimension_numbers<[1], [0], [0], [1], [0, 0, 1, 1], [], []>, transpose_lhs_hint = false} : vector<64x256xf32>, vector<256x128xf32>, vector<64x128xf32> -> vector<64x128xf32>
    %get3A_36 = arith.constant 0 : index
    %get3A_37 = vector.load %arg8[%get3A_36] : memref<128xf32, #tpu.memory_space<vmem>>, vector<128xf32>
    %broadcast_in_dim3A_38 = vector.shape_cast %get3A_37 : vector<128xf32> to vector<1x128xf32>
    %add3A_39 = vector.broadcast %broadcast_in_dim3A_38 : vector<1x128xf32> to vector<64x128xf32>
    %add3A_40 = arith.addf %dot_general3A_35, %add3A_39 : vector<64x128xf32>
    %swap3A = arith.constant 0 : index
    %swap3A_41 = arith.constant 0 : index
    %swap3A_42 = vector.load %arg9[%swap3A, %swap3A_41] : memref<64x128xf32, #tpu.memory_space<vmem>>, vector<64x128xf32>
    tpu.vector_store %arg9[%swap3A, %swap3A_41], %add3A_40 {strides = array<i32>} : memref<64x128xf32, #tpu.memory_space<vmem>>, vector<64x128xf32>,
    return
  }
}

</mosaic_0001>

<sc_bundles>
// kernel: kernel.11.cloned.1.call-start
scs
__scs_entry_jumppad:
0x0: {  	(pc) =	sbr.rel $0x88, $3  }
0x1: {  	(tag) =	ssettag $0x0;
	lr =	simm.s32 $0x1  }
0x2: {  	[smem:$0x3F98] =	sst lr;
	_ =	strace $0xD0000000  }
0x3: {  	_ = 	snop  }
0x4: {  	_ = 	snop  }
0x5: {  	_ = 	snop  }
0x6: {  	_ = 	snop  }
0x7: {  	_ = 	snop  }
__scs_overlays_trampoline_lowered:
0x8: {  	[smem:$0x3FA7] =	sst s0  }
0x9: {  	[smem:$0x3FA8] =	sst s1  }
0xa: {  	[smem:$0x3FA9] =	sst s2  }
0xb: {  	[smem:$0x3FAA] =	sst s3  }
0xc: {  	[smem:$0x3FAB] =	sst s4  }
0xd: {  	[smem:$0x3FAC] =	sst s5  }
0xe: {  	[smem:$0x3FAD] =	sst s6  }
0xf: {  	[smem:$0x3FAE] =	sst s7  }
0x10: {  	[smem:$0x3FAF] =	sst s8  }
0x11: {  	[smem:$0x3FB0] =	sst s9;
	s0 =	simm.s32 @!p0 $0x0  }
0x12: {  	s1 =	sld [smem:$0x3F96];
	s0 =	simm.s32 @p0 $0x1  }
0x13: {  	[smem:$0x3FB1] =	sst s0;
	s0 =	simm.s32 @!p1 $0x0  }
0x14: {  	s2 =	sld [smem:$0x3F95];
	s0 =	simm.s32 @p1 $0x1  }
0x15: {  	[smem:$0x3FB2] =	sst s0;
	s0 =	simm.s32 @!p2 $0x0  }
0x16: {  	s3 =	sld [smem:$0x3FDB];
	s0 =	simm.s32 @p2 $0x1  }
0x17: {  	s4 =	simm.s32 $0x1BF5;
	[smem:$0x3FB4] =	sst s0  }
0x18: {  	s0 =	sld [smem:$0x3F97];
	_ =	swait.ge [sflag:s4], $0x0  }
0x19: {  	s7 =	sld [smem:$0x3F98]  }
0x1a: {  	s8 =	sadd.s32 $0xFFFFE003, lr  }
0x1b: {  	s9 =	sadd.s32 $0xFFFFFEF7, lr;
	s5 =	simm.s32 $0xFFFFFFFF;
	p2 =	slt.u32 s8, $0xFFFFF086  }
0x1c: {  	p1 =	slt.u32 s9, $0xF7A;
	s5 =	simm.s32 @!p2 $0x0  }
0x1d: {  	s5 =	simm.s32 @p1 $0x1;
	p0 =	seq.s32 s7, s2  }
0x1e: {  	s7 =	smul.u32 @!p0 $0xF7A, s2;
	p2 =	seq.s32 @!p0 s5, $0x0  }
0x1f: {  	s9 =	smul.u32 $0xF7A, s1;
	s8 =	simm.s32 @!p0 $0x1BF5;
	p2 =	por !p2, p0  }
0x20: {  	[sflag:s8] =	ssyncset.s32 @!p0 $0xFFFFF086;
	s6 =	sadd.s32 @!p0 s3, s7;
	s7 =	simm.s32 @!p0 $0x108  }
0x21: {  	s3 =	sadd.s32 s3, s9;
	s6 =	sadd.s32 @!p0 $0x88, s6;
	s7 =	simm.s32 @p2 $0x1082  }
0x22: {  	[simem:s7], [sflag:s8] =	dma.local @!p0 [hbm:s6], $0xF7A  }
0x23: {  	s9 =	sor.u32 $0xD0000000, s2;
	s6 =	simm.s32 $0x108;
	_ =	swait.ge @!p0 [sflag:s8], $0x0  }
0x24: {  	s3 =	sadd.s32 $0x88, s3;
	s6 =	simm.s32 @!p1 $0x1082;
	[sflag:s4] =	ssyncset.s32 $0xFFFFF086  }
0x25: {  	[simem:s6], [sflag:s4] =	dma.local [hbm:s3], $0xF7A  }
0x26: {  	[smem:$0x3F98] =	sst s1;
	(tag) =	ssettag s2;
	_ =	strace s9  }
0x27: {  	s1 =	sld [smem:$0x3FA8]  }
0x28: {  	s2 =	sld [smem:$0x3FA9]  }
0x29: {  	s4 =	sld [smem:$0x3FAB]  }
0x2a: {  	p0 =	seq.s32 s5, $0x0;
	s5 =	sld [smem:$0x3FAC]  }
0x2b: {  	s6 =	sld [smem:$0x3FAD]  }
0x2c: {  	s7 =	sld [smem:$0x3FAE]  }
0x2d: {  	s3 =	simm.s32 $0x108;
	s8 =	sld [smem:$0x3FAF]  }
0x2e: {  	s3 =	simm.s32 @!p0 $0x1082;
	s9 =	sld [smem:$0x3FB0]  }
0x2f: {  	lr =	sadd.s32 s0, s3;
	s0 =	sld [smem:$0x3FA7]  }
0x30: {  	s3 =	sld [smem:$0x3FAA]  }
0x31: {  	[smem:$0x3FB3] =	sst s10  }
0x32: {  	s10 =	sld [smem:$0x3FB1];
	_ =	sdelay $0x3  }
0x33: {  	p0 =	seq.s32 s10, $0x1;
	s10 =	sld [smem:$0x3FB3];
	_ =	sdelay $0x3  }
0x34: {  	[smem:$0x3FB3] =	sst s10  }
0x35: {  	s10 =	sld [smem:$0x3FB2];
	_ =	sdelay $0x3  }
0x36: {  	p1 =	seq.s32 s10, $0x1;
	s10 =	sld [smem:$0x3FB3];
	_ =	sdelay $0x3  }
0x37: {  	[smem:$0x3FB3] =	sst s10  }
0x38: {  	s10 =	sld [smem:$0x3FB4]  }
0x39: {  	_ = 	snop;
	(pc) =	sbr.ind lr, $3  }
0x3a: {  	_ = 	snop  }
0x3b: {  	_ = 	snop  }
0x3c: {  	p2 =	seq.s32 s10, $0x1;
	s10 =	sld [smem:$0x3FB3]  }
0x3d: {  	_ =	shalt  }
0x3e: {  	_ =	shalt  }
0x3f: {  	_ =	shalt  }
0x40: {  	_ =	shalt  }
0x41: {  	_ =	shalt  }
0x42: {  	_ =	shalt  }
0x43: {  	_ =	shalt  }
0x44: {  	_ =	shalt  }
0x45: {  	_ =	shalt  }
0x46: {  	_ =	shalt  }
0x47: {  	_ =	shalt  }
0x48: {  	_ =	shalt  }
0x49: {  	_ =	shalt  }
0x4a: {  	_ =	shalt  }
0x4b: {  	_ =	shalt  }
0x4c: {  	_ =	shalt  }
0x4d: {  	_ =	shalt  }
0x4e: {  	_ =	shalt  }
0x4f: {  	_ =	shalt  }
0x50: {  	_ =	shalt  }
0x51: {  	_ =	shalt  }
0x52: {  	_ =	shalt  }
0x53: {  	_ =	shalt  }
0x54: {  	_ =	shalt  }
0x55: {  	_ =	shalt  }
0x56: {  	_ =	shalt  }
0x57: {  	_ =	shalt  }
0x58: {  	_ =	shalt  }
0x59: {  	_ =	shalt  }
0x5a: {  	_ =	shalt  }
0x5b: {  	_ =	shalt  }
0x5c: {  	_ =	shalt  }
0x5d: {  	_ =	shalt  }
0x5e: {  	_ =	shalt  }
0x5f: {  	_ =	shalt  }
0x60: {  	_ =	shalt  }
0x61: {  	_ =	shalt  }
0x62: {  	_ =	shalt  }
0x63: {  	_ =	shalt  }
0x64: {  	_ =	shalt  }
0x65: {  	_ =	shalt  }
0x66: {  	_ =	shalt  }
0x67: {  	_ =	shalt  }
0x68: {  	_ =	shalt  }
0x69: {  	_ =	shalt  }
0x6a: {  	_ =	shalt  }
0x6b: {  	_ =	shalt  }
0x6c: {  	_ =	shalt  }
0x6d: {  	_ =	shalt  }
0x6e: {  	_ =	shalt  }
0x6f: {  	_ =	shalt  }
0x70: {  	_ =	shalt  }
0x71: {  	_ =	shalt  }
0x72: {  	_ =	shalt  }
0x73: {  	_ =	shalt  }
0x74: {  	_ =	shalt  }
0x75: {  	_ =	shalt  }
0x76: {  	_ =	shalt  }
0x77: {  	_ =	shalt  }
0x78: {  	_ =	shalt  }
0x79: {  	_ =	shalt  }
0x7a: {  	_ =	shalt  }
0x7b: {  	_ =	shalt  }
0x7c: {  	_ =	shalt  }
0x7d: {  	_ =	shalt  }
0x7e: {  	_ =	shalt  }
0x7f: {  	_ =	shalt  }
0x80: {  	_ =	shalt  }
0x81: {  	_ =	shalt  }
0x82: {  	_ =	shalt  }
0x83: {  	_ =	shalt  }
0x84: {  	_ =	shalt  }
0x85: {  	_ =	shalt  }
0x86: {  	_ =	shalt  }
0x87: {  	_ =	shalt  }
.Lfunc_end0:
.L_simem_size_0:
called_computation.1_lowered:
.L_overlay_start_0:
0x88: {  	s2 =	sld [smem:$0x3FD9]  }
0x89: {  	s3 =	sld [smem:$0x3FFE];
	_ =	sdelay $0x1  }
0x8a: {  	s1 =	srdreg.scid  }
0x8b: {  	s0 =	sand.u32 $0x1, s1  }
0x8c: {  	s16 =	sshll.u32 s0, $0xA;
	s2 =	sadd.s32 s3, s2  }
0x8d: {  	s2 =	sadd.s32 s2, s16  }
0x8e: {  	[smem:$0x3FBF] =	sst s2  }
0x8f: {  	_ = 	snop  }
0x90: {  	(tm) =	ssettm $0x1  }
0x91: {  	s17 =	sld [smem:$0x3FFB];
	_ =	sdelay $0x3  }
0x92: {  	_ =	strace s17  }
0x93: {  	s2 =	sld [smem:$0x3FFC];
	_ =	sdelay $0x3  }
0x94: {  	_ =	strace s2  }
0x95: {  	s2 =	sld [smem:$0x3FFD];
	_ =	sdelay $0x3  }
0x96: {  	_ =	strace s2  }
0x97: {  	_ =	strace $0x8FFFFFFF  }
0x98: {  	s18 =	sld [smem:$0x3FDB];
	_ =	sdelay $0x1  }
0x99: {  	s19 =	simm.s32 $_scs_section_size  }
0x9a: {  	s4 =	simm.s32 $_size__tile_overlayer_lowered;
	s5 =	simm.s32 $_tile_overlayer_lowered  }
0x9b: {  	s22 =	simm.s32 $0x1BFF;
	s21 =	sshll.u32 s5, $0x1;
	s2 =	sadd.s32 s19, s18  }
0x9c: {  	s6 =	simm.s32 $0x0;
	s20 =	sshll.u32 s4, $0x1;
	s4 =	sadd.s32 s21, s2  }
0x9d: {  	[timem:s6], [sflag:s22] =	dma.local [hbm:s4], s20  }
0x9e: {  	_ =	swait.ge [sflag:s22], s20  }
0x9f: {  	s3 =	ssub.s32 $0x0, s20;
	[sflag:s22] =	ssyncset.done $0x0  }
0xa0: {  	[sflag:s22] =	ssyncadd.s32 s3;
	_ =	sdelay $0x1  }
0xa1: {  	s23 =	simm.s32 $0x1B8B  }
0xa2: {  	_ =	swait.ge [sflag:s23], $0x1  }
0xa3: {  	[sflag:s23] =	ssyncset.done $0x0  }
0xa4: {  	s25 =	simm.s32 $0x1B8E;
	s24 =	sld [smem:$0x3FFE];
	[sflag:s23] =	ssyncadd.s32 $0xFFFFFFFF  }
0xa5: {  	s26 =	simm.s32 $execute0_lowered;
	[smem:$0x3FD2] =	sst s25  }
0xa6: {  	s4 =	sshll.u32 s26, $0x1;
	_ =	strace $0x80000049;
	[dreg:$0x1] =	wrdreg $0xFFFFFFFF  }
0xa7: {  	s28 =	simm.s32 $_size_execute0_lowered;
	s2 =	sadd.s32 s2, s4;
	[dreg:$0x0] =	wrdreg $0x0  }
0xa8: {  	s4 =	sshll.u32 s28, $0x1;
	[dreg:$0x2] =	wrdreg s2  }
0xa9: {  	[dreg:$0x3] =	wrdreg s4  }
0xaa: {  	[dreg:$0x4] =	wrdreg $0xC0  }
0xab: {  	_ =	task [dreg:s6], $0x5FFFF  }
0xac: {  	[dreg:$0x1] =	wrdreg $0xFFFFFFFF  }
0xad: {  	[dreg:$0x0] =	wrdreg $0x60  }
0xae: {  	[dreg:$0x2] =	wrdreg s24  }
0xaf: {  	[dreg:$0x3] =	wrdreg $0x0  }
0xb0: {  	[dreg:$0x4] =	wrdreg $0x9  }
0xb1: {  	_ =	task.clear_ibuf [dreg:s6], $0x5FFFF;
	_ =	strace $0x90000049  }
0xb2: {  	s29 =	simm.s32 $0x9;
	_ =	strace $0x8000004B  }
0xb3: {  	_ =	swait.ge [sflag:s29], $0x1  }
0xb4: {  	[sflag:s29] =	ssyncadd.s32 $0xFFFFFFFF  }
0xb5: {  	_ =	strace $0x9000004B  }
0xb6: {  	_ =	sfence  }
0xb7: {  	s30 =	sld [smem:$0x0];
	_ =	sdelay $0x2  }
0xb8: {  	s31 =	sshll.u32 s1, $0xD;
	s1 =	sshrl.u32 s1, $0x2  }
0xb9: {  	s3 =	sand.u32 $0x4000, s31;
	s1 =	sadd.s32 s1, s30  }
0xba: {  	s0 =	sor.u32 s3, s0;
	s1 =	sshll.u32 s1, $0x11  }
0xbb: {  	s0 =	sor.u32 s1, s0  }
0xbc: {  	s0 =	sadd.s32 $0x8F2B, s0  }
0xbd: {  	[sflag:s0] =	ssyncadd.remote.s32 $0x1  }
0xbe: {  	_ =	sfence.sel $0xFFFF  }
0xbf: {  	[dreg:$0x0] =	wrdreg $0xFFFFFFFF;
	(pc) =	sbr.abs _section_cstart, $3  }
0xc0: {  	[dreg:$0x1] =	wrdreg $0xFFFFFFFF  }
0xc1: {  	_ =	task.clear_ibuf [dreg:s6], $0x2FFFF;
	_ =	strace $0x9FFFFFFF  }
0xc2: {  	(tm) =	ssettm $0x7FFFFFFF  }
0xc3: {  	_ =	shalt  }
tec
execute0_lowered:
.L_overlay_start_1:
0x0: {  	(tag) =	ssettag $0x1  }
0x1: {  	s0 =	rddreg [dreg:$0x0]  }
0x2: {  	s2 =	rddreg [dreg:$0x1];
	s1 =	simm.s32 $0x0;
	s10 =	stileid.u32  }
0x3: {  	[smem:$0x7FF] =	sst s1;
	s4 =	sadd.s32 $0x1F400, s0;
	s13 =	smul.u32 $0x4E2, s10  }
0x4: {  	s5 =	sadd.s32 $0x46600, s0;
	s3 =	smul.u32 $0x7D0, s10;
	s8 =	sadd.s32 $0x6D800, s0  }
0x5: {  	s7 =	smul.u32 $0x4E000, s10;
	_ =	strace $0x8000004A;
	[dreg:$0x3] =	wrdreg s8  }
0x6: {  	s1 =	sadd.s32 s13, s0;
	s3 =	sadd.s32 s3, s0;
	s0 =	sadd.s32 $0x94A00, s0  }
0x7: {  	s7 =	sshrl.u32 s7, $0x2;
	[dreg:$0x4] =	wrdreg s0;
	s1 =	sadd.s32 $0x3800, s1  }
0x8: {  	s9 =	sadd.s32 s7, s2;
	s16 =	sadd.s32 $0x17600, s3;
	[dreg:$0x5] =	wrdreg s1  }
0x9: {  	[dreg:$0x6] =	wrdreg s16;
	s17 =	sadd.s32 $0x800, s9  }
0xa: {  	s18 =	sadd.s32 $0x1000, s9;
	[dreg:$0x7] =	wrdreg s17  }
0xb: {  	s19 =	sadd.s32 $0x1800, s9;
	[dreg:$0x8] =	wrdreg s18  }
0xc: {  	s20 =	sadd.s32 $0x2000, s9;
	[dreg:$0x9] =	wrdreg s19  }
0xd: {  	s21 =	sadd.s32 $0x2800, s9;
	[dreg:$0xa] =	wrdreg s20  }
0xe: {  	s22 =	sadd.s32 $0x3000, s9;
	[dreg:$0xb] =	wrdreg s21  }
0xf: {  	s23 =	sadd.s32 $0x3800, s9;
	[dreg:$0xc] =	wrdreg s22  }
0x10: {  	s24 =	sadd.s32 $0x4000, s9;
	[dreg:$0xd] =	wrdreg s23  }
0x11: {  	s25 =	sadd.s32 $0x4800, s9;
	[dreg:$0xe] =	wrdreg s24  }
0x12: {  	s6 =	srdreg.scid;
	s26 =	sadd.s32 $0x5000, s9;
	[dreg:$0xf] =	wrdreg s25  }
0x13: {  	s6 =	sand.u32 $0x1, s6;
	s3 =	sadd.s32 $0x5800, s9;
	[dreg:$0x10] =	wrdreg s26  }
0x14: {  	s14 =	ssub.s32 $0x2, s6;
	s7 =	sadd.s32 $0x6000, s9;
	[dreg:$0x11] =	wrdreg s3  }
0x15: {  	s15 =	sshrl.u32 s14, $0x1;
	s8 =	sadd.s32 $0x6800, s9;
	[dreg:$0x12] =	wrdreg s7  }
0x16: {  	s0 =	ssub.s32 s14, s15;
	s11 =	sadd.s32 $0x7000, s9;
	[dreg:$0x13] =	wrdreg s8  }
0x17: {  	s0 =	smax.u32 s0, $0x1;
	[dreg:$0x14] =	wrdreg s11  }
0x18: {  	s12 =	sadd.s32 $0x7800, s9;
	[dreg:$0x15] =	wrdreg s0  }
0x19: {  	s28 =	simm.s32 $0x6;
	s13 =	sadd.s32 $0x8000, s9;
	[dreg:$0x16] =	wrdreg s12  }
0x1a: {  	s29 =	simm.s32 $0x1;
	s14 =	sadd.s32 $0x8800, s9;
	[dreg:$0x17] =	wrdreg s13  }
0x1b: {  	s30 =	simm.s32 $0x50;
	s15 =	sadd.s32 $0x9000, s9;
	[dreg:$0x18] =	wrdreg s14  }
0x1c: {  	s31 =	simm.s32 $0x1A680;
	s16 =	sadd.s32 $0x9800, s9;
	[dreg:$0x19] =	wrdreg s15  }
0x1d: {  	p0 =	sne.s32 s6, $0x0;
	[dreg:$0x1a] =	wrdreg s16;
	s17 =	sadd.s32 $0xA000, s9  }
0x1e: {  	s6 =	simm.s32 $0x1CE80;
	s18 =	sadd.s32 $0xA800, s9;
	[dreg:$0x1b] =	wrdreg s17  }
0x1f: {  	s1 =	simm.s32 $0x4;
	s19 =	sadd.s32 $0xB000, s9;
	[dreg:$0x1c] =	wrdreg s18  }
0x20: {  	s20 =	sadd.s32 $0xB800, s9;
	s21 =	sadd.s32 $0xC000, s9;
	[dreg:$0x1d] =	wrdreg s19  }
0x21: {  	s22 =	sadd.s32 $0xC800, s9;
	s23 =	sadd.s32 $0xD000, s9;
	[dreg:$0x1e] =	wrdreg s20  }
0x22: {  	s24 =	sadd.s32 $0xD800, s9;
	s25 =	sadd.s32 $0xE000, s9;
	[dreg:$0x1f] =	wrdreg s21  }
0x23: {  	s26 =	sadd.s32 $0xE800, s9;
	s14 =	sadd.s32 $0xF000, s9;
	[smem:$0x7F9] =	sst s22  }
0x24: {  	s15 =	sadd.s32 $0xF800, s9;
	s16 =	sadd.s32 $0x10000, s9;
	[smem:$0x7FA] =	sst s23  }
0x25: {  	s0 =	simm.s32 $0x2;
	s7 =	simm.s32 $0x3;
	[smem:$0x7FB] =	sst s24  }
.Ltmp0:
0x26: {  	s3 =	simm.s32 $0x5;
	[smem:$0x7FC] =	sst s25;
	(pc) =	sbr.rel .LBB2_1-.Ltmp0, $4  }
0x27: {  	s8 =	simm.s32 $0x0;
	[smem:$0x7FD] =	sst s26;
	s17 =	sadd.s32 $0x10800, s9  }
0x28: {  	s18 =	sadd.s32 $0x11000, s9;
	s19 =	sadd.s32 $0x11800, s9;
	s20 =	sadd.s32 $0x12000, s9  }
0x29: {  	s21 =	sadd.s32 $0x12800, s9;
	s22 =	sadd.s32 $0x13000, s9;
	s23 =	sadd.s32 $0x13800, s9  }
0x2a: {  	v0 =	vimm.f32 $0.0e+00;
	s24 =	smul.u32 $0x2700, s10;
	s25 =	simm.s32 $0x14080;
	s26 =	simm.s32 $0x13880  }
.LBB2_9:
0x2b: {  	[sflag:s3] =	ssyncadd.s32 $0xFFFFD800;
	s10 =	rddreg [dreg:$0x4]  }
.LBB2_10:
0x2c: {  	_ =	swait.ge [sflag:s0], $0x2800  }
0x2d: {  	[sflag:s0] =	ssyncset.done $0x0  }
0x2e: {  	s11 =	simm.s32 $0x1A600;
	[sflag:s0] =	ssyncadd.s32 $0xFFFFD800  }
0x2f: {  	[spmem:s2] =	stream.indirect.scatter.add.f32 [tilespmem:s31], [sflag:$0x4], $0x80, s11, s30, $0xb8;
	[tilespmem:$0x1F680] =	vst v63  }
0x30: {  	_ =	swait.ge [sflag:s1], $0x2800  }
0x31: {  	s12 =	stileid.u32;
	[sflag:s1] =	ssyncset.done $0x0  }
0x32: {  	s10 =	sadd.s32 s10, s24;
	s11 =	sshll.u32 s12, $0x6;
	[sflag:s1] =	ssyncadd.s32 $0xFFFFD800  }
0x33: {  	s12 =	sshrl.u32 s9, $0x3;
	s11 =	sor.u32 $0x1C06, s11;
	[bflag:$0x0] =	sbarrier.arrive $0xFFFF  }
0x34: {  	[hbm:s10], [sflag:s11] =	dma.local [spmem:s12], $0x2800  }
0x35: {  	_ =	swait.ge [sflag:s28], $0x2800  }
0x36: {  	s8 =	sadd.s32 $0x1, s8;
	s13 =	rddreg [dreg:$0x15]  }
0x37: {  	p1 =	sne.s32 s8, s13  }
.Ltmp1:
0x38: {  	_ = 	snop;
	(pc) =	sbr.rel @!p1 .LBB2_11-.Ltmp1, $3  }
0x39: {  	_ =	sdelay $0x1  }
0x3a: {  	[sflag:s28] =	ssyncset.done $0x0  }
0x3b: {  	[sflag:s28] =	ssyncadd.s32 $0xFFFFD800  }
.LBB2_1:
0x3c: {  	s10 =	simm.s32 $0x0;
	s11 =	simm.s32 $0x200  }
.LBB2_2:
0x3d: {  	p1 =	sne.s32 s11, $0x1E00;
	[tilespmem:s10+$0x138F0] =	vst v0  }
0x3e: {  	[tilespmem:s10+$0x13880] =	vst v0  }
0x3f: {  	[tilespmem:s10+$0x13890] =	vst v0  }
.Ltmp2:
0x40: {  	[tilespmem:s10+$0x138A0] =	vst v0;
	(pc) =	sbr.rel @p1 .LBB2_2-.Ltmp2, $4  }
0x41: {  	[tilespmem:s10+$0x138B0] =	vst v0  }
0x42: {  	[tilespmem:s10+$0x138C0] =	vst v0  }
0x43: {  	[tilespmem:s10+$0x138D0] =	vst v0  }
0x44: {  	[tilespmem:s10+$0x138E0] =	vst v0;
	s10 =	sshra.s32 s11, $0x2;
	s11 =	sadd.s32 $0x200, s11  }
0x45: {  	[tilespmem:s10+$0x138F0] =	vst v0  }
0x46: {  	[tilespmem:s10+$0x13880] =	vst v0  }
0x47: {  	[tilespmem:s10+$0x13890] =	vst v0  }
0x48: {  	[tilespmem:s10+$0x138A0] =	vst v0  }
0x49: {  	[tilespmem:s10+$0x138B0] =	vst v0  }
0x4a: {  	[tilespmem:s10+$0x138C0] =	vst v0  }
0x4b: {  	[tilespmem:s10+$0x138D0] =	vst v0  }
0x4c: {  	[tilespmem:s10+$0x138E0] =	vst v0;
	s10 =	simm.s32 $0x0;
	s11 =	rddreg [dreg:$0x5]  }
0x4d: {  	[tilespmem:s25], [sflag:$0x1] =	stream.linear.gather [hbm4b:s11+s10], $0x2710, $0x38;
	[tilespmem:$0x1F680] =	vst v63  }
0x4e: {  	s13 =	rddreg [dreg:$0x6];
	s12 =	simm.s32 $0x16800  }
0x4f: {  	[tilespmem:s12], [sflag:$0x1] =	stream.linear.gather [hbm4b:s13+s10], $0x3E80, $0x38;
	[tilespmem:$0x1F680] =	vst v63  }
0x50: {  	_ = 	snop  }
0x51: {  	[spmem:s9] =	stream.linear.scatter [tilespmem:s26], [sflag:$0x6], $0x800, $0x38;
	[tilespmem:$0x1F680] =	vst v63  }
0x52: {  	_ =	swait.ge [sflag:s28], $0x800  }
0x53: {  	[sflag:s28] =	ssyncset.done $0x0  }
0x54: {  	s12 =	rddreg [dreg:$0x7];
	[sflag:s28] =	ssyncadd.s32 $0xFFFFF800  }
0x55: {  	[spmem:s12] =	stream.linear.scatter [tilespmem:s26], [sflag:$0x6], $0x800, $0x38;
	[tilespmem:$0x1F680] =	vst v63  }
0x56: {  	_ =	swait.ge [sflag:s28], $0x800  }
0x57: {  	[sflag:s28] =	ssyncset.done $0x0  }
0x58: {  	s13 =	rddreg [dreg:$0x8];
	[sflag:s28] =	ssyncadd.s32 $0xFFFFF800  }
0x59: {  	[spmem:s13] =	stream.linear.scatter [tilespmem:s26], [sflag:$0x6], $0x800, $0x38;
	[tilespmem:$0x1F680] =	vst v63  }
0x5a: {  	_ =	swait.ge [sflag:s28], $0x800  }
0x5b: {  	[sflag:s28] =	ssyncset.done $0x0  }
0x5c: {  	s11 =	rddreg [dreg:$0x9];
	[sflag:s28] =	ssyncadd.s32 $0xFFFFF800  }
0x5d: {  	[spmem:s11] =	stream.linear.scatter [tilespmem:s26], [sflag:$0x6], $0x800, $0x38;
	[tilespmem:$0x1F680] =	vst v63  }
0x5e: {  	_ =	swait.ge [sflag:s28], $0x800  }
0x5f: {  	[sflag:s28] =	ssyncset.done $0x0  }
0x60: {  	s12 =	rddreg [dreg:$0xa];
	[sflag:s28] =	ssyncadd.s32 $0xFFFFF800  }
0x61: {  	[spmem:s12] =	stream.linear.scatter [tilespmem:s26], [sflag:$0x6], $0x800, $0x38;
	[tilespmem:$0x1F680] =	vst v63  }
0x62: {  	_ =	swait.ge [sflag:s28], $0x800  }
0x63: {  	[sflag:s28] =	ssyncset.done $0x0  }
0x64: {  	s13 =	rddreg [dreg:$0xb];
	[sflag:s28] =	ssyncadd.s32 $0xFFFFF800  }
0x65: {  	[spmem:s13] =	stream.linear.scatter [tilespmem:s26], [sflag:$0x6], $0x800, $0x38;
	[tilespmem:$0x1F680] =	vst v63  }
0x66: {  	_ =	swait.ge [sflag:s28], $0x800  }
0x67: {  	[sflag:s28] =	ssyncset.done $0x0  }
0x68: {  	s11 =	rddreg [dreg:$0xc];
	[sflag:s28] =	ssyncadd.s32 $0xFFFFF800  }
0x69: {  	[spmem:s11] =	stream.linear.scatter [tilespmem:s26], [sflag:$0x6], $0x800, $0x38;
	[tilespmem:$0x1F680] =	vst v63  }
0x6a: {  	_ =	swait.ge [sflag:s28], $0x800  }
0x6b: {  	[sflag:s28] =	ssyncset.done $0x0  }
0x6c: {  	s12 =	rddreg [dreg:$0xd];
	[sflag:s28] =	ssyncadd.s32 $0xFFFFF800  }
0x6d: {  	[spmem:s12] =	stream.linear.scatter [tilespmem:s26], [sflag:$0x6], $0x800, $0x38;
	[tilespmem:$0x1F680] =	vst v63  }
0x6e: {  	_ =	swait.ge [sflag:s28], $0x800  }
0x6f: {  	[sflag:s28] =	ssyncset.done $0x0  }
0x70: {  	s13 =	rddreg [dreg:$0xe];
	[sflag:s28] =	ssyncadd.s32 $0xFFFFF800  }
0x71: {  	[spmem:s13] =	stream.linear.scatter [tilespmem:s26], [sflag:$0x6], $0x800, $0x38;
	[tilespmem:$0x1F680] =	vst v63  }
0x72: {  	_ =	swait.ge [sflag:s28], $0x800  }
0x73: {  	[sflag:s28] =	ssyncset.done $0x0  }
0x74: {  	s11 =	rddreg [dreg:$0xf];
	[sflag:s28] =	ssyncadd.s32 $0xFFFFF800  }
0x75: {  	[spmem:s11] =	stream.linear.scatter [tilespmem:s26], [sflag:$0x6], $0x800, $0x38;
	[tilespmem:$0x1F680] =	vst v63  }
0x76: {  	_ =	swait.ge [sflag:s28], $0x800  }
0x77: {  	[sflag:s28] =	ssyncset.done $0x0  }
0x78: {  	s12 =	rddreg [dreg:$0x10];
	[sflag:s28] =	ssyncadd.s32 $0xFFFFF800  }
0x79: {  	[spmem:s12] =	stream.linear.scatter [tilespmem:s26], [sflag:$0x6], $0x800, $0x38;
	[tilespmem:$0x1F680] =	vst v63  }
0x7a: {  	_ =	swait.ge [sflag:s28], $0x800  }
0x7b: {  	[sflag:s28] =	ssyncset.done $0x0  }
0x7c: {  	s13 =	rddreg [dreg:$0x11];
	[sflag:s28] =	ssyncadd.s32 $0xFFFFF800  }
0x7d: {  	[spmem:s13] =	stream.linear.scatter [tilespmem:s26], [sflag:$0x6], $0x800, $0x38;
	[tilespmem:$0x1F680] =	vst v63  }
0x7e: {  	_ =	swait.ge [sflag:s28], $0x800  }
0x7f: {  	[sflag:s28] =	ssyncset.done $0x0  }
0x80: {  	s11 =	rddreg [dreg:$0x12];
	[sflag:s28] =	ssyncadd.s32 $0xFFFFF800  }
0x81: {  	[spmem:s11] =	stream.linear.scatter [tilespmem:s26], [sflag:$0x6], $0x800, $0x38;
	[tilespmem:$0x1F680] =	vst v63  }
0x82: {  	_ =	swait.ge [sflag:s28], $0x800  }
0x83: {  	[sflag:s28] =	ssyncset.done $0x0  }
0x84: {  	s12 =	rddreg [dreg:$0x13];
	[sflag:s28] =	ssyncadd.s32 $0xFFFFF800  }
0x85: {  	[spmem:s12] =	stream.linear.scatter [tilespmem:s26], [sflag:$0x6], $0x800, $0x38;
	[tilespmem:$0x1F680] =	vst v63  }
0x86: {  	_ =	swait.ge [sflag:s28], $0x800  }
0x87: {  	[sflag:s28] =	ssyncset.done $0x0  }
0x88: {  	s13 =	rddreg [dreg:$0x14];
	[sflag:s28] =	ssyncadd.s32 $0xFFFFF800  }
0x89: {  	[spmem:s13] =	stream.linear.scatter [tilespmem:s26], [sflag:$0x6], $0x800, $0x38;
	[tilespmem:$0x1F680] =	vst v63  }
0x8a: {  	_ =	swait.ge [sflag:s28], $0x800  }
0x8b: {  	[sflag:s28] =	ssyncset.done $0x0  }
0x8c: {  	s11 =	rddreg [dreg:$0x16];
	[sflag:s28] =	ssyncadd.s32 $0xFFFFF800  }
0x8d: {  	[spmem:s11] =	stream.linear.scatter [tilespmem:s26], [sflag:$0x6], $0x800, $0x38;
	[tilespmem:$0x1F680] =	vst v63  }
0x8e: {  	_ =	swait.ge [sflag:s28], $0x800  }
0x8f: {  	[sflag:s28] =	ssyncset.done $0x0  }
0x90: {  	s12 =	rddreg [dreg:$0x17];
	[sflag:s28] =	ssyncadd.s32 $0xFFFFF800  }
0x91: {  	[spmem:s12] =	stream.linear.scatter [tilespmem:s26], [sflag:$0x6], $0x800, $0x38;
	[tilespmem:$0x1F680] =	vst v63  }
0x92: {  	_ =	swait.ge [sflag:s28], $0x800  }
0x93: {  	[sflag:s28] =	ssyncset.done $0x0  }
0x94: {  	s13 =	rddreg [dreg:$0x18];
	[sflag:s28] =	ssyncadd.s32 $0xFFFFF800  }
0x95: {  	[spmem:s13] =	stream.linear.scatter [tilespmem:s26], [sflag:$0x6], $0x800, $0x38;
	[tilespmem:$0x1F680] =	vst v63  }
0x96: {  	_ =	swait.ge [sflag:s28], $0x800  }
0x97: {  	[sflag:s28] =	ssyncset.done $0x0  }
0x98: {  	s11 =	rddreg [dreg:$0x19];
	[sflag:s28] =	ssyncadd.s32 $0xFFFFF800  }
0x99: {  	[spmem:s11] =	stream.linear.scatter [tilespmem:s26], [sflag:$0x6], $0x800, $0x38;
	[tilespmem:$0x1F680] =	vst v63  }
0x9a: {  	_ =	swait.ge [sflag:s28], $0x800  }
0x9b: {  	[sflag:s28] =	ssyncset.done $0x0  }
0x9c: {  	s12 =	rddreg [dreg:$0x1a];
	[sflag:s28] =	ssyncadd.s32 $0xFFFFF800  }
0x9d: {  	[spmem:s12] =	stream.linear.scatter [tilespmem:s26], [sflag:$0x6], $0x800, $0x38;
	[tilespmem:$0x1F680] =	vst v63  }
0x9e: {  	_ =	swait.ge [sflag:s28], $0x800  }
0x9f: {  	[sflag:s28] =	ssyncset.done $0x0  }
0xa0: {  	s13 =	rddreg [dreg:$0x1b];
	[sflag:s28] =	ssyncadd.s32 $0xFFFFF800  }
0xa1: {  	[spmem:s13] =	stream.linear.scatter [tilespmem:s26], [sflag:$0x6], $0x800, $0x38;
	[tilespmem:$0x1F680] =	vst v63  }
0xa2: {  	_ =	swait.ge [sflag:s28], $0x800  }
0xa3: {  	[sflag:s28] =	ssyncset.done $0x0  }
0xa4: {  	s11 =	rddreg [dreg:$0x1c];
	[sflag:s28] =	ssyncadd.s32 $0xFFFFF800  }
0xa5: {  	[spmem:s11] =	stream.linear.scatter [tilespmem:s26], [sflag:$0x6], $0x800, $0x38;
	[tilespmem:$0x1F680] =	vst v63  }
0xa6: {  	_ =	swait.ge [sflag:s28], $0x800  }
0xa7: {  	[sflag:s28] =	ssyncset.done $0x0  }
0xa8: {  	s12 =	rddreg [dreg:$0x1d];
	[sflag:s28] =	ssyncadd.s32 $0xFFFFF800  }
0xa9: {  	[spmem:s12] =	stream.linear.scatter [tilespmem:s26], [sflag:$0x6], $0x800, $0x38;
	[tilespmem:$0x1F680] =	vst v63  }
0xaa: {  	_ =	swait.ge [sflag:s28], $0x800  }
0xab: {  	[sflag:s28] =	ssyncset.done $0x0  }
0xac: {  	s13 =	rddreg [dreg:$0x1e];
	[sflag:s28] =	ssyncadd.s32 $0xFFFFF800  }
0xad: {  	[spmem:s13] =	stream.linear.scatter [tilespmem:s26], [sflag:$0x6], $0x800, $0x38;
	[tilespmem:$0x1F680] =	vst v63  }
0xae: {  	_ =	swait.ge [sflag:s28], $0x800  }
0xaf: {  	[sflag:s28] =	ssyncset.done $0x0  }
0xb0: {  	s11 =	rddreg [dreg:$0x1f];
	[sflag:s28] =	ssyncadd.s32 $0xFFFFF800  }
0xb1: {  	[spmem:s11] =	stream.linear.scatter [tilespmem:s26], [sflag:$0x6], $0x800, $0x38;
	[tilespmem:$0x1F680] =	vst v63  }
0xb2: {  	_ =	swait.ge [sflag:s28], $0x800  }
0xb3: {  	s12 =	sld [smem:$0x7F9]  }
0xb4: {  	[sflag:s28] =	ssyncset.done $0x0  }
0xb5: {  	[sflag:s28] =	ssyncadd.s32 $0xFFFFF800  }
0xb6: {  	[spmem:s12] =	stream.linear.scatter [tilespmem:s26], [sflag:$0x6], $0x800, $0x38;
	[tilespmem:$0x1F680] =	vst v63  }
0xb7: {  	_ =	swait.ge [sflag:s28], $0x800  }
0xb8: {  	s13 =	sld [smem:$0x7FA]  }
0xb9: {  	[sflag:s28] =	ssyncset.done $0x0  }
0xba: {  	[sflag:s28] =	ssyncadd.s32 $0xFFFFF800  }
0xbb: {  	[spmem:s13] =	stream.linear.scatter [tilespmem:s26], [sflag:$0x6], $0x800, $0x38;
	[tilespmem:$0x1F680] =	vst v63  }
0xbc: {  	_ =	swait.ge [sflag:s28], $0x800  }
0xbd: {  	s11 =	sld [smem:$0x7FB]  }
0xbe: {  	[sflag:s28] =	ssyncset.done $0x0  }
0xbf: {  	[sflag:s28] =	ssyncadd.s32 $0xFFFFF800  }
0xc0: {  	[spmem:s11] =	stream.linear.scatter [tilespmem:s26], [sflag:$0x6], $0x800, $0x38;
	[tilespmem:$0x1F680] =	vst v63  }
0xc1: {  	_ =	swait.ge [sflag:s28], $0x800  }
0xc2: {  	s12 =	sld [smem:$0x7FC]  }
0xc3: {  	[sflag:s28] =	ssyncset.done $0x0  }
0xc4: {  	[sflag:s28] =	ssyncadd.s32 $0xFFFFF800  }
0xc5: {  	[spmem:s12] =	stream.linear.scatter [tilespmem:s26], [sflag:$0x6], $0x800, $0x38;
	[tilespmem:$0x1F680] =	vst v63  }
0xc6: {  	_ =	swait.ge [sflag:s28], $0x800  }
0xc7: {  	s13 =	sld [smem:$0x7FD]  }
0xc8: {  	[sflag:s28] =	ssyncset.done $0x0  }
0xc9: {  	[sflag:s28] =	ssyncadd.s32 $0xFFFFF800  }
0xca: {  	[spmem:s13] =	stream.linear.scatter [tilespmem:s26], [sflag:$0x6], $0x800, $0x38;
	[tilespmem:$0x1F680] =	vst v63  }
0xcb: {  	_ =	swait.ge [sflag:s28], $0x800  }
0xcc: {  	[sflag:s28] =	ssyncset.done $0x0  }
0xcd: {  	[sflag:s28] =	ssyncadd.s32 $0xFFFFF800  }
0xce: {  	[spmem:s14] =	stream.linear.scatter [tilespmem:s26], [sflag:$0x6], $0x800, $0x38;
	[tilespmem:$0x1F680] =	vst v63  }
0xcf: {  	_ =	swait.ge [sflag:s28], $0x800  }
0xd0: {  	[sflag:s28] =	ssyncset.done $0x0  }
0xd1: {  	[sflag:s28] =	ssyncadd.s32 $0xFFFFF800  }
0xd2: {  	[spmem:s15] =	stream.linear.scatter [tilespmem:s26], [sflag:$0x6], $0x800, $0x38;
	[tilespmem:$0x1F680] =	vst v63  }
0xd3: {  	_ =	swait.ge [sflag:s28], $0x800  }
0xd4: {  	[sflag:s28] =	ssyncset.done $0x0  }
0xd5: {  	[sflag:s28] =	ssyncadd.s32 $0xFFFFF800  }
0xd6: {  	[spmem:s16] =	stream.linear.scatter [tilespmem:s26], [sflag:$0x6], $0x800, $0x38;
	[tilespmem:$0x1F680] =	vst v63  }
0xd7: {  	_ =	swait.ge [sflag:s28], $0x800  }
0xd8: {  	[sflag:s28] =	ssyncset.done $0x0  }
0xd9: {  	[sflag:s28] =	ssyncadd.s32 $0xFFFFF800  }
0xda: {  	[spmem:s17] =	stream.linear.scatter [tilespmem:s26], [sflag:$0x6], $0x800, $0x38;
	[tilespmem:$0x1F680] =	vst v63  }
0xdb: {  	_ =	swait.ge [sflag:s28], $0x800  }
0xdc: {  	[sflag:s28] =	ssyncset.done $0x0  }
0xdd: {  	[sflag:s28] =	ssyncadd.s32 $0xFFFFF800  }
0xde: {  	[spmem:s18] =	stream.linear.scatter [tilespmem:s26], [sflag:$0x6], $0x800, $0x38;
	[tilespmem:$0x1F680] =	vst v63  }
0xdf: {  	_ =	swait.ge [sflag:s28], $0x800  }
0xe0: {  	[sflag:s28] =	ssyncset.done $0x0  }
0xe1: {  	[sflag:s28] =	ssyncadd.s32 $0xFFFFF800  }
0xe2: {  	[spmem:s19] =	stream.linear.scatter [tilespmem:s26], [sflag:$0x6], $0x800, $0x38;
	[tilespmem:$0x1F680] =	vst v63  }
0xe3: {  	_ =	swait.ge [sflag:s28], $0x800  }
0xe4: {  	[sflag:s28] =	ssyncset.done $0x0  }
0xe5: {  	[sflag:s28] =	ssyncadd.s32 $0xFFFFF800  }
0xe6: {  	[spmem:s20] =	stream.linear.scatter [tilespmem:s26], [sflag:$0x6], $0x800, $0x38;
	[tilespmem:$0x1F680] =	vst v63  }
0xe7: {  	_ =	swait.ge [sflag:s28], $0x800  }
0xe8: {  	[sflag:s28] =	ssyncset.done $0x0  }
0xe9: {  	[sflag:s28] =	ssyncadd.s32 $0xFFFFF800  }
0xea: {  	[spmem:s21] =	stream.linear.scatter [tilespmem:s26], [sflag:$0x6], $0x800, $0x38;
	[tilespmem:$0x1F680] =	vst v63  }
0xeb: {  	_ =	swait.ge [sflag:s28], $0x800  }
0xec: {  	[sflag:s28] =	ssyncset.done $0x0  }
0xed: {  	[sflag:s28] =	ssyncadd.s32 $0xFFFFF800  }
0xee: {  	[spmem:s22] =	stream.linear.scatter [tilespmem:s26], [sflag:$0x6], $0x800, $0x38;
	[tilespmem:$0x1F680] =	vst v63  }
0xef: {  	_ =	swait.ge [sflag:s28], $0x800  }
0xf0: {  	[sflag:s28] =	ssyncset.done $0x0  }
0xf1: {  	[sflag:s28] =	ssyncadd.s32 $0xFFFFF800  }
0xf2: {  	[spmem:s23] =	stream.linear.scatter [tilespmem:s26], [sflag:$0x6], $0x800, $0x38;
	[tilespmem:$0x1F680] =	vst v63  }
0xf3: {  	_ =	swait.ge [sflag:s28], $0x800  }
0xf4: {  	[sflag:s28] =	ssyncset.done $0x0  }
0xf5: {  	[sflag:s28] =	ssyncadd.s32 $0xFFFFF800  }
0xf6: {  	_ =	swait.ge [sflag:s29], $0x2710  }
0xf7: {  	[sflag:s29] =	ssyncset.done $0x0  }
0xf8: {  	[sflag:s29] =	ssyncadd.s32 $0xFFFFD8F0  }
.Ltmp3:
0xf9: {  	_ =	swait.ge [sflag:s29], $0x3E80;
	(pc) =	sbr.rel @p0 .LBB2_7-.Ltmp3, $3  }
0xfa: {  	[sflag:s29] =	ssyncset.done $0x0  }
0xfb: {  	[sflag:s29] =	ssyncadd.s32 $0xFFFFC180  }
0xfc: {  	[bflag:$0x0] =	sbarrier.arrive $0xFFFF;
	_ =	sdelay $0x1  }
0xfd: {  	[tilespmem:s31], [sflag:$0x2] =	stream.indirect.gather [hbm4b:s4+s30], $0x80, s25, s30, $0xb8;
	[tilespmem:$0x1F680] =	vst v63  }
0xfe: {  	_ =	swait.ge [sflag:s0], $0x2800  }
0xff: {  	[sflag:s0] =	ssyncset.done $0x0  }
0x100: {  	s10 =	simm.s32 $0x140D0;
	[sflag:s0] =	ssyncadd.s32 $0xFFFFD800  }
0x101: {  	[tilespmem:s6], [sflag:$0x3] =	stream.indirect.gather [hbm4b:s4+s30], $0x80, s10, s30, $0xb8;
	[tilespmem:$0x1F680] =	vst v63  }
0x102: {  	s13 =	simm.s32 $0x16800  }
0x103: {  	[spmem:s2] =	stream.indirect.scatter.add.f32 [tilespmem:s31], [sflag:$0x4], $0x80, s13, s30, $0xb8;
	[tilespmem:$0x1F680] =	vst v63  }
0x104: {  	_ =	swait.ge [sflag:s7], $0x2800  }
0x105: {  	[sflag:s7] =	ssyncset.done $0x0  }
0x106: {  	[sflag:s7] =	ssyncadd.s32 $0xFFFFD800  }
0x107: {  	_ =	swait.ge [sflag:s1], $0x2800  }
0x108: {  	[sflag:s1] =	ssyncset.done $0x0  }
0x109: {  	s10 =	simm.s32 $0x14120;
	[sflag:s1] =	ssyncadd.s32 $0xFFFFD800  }
0x10a: {  	[tilespmem:s31], [sflag:$0x2] =	stream.indirect.gather [hbm4b:s4+s30], $0x80, s10, s30, $0xb8;
	[tilespmem:$0x1F680] =	vst v63  }
0x10b: {  	s11 =	simm.s32 $0x16880  }
0x10c: {  	[spmem:s2] =	stream.indirect.scatter.add.f32 [tilespmem:s6], [sflag:$0x5], $0x80, s11, s30, $0xb8;
	[tilespmem:$0x1F680] =	vst v63  }
0x10d: {  	_ =	swait.ge [sflag:s3], $0x2800  }
0x10e: {  	s11 =	simm.s32 $0x400;
	[sflag:s3] =	ssyncset.done $0x0  }
.LBB2_5:
0x10f: {  	p1 =	seq.s32 s11, $0xF400;
	[sflag:s3] =	ssyncadd.s32 $0xFFFFD800;
	s10 =	sadd.s32 $0xA0, s10  }
0x110: {  	s12 =	smov.u32 s11;
	s11 =	sadd.s32 $0x400, s11  }
0x111: {  	_ =	swait.ge [sflag:s0], $0x2800  }
0x112: {  	[sflag:s0] =	ssyncset.done $0x0  }
0x113: {  	s13 =	sadd.s32 $0xFFFFFFB0, s10;
	s12 =	sshra.s32 s12, $0x2;
	[sflag:s0] =	ssyncadd.s32 $0xFFFFD800  }
0x114: {  	[tilespmem:s6], [sflag:$0x3] =	stream.indirect.gather [hbm4b:s4+s30], $0x80, s13, s30, $0xb8;
	[tilespmem:$0x1F680] =	vst v63  }
0x115: {  	s13 =	sadd.s32 $0x16800, s12  }
0x116: {  	[spmem:s2] =	stream.indirect.scatter.add.f32 [tilespmem:s31], [sflag:$0x4], $0x80, s13, s30, $0xb8;
	[tilespmem:$0x1F680] =	vst v63  }
0x117: {  	_ =	swait.ge [sflag:s7], $0x2800  }
0x118: {  	[sflag:s7] =	ssyncset.done $0x0  }
0x119: {  	[sflag:s7] =	ssyncadd.s32 $0xFFFFD800  }
0x11a: {  	_ =	swait.ge [sflag:s1], $0x2800  }
0x11b: {  	[sflag:s1] =	ssyncset.done $0x0  }
0x11c: {  	[sflag:s1] =	ssyncadd.s32 $0xFFFFD800  }
0x11d: {  	[tilespmem:s31], [sflag:$0x2] =	stream.indirect.gather [hbm4b:s4+s30], $0x80, s10, s30, $0xb8;
	[tilespmem:$0x1F680] =	vst v63  }
.Ltmp4:
0x11e: {  	_ = 	snop;
	(pc) =	sbr.rel @!p1 .LBB2_5-.Ltmp4, $4  }
0x11f: {  	s12 =	sadd.s32 $0x16880, s12  }
0x120: {  	[spmem:s2] =	stream.indirect.scatter.add.f32 [tilespmem:s6], [sflag:$0x5], $0x80, s12, s30, $0xb8;
	[tilespmem:$0x1F680] =	vst v63  }
0x121: {  	_ =	swait.ge [sflag:s3], $0x2800  }
0x122: {  	[sflag:s3] =	ssyncset.done $0x0  }
.Ltmp5:
0x123: {  	(pc) =	sbr.rel .LBB2_10-.Ltmp5, $2  }
0x124: {  	_ =	sdelay $0x2  }
0x125: {  	[sflag:s3] =	ssyncadd.s32 $0xFFFFD800;
	s10 =	rddreg [dreg:$0x3]  }
.LBB2_7:
0x126: {  	[tilespmem:s31], [sflag:$0x2] =	stream.indirect.gather [hbm4b:s5+s30], $0x80, s25, s30, $0xb8;
	[tilespmem:$0x1F680] =	vst v63  }
0x127: {  	_ =	swait.ge [sflag:s0], $0x2800  }
0x128: {  	[sflag:s0] =	ssyncset.done $0x0  }
0x129: {  	s10 =	simm.s32 $0x140D0;
	[sflag:s0] =	ssyncadd.s32 $0xFFFFD800  }
0x12a: {  	[tilespmem:s6], [sflag:$0x3] =	stream.indirect.gather [hbm4b:s5+s30], $0x80, s10, s30, $0xb8;
	[tilespmem:$0x1F680] =	vst v63  }
0x12b: {  	s13 =	simm.s32 $0x16800  }
0x12c: {  	[spmem:s2] =	stream.indirect.scatter.add.f32 [tilespmem:s31], [sflag:$0x4], $0x80, s13, s30, $0xb8;
	[tilespmem:$0x1F680] =	vst v63  }
0x12d: {  	_ =	swait.ge [sflag:s7], $0x2800  }
0x12e: {  	[sflag:s7] =	ssyncset.done $0x0  }
0x12f: {  	[sflag:s7] =	ssyncadd.s32 $0xFFFFD800  }
0x130: {  	_ =	swait.ge [sflag:s1], $0x2800  }
0x131: {  	[sflag:s1] =	ssyncset.done $0x0  }
0x132: {  	s10 =	simm.s32 $0x14120;
	[sflag:s1] =	ssyncadd.s32 $0xFFFFD800  }
0x133: {  	[tilespmem:s31], [sflag:$0x2] =	stream.indirect.gather [hbm4b:s5+s30], $0x80, s10, s30, $0xb8;
	[tilespmem:$0x1F680] =	vst v63  }
0x134: {  	s11 =	simm.s32 $0x16880  }
0x135: {  	[spmem:s2] =	stream.indirect.scatter.add.f32 [tilespmem:s6], [sflag:$0x5], $0x80, s11, s30, $0xb8;
	[tilespmem:$0x1F680] =	vst v63  }
0x136: {  	_ =	swait.ge [sflag:s3], $0x2800  }
0x137: {  	s11 =	simm.s32 $0x400;
	[sflag:s3] =	ssyncset.done $0x0  }
.LBB2_8:
0x138: {  	p1 =	sne.s32 s11, $0xF400;
	[sflag:s3] =	ssyncadd.s32 $0xFFFFD800;
	s10 =	sadd.s32 $0xA0, s10  }
0x139: {  	s12 =	smov.u32 s11;
	s11 =	sadd.s32 $0x400, s11  }
0x13a: {  	_ =	swait.ge [sflag:s0], $0x2800  }
0x13b: {  	[sflag:s0] =	ssyncset.done $0x0  }
0x13c: {  	s13 =	sadd.s32 $0xFFFFFFB0, s10;
	s12 =	sshra.s32 s12, $0x2;
	[sflag:s0] =	ssyncadd.s32 $0xFFFFD800  }
0x13d: {  	[tilespmem:s6], [sflag:$0x3] =	stream.indirect.gather [hbm4b:s5+s30], $0x80, s13, s30, $0xb8;
	[tilespmem:$0x1F680] =	vst v63  }
0x13e: {  	s13 =	sadd.s32 $0x16800, s12  }
0x13f: {  	[spmem:s2] =	stream.indirect.scatter.add.f32 [tilespmem:s31], [sflag:$0x4], $0x80, s13, s30, $0xb8;
	[tilespmem:$0x1F680] =	vst v63  }
0x140: {  	_ =	swait.ge [sflag:s7], $0x2800  }
0x141: {  	[sflag:s7] =	ssyncset.done $0x0  }
0x142: {  	[sflag:s7] =	ssyncadd.s32 $0xFFFFD800  }
0x143: {  	_ =	swait.ge [sflag:s1], $0x2800  }
0x144: {  	[sflag:s1] =	ssyncset.done $0x0  }
0x145: {  	[sflag:s1] =	ssyncadd.s32 $0xFFFFD800  }
0x146: {  	[tilespmem:s31], [sflag:$0x2] =	stream.indirect.gather [hbm4b:s5+s30], $0x80, s10, s30, $0xb8;
	[tilespmem:$0x1F680] =	vst v63  }
.Ltmp6:
0x147: {  	_ = 	snop;
	(pc) =	sbr.rel @p1 .LBB2_8-.Ltmp6, $4  }
0x148: {  	s12 =	sadd.s32 $0x16880, s12  }
0x149: {  	[spmem:s2] =	stream.indirect.scatter.add.f32 [tilespmem:s6], [sflag:$0x5], $0x80, s12, s30, $0xb8;
	[tilespmem:$0x1F680] =	vst v63  }
0x14a: {  	_ =	swait.ge [sflag:s3], $0x2800  }
0x14b: {  	[sflag:s3] =	ssyncset.done $0x0  }
.Ltmp7:
0x14c: {  	_ = 	snop;
	(pc) =	sbr.rel .LBB2_9-.Ltmp7, $1  }
0x14d: {  	_ =	sdelay $0x3  }
.LBB2_11:
0x14e: {  	_ =	sfence.sel $0x180000  }
0x14f: {  	[bflag:$0x0] =	sbarrier.arrive $0xFFFF  }
0x150: {  	_ =	strace $0x9000004A  }
0x151: {  	s0 =	stileid.u32;
	[bflag:$0x2] =	sbarrier.arrive $0xFFFF  }
0x152: {  	p0 =	sne.s32 s0, $0x0;
	s0 =	rddreg [dreg:$0x2]  }
0x153: {  	s0 =	sadd.s32 @!p0 $0x100000, s0  }
0x154: {  	[sflag:s0] =	ssyncadd.tile.s32 @!p0 $0x1;
	_ =	shalt  }
.Lfunc_end2:
_tile_overlayer_lowered:
.L_overlay_start_2:
0x155: {  	(tag) =	ssettag $0x2  }
0x156: {  	s0 =	rddreg [dreg:$0x0];
	s2 =	stileid.u32  }
0x157: {  	s1 =	rddreg [dreg:$0x1];
	p0 =	sne.s32 s2, $0x0  }
0x158: {  	s3 =	rddreg [dreg:$0x2];
	[bflag:$0x3] =	sbarrier.arrive $0xFFFF;
	s2 =	simm.s32 @!p0 $0x1C06  }
0x159: {  	[timem:s3], [sflag:s2] =	dma.local @!p0 [hbm:s0], s1  }
0x15a: {  	s0 =	simm.s32 @!p0 $0x6  }
0x15b: {  	_ =	swait.ge @!p0 [sflag:s0], s1  }
0x15c: {  	s1 =	ssub.s32 @!p0 $0x0, s1;
	[sflag:s0] =	ssyncset.done @!p0 $0x0  }
0x15d: {  	[sflag:s0] =	ssyncadd.s32 @!p0 s1  }
0x15e: {  	[bflag:$0x3] =	sbarrier.arrive $0xFFFF  }
0x15f: {  	_ =	shalt  }

// kernel: kernel.14.cloned.1.call-start
scs
__scs_entry_jumppad:
0x0: {  	(pc) =	sbr.rel $0x88, $3  }
0x1: {  	(tag) =	ssettag $0x0;
	lr =	simm.s32 $0x1  }
0x2: {  	[smem:$0x3F98] =	sst lr;
	_ =	strace $0xD0000000  }
0x3: {  	_ = 	snop  }
0x4: {  	_ = 	snop  }
0x5: {  	_ = 	snop  }
0x6: {  	_ = 	snop  }
0x7: {  	_ = 	snop  }
__scs_overlays_trampoline_lowered:
0x8: {  	[smem:$0x3FA7] =	sst s0  }
0x9: {  	[smem:$0x3FA8] =	sst s1  }
0xa: {  	[smem:$0x3FA9] =	sst s2  }
0xb: {  	[smem:$0x3FAA] =	sst s3  }
0xc: {  	[smem:$0x3FAB] =	sst s4  }
0xd: {  	[smem:$0x3FAC] =	sst s5  }
0xe: {  	[smem:$0x3FAD] =	sst s6  }
0xf: {  	[smem:$0x3FAE] =	sst s7  }
0x10: {  	[smem:$0x3FAF] =	sst s8  }
0x11: {  	[smem:$0x3FB0] =	sst s9;
	s0 =	simm.s32 @!p0 $0x0  }
0x12: {  	s1 =	sld [smem:$0x3F96];
	s0 =	simm.s32 @p0 $0x1  }
0x13: {  	[smem:$0x3FB1] =	sst s0;
	s0 =	simm.s32 @!p1 $0x0  }
0x14: {  	s2 =	sld [smem:$0x3F95];
	s0 =	simm.s32 @p1 $0x1  }
0x15: {  	[smem:$0x3FB2] =	sst s0;
	s0 =	simm.s32 @!p2 $0x0  }
0x16: {  	s3 =	sld [smem:$0x3FDB];
	s0 =	simm.s32 @p2 $0x1  }
0x17: {  	s4 =	simm.s32 $0x1BF5;
	[smem:$0x3FB4] =	sst s0  }
0x18: {  	s0 =	sld [smem:$0x3F97];
	_ =	swait.ge [sflag:s4], $0x0  }
0x19: {  	s7 =	sld [smem:$0x3F98]  }
0x1a: {  	s8 =	sadd.s32 $0xFFFFE003, lr  }
0x1b: {  	s9 =	sadd.s32 $0xFFFFFEF7, lr;
	s5 =	simm.s32 $0xFFFFFFFF;
	p2 =	slt.u32 s8, $0xFFFFF086  }
0x1c: {  	p1 =	slt.u32 s9, $0xF7A;
	s5 =	simm.s32 @!p2 $0x0  }
0x1d: {  	s5 =	simm.s32 @p1 $0x1;
	p0 =	seq.s32 s7, s2  }
0x1e: {  	s7 =	smul.u32 @!p0 $0xF7A, s2;
	p2 =	seq.s32 @!p0 s5, $0x0  }
0x1f: {  	s9 =	smul.u32 $0xF7A, s1;
	s8 =	simm.s32 @!p0 $0x1BF5;
	p2 =	por !p2, p0  }
0x20: {  	[sflag:s8] =	ssyncset.s32 @!p0 $0xFFFFF086;
	s6 =	sadd.s32 @!p0 s3, s7;
	s7 =	simm.s32 @!p0 $0x108  }
0x21: {  	s3 =	sadd.s32 s3, s9;
	s6 =	sadd.s32 @!p0 $0x88, s6;
	s7 =	simm.s32 @p2 $0x1082  }
0x22: {  	[simem:s7], [sflag:s8] =	dma.local @!p0 [hbm:s6], $0xF7A  }
0x23: {  	s9 =	sor.u32 $0xD0000000, s2;
	s6 =	simm.s32 $0x108;
	_ =	swait.ge @!p0 [sflag:s8], $0x0  }
0x24: {  	s3 =	sadd.s32 $0x88, s3;
	s6 =	simm.s32 @!p1 $0x1082;
	[sflag:s4] =	ssyncset.s32 $0xFFFFF086  }
0x25: {  	[simem:s6], [sflag:s4] =	dma.local [hbm:s3], $0xF7A  }
0x26: {  	[smem:$0x3F98] =	sst s1;
	(tag) =	ssettag s2;
	_ =	strace s9  }
0x27: {  	s1 =	sld [smem:$0x3FA8]  }
0x28: {  	s2 =	sld [smem:$0x3FA9]  }
0x29: {  	s4 =	sld [smem:$0x3FAB]  }
0x2a: {  	p0 =	seq.s32 s5, $0x0;
	s5 =	sld [smem:$0x3FAC]  }
0x2b: {  	s6 =	sld [smem:$0x3FAD]  }
0x2c: {  	s7 =	sld [smem:$0x3FAE]  }
0x2d: {  	s3 =	simm.s32 $0x108;
	s8 =	sld [smem:$0x3FAF]  }
0x2e: {  	s3 =	simm.s32 @!p0 $0x1082;
	s9 =	sld [smem:$0x3FB0]  }
0x2f: {  	lr =	sadd.s32 s0, s3;
	s0 =	sld [smem:$0x3FA7]  }
0x30: {  	s3 =	sld [smem:$0x3FAA]  }
0x31: {  	[smem:$0x3FB3] =	sst s10  }
0x32: {  	s10 =	sld [smem:$0x3FB1];
	_ =	sdelay $0x3  }
0x33: {  	p0 =	seq.s32 s10, $0x1;
	s10 =	sld [smem:$0x3FB3];
	_ =	sdelay $0x3  }
0x34: {  	[smem:$0x3FB3] =	sst s10  }
0x35: {  	s10 =	sld [smem:$0x3FB2];
	_ =	sdelay $0x3  }
0x36: {  	p1 =	seq.s32 s10, $0x1;
	s10 =	sld [smem:$0x3FB3];
	_ =	sdelay $0x3  }
0x37: {  	[smem:$0x3FB3] =	sst s10  }
0x38: {  	s10 =	sld [smem:$0x3FB4]  }
0x39: {  	_ = 	snop;
	(pc) =	sbr.ind lr, $3  }
0x3a: {  	_ = 	snop  }
0x3b: {  	_ = 	snop  }
0x3c: {  	p2 =	seq.s32 s10, $0x1;
	s10 =	sld [smem:$0x3FB3]  }
0x3d: {  	_ =	shalt  }
0x3e: {  	_ =	shalt  }
0x3f: {  	_ =	shalt  }
0x40: {  	_ =	shalt  }
0x41: {  	_ =	shalt  }
0x42: {  	_ =	shalt  }
0x43: {  	_ =	shalt  }
0x44: {  	_ =	shalt  }
0x45: {  	_ =	shalt  }
0x46: {  	_ =	shalt  }
0x47: {  	_ =	shalt  }
0x48: {  	_ =	shalt  }
0x49: {  	_ =	shalt  }
0x4a: {  	_ =	shalt  }
0x4b: {  	_ =	shalt  }
0x4c: {  	_ =	shalt  }
0x4d: {  	_ =	shalt  }
0x4e: {  	_ =	shalt  }
0x4f: {  	_ =	shalt  }
0x50: {  	_ =	shalt  }
0x51: {  	_ =	shalt  }
0x52: {  	_ =	shalt  }
0x53: {  	_ =	shalt  }
0x54: {  	_ =	shalt  }
0x55: {  	_ =	shalt  }
0x56: {  	_ =	shalt  }
0x57: {  	_ =	shalt  }
0x58: {  	_ =	shalt  }
0x59: {  	_ =	shalt  }
0x5a: {  	_ =	shalt  }
0x5b: {  	_ =	shalt  }
0x5c: {  	_ =	shalt  }
0x5d: {  	_ =	shalt  }
0x5e: {  	_ =	shalt  }
0x5f: {  	_ =	shalt  }
0x60: {  	_ =	shalt  }
0x61: {  	_ =	shalt  }
0x62: {  	_ =	shalt  }
0x63: {  	_ =	shalt  }
0x64: {  	_ =	shalt  }
0x65: {  	_ =	shalt  }
0x66: {  	_ =	shalt  }
0x67: {  	_ =	shalt  }
0x68: {  	_ =	shalt  }
0x69: {  	_ =	shalt  }
0x6a: {  	_ =	shalt  }
0x6b: {  	_ =	shalt  }
0x6c: {  	_ =	shalt  }
0x6d: {  	_ =	shalt  }
0x6e: {  	_ =	shalt  }
0x6f: {  	_ =	shalt  }
0x70: {  	_ =	shalt  }
0x71: {  	_ =	shalt  }
0x72: {  	_ =	shalt  }
0x73: {  	_ =	shalt  }
0x74: {  	_ =	shalt  }
0x75: {  	_ =	shalt  }
0x76: {  	_ =	shalt  }
0x77: {  	_ =	shalt  }
0x78: {  	_ =	shalt  }
0x79: {  	_ =	shalt  }
0x7a: {  	_ =	shalt  }
0x7b: {  	_ =	shalt  }
0x7c: {  	_ =	shalt  }
0x7d: {  	_ =	shalt  }
0x7e: {  	_ =	shalt  }
0x7f: {  	_ =	shalt  }
0x80: {  	_ =	shalt  }
0x81: {  	_ =	shalt  }
0x82: {  	_ =	shalt  }
0x83: {  	_ =	shalt  }
0x84: {  	_ =	shalt  }
0x85: {  	_ =	shalt  }
0x86: {  	_ =	shalt  }
0x87: {  	_ =	shalt  }
.Lfunc_end0:
.L_simem_size_0:
called_computation.2_lowered:
.L_overlay_start_0:
0x88: {  	s2 =	sld [smem:$0x3FD9]  }
0x89: {  	s3 =	sld [smem:$0x3FFE];
	_ =	sdelay $0x1  }
0x8a: {  	s1 =	srdreg.scid  }
0x8b: {  	s0 =	sand.u32 $0x1, s1  }
0x8c: {  	s16 =	sshll.u32 s0, $0xA;
	s2 =	sadd.s32 s3, s2  }
0x8d: {  	s2 =	sadd.s32 s2, s16  }
0x8e: {  	[smem:$0x3FBF] =	sst s2  }
0x8f: {  	_ = 	snop  }
0x90: {  	(tm) =	ssettm $0x1  }
0x91: {  	s17 =	sld [smem:$0x3FFB];
	_ =	sdelay $0x3  }
0x92: {  	_ =	strace s17  }
0x93: {  	s2 =	sld [smem:$0x3FFC];
	_ =	sdelay $0x3  }
0x94: {  	_ =	strace s2  }
0x95: {  	s2 =	sld [smem:$0x3FFD];
	_ =	sdelay $0x3  }
0x96: {  	_ =	strace s2  }
0x97: {  	_ =	strace $0x8FFFFFFF  }
0x98: {  	s18 =	sld [smem:$0x3FDB];
	_ =	sdelay $0x1  }
0x99: {  	s19 =	simm.s32 $_scs_section_size  }
0x9a: {  	s4 =	simm.s32 $_size__tile_overlayer_lowered;
	s5 =	simm.s32 $_tile_overlayer_lowered  }
0x9b: {  	s22 =	simm.s32 $0x1BFF;
	s21 =	sshll.u32 s5, $0x1;
	s2 =	sadd.s32 s19, s18  }
0x9c: {  	s6 =	simm.s32 $0x0;
	s20 =	sshll.u32 s4, $0x1;
	s4 =	sadd.s32 s21, s2  }
0x9d: {  	[timem:s6], [sflag:s22] =	dma.local [hbm:s4], s20  }
0x9e: {  	_ =	swait.ge [sflag:s22], s20  }
0x9f: {  	s3 =	ssub.s32 $0x0, s20;
	[sflag:s22] =	ssyncset.done $0x0  }
0xa0: {  	[sflag:s22] =	ssyncadd.s32 s3;
	_ =	sdelay $0x1  }
0xa1: {  	s23 =	simm.s32 $0x1B8B  }
0xa2: {  	_ =	swait.ge [sflag:s23], $0x1  }
0xa3: {  	[sflag:s23] =	ssyncset.done $0x0  }
0xa4: {  	s25 =	simm.s32 $0x1B8E;
	s24 =	sld [smem:$0x3FFE];
	[sflag:s23] =	ssyncadd.s32 $0xFFFFFFFF  }
0xa5: {  	s26 =	simm.s32 $execute0_lowered;
	[smem:$0x3FD2] =	sst s25  }
0xa6: {  	s4 =	sshll.u32 s26, $0x1;
	_ =	strace $0x8000004C;
	[dreg:$0x1] =	wrdreg $0xFFFFFFFF  }
0xa7: {  	s28 =	simm.s32 $_size_execute0_lowered;
	s2 =	sadd.s32 s2, s4;
	[dreg:$0x0] =	wrdreg $0x0  }
0xa8: {  	s4 =	sshll.u32 s28, $0x1;
	[dreg:$0x2] =	wrdreg s2  }
0xa9: {  	[dreg:$0x3] =	wrdreg s4  }
0xaa: {  	[dreg:$0x4] =	wrdreg $0xC0  }
0xab: {  	_ =	task [dreg:s6], $0x5FFFF  }
0xac: {  	[dreg:$0x1] =	wrdreg $0xFFFFFFFF  }
0xad: {  	[dreg:$0x0] =	wrdreg $0x60  }
0xae: {  	[dreg:$0x2] =	wrdreg s24  }
0xaf: {  	[dreg:$0x3] =	wrdreg $0x0  }
0xb0: {  	[dreg:$0x4] =	wrdreg $0x9  }
0xb1: {  	_ =	task.clear_ibuf [dreg:s6], $0x5FFFF;
	_ =	strace $0x9000004C  }
0xb2: {  	s29 =	simm.s32 $0x9;
	_ =	strace $0x8000004E  }
0xb3: {  	_ =	swait.ge [sflag:s29], $0x1  }
0xb4: {  	[sflag:s29] =	ssyncadd.s32 $0xFFFFFFFF  }
0xb5: {  	_ =	strace $0x9000004E  }
0xb6: {  	_ =	sfence  }
0xb7: {  	s30 =	sld [smem:$0x0];
	_ =	sdelay $0x2  }
0xb8: {  	s31 =	sshll.u32 s1, $0xD;
	s1 =	sshrl.u32 s1, $0x2  }
0xb9: {  	s3 =	sand.u32 $0x4000, s31;
	s1 =	sadd.s32 s1, s30  }
0xba: {  	s0 =	sor.u32 s3, s0;
	s1 =	sshll.u32 s1, $0x11  }
0xbb: {  	s0 =	sor.u32 s1, s0  }
0xbc: {  	s0 =	sadd.s32 $0x8F2B, s0  }
0xbd: {  	[sflag:s0] =	ssyncadd.remote.s32 $0x1  }
0xbe: {  	_ =	sfence.sel $0xFFFF  }
0xbf: {  	[dreg:$0x0] =	wrdreg $0xFFFFFFFF;
	(pc) =	sbr.abs _section_cstart, $3  }
0xc0: {  	[dreg:$0x1] =	wrdreg $0xFFFFFFFF  }
0xc1: {  	_ =	task.clear_ibuf [dreg:s6], $0x2FFFF;
	_ =	strace $0x9FFFFFFF  }
0xc2: {  	(tm) =	ssettm $0x7FFFFFFF  }
0xc3: {  	_ =	shalt  }
tec
execute0_lowered:
.L_overlay_start_1:
0x0: {  	(tag) =	ssettag $0x1  }
0x1: {  	s0 =	rddreg [dreg:$0x0]  }
0x2: {  	s2 =	rddreg [dreg:$0x1];
	s1 =	simm.s32 $0x0;
	s10 =	stileid.u32  }
0x3: {  	[smem:$0x7FF] =	sst s1;
	s4 =	sadd.s32 $0x1F400, s0;
	s13 =	smul.u32 $0x4E2, s10  }
0x4: {  	s5 =	sadd.s32 $0x46600, s0;
	s3 =	smul.u32 $0x7D0, s10;
	s8 =	sadd.s32 $0x6D800, s0  }
0x5: {  	s7 =	smul.u32 $0x4E000, s10;
	_ =	strace $0x8000004D;
	[dreg:$0x3] =	wrdreg s8  }
0x6: {  	s1 =	sadd.s32 s13, s0;
	s3 =	sadd.s32 s3, s0;
	s0 =	sadd.s32 $0x94A00, s0  }
0x7: {  	s7 =	sshrl.u32 s7, $0x2;
	[dreg:$0x4] =	wrdreg s0;
	s1 =	sadd.s32 $0x3800, s1  }
0x8: {  	s9 =	sadd.s32 s7, s2;
	s16 =	sadd.s32 $0x17600, s3;
	[dreg:$0x5] =	wrdreg s1  }
0x9: {  	[dreg:$0x6] =	wrdreg s16;
	s17 =	sadd.s32 $0x800, s9  }
0xa: {  	s18 =	sadd.s32 $0x1000, s9;
	[dreg:$0x7] =	wrdreg s17  }
0xb: {  	s19 =	sadd.s32 $0x1800, s9;
	[dreg:$0x8] =	wrdreg s18  }
0xc: {  	s20 =	sadd.s32 $0x2000, s9;
	[dreg:$0x9] =	wrdreg s19  }
0xd: {  	s21 =	sadd.s32 $0x2800, s9;
	[dreg:$0xa] =	wrdreg s20  }
0xe: {  	s22 =	sadd.s32 $0x3000, s9;
	[dreg:$0xb] =	wrdreg s21  }
0xf: {  	s23 =	sadd.s32 $0x3800, s9;
	[dreg:$0xc] =	wrdreg s22  }
0x10: {  	s24 =	sadd.s32 $0x4000, s9;
	[dreg:$0xd] =	wrdreg s23  }
0x11: {  	s25 =	sadd.s32 $0x4800, s9;
	[dreg:$0xe] =	wrdreg s24  }
0x12: {  	s6 =	srdreg.scid;
	s26 =	sadd.s32 $0x5000, s9;
	[dreg:$0xf] =	wrdreg s25  }
0x13: {  	s6 =	sand.u32 $0x1, s6;
	s3 =	sadd.s32 $0x5800, s9;
	[dreg:$0x10] =	wrdreg s26  }
0x14: {  	s14 =	ssub.s32 $0x2, s6;
	s7 =	sadd.s32 $0x6000, s9;
	[dreg:$0x11] =	wrdreg s3  }
0x15: {  	s15 =	sshrl.u32 s14, $0x1;
	s8 =	sadd.s32 $0x6800, s9;
	[dreg:$0x12] =	wrdreg s7  }
0x16: {  	s0 =	ssub.s32 s14, s15;
	s11 =	sadd.s32 $0x7000, s9;
	[dreg:$0x13] =	wrdreg s8  }
0x17: {  	s0 =	smax.u32 s0, $0x1;
	[dreg:$0x14] =	wrdreg s11  }
0x18: {  	s12 =	sadd.s32 $0x7800, s9;
	[dreg:$0x15] =	wrdreg s0  }
0x19: {  	s28 =	simm.s32 $0x6;
	s13 =	sadd.s32 $0x8000, s9;
	[dreg:$0x16] =	wrdreg s12  }
0x1a: {  	s29 =	simm.s32 $0x1;
	s14 =	sadd.s32 $0x8800, s9;
	[dreg:$0x17] =	wrdreg s13  }
0x1b: {  	s30 =	simm.s32 $0x50;
	s15 =	sadd.s32 $0x9000, s9;
	[dreg:$0x18] =	wrdreg s14  }
0x1c: {  	s31 =	simm.s32 $0x1A680;
	s16 =	sadd.s32 $0x9800, s9;
	[dreg:$0x19] =	wrdreg s15  }
0x1d: {  	p0 =	sne.s32 s6, $0x0;
	[dreg:$0x1a] =	wrdreg s16;
	s17 =	sadd.s32 $0xA000, s9  }
0x1e: {  	s6 =	simm.s32 $0x1CE80;
	s18 =	sadd.s32 $0xA800, s9;
	[dreg:$0x1b] =	wrdreg s17  }
0x1f: {  	s1 =	simm.s32 $0x4;
	s19 =	sadd.s32 $0xB000, s9;
	[dreg:$0x1c] =	wrdreg s18  }
0x20: {  	s20 =	sadd.s32 $0xB800, s9;
	s21 =	sadd.s32 $0xC000, s9;
	[dreg:$0x1d] =	wrdreg s19  }
0x21: {  	s22 =	sadd.s32 $0xC800, s9;
	s23 =	sadd.s32 $0xD000, s9;
	[dreg:$0x1e] =	wrdreg s20  }
0x22: {  	s24 =	sadd.s32 $0xD800, s9;
	s25 =	sadd.s32 $0xE000, s9;
	[dreg:$0x1f] =	wrdreg s21  }
0x23: {  	s26 =	sadd.s32 $0xE800, s9;
	s14 =	sadd.s32 $0xF000, s9;
	[smem:$0x7F9] =	sst s22  }
0x24: {  	s15 =	sadd.s32 $0xF800, s9;
	s16 =	sadd.s32 $0x10000, s9;
	[smem:$0x7FA] =	sst s23  }
0x25: {  	s0 =	simm.s32 $0x2;
	s7 =	simm.s32 $0x3;
	[smem:$0x7FB] =	sst s24  }
.Ltmp0:
0x26: {  	s3 =	simm.s32 $0x5;
	[smem:$0x7FC] =	sst s25;
	(pc) =	sbr.rel .LBB2_1-.Ltmp0, $4  }
0x27: {  	s8 =	simm.s32 $0x0;
	[smem:$0x7FD] =	sst s26;
	s17 =	sadd.s32 $0x10800, s9  }
0x28: {  	s18 =	sadd.s32 $0x11000, s9;
	s19 =	sadd.s32 $0x11800, s9;
	s20 =	sadd.s32 $0x12000, s9  }
0x29: {  	s21 =	sadd.s32 $0x12800, s9;
	s22 =	sadd.s32 $0x13000, s9;
	s23 =	sadd.s32 $0x13800, s9  }
0x2a: {  	v0 =	vimm.f32 $0.0e+00;
	s24 =	smul.u32 $0x2700, s10;
	s25 =	simm.s32 $0x14080;
	s26 =	simm.s32 $0x13880  }
.LBB2_9:
0x2b: {  	[sflag:s3] =	ssyncadd.s32 $0xFFFFD800;
	s10 =	rddreg [dreg:$0x4]  }
.LBB2_10:
0x2c: {  	_ =	swait.ge [sflag:s0], $0x2800  }
0x2d: {  	[sflag:s0] =	ssyncset.done $0x0  }
0x2e: {  	s11 =	simm.s32 $0x1A600;
	[sflag:s0] =	ssyncadd.s32 $0xFFFFD800  }
0x2f: {  	[spmem:s2] =	stream.indirect.scatter.add.f32 [tilespmem:s31], [sflag:$0x4], $0x80, s11, s30, $0xb8;
	[tilespmem:$0x1F680] =	vst v63  }
0x30: {  	_ =	swait.ge [sflag:s1], $0x2800  }
0x31: {  	s12 =	stileid.u32;
	[sflag:s1] =	ssyncset.done $0x0  }
0x32: {  	s10 =	sadd.s32 s10, s24;
	s11 =	sshll.u32 s12, $0x6;
	[sflag:s1] =	ssyncadd.s32 $0xFFFFD800  }
0x33: {  	s12 =	sshrl.u32 s9, $0x3;
	s11 =	sor.u32 $0x1C06, s11;
	[bflag:$0x0] =	sbarrier.arrive $0xFFFF  }
0x34: {  	[hbm:s10], [sflag:s11] =	dma.local [spmem:s12], $0x2800  }
0x35: {  	_ =	swait.ge [sflag:s28], $0x2800  }
0x36: {  	s8 =	sadd.s32 $0x1, s8;
	s13 =	rddreg [dreg:$0x15]  }
0x37: {  	p1 =	sne.s32 s8, s13  }
.Ltmp1:
0x38: {  	_ = 	snop;
	(pc) =	sbr.rel @!p1 .LBB2_11-.Ltmp1, $3  }
0x39: {  	_ =	sdelay $0x1  }
0x3a: {  	[sflag:s28] =	ssyncset.done $0x0  }
0x3b: {  	[sflag:s28] =	ssyncadd.s32 $0xFFFFD800  }
.LBB2_1:
0x3c: {  	s10 =	simm.s32 $0x0;
	s11 =	simm.s32 $0x200  }
.LBB2_2:
0x3d: {  	p1 =	sne.s32 s11, $0x1E00;
	[tilespmem:s10+$0x138F0] =	vst v0  }
0x3e: {  	[tilespmem:s10+$0x13880] =	vst v0  }
0x3f: {  	[tilespmem:s10+$0x13890] =	vst v0  }
.Ltmp2:
0x40: {  	[tilespmem:s10+$0x138A0] =	vst v0;
	(pc) =	sbr.rel @p1 .LBB2_2-.Ltmp2, $4  }
0x41: {  	[tilespmem:s10+$0x138B0] =	vst v0  }
0x42: {  	[tilespmem:s10+$0x138C0] =	vst v0  }
0x43: {  	[tilespmem:s10+$0x138D0] =	vst v0  }
0x44: {  	[tilespmem:s10+$0x138E0] =	vst v0;
	s10 =	sshra.s32 s11, $0x2;
	s11 =	sadd.s32 $0x200, s11  }
0x45: {  	[tilespmem:s10+$0x138F0] =	vst v0  }
0x46: {  	[tilespmem:s10+$0x13880] =	vst v0  }
0x47: {  	[tilespmem:s10+$0x13890] =	vst v0  }
0x48: {  	[tilespmem:s10+$0x138A0] =	vst v0  }
0x49: {  	[tilespmem:s10+$0x138B0] =	vst v0  }
0x4a: {  	[tilespmem:s10+$0x138C0] =	vst v0  }
0x4b: {  	[tilespmem:s10+$0x138D0] =	vst v0  }
0x4c: {  	[tilespmem:s10+$0x138E0] =	vst v0;
	s10 =	simm.s32 $0x0;
	s11 =	rddreg [dreg:$0x5]  }
0x4d: {  	[tilespmem:s25], [sflag:$0x1] =	stream.linear.gather [hbm4b:s11+s10], $0x2710, $0x38;
	[tilespmem:$0x1F680] =	vst v63  }
0x4e: {  	s13 =	rddreg [dreg:$0x6];
	s12 =	simm.s32 $0x16800  }
0x4f: {  	[tilespmem:s12], [sflag:$0x1] =	stream.linear.gather [hbm4b:s13+s10], $0x3E80, $0x38;
	[tilespmem:$0x1F680] =	vst v63  }
0x50: {  	_ = 	snop  }
0x51: {  	[spmem:s9] =	stream.linear.scatter [tilespmem:s26], [sflag:$0x6], $0x800, $0x38;
	[tilespmem:$0x1F680] =	vst v63  }
0x52: {  	_ =	swait.ge [sflag:s28], $0x800  }
0x53: {  	[sflag:s28] =	ssyncset.done $0x0  }
0x54: {  	s12 =	rddreg [dreg:$0x7];
	[sflag:s28] =	ssyncadd.s32 $0xFFFFF800  }
0x55: {  	[spmem:s12] =	stream.linear.scatter [tilespmem:s26], [sflag:$0x6], $0x800, $0x38;
	[tilespmem:$0x1F680] =	vst v63  }
0x56: {  	_ =	swait.ge [sflag:s28], $0x800  }
0x57: {  	[sflag:s28] =	ssyncset.done $0x0  }
0x58: {  	s13 =	rddreg [dreg:$0x8];
	[sflag:s28] =	ssyncadd.s32 $0xFFFFF800  }
0x59: {  	[spmem:s13] =	stream.linear.scatter [tilespmem:s26], [sflag:$0x6], $0x800, $0x38;
	[tilespmem:$0x1F680] =	vst v63  }
0x5a: {  	_ =	swait.ge [sflag:s28], $0x800  }
0x5b: {  	[sflag:s28] =	ssyncset.done $0x0  }
0x5c: {  	s11 =	rddreg [dreg:$0x9];
	[sflag:s28] =	ssyncadd.s32 $0xFFFFF800  }
0x5d: {  	[spmem:s11] =	stream.linear.scatter [tilespmem:s26], [sflag:$0x6], $0x800, $0x38;
	[tilespmem:$0x1F680] =	vst v63  }
0x5e: {  	_ =	swait.ge [sflag:s28], $0x800  }
0x5f: {  	[sflag:s28] =	ssyncset.done $0x0  }
0x60: {  	s12 =	rddreg [dreg:$0xa];
	[sflag:s28] =	ssyncadd.s32 $0xFFFFF800  }
0x61: {  	[spmem:s12] =	stream.linear.scatter [tilespmem:s26], [sflag:$0x6], $0x800, $0x38;
	[tilespmem:$0x1F680] =	vst v63  }
0x62: {  	_ =	swait.ge [sflag:s28], $0x800  }
0x63: {  	[sflag:s28] =	ssyncset.done $0x0  }
0x64: {  	s13 =	rddreg [dreg:$0xb];
	[sflag:s28] =	ssyncadd.s32 $0xFFFFF800  }
0x65: {  	[spmem:s13] =	stream.linear.scatter [tilespmem:s26], [sflag:$0x6], $0x800, $0x38;
	[tilespmem:$0x1F680] =	vst v63  }
0x66: {  	_ =	swait.ge [sflag:s28], $0x800  }
0x67: {  	[sflag:s28] =	ssyncset.done $0x0  }
0x68: {  	s11 =	rddreg [dreg:$0xc];
	[sflag:s28] =	ssyncadd.s32 $0xFFFFF800  }
0x69: {  	[spmem:s11] =	stream.linear.scatter [tilespmem:s26], [sflag:$0x6], $0x800, $0x38;
	[tilespmem:$0x1F680] =	vst v63  }
0x6a: {  	_ =	swait.ge [sflag:s28], $0x800  }
0x6b: {  	[sflag:s28] =	ssyncset.done $0x0  }
0x6c: {  	s12 =	rddreg [dreg:$0xd];
	[sflag:s28] =	ssyncadd.s32 $0xFFFFF800  }
0x6d: {  	[spmem:s12] =	stream.linear.scatter [tilespmem:s26], [sflag:$0x6], $0x800, $0x38;
	[tilespmem:$0x1F680] =	vst v63  }
0x6e: {  	_ =	swait.ge [sflag:s28], $0x800  }
0x6f: {  	[sflag:s28] =	ssyncset.done $0x0  }
0x70: {  	s13 =	rddreg [dreg:$0xe];
	[sflag:s28] =	ssyncadd.s32 $0xFFFFF800  }
0x71: {  	[spmem:s13] =	stream.linear.scatter [tilespmem:s26], [sflag:$0x6], $0x800, $0x38;
	[tilespmem:$0x1F680] =	vst v63  }
0x72: {  	_ =	swait.ge [sflag:s28], $0x800  }
0x73: {  	[sflag:s28] =	ssyncset.done $0x0  }
0x74: {  	s11 =	rddreg [dreg:$0xf];
	[sflag:s28] =	ssyncadd.s32 $0xFFFFF800  }
0x75: {  	[spmem:s11] =	stream.linear.scatter [tilespmem:s26], [sflag:$0x6], $0x800, $0x38;
	[tilespmem:$0x1F680] =	vst v63  }
0x76: {  	_ =	swait.ge [sflag:s28], $0x800  }
0x77: {  	[sflag:s28] =	ssyncset.done $0x0  }
0x78: {  	s12 =	rddreg [dreg:$0x10];
	[sflag:s28] =	ssyncadd.s32 $0xFFFFF800  }
0x79: {  	[spmem:s12] =	stream.linear.scatter [tilespmem:s26], [sflag:$0x6], $0x800, $0x38;
	[tilespmem:$0x1F680] =	vst v63  }
0x7a: {  	_ =	swait.ge [sflag:s28], $0x800  }
0x7b: {  	[sflag:s28] =	ssyncset.done $0x0  }
0x7c: {  	s13 =	rddreg [dreg:$0x11];
	[sflag:s28] =	ssyncadd.s32 $0xFFFFF800  }
0x7d: {  	[spmem:s13] =	stream.linear.scatter [tilespmem:s26], [sflag:$0x6], $0x800, $0x38;
	[tilespmem:$0x1F680] =	vst v63  }
0x7e: {  	_ =	swait.ge [sflag:s28], $0x800  }
0x7f: {  	[sflag:s28] =	ssyncset.done $0x0  }
0x80: {  	s11 =	rddreg [dreg:$0x12];
	[sflag:s28] =	ssyncadd.s32 $0xFFFFF800  }
0x81: {  	[spmem:s11] =	stream.linear.scatter [tilespmem:s26], [sflag:$0x6], $0x800, $0x38;
	[tilespmem:$0x1F680] =	vst v63  }
0x82: {  	_ =	swait.ge [sflag:s28], $0x800  }
0x83: {  	[sflag:s28] =	ssyncset.done $0x0  }
0x84: {  	s12 =	rddreg [dreg:$0x13];
	[sflag:s28] =	ssyncadd.s32 $0xFFFFF800  }
0x85: {  	[spmem:s12] =	stream.linear.scatter [tilespmem:s26], [sflag:$0x6], $0x800, $0x38;
	[tilespmem:$0x1F680] =	vst v63  }
0x86: {  	_ =	swait.ge [sflag:s28], $0x800  }
0x87: {  	[sflag:s28] =	ssyncset.done $0x0  }
0x88: {  	s13 =	rddreg [dreg:$0x14];
	[sflag:s28] =	ssyncadd.s32 $0xFFFFF800  }
0x89: {  	[spmem:s13] =	stream.linear.scatter [tilespmem:s26], [sflag:$0x6], $0x800, $0x38;
	[tilespmem:$0x1F680] =	vst v63  }
0x8a: {  	_ =	swait.ge [sflag:s28], $0x800  }
0x8b: {  	[sflag:s28] =	ssyncset.done $0x0  }
0x8c: {  	s11 =	rddreg [dreg:$0x16];
	[sflag:s28] =	ssyncadd.s32 $0xFFFFF800  }
0x8d: {  	[spmem:s11] =	stream.linear.scatter [tilespmem:s26], [sflag:$0x6], $0x800, $0x38;
	[tilespmem:$0x1F680] =	vst v63  }
0x8e: {  	_ =	swait.ge [sflag:s28], $0x800  }
0x8f: {  	[sflag:s28] =	ssyncset.done $0x0  }
0x90: {  	s12 =	rddreg [dreg:$0x17];
	[sflag:s28] =	ssyncadd.s32 $0xFFFFF800  }
0x91: {  	[spmem:s12] =	stream.linear.scatter [tilespmem:s26], [sflag:$0x6], $0x800, $0x38;
	[tilespmem:$0x1F680] =	vst v63  }
0x92: {  	_ =	swait.ge [sflag:s28], $0x800  }
0x93: {  	[sflag:s28] =	ssyncset.done $0x0  }
0x94: {  	s13 =	rddreg [dreg:$0x18];
	[sflag:s28] =	ssyncadd.s32 $0xFFFFF800  }
0x95: {  	[spmem:s13] =	stream.linear.scatter [tilespmem:s26], [sflag:$0x6], $0x800, $0x38;
	[tilespmem:$0x1F680] =	vst v63  }
0x96: {  	_ =	swait.ge [sflag:s28], $0x800  }
0x97: {  	[sflag:s28] =	ssyncset.done $0x0  }
0x98: {  	s11 =	rddreg [dreg:$0x19];
	[sflag:s28] =	ssyncadd.s32 $0xFFFFF800  }
0x99: {  	[spmem:s11] =	stream.linear.scatter [tilespmem:s26], [sflag:$0x6], $0x800, $0x38;
	[tilespmem:$0x1F680] =	vst v63  }
0x9a: {  	_ =	swait.ge [sflag:s28], $0x800  }
0x9b: {  	[sflag:s28] =	ssyncset.done $0x0  }
0x9c: {  	s12 =	rddreg [dreg:$0x1a];
	[sflag:s28] =	ssyncadd.s32 $0xFFFFF800  }
0x9d: {  	[spmem:s12] =	stream.linear.scatter [tilespmem:s26], [sflag:$0x6], $0x800, $0x38;
	[tilespmem:$0x1F680] =	vst v63  }
0x9e: {  	_ =	swait.ge [sflag:s28], $0x800  }
0x9f: {  	[sflag:s28] =	ssyncset.done $0x0  }
0xa0: {  	s13 =	rddreg [dreg:$0x1b];
	[sflag:s28] =	ssyncadd.s32 $0xFFFFF800  }
0xa1: {  	[spmem:s13] =	stream.linear.scatter [tilespmem:s26], [sflag:$0x6], $0x800, $0x38;
	[tilespmem:$0x1F680] =	vst v63  }
0xa2: {  	_ =	swait.ge [sflag:s28], $0x800  }
0xa3: {  	[sflag:s28] =	ssyncset.done $0x0  }
0xa4: {  	s11 =	rddreg [dreg:$0x1c];
	[sflag:s28] =	ssyncadd.s32 $0xFFFFF800  }
0xa5: {  	[spmem:s11] =	stream.linear.scatter [tilespmem:s26], [sflag:$0x6], $0x800, $0x38;
	[tilespmem:$0x1F680] =	vst v63  }
0xa6: {  	_ =	swait.ge [sflag:s28], $0x800  }
0xa7: {  	[sflag:s28] =	ssyncset.done $0x0  }
0xa8: {  	s12 =	rddreg [dreg:$0x1d];
	[sflag:s28] =	ssyncadd.s32 $0xFFFFF800  }
0xa9: {  	[spmem:s12] =	stream.linear.scatter [tilespmem:s26], [sflag:$0x6], $0x800, $0x38;
	[tilespmem:$0x1F680] =	vst v63  }
0xaa: {  	_ =	swait.ge [sflag:s28], $0x800  }
0xab: {  	[sflag:s28] =	ssyncset.done $0x0  }
0xac: {  	s13 =	rddreg [dreg:$0x1e];
	[sflag:s28] =	ssyncadd.s32 $0xFFFFF800  }
0xad: {  	[spmem:s13] =	stream.linear.scatter [tilespmem:s26], [sflag:$0x6], $0x800, $0x38;
	[tilespmem:$0x1F680] =	vst v63  }
0xae: {  	_ =	swait.ge [sflag:s28], $0x800  }
0xaf: {  	[sflag:s28] =	ssyncset.done $0x0  }
0xb0: {  	s11 =	rddreg [dreg:$0x1f];
	[sflag:s28] =	ssyncadd.s32 $0xFFFFF800  }
0xb1: {  	[spmem:s11] =	stream.linear.scatter [tilespmem:s26], [sflag:$0x6], $0x800, $0x38;
	[tilespmem:$0x1F680] =	vst v63  }
0xb2: {  	_ =	swait.ge [sflag:s28], $0x800  }
0xb3: {  	s12 =	sld [smem:$0x7F9]  }
0xb4: {  	[sflag:s28] =	ssyncset.done $0x0  }
0xb5: {  	[sflag:s28] =	ssyncadd.s32 $0xFFFFF800  }
0xb6: {  	[spmem:s12] =	stream.linear.scatter [tilespmem:s26], [sflag:$0x6], $0x800, $0x38;
	[tilespmem:$0x1F680] =	vst v63  }
0xb7: {  	_ =	swait.ge [sflag:s28], $0x800  }
0xb8: {  	s13 =	sld [smem:$0x7FA]  }
0xb9: {  	[sflag:s28] =	ssyncset.done $0x0  }
0xba: {  	[sflag:s28] =	ssyncadd.s32 $0xFFFFF800  }
0xbb: {  	[spmem:s13] =	stream.linear.scatter [tilespmem:s26], [sflag:$0x6], $0x800, $0x38;
	[tilespmem:$0x1F680] =	vst v63  }
0xbc: {  	_ =	swait.ge [sflag:s28], $0x800  }
0xbd: {  	s11 =	sld [smem:$0x7FB]  }
0xbe: {  	[sflag:s28] =	ssyncset.done $0x0  }
0xbf: {  	[sflag:s28] =	ssyncadd.s32 $0xFFFFF800  }
0xc0: {  	[spmem:s11] =	stream.linear.scatter [tilespmem:s26], [sflag:$0x6], $0x800, $0x38;
	[tilespmem:$0x1F680] =	vst v63  }
0xc1: {  	_ =	swait.ge [sflag:s28], $0x800  }
0xc2: {  	s12 =	sld [smem:$0x7FC]  }
0xc3: {  	[sflag:s28] =	ssyncset.done $0x0  }
0xc4: {  	[sflag:s28] =	ssyncadd.s32 $0xFFFFF800  }
0xc5: {  	[spmem:s12] =	stream.linear.scatter [tilespmem:s26], [sflag:$0x6], $0x800, $0x38;
	[tilespmem:$0x1F680] =	vst v63  }
0xc6: {  	_ =	swait.ge [sflag:s28], $0x800  }
0xc7: {  	s13 =	sld [smem:$0x7FD]  }
0xc8: {  	[sflag:s28] =	ssyncset.done $0x0  }
0xc9: {  	[sflag:s28] =	ssyncadd.s32 $0xFFFFF800  }
0xca: {  	[spmem:s13] =	stream.linear.scatter [tilespmem:s26], [sflag:$0x6], $0x800, $0x38;
	[tilespmem:$0x1F680] =	vst v63  }
0xcb: {  	_ =	swait.ge [sflag:s28], $0x800  }
0xcc: {  	[sflag:s28] =	ssyncset.done $0x0  }
0xcd: {  	[sflag:s28] =	ssyncadd.s32 $0xFFFFF800  }
0xce: {  	[spmem:s14] =	stream.linear.scatter [tilespmem:s26], [sflag:$0x6], $0x800, $0x38;
	[tilespmem:$0x1F680] =	vst v63  }
0xcf: {  	_ =	swait.ge [sflag:s28], $0x800  }
0xd0: {  	[sflag:s28] =	ssyncset.done $0x0  }
0xd1: {  	[sflag:s28] =	ssyncadd.s32 $0xFFFFF800  }
0xd2: {  	[spmem:s15] =	stream.linear.scatter [tilespmem:s26], [sflag:$0x6], $0x800, $0x38;
	[tilespmem:$0x1F680] =	vst v63  }
0xd3: {  	_ =	swait.ge [sflag:s28], $0x800  }
0xd4: {  	[sflag:s28] =	ssyncset.done $0x0  }
0xd5: {  	[sflag:s28] =	ssyncadd.s32 $0xFFFFF800  }
0xd6: {  	[spmem:s16] =	stream.linear.scatter [tilespmem:s26], [sflag:$0x6], $0x800, $0x38;
	[tilespmem:$0x1F680] =	vst v63  }
0xd7: {  	_ =	swait.ge [sflag:s28], $0x800  }
0xd8: {  	[sflag:s28] =	ssyncset.done $0x0  }
0xd9: {  	[sflag:s28] =	ssyncadd.s32 $0xFFFFF800  }
0xda: {  	[spmem:s17] =	stream.linear.scatter [tilespmem:s26], [sflag:$0x6], $0x800, $0x38;
	[tilespmem:$0x1F680] =	vst v63  }
0xdb: {  	_ =	swait.ge [sflag:s28], $0x800  }
0xdc: {  	[sflag:s28] =	ssyncset.done $0x0  }
0xdd: {  	[sflag:s28] =	ssyncadd.s32 $0xFFFFF800  }
0xde: {  	[spmem:s18] =	stream.linear.scatter [tilespmem:s26], [sflag:$0x6], $0x800, $0x38;
	[tilespmem:$0x1F680] =	vst v63  }
0xdf: {  	_ =	swait.ge [sflag:s28], $0x800  }
0xe0: {  	[sflag:s28] =	ssyncset.done $0x0  }
0xe1: {  	[sflag:s28] =	ssyncadd.s32 $0xFFFFF800  }
0xe2: {  	[spmem:s19] =	stream.linear.scatter [tilespmem:s26], [sflag:$0x6], $0x800, $0x38;
	[tilespmem:$0x1F680] =	vst v63  }
0xe3: {  	_ =	swait.ge [sflag:s28], $0x800  }
0xe4: {  	[sflag:s28] =	ssyncset.done $0x0  }
0xe5: {  	[sflag:s28] =	ssyncadd.s32 $0xFFFFF800  }
0xe6: {  	[spmem:s20] =	stream.linear.scatter [tilespmem:s26], [sflag:$0x6], $0x800, $0x38;
	[tilespmem:$0x1F680] =	vst v63  }
0xe7: {  	_ =	swait.ge [sflag:s28], $0x800  }
0xe8: {  	[sflag:s28] =	ssyncset.done $0x0  }
0xe9: {  	[sflag:s28] =	ssyncadd.s32 $0xFFFFF800  }
0xea: {  	[spmem:s21] =	stream.linear.scatter [tilespmem:s26], [sflag:$0x6], $0x800, $0x38;
	[tilespmem:$0x1F680] =	vst v63  }
0xeb: {  	_ =	swait.ge [sflag:s28], $0x800  }
0xec: {  	[sflag:s28] =	ssyncset.done $0x0  }
0xed: {  	[sflag:s28] =	ssyncadd.s32 $0xFFFFF800  }
0xee: {  	[spmem:s22] =	stream.linear.scatter [tilespmem:s26], [sflag:$0x6], $0x800, $0x38;
	[tilespmem:$0x1F680] =	vst v63  }
0xef: {  	_ =	swait.ge [sflag:s28], $0x800  }
0xf0: {  	[sflag:s28] =	ssyncset.done $0x0  }
0xf1: {  	[sflag:s28] =	ssyncadd.s32 $0xFFFFF800  }
0xf2: {  	[spmem:s23] =	stream.linear.scatter [tilespmem:s26], [sflag:$0x6], $0x800, $0x38;
	[tilespmem:$0x1F680] =	vst v63  }
0xf3: {  	_ =	swait.ge [sflag:s28], $0x800  }
0xf4: {  	[sflag:s28] =	ssyncset.done $0x0  }
0xf5: {  	[sflag:s28] =	ssyncadd.s32 $0xFFFFF800  }
0xf6: {  	_ =	swait.ge [sflag:s29], $0x2710  }
0xf7: {  	[sflag:s29] =	ssyncset.done $0x0  }
0xf8: {  	[sflag:s29] =	ssyncadd.s32 $0xFFFFD8F0  }
.Ltmp3:
0xf9: {  	_ =	swait.ge [sflag:s29], $0x3E80;
	(pc) =	sbr.rel @p0 .LBB2_7-.Ltmp3, $3  }
0xfa: {  	[sflag:s29] =	ssyncset.done $0x0  }
0xfb: {  	[sflag:s29] =	ssyncadd.s32 $0xFFFFC180  }
0xfc: {  	[bflag:$0x0] =	sbarrier.arrive $0xFFFF;
	_ =	sdelay $0x1  }
0xfd: {  	[tilespmem:s31], [sflag:$0x2] =	stream.indirect.gather [hbm4b:s4+s30], $0x80, s25, s30, $0xb8;
	[tilespmem:$0x1F680] =	vst v63  }
0xfe: {  	_ =	swait.ge [sflag:s0], $0x2800  }
0xff: {  	[sflag:s0] =	ssyncset.done $0x0  }
0x100: {  	s10 =	simm.s32 $0x140D0;
	[sflag:s0] =	ssyncadd.s32 $0xFFFFD800  }
0x101: {  	[tilespmem:s6], [sflag:$0x3] =	stream.indirect.gather [hbm4b:s4+s30], $0x80, s10, s30, $0xb8;
	[tilespmem:$0x1F680] =	vst v63  }
0x102: {  	s13 =	simm.s32 $0x16800  }
0x103: {  	[spmem:s2] =	stream.indirect.scatter.add.f32 [tilespmem:s31], [sflag:$0x4], $0x80, s13, s30, $0xb8;
	[tilespmem:$0x1F680] =	vst v63  }
0x104: {  	_ =	swait.ge [sflag:s7], $0x2800  }
0x105: {  	[sflag:s7] =	ssyncset.done $0x0  }
0x106: {  	[sflag:s7] =	ssyncadd.s32 $0xFFFFD800  }
0x107: {  	_ =	swait.ge [sflag:s1], $0x2800  }
0x108: {  	[sflag:s1] =	ssyncset.done $0x0  }
0x109: {  	s10 =	simm.s32 $0x14120;
	[sflag:s1] =	ssyncadd.s32 $0xFFFFD800  }
0x10a: {  	[tilespmem:s31], [sflag:$0x2] =	stream.indirect.gather [hbm4b:s4+s30], $0x80, s10, s30, $0xb8;
	[tilespmem:$0x1F680] =	vst v63  }
0x10b: {  	s11 =	simm.s32 $0x16880  }
0x10c: {  	[spmem:s2] =	stream.indirect.scatter.add.f32 [tilespmem:s6], [sflag:$0x5], $0x80, s11, s30, $0xb8;
	[tilespmem:$0x1F680] =	vst v63  }
0x10d: {  	_ =	swait.ge [sflag:s3], $0x2800  }
0x10e: {  	s11 =	simm.s32 $0x400;
	[sflag:s3] =	ssyncset.done $0x0  }
.LBB2_5:
0x10f: {  	p1 =	seq.s32 s11, $0xF400;
	[sflag:s3] =	ssyncadd.s32 $0xFFFFD800;
	s10 =	sadd.s32 $0xA0, s10  }
0x110: {  	s12 =	smov.u32 s11;
	s11 =	sadd.s32 $0x400, s11  }
0x111: {  	_ =	swait.ge [sflag:s0], $0x2800  }
0x112: {  	[sflag:s0] =	ssyncset.done $0x0  }
0x113: {  	s13 =	sadd.s32 $0xFFFFFFB0, s10;
	s12 =	sshra.s32 s12, $0x2;
	[sflag:s0] =	ssyncadd.s32 $0xFFFFD800  }
0x114: {  	[tilespmem:s6], [sflag:$0x3] =	stream.indirect.gather [hbm4b:s4+s30], $0x80, s13, s30, $0xb8;
	[tilespmem:$0x1F680] =	vst v63  }
0x115: {  	s13 =	sadd.s32 $0x16800, s12  }
0x116: {  	[spmem:s2] =	stream.indirect.scatter.add.f32 [tilespmem:s31], [sflag:$0x4], $0x80, s13, s30, $0xb8;
	[tilespmem:$0x1F680] =	vst v63  }
0x117: {  	_ =	swait.ge [sflag:s7], $0x2800  }
0x118: {  	[sflag:s7] =	ssyncset.done $0x0  }
0x119: {  	[sflag:s7] =	ssyncadd.s32 $0xFFFFD800  }
0x11a: {  	_ =	swait.ge [sflag:s1], $0x2800  }
0x11b: {  	[sflag:s1] =	ssyncset.done $0x0  }
0x11c: {  	[sflag:s1] =	ssyncadd.s32 $0xFFFFD800  }
0x11d: {  	[tilespmem:s31], [sflag:$0x2] =	stream.indirect.gather [hbm4b:s4+s30], $0x80, s10, s30, $0xb8;
	[tilespmem:$0x1F680] =	vst v63  }
.Ltmp4:
0x11e: {  	_ = 	snop;
	(pc) =	sbr.rel @!p1 .LBB2_5-.Ltmp4, $4  }
0x11f: {  	s12 =	sadd.s32 $0x16880, s12  }
0x120: {  	[spmem:s2] =	stream.indirect.scatter.add.f32 [tilespmem:s6], [sflag:$0x5], $0x80, s12, s30, $0xb8;
	[tilespmem:$0x1F680] =	vst v63  }
0x121: {  	_ =	swait.ge [sflag:s3], $0x2800  }
0x122: {  	[sflag:s3] =	ssyncset.done $0x0  }
.Ltmp5:
0x123: {  	(pc) =	sbr.rel .LBB2_10-.Ltmp5, $2  }
0x124: {  	_ =	sdelay $0x2  }
0x125: {  	[sflag:s3] =	ssyncadd.s32 $0xFFFFD800;
	s10 =	rddreg [dreg:$0x3]  }
.LBB2_7:
0x126: {  	[tilespmem:s31], [sflag:$0x2] =	stream.indirect.gather [hbm4b:s5+s30], $0x80, s25, s30, $0xb8;
	[tilespmem:$0x1F680] =	vst v63  }
0x127: {  	_ =	swait.ge [sflag:s0], $0x2800  }
0x128: {  	[sflag:s0] =	ssyncset.done $0x0  }
0x129: {  	s10 =	simm.s32 $0x140D0;
	[sflag:s0] =	ssyncadd.s32 $0xFFFFD800  }
0x12a: {  	[tilespmem:s6], [sflag:$0x3] =	stream.indirect.gather [hbm4b:s5+s30], $0x80, s10, s30, $0xb8;
	[tilespmem:$0x1F680] =	vst v63  }
0x12b: {  	s13 =	simm.s32 $0x16800  }
0x12c: {  	[spmem:s2] =	stream.indirect.scatter.add.f32 [tilespmem:s31], [sflag:$0x4], $0x80, s13, s30, $0xb8;
	[tilespmem:$0x1F680] =	vst v63  }
0x12d: {  	_ =	swait.ge [sflag:s7], $0x2800  }
0x12e: {  	[sflag:s7] =	ssyncset.done $0x0  }
0x12f: {  	[sflag:s7] =	ssyncadd.s32 $0xFFFFD800  }
0x130: {  	_ =	swait.ge [sflag:s1], $0x2800  }
0x131: {  	[sflag:s1] =	ssyncset.done $0x0  }
0x132: {  	s10 =	simm.s32 $0x14120;
	[sflag:s1] =	ssyncadd.s32 $0xFFFFD800  }
0x133: {  	[tilespmem:s31], [sflag:$0x2] =	stream.indirect.gather [hbm4b:s5+s30], $0x80, s10, s30, $0xb8;
	[tilespmem:$0x1F680] =	vst v63  }
0x134: {  	s11 =	simm.s32 $0x16880  }
0x135: {  	[spmem:s2] =	stream.indirect.scatter.add.f32 [tilespmem:s6], [sflag:$0x5], $0x80, s11, s30, $0xb8;
	[tilespmem:$0x1F680] =	vst v63  }
0x136: {  	_ =	swait.ge [sflag:s3], $0x2800  }
0x137: {  	s11 =	simm.s32 $0x400;
	[sflag:s3] =	ssyncset.done $0x0  }
.LBB2_8:
0x138: {  	p1 =	sne.s32 s11, $0xF400;
	[sflag:s3] =	ssyncadd.s32 $0xFFFFD800;
	s10 =	sadd.s32 $0xA0, s10  }
0x139: {  	s12 =	smov.u32 s11;
	s11 =	sadd.s32 $0x400, s11  }
0x13a: {  	_ =	swait.ge [sflag:s0], $0x2800  }
0x13b: {  	[sflag:s0] =	ssyncset.done $0x0  }
0x13c: {  	s13 =	sadd.s32 $0xFFFFFFB0, s10;
	s12 =	sshra.s32 s12, $0x2;
	[sflag:s0] =	ssyncadd.s32 $0xFFFFD800  }
0x13d: {  	[tilespmem:s6], [sflag:$0x3] =	stream.indirect.gather [hbm4b:s5+s30], $0x80, s13, s30, $0xb8;
	[tilespmem:$0x1F680] =	vst v63  }
0x13e: {  	s13 =	sadd.s32 $0x16800, s12  }
0x13f: {  	[spmem:s2] =	stream.indirect.scatter.add.f32 [tilespmem:s31], [sflag:$0x4], $0x80, s13, s30, $0xb8;
	[tilespmem:$0x1F680] =	vst v63  }
0x140: {  	_ =	swait.ge [sflag:s7], $0x2800  }
0x141: {  	[sflag:s7] =	ssyncset.done $0x0  }
0x142: {  	[sflag:s7] =	ssyncadd.s32 $0xFFFFD800  }
0x143: {  	_ =	swait.ge [sflag:s1], $0x2800  }
0x144: {  	[sflag:s1] =	ssyncset.done $0x0  }
0x145: {  	[sflag:s1] =	ssyncadd.s32 $0xFFFFD800  }
0x146: {  	[tilespmem:s31], [sflag:$0x2] =	stream.indirect.gather [hbm4b:s5+s30], $0x80, s10, s30, $0xb8;
	[tilespmem:$0x1F680] =	vst v63  }
.Ltmp6:
0x147: {  	_ = 	snop;
	(pc) =	sbr.rel @p1 .LBB2_8-.Ltmp6, $4  }
0x148: {  	s12 =	sadd.s32 $0x16880, s12  }
0x149: {  	[spmem:s2] =	stream.indirect.scatter.add.f32 [tilespmem:s6], [sflag:$0x5], $0x80, s12, s30, $0xb8;
	[tilespmem:$0x1F680] =	vst v63  }
0x14a: {  	_ =	swait.ge [sflag:s3], $0x2800  }
0x14b: {  	[sflag:s3] =	ssyncset.done $0x0  }
.Ltmp7:
0x14c: {  	_ = 	snop;
	(pc) =	sbr.rel .LBB2_9-.Ltmp7, $1  }
0x14d: {  	_ =	sdelay $0x3  }
.LBB2_11:
0x14e: {  	_ =	sfence.sel $0x180000  }
0x14f: {  	[bflag:$0x0] =	sbarrier.arrive $0xFFFF  }
0x150: {  	_ =	strace $0x9000004D  }
0x151: {  	s0 =	stileid.u32;
	[bflag:$0x2] =	sbarrier.arrive $0xFFFF  }
0x152: {  	p0 =	sne.s32 s0, $0x0;
	s0 =	rddreg [dreg:$0x2]  }
0x153: {  	s0 =	sadd.s32 @!p0 $0x100000, s0  }
0x154: {  	[sflag:s0] =	ssyncadd.tile.s32 @!p0 $0x1;
	_ =	shalt  }
.Lfunc_end2:
_tile_overlayer_lowered:
.L_overlay_start_2:
0x155: {  	(tag) =	ssettag $0x2  }
0x156: {  	s0 =	rddreg [dreg:$0x0];
	s2 =	stileid.u32  }
0x157: {  	s1 =	rddreg [dreg:$0x1];
	p0 =	sne.s32 s2, $0x0  }
0x158: {  	s3 =	rddreg [dreg:$0x2];
	[bflag:$0x3] =	sbarrier.arrive $0xFFFF;
	s2 =	simm.s32 @!p0 $0x1C06  }
0x159: {  	[timem:s3], [sflag:s2] =	dma.local @!p0 [hbm:s0], s1  }
0x15a: {  	s0 =	simm.s32 @!p0 $0x6  }
0x15b: {  	_ =	swait.ge @!p0 [sflag:s0], s1  }
0x15c: {  	s1 =	ssub.s32 @!p0 $0x0, s1;
	[sflag:s0] =	ssyncset.done @!p0 $0x0  }
0x15d: {  	[sflag:s0] =	ssyncadd.s32 @!p0 s1  }
0x15e: {  	[bflag:$0x3] =	sbarrier.arrive $0xFFFF  }
0x15f: {  	_ =	shalt  }

// kernel: kernel.8.cloned.1.call-start
scs
__scs_entry_jumppad:
0x0: {  	(pc) =	sbr.rel $0x88, $3  }
0x1: {  	(tag) =	ssettag $0x0;
	lr =	simm.s32 $0x1  }
0x2: {  	[smem:$0x3F98] =	sst lr;
	_ =	strace $0xD0000000  }
0x3: {  	_ = 	snop  }
0x4: {  	_ = 	snop  }
0x5: {  	_ = 	snop  }
0x6: {  	_ = 	snop  }
0x7: {  	_ = 	snop  }
__scs_overlays_trampoline_lowered:
0x8: {  	[smem:$0x3FA7] =	sst s0  }
0x9: {  	[smem:$0x3FA8] =	sst s1  }
0xa: {  	[smem:$0x3FA9] =	sst s2  }
0xb: {  	[smem:$0x3FAA] =	sst s3  }
0xc: {  	[smem:$0x3FAB] =	sst s4  }
0xd: {  	[smem:$0x3FAC] =	sst s5  }
0xe: {  	[smem:$0x3FAD] =	sst s6  }
0xf: {  	[smem:$0x3FAE] =	sst s7  }
0x10: {  	[smem:$0x3FAF] =	sst s8  }
0x11: {  	[smem:$0x3FB0] =	sst s9;
	s0 =	simm.s32 @!p0 $0x0  }
0x12: {  	s1 =	sld [smem:$0x3F96];
	s0 =	simm.s32 @p0 $0x1  }
0x13: {  	[smem:$0x3FB1] =	sst s0;
	s0 =	simm.s32 @!p1 $0x0  }
0x14: {  	s2 =	sld [smem:$0x3F95];
	s0 =	simm.s32 @p1 $0x1  }
0x15: {  	[smem:$0x3FB2] =	sst s0;
	s0 =	simm.s32 @!p2 $0x0  }
0x16: {  	s3 =	sld [smem:$0x3FDB];
	s0 =	simm.s32 @p2 $0x1  }
0x17: {  	s4 =	simm.s32 $0x1BF5;
	[smem:$0x3FB4] =	sst s0  }
0x18: {  	s0 =	sld [smem:$0x3F97];
	_ =	swait.ge [sflag:s4], $0x0  }
0x19: {  	s7 =	sld [smem:$0x3F98]  }
0x1a: {  	s8 =	sadd.s32 $0xFFFFE003, lr  }
0x1b: {  	s9 =	sadd.s32 $0xFFFFFEF7, lr;
	s5 =	simm.s32 $0xFFFFFFFF;
	p2 =	slt.u32 s8, $0xFFFFF086  }
0x1c: {  	p1 =	slt.u32 s9, $0xF7A;
	s5 =	simm.s32 @!p2 $0x0  }
0x1d: {  	s5 =	simm.s32 @p1 $0x1;
	p0 =	seq.s32 s7, s2  }
0x1e: {  	s7 =	smul.u32 @!p0 $0xF7A, s2;
	p2 =	seq.s32 @!p0 s5, $0x0  }
0x1f: {  	s9 =	smul.u32 $0xF7A, s1;
	s8 =	simm.s32 @!p0 $0x1BF5;
	p2 =	por !p2, p0  }
0x20: {  	[sflag:s8] =	ssyncset.s32 @!p0 $0xFFFFF086;
	s6 =	sadd.s32 @!p0 s3, s7;
	s7 =	simm.s32 @!p0 $0x108  }
0x21: {  	s3 =	sadd.s32 s3, s9;
	s6 =	sadd.s32 @!p0 $0x88, s6;
	s7 =	simm.s32 @p2 $0x1082  }
0x22: {  	[simem:s7], [sflag:s8] =	dma.local @!p0 [hbm:s6], $0xF7A  }
0x23: {  	s9 =	sor.u32 $0xD0000000, s2;
	s6 =	simm.s32 $0x108;
	_ =	swait.ge @!p0 [sflag:s8], $0x0  }
0x24: {  	s3 =	sadd.s32 $0x88, s3;
	s6 =	simm.s32 @!p1 $0x1082;
	[sflag:s4] =	ssyncset.s32 $0xFFFFF086  }
0x25: {  	[simem:s6], [sflag:s4] =	dma.local [hbm:s3], $0xF7A  }
0x26: {  	[smem:$0x3F98] =	sst s1;
	(tag) =	ssettag s2;
	_ =	strace s9  }
0x27: {  	s1 =	sld [smem:$0x3FA8]  }
0x28: {  	s2 =	sld [smem:$0x3FA9]  }
0x29: {  	s4 =	sld [smem:$0x3FAB]  }
0x2a: {  	p0 =	seq.s32 s5, $0x0;
	s5 =	sld [smem:$0x3FAC]  }
0x2b: {  	s6 =	sld [smem:$0x3FAD]  }
0x2c: {  	s7 =	sld [smem:$0x3FAE]  }
0x2d: {  	s3 =	simm.s32 $0x108;
	s8 =	sld [smem:$0x3FAF]  }
0x2e: {  	s3 =	simm.s32 @!p0 $0x1082;
	s9 =	sld [smem:$0x3FB0]  }
0x2f: {  	lr =	sadd.s32 s0, s3;
	s0 =	sld [smem:$0x3FA7]  }
0x30: {  	s3 =	sld [smem:$0x3FAA]  }
0x31: {  	[smem:$0x3FB3] =	sst s10  }
0x32: {  	s10 =	sld [smem:$0x3FB1];
	_ =	sdelay $0x3  }
0x33: {  	p0 =	seq.s32 s10, $0x1;
	s10 =	sld [smem:$0x3FB3];
	_ =	sdelay $0x3  }
0x34: {  	[smem:$0x3FB3] =	sst s10  }
0x35: {  	s10 =	sld [smem:$0x3FB2];
	_ =	sdelay $0x3  }
0x36: {  	p1 =	seq.s32 s10, $0x1;
	s10 =	sld [smem:$0x3FB3];
	_ =	sdelay $0x3  }
0x37: {  	[smem:$0x3FB3] =	sst s10  }
0x38: {  	s10 =	sld [smem:$0x3FB4]  }
0x39: {  	_ = 	snop;
	(pc) =	sbr.ind lr, $3  }
0x3a: {  	_ = 	snop  }
0x3b: {  	_ = 	snop  }
0x3c: {  	p2 =	seq.s32 s10, $0x1;
	s10 =	sld [smem:$0x3FB3]  }
0x3d: {  	_ =	shalt  }
0x3e: {  	_ =	shalt  }
0x3f: {  	_ =	shalt  }
0x40: {  	_ =	shalt  }
0x41: {  	_ =	shalt  }
0x42: {  	_ =	shalt  }
0x43: {  	_ =	shalt  }
0x44: {  	_ =	shalt  }
0x45: {  	_ =	shalt  }
0x46: {  	_ =	shalt  }
0x47: {  	_ =	shalt  }
0x48: {  	_ =	shalt  }
0x49: {  	_ =	shalt  }
0x4a: {  	_ =	shalt  }
0x4b: {  	_ =	shalt  }
0x4c: {  	_ =	shalt  }
0x4d: {  	_ =	shalt  }
0x4e: {  	_ =	shalt  }
0x4f: {  	_ =	shalt  }
0x50: {  	_ =	shalt  }
0x51: {  	_ =	shalt  }
0x52: {  	_ =	shalt  }
0x53: {  	_ =	shalt  }
0x54: {  	_ =	shalt  }
0x55: {  	_ =	shalt  }
0x56: {  	_ =	shalt  }
0x57: {  	_ =	shalt  }
0x58: {  	_ =	shalt  }
0x59: {  	_ =	shalt  }
0x5a: {  	_ =	shalt  }
0x5b: {  	_ =	shalt  }
0x5c: {  	_ =	shalt  }
0x5d: {  	_ =	shalt  }
0x5e: {  	_ =	shalt  }
0x5f: {  	_ =	shalt  }
0x60: {  	_ =	shalt  }
0x61: {  	_ =	shalt  }
0x62: {  	_ =	shalt  }
0x63: {  	_ =	shalt  }
0x64: {  	_ =	shalt  }
0x65: {  	_ =	shalt  }
0x66: {  	_ =	shalt  }
0x67: {  	_ =	shalt  }
0x68: {  	_ =	shalt  }
0x69: {  	_ =	shalt  }
0x6a: {  	_ =	shalt  }
0x6b: {  	_ =	shalt  }
0x6c: {  	_ =	shalt  }
0x6d: {  	_ =	shalt  }
0x6e: {  	_ =	shalt  }
0x6f: {  	_ =	shalt  }
0x70: {  	_ =	shalt  }
0x71: {  	_ =	shalt  }
0x72: {  	_ =	shalt  }
0x73: {  	_ =	shalt  }
0x74: {  	_ =	shalt  }
0x75: {  	_ =	shalt  }
0x76: {  	_ =	shalt  }
0x77: {  	_ =	shalt  }
0x78: {  	_ =	shalt  }
0x79: {  	_ =	shalt  }
0x7a: {  	_ =	shalt  }
0x7b: {  	_ =	shalt  }
0x7c: {  	_ =	shalt  }
0x7d: {  	_ =	shalt  }
0x7e: {  	_ =	shalt  }
0x7f: {  	_ =	shalt  }
0x80: {  	_ =	shalt  }
0x81: {  	_ =	shalt  }
0x82: {  	_ =	shalt  }
0x83: {  	_ =	shalt  }
0x84: {  	_ =	shalt  }
0x85: {  	_ =	shalt  }
0x86: {  	_ =	shalt  }
0x87: {  	_ =	shalt  }
.Lfunc_end0:
.L_simem_size_0:
called_computation_lowered:
.L_overlay_start_0:
0x88: {  	s2 =	sld [smem:$0x3FD9]  }
0x89: {  	s3 =	sld [smem:$0x3FFE];
	_ =	sdelay $0x1  }
0x8a: {  	s1 =	srdreg.scid  }
0x8b: {  	s0 =	sand.u32 $0x1, s1  }
0x8c: {  	s16 =	sshll.u32 s0, $0xA;
	s2 =	sadd.s32 s3, s2  }
0x8d: {  	s2 =	sadd.s32 s2, s16  }
0x8e: {  	[smem:$0x3FBF] =	sst s2  }
0x8f: {  	_ = 	snop  }
0x90: {  	(tm) =	ssettm $0x1  }
0x91: {  	s17 =	sld [smem:$0x3FFB];
	_ =	sdelay $0x3  }
0x92: {  	_ =	strace s17  }
0x93: {  	s2 =	sld [smem:$0x3FFC];
	_ =	sdelay $0x3  }
0x94: {  	_ =	strace s2  }
0x95: {  	s2 =	sld [smem:$0x3FFD];
	_ =	sdelay $0x3  }
0x96: {  	_ =	strace s2  }
0x97: {  	_ =	strace $0x8FFFFFFF  }
0x98: {  	s18 =	sld [smem:$0x3FDB];
	_ =	sdelay $0x1  }
0x99: {  	s19 =	simm.s32 $_scs_section_size  }
0x9a: {  	s4 =	simm.s32 $_size__tile_overlayer_lowered;
	s5 =	simm.s32 $_tile_overlayer_lowered  }
0x9b: {  	s22 =	simm.s32 $0x1BFF;
	s21 =	sshll.u32 s5, $0x1;
	s2 =	sadd.s32 s19, s18  }
0x9c: {  	s6 =	simm.s32 $0x0;
	s20 =	sshll.u32 s4, $0x1;
	s4 =	sadd.s32 s21, s2  }
0x9d: {  	[timem:s6], [sflag:s22] =	dma.local [hbm:s4], s20  }
0x9e: {  	_ =	swait.ge [sflag:s22], s20  }
0x9f: {  	s3 =	ssub.s32 $0x0, s20;
	[sflag:s22] =	ssyncset.done $0x0  }
0xa0: {  	[sflag:s22] =	ssyncadd.s32 s3;
	_ =	sdelay $0x1  }
0xa1: {  	s23 =	simm.s32 $0x1B8B  }
0xa2: {  	_ =	swait.ge [sflag:s23], $0x1  }
0xa3: {  	[sflag:s23] =	ssyncset.done $0x0  }
0xa4: {  	s25 =	simm.s32 $0x1B8E;
	s24 =	sld [smem:$0x3FFE];
	[sflag:s23] =	ssyncadd.s32 $0xFFFFFFFF  }
0xa5: {  	s26 =	simm.s32 $execute0_lowered;
	[smem:$0x3FD2] =	sst s25  }
0xa6: {  	s4 =	sshll.u32 s26, $0x1;
	_ =	strace $0x80000046;
	[dreg:$0x1] =	wrdreg $0xFFFFFFFF  }
0xa7: {  	s28 =	simm.s32 $_size_execute0_lowered;
	s2 =	sadd.s32 s2, s4;
	[dreg:$0x0] =	wrdreg $0x0  }
0xa8: {  	s4 =	sshll.u32 s28, $0x1;
	[dreg:$0x2] =	wrdreg s2  }
0xa9: {  	[dreg:$0x3] =	wrdreg s4  }
0xaa: {  	[dreg:$0x4] =	wrdreg $0xC0  }
0xab: {  	_ =	task [dreg:s6], $0x5FFFF  }
0xac: {  	[dreg:$0x1] =	wrdreg $0xFFFFFFFF  }
0xad: {  	[dreg:$0x0] =	wrdreg $0x60  }
0xae: {  	[dreg:$0x2] =	wrdreg s24  }
0xaf: {  	[dreg:$0x3] =	wrdreg $0x0  }
0xb0: {  	[dreg:$0x4] =	wrdreg $0x9  }
0xb1: {  	_ =	task.clear_ibuf [dreg:s6], $0x5FFFF;
	_ =	strace $0x90000046  }
0xb2: {  	s29 =	simm.s32 $0x9;
	_ =	strace $0x80000048  }
0xb3: {  	_ =	swait.ge [sflag:s29], $0x1  }
0xb4: {  	[sflag:s29] =	ssyncadd.s32 $0xFFFFFFFF  }
0xb5: {  	_ =	strace $0x90000048  }
0xb6: {  	_ =	sfence  }
0xb7: {  	s30 =	sld [smem:$0x0];
	_ =	sdelay $0x2  }
0xb8: {  	s31 =	sshll.u32 s1, $0xD;
	s1 =	sshrl.u32 s1, $0x2  }
0xb9: {  	s3 =	sand.u32 $0x4000, s31;
	s1 =	sadd.s32 s1, s30  }
0xba: {  	s0 =	sor.u32 s3, s0;
	s1 =	sshll.u32 s1, $0x11  }
0xbb: {  	s0 =	sor.u32 s1, s0  }
0xbc: {  	s0 =	sadd.s32 $0x8F2B, s0  }
0xbd: {  	[sflag:s0] =	ssyncadd.remote.s32 $0x1  }
0xbe: {  	_ =	sfence.sel $0xFFFF  }
0xbf: {  	[dreg:$0x0] =	wrdreg $0xFFFFFFFF;
	(pc) =	sbr.abs _section_cstart, $3  }
0xc0: {  	[dreg:$0x1] =	wrdreg $0xFFFFFFFF  }
0xc1: {  	_ =	task.clear_ibuf [dreg:s6], $0x2FFFF;
	_ =	strace $0x9FFFFFFF  }
0xc2: {  	(tm) =	ssettm $0x7FFFFFFF  }
0xc3: {  	_ =	shalt  }
tec
execute0_lowered:
.L_overlay_start_1:
0x0: {  	(tag) =	ssettag $0x1  }
0x1: {  	s0 =	srdreg.scid;
	s5 =	rddreg [dreg:$0x0]  }
0x2: {  	s2 =	rddreg [dreg:$0x1];
	s3 =	simm.s32 $0x0;
	s15 =	simm.s32 $0x2E90  }
0x3: {  	s16 =	simm.s32 $0x1;
	s17 =	simm.s32 $0x2710;
	s18 =	simm.s32 $0x4  }
0x4: {  	s19 =	simm.s32 $0x28;
	s20 =	simm.s32 $0x2C10;
	s21 =	simm.s32 $0x2EB8  }
0x5: {  	s22 =	simm.s32 $0x2;
	s4 =	sand.u32 $0x1, s0;
	s0 =	stileid.u32  }
0x6: {  	s23 =	simm.s32 $0x3;
	s24 =	simm.s32 $0x41F0;
	s7 =	smul.u32 $0x4E0, s0  }
0x7: {  	s25 =	simm.s32 $0x0;
	s1 =	sshll.u32 s4, $0x4;
	s8 =	smul.u32 $0x4E20, s4  }
0x8: {  	s9 =	smul.u32 $0x9C00, s0;
	s4 =	ssub.s32 $0x2, s4;
	s1 =	sor.u32 s0, s1  }
0x9: {  	[smem:$0x7FF] =	sst s3;
	s31 =	sshrl.u32 s4, $0x1;
	s6 =	smul.u32 $0x271, s1  }
0xa: {  	s1 =	rddreg [dreg:$0x2];
	_ =	strace $0x80000047;
	s7 =	sadd.s32 s7, s8  }
0xb: {  	s9 =	sshrl.u32 s9, $0x2;
	s14 =	ssub.s32 s4, s31;
	s13 =	sadd.s32 s7, s5  }
0xc: {  	s4 =	sadd.s32 s9, s2;
	s14 =	smax.u32 s14, $0x1;
	s6 =	sadd.s32 s6, s5  }
0xd: {  	s7 =	sadd.s32 $0xA00, s4;
	s8 =	sadd.s32 $0xF00, s4;
	s9 =	sadd.s32 $0x1400, s4  }
0xe: {  	s10 =	sadd.s32 $0x1900, s4;
	s11 =	sadd.s32 $0x1E00, s4;
	s12 =	sadd.s32 $0x2300, s4  }
0xf: {  	v0 =	vimm.f32 $0.0e+00;
	v1 =	vimm.f32 $1.000000000e+00;
	s13 =	sadd.s32 $0xD800, s13;
	s5 =	sadd.s32 $0x8800, s6;
	s6 =	sadd.s32 $0x500, s4  }
.LBB2_1:
0x10: {  	s26 =	simm.s32 $0x40;
	s28 =	simm.s32 $0x0  }
.LBB2_2:
0x11: {  	p0 =	sne.s32 s26, $0x13C0;
	[tilespmem:s28+$0x2710] =	vst v0;
	s28 =	smov.u32 s26;
	s26 =	sadd.s32 $0x40, s26  }
.Ltmp0:
0x12: {  	(pc) =	sbr.rel @p0 .LBB2_2-.Ltmp0, $2  }
0x13: {  	_ =	sdelay $0x2  }
0x14: {  	s28 =	sshra.s32 s28, $0x2  }
0x15: {  	[tilespmem:s28+$0x2710] =	vst v0  }
0x16: {  	[tilespmem:$0x2C10] =	vst v1  }
0x17: {  	[tilespmem:$0x2C20] =	vst v1  }
0x18: {  	[tilespmem:$0x2C30] =	vst v1  }
0x19: {  	[tilespmem:$0x2C40] =	vst v1  }
0x1a: {  	[tilespmem:$0x2C50] =	vst v1  }
0x1b: {  	[tilespmem:$0x2C60] =	vst v1  }
0x1c: {  	[tilespmem:$0x2C70] =	vst v1  }
0x1d: {  	[tilespmem:$0x2C80] =	vst v1  }
0x1e: {  	[tilespmem:$0x2C90] =	vst v1  }
0x1f: {  	[tilespmem:$0x2CA0] =	vst v1  }
0x20: {  	[tilespmem:$0x2CB0] =	vst v1  }
0x21: {  	[tilespmem:$0x2CC0] =	vst v1  }
0x22: {  	[tilespmem:$0x2CD0] =	vst v1  }
0x23: {  	[tilespmem:$0x2CE0] =	vst v1  }
0x24: {  	[tilespmem:$0x2CF0] =	vst v1  }
0x25: {  	[tilespmem:$0x2D00] =	vst v1  }
0x26: {  	[tilespmem:$0x2D10] =	vst v1  }
0x27: {  	[tilespmem:$0x2D20] =	vst v1  }
0x28: {  	[tilespmem:$0x2D30] =	vst v1  }
0x29: {  	[tilespmem:$0x2D40] =	vst v1  }
0x2a: {  	[tilespmem:$0x2D50] =	vst v1  }
0x2b: {  	[tilespmem:$0x2D60] =	vst v1  }
0x2c: {  	[tilespmem:$0x2D70] =	vst v1  }
0x2d: {  	[tilespmem:$0x2D80] =	vst v1  }
0x2e: {  	[tilespmem:$0x2D90] =	vst v1  }
0x2f: {  	[tilespmem:$0x2DA0] =	vst v1  }
0x30: {  	[tilespmem:$0x2DB0] =	vst v1  }
0x31: {  	[tilespmem:$0x2DC0] =	vst v1  }
0x32: {  	[tilespmem:$0x2DD0] =	vst v1  }
0x33: {  	[tilespmem:$0x2DE0] =	vst v1  }
0x34: {  	[tilespmem:$0x2DF0] =	vst v1  }
0x35: {  	[tilespmem:$0x2E00] =	vst v1  }
0x36: {  	[tilespmem:$0x2E10] =	vst v1  }
0x37: {  	[tilespmem:$0x2E20] =	vst v1  }
0x38: {  	[tilespmem:$0x2E30] =	vst v1  }
0x39: {  	[tilespmem:$0x2E40] =	vst v1  }
0x3a: {  	[tilespmem:$0x2E50] =	vst v1  }
0x3b: {  	[tilespmem:$0x2E60] =	vst v1  }
0x3c: {  	[tilespmem:$0x2E70] =	vst v1  }
0x3d: {  	[tilespmem:$0x2E80] =	vst v1  }
0x3e: {  	[tilespmem:s15], [sflag:$0x1] =	stream.linear.gather [hbm4b:s5+s3], $0x1388, $0x38;
	[tilespmem:$0x4218] =	vst v63  }
0x3f: {  	_ =	swait.ge [sflag:s16], $0x1388  }
0x40: {  	[sflag:s16] =	ssyncset.done $0x0  }
0x41: {  	[sflag:s16] =	ssyncadd.s32 $0xFFFFEC78  }
0x42: {  	[spmem:s4] =	stream.linear.scatter [tilespmem:s17], [sflag:$0x4], $0x500, $0x38;
	[tilespmem:$0x4218] =	vst v63  }
0x43: {  	_ =	swait.ge [sflag:s18], $0x500  }
0x44: {  	[sflag:s18] =	ssyncset.done $0x0  }
0x45: {  	[sflag:s18] =	ssyncadd.s32 $0xFFFFFB00  }
0x46: {  	[spmem:s6] =	stream.linear.scatter [tilespmem:s17], [sflag:$0x4], $0x500, $0x38;
	[tilespmem:$0x4218] =	vst v63  }
0x47: {  	_ =	swait.ge [sflag:s18], $0x500  }
0x48: {  	[sflag:s18] =	ssyncset.done $0x0  }
0x49: {  	[sflag:s18] =	ssyncadd.s32 $0xFFFFFB00  }
0x4a: {  	[spmem:s7] =	stream.linear.scatter [tilespmem:s17], [sflag:$0x4], $0x500, $0x38;
	[tilespmem:$0x4218] =	vst v63  }
0x4b: {  	_ =	swait.ge [sflag:s18], $0x500  }
0x4c: {  	[sflag:s18] =	ssyncset.done $0x0  }
0x4d: {  	[sflag:s18] =	ssyncadd.s32 $0xFFFFFB00  }
0x4e: {  	[spmem:s8] =	stream.linear.scatter [tilespmem:s17], [sflag:$0x4], $0x500, $0x38;
	[tilespmem:$0x4218] =	vst v63  }
0x4f: {  	_ =	swait.ge [sflag:s18], $0x500  }
0x50: {  	[sflag:s18] =	ssyncset.done $0x0  }
0x51: {  	[sflag:s18] =	ssyncadd.s32 $0xFFFFFB00  }
0x52: {  	[spmem:s9] =	stream.linear.scatter [tilespmem:s17], [sflag:$0x4], $0x500, $0x38;
	[tilespmem:$0x4218] =	vst v63  }
0x53: {  	_ =	swait.ge [sflag:s18], $0x500  }
0x54: {  	[sflag:s18] =	ssyncset.done $0x0  }
0x55: {  	[sflag:s18] =	ssyncadd.s32 $0xFFFFFB00  }
0x56: {  	[spmem:s10] =	stream.linear.scatter [tilespmem:s17], [sflag:$0x4], $0x500, $0x38;
	[tilespmem:$0x4218] =	vst v63  }
0x57: {  	_ =	swait.ge [sflag:s18], $0x500  }
0x58: {  	[sflag:s18] =	ssyncset.done $0x0  }
0x59: {  	[sflag:s18] =	ssyncadd.s32 $0xFFFFFB00  }
0x5a: {  	[spmem:s11] =	stream.linear.scatter [tilespmem:s17], [sflag:$0x4], $0x500, $0x38;
	[tilespmem:$0x4218] =	vst v63  }
0x5b: {  	_ =	swait.ge [sflag:s18], $0x500  }
0x5c: {  	[sflag:s18] =	ssyncset.done $0x0  }
0x5d: {  	[sflag:s18] =	ssyncadd.s32 $0xFFFFFB00  }
0x5e: {  	[spmem:s12] =	stream.linear.scatter [tilespmem:s17], [sflag:$0x4], $0x500, $0x38;
	[tilespmem:$0x4218] =	vst v63  }
0x5f: {  	_ =	swait.ge [sflag:s18], $0x500  }
0x60: {  	[sflag:s18] =	ssyncset.done $0x0  }
0x61: {  	[sflag:s18] =	ssyncadd.s32 $0xFFFFFB00  }
0x62: {  	[bflag:$0x0] =	sbarrier.arrive $0xFFFF  }
0x63: {  	[spmem:s2] =	stream.indirect.scatter.add.f32 [tilespmem:s20], [sflag:$0x2], $0x10, s15, s19, $0xb8;
	[tilespmem:$0x4218] =	vst v63  }
0x64: {  	_ = 	snop  }
0x65: {  	[spmem:s2] =	stream.indirect.scatter.add.f32 [tilespmem:s20], [sflag:$0x3], $0x10, s21, s19, $0xb8;
	[tilespmem:$0x4218] =	vst v63  }
0x66: {  	_ =	swait.ge [sflag:s22], $0x280  }
0x67: {  	[sflag:s22] =	ssyncset.done $0x0  }
0x68: {  	s26 =	simm.s32 $0x2EE0;
	[sflag:s22] =	ssyncadd.s32 $0xFFFFFD80  }
0x69: {  	[spmem:s2] =	stream.indirect.scatter.add.f32 [tilespmem:s20], [sflag:$0x2], $0x10, s26, s19, $0xb8;
	[tilespmem:$0x4218] =	vst v63  }
0x6a: {  	_ =	swait.ge [sflag:s23], $0x280  }
0x6b: {  	[sflag:s23] =	ssyncset.done $0x0  }
0x6c: {  	s28 =	simm.s32 $0x2F08;
	s26 =	simm.s32 $0xFFFFB500;
	[sflag:s23] =	ssyncadd.s32 $0xFFFFFD80  }
.LBB2_4:
0x6d: {  	[spmem:s2] =	stream.indirect.scatter.add.f32 [tilespmem:s20], [sflag:$0x3], $0x10, s28, s19, $0xb8;
	[tilespmem:$0x4218] =	vst v63  }
0x6e: {  	s28 =	smov.u32 s26  }
0x6f: {  	p0 =	sne.s32 s26, $0xFFFFFEC0;
	s26 =	sadd.s32 $0x140, s26;
	_ =	swait.ge [sflag:s22], $0x280  }
0x70: {  	s28 =	sshra.s32 s28, $0x2;
	[sflag:s22] =	ssyncset.done $0x0  }
.Ltmp1:
0x71: {  	s29 =	sadd.s32 $0x41F0, s28;
	[sflag:s22] =	ssyncadd.s32 $0xFFFFFD80;
	(pc) =	sbr.rel @p0 .LBB2_4-.Ltmp1, $4  }
0x72: {  	[spmem:s2] =	stream.indirect.scatter.add.f32 [tilespmem:s20], [sflag:$0x2], $0x10, s29, s19, $0xb8;
	[tilespmem:$0x4218] =	vst v63  }
0x73: {  	_ =	swait.ge [sflag:s23], $0x280  }
0x74: {  	[sflag:s23] =	ssyncset.done $0x0  }
0x75: {  	s28 =	sadd.s32 $0x4218, s28;
	[sflag:s23] =	ssyncadd.s32 $0xFFFFFD80  }
0x76: {  	[spmem:s2] =	stream.indirect.scatter.add.f32 [tilespmem:s20], [sflag:$0x3], $0x10, s28, s19, $0xb8;
	[tilespmem:$0x4218] =	vst v63  }
0x77: {  	_ =	swait.ge [sflag:s22], $0x280  }
0x78: {  	[sflag:s22] =	ssyncset.done $0x0  }
0x79: {  	[sflag:s22] =	ssyncadd.s32 $0xFFFFFD80  }
0x7a: {  	[spmem:s2] =	stream.indirect.scatter.add.f32 [tilespmem:s20], [sflag:$0x2], $0x10, s24, s19, $0xb8;
	[tilespmem:$0x4218] =	vst v63  }
0x7b: {  	_ =	swait.ge [sflag:s23], $0x280  }
0x7c: {  	[sflag:s23] =	ssyncset.done $0x0  }
0x7d: {  	[sflag:s23] =	ssyncadd.s32 $0xFFFFFD80  }
0x7e: {  	_ =	swait.ge [sflag:s22], $0x280  }
0x7f: {  	s26 =	sshll.u32 s0, $0x6;
	s25 =	sadd.s32 $0x1, s25;
	[sflag:s22] =	ssyncset.done $0x0  }
0x80: {  	s31 =	sshrl.u32 s4, $0x3;
	p0 =	sne.s32 s25, s14;
	[sflag:s22] =	ssyncadd.s32 $0xFFFFFD80  }
.Ltmp2:
0x81: {  	s26 =	sor.u32 $0x1C04, s26;
	[bflag:$0x0] =	sbarrier.arrive $0xFFFF;
	(pc) =	sbr.rel @p0 .LBB2_1-.Ltmp2, $4  }
0x82: {  	[hbm:s13], [sflag:s26] =	dma.local [spmem:s31], $0x500  }
0x83: {  	_ =	swait.ge [sflag:s18], $0x500  }
0x84: {  	[sflag:s18] =	ssyncset.done $0x0  }
0x85: {  	[sflag:s18] =	ssyncadd.s32 $0xFFFFFB00  }
0x86: {  	_ =	sfence.sel $0x180000  }
0x87: {  	[bflag:$0x0] =	sbarrier.arrive $0xFFFF  }
0x88: {  	p0 =	sne.s32 s0, $0x0;
	_ =	strace $0x90000047  }
0x89: {  	s0 =	sadd.s32 @!p0 $0x100000, s1;
	[bflag:$0x2] =	sbarrier.arrive $0xFFFF  }
0x8a: {  	[sflag:s0] =	ssyncadd.tile.s32 @!p0 $0x1;
	_ =	shalt  }
.Lfunc_end2:
_tile_overlayer_lowered:
.L_overlay_start_2:
0x8b: {  	(tag) =	ssettag $0x2  }
0x8c: {  	s0 =	rddreg [dreg:$0x0];
	s2 =	stileid.u32  }
0x8d: {  	s1 =	rddreg [dreg:$0x1];
	p0 =	sne.s32 s2, $0x0  }
0x8e: {  	s3 =	rddreg [dreg:$0x2];
	[bflag:$0x3] =	sbarrier.arrive $0xFFFF;
	s2 =	simm.s32 @!p0 $0x1C04  }
0x8f: {  	[timem:s3], [sflag:s2] =	dma.local @!p0 [hbm:s0], s1  }
0x90: {  	s0 =	simm.s32 @!p0 $0x4  }
0x91: {  	_ =	swait.ge @!p0 [sflag:s0], s1  }
0x92: {  	s1 =	ssub.s32 @!p0 $0x0, s1;
	[sflag:s0] =	ssyncset.done @!p0 $0x0  }
0x93: {  	[sflag:s0] =	ssyncadd.s32 @!p0 s1  }
0x94: {  	[bflag:$0x3] =	sbarrier.arrive $0xFFFF  }
0x95: {  	_ =	shalt  }

</sc_bundles>
